<compile_context>
chip_gen: v7x
topology: tpu7x:2x2x1
jax: 0.10.2.dev20260603
libtpu: 0.0.44.dev20260713+nightly
codegen_flags: <defaults>
</compile_context>

<pallas_src>
import functools

import jax
import jax.numpy as jnp
from jax import lax
from jax.experimental import pallas as pl
from jax.experimental.pallas import tpu as pltpu
from jax.experimental.pallas import tpu_sc as plsc


_NC = 2
_NS = 16
_NW = _NC * _NS
_RP = 2
_NSLOT = 8
_PF = 7


def _kernel_sc_pipe(x, emb_weight):
    B, S, D = x.shape
    emb = emb_weight[:S]
    seq_per_w = S // _NW
    n_chunks = seq_per_w // _RP
    n_full = (n_chunks // _NSLOT) * _NSLOT
    mesh = plsc.VectorSubcoreMesh(core_axis_name="c", subcore_axis_name="s")

    @functools.partial(
        pl.kernel,
        out_type=jax.ShapeDtypeStruct((B, S, D), jnp.float32),
        mesh=mesh,
        scratch_types=[
            pltpu.VMEM((_NSLOT, B, _RP, D), jnp.float32),
            pltpu.VMEM((_NSLOT, _RP, D), jnp.float32),
            pltpu.SemaphoreType.DMA((_NSLOT,)),
            pltpu.SemaphoreType.DMA((_NSLOT,)),
            pltpu.SemaphoreType.DMA((_NSLOT,)),
        ],
    )
    def k(x_hbm, emb_hbm, out_hbm, xb, eb, sem_in, sem_e, sem_out):
        wid = lax.axis_index("s") * _NC + lax.axis_index("c")
        seq0 = wid * seq_per_w

        def start_in(slot, c):
            s0 = seq0 + c * _RP
            pltpu.make_async_copy(
                x_hbm.at[:, pl.ds(s0, _RP)], xb.at[slot], sem_in.at[slot]
            ).start()
            pltpu.make_async_copy(
                emb_hbm.at[pl.ds(s0, _RP)], eb.at[slot], sem_e.at[slot]
            ).start()

        def wait_in(slot, c):
            s0 = seq0 + c * _RP
            pltpu.make_async_copy(
                x_hbm.at[:, pl.ds(s0, _RP)], xb.at[slot], sem_in.at[slot]
            ).wait()
            pltpu.make_async_copy(
                emb_hbm.at[pl.ds(s0, _RP)], eb.at[slot], sem_e.at[slot]
            ).wait()

        def start_out(slot, c):
            s0 = seq0 + c * _RP
            pltpu.make_async_copy(
                xb.at[slot], out_hbm.at[:, pl.ds(s0, _RP)], sem_out.at[slot]
            ).start()

        def wait_out(slot, c):
            s0 = seq0 + c * _RP
            pltpu.make_async_copy(
                xb.at[slot], out_hbm.at[:, pl.ds(s0, _RP)], sem_out.at[slot]
            ).wait()

        def compute(slot):
            def col_body(ct, _):
                sl = pl.ds(ct * 16, 16)
                for r in range(_RP):
                    e = eb[slot, r, sl]
                    for b in range(B):
                        xb[slot, b, r, sl] = xb[slot, b, r, sl] + e
                return 0

            lax.fori_loop(0, D // 16, col_body, 0)

        def process(slot, c):
            wait_in(slot, c)
            compute(slot)
            start_out(slot, c)
            ns = (slot + _PF) % _NSLOT

            @pl.when(c >= _NSLOT - _PF)
            def _():
                wait_out(ns, c - (_NSLOT - _PF))

            @pl.when(c + _PF < n_chunks)
            def _():
                start_in(ns, c + _PF)

        for c in range(_PF):
            start_in(c, c)

        def step(t, _):
            for kk in range(_NSLOT):
                process(kk, _NSLOT * t + kk)
            return 0

        lax.fori_loop(0, n_full // _NSLOT, step, 0)
        for c in range(n_full, n_chunks):
            process(c % _NSLOT, c)
        for c in range(n_chunks - (_NSLOT - _PF), n_chunks):
            wait_out(c % _NSLOT, c)

    return k(x, emb)


def kernel(x, emb_weight):
    return _kernel_sc_pipe(x, emb_weight)

# --- scband reference (transcript-rebuilt; emitter-appended) ---
"""Pipeline reference for scband-absolute-positional-encoding-19069654794465 (READ-ONLY COPY).

The authoritative reference and input builder live on the scoring server;
editing this copy changes nothing except your own understanding.
"""

import jax, jax.numpy as jnp
import numpy as np

D_MODEL = 1024
MAX_LEN = 8192
BATCH = 4
SEQ = 8192

def setup_inputs(seed: int = 0) -> dict:
    key = jax.random.key(seed)
    k1, k2 = jax.random.split(key)
    x = jax.random.normal(k1, (BATCH, SEQ, D_MODEL), dtype=jnp.float32)
    # learned positional embedding table (nn.Embedding weight), default N(0,1) init like torch
    emb_weight = jax.random.normal(k2, (MAX_LEN, D_MODEL), dtype=jnp.float32)
    return {"x": x, "emb_weight": emb_weight}

def reference(x, emb_weight):
    # pos = arange(S)[None, :]; pos_emb = embedding(pos) -> [1, S, d_model]
    pos = jnp.arange(x.shape[1])
    pos_emb = jnp.take(emb_weight, pos, axis=0)[None, :, :]
    return x + pos_emb

if __name__ == "__main__":
    import jax
    _d = setup_inputs()
    print(jax.jit(kernel)(*tuple(_d.values())))

</pallas_src>

<mosaic_0001>
#map = affine_map<(d0, d1) -> (0, 0, 0)>
#map1 = affine_map<(d0, d1) -> (0, 0)>
module attributes {stable_mosaic.version = 14 : i64} {
  func.func @k(%arg0: i32, %arg1: i32, %arg2: memref<4x8192x1024xf32, #tpu.memory_space<hbm>>, %arg3: memref<8192x1024xf32, #tpu.memory_space<hbm>>, %arg4: memref<4x8192x1024xf32, #tpu.memory_space<hbm>>, %arg5: memref<8x4x2x1024xf32, #tpu.memory_space<vmem>>, %arg6: memref<8x2x1024xf32, #tpu.memory_space<vmem>>, %arg7: memref<8x!tpu.dma_semaphore, #tpu.memory_space<semaphore_mem>>, %arg8: memref<8x!tpu.dma_semaphore, #tpu.memory_space<semaphore_mem>>, %arg9: memref<8x!tpu.dma_semaphore, #tpu.memory_space<semaphore_mem>>) attributes {dimension_semantics = [#tpu.dimension_semantics<core_parallel>, #tpu.dimension_semantics<subcore_parallel>], iteration_bounds = array<i64: 2, 16>, scalar_prefetch = 0 : i64, scratch_operands = 5 : i64, tpu.core_type = #tpu.core_type<sc_vector_subcore>, window_params = [{transform_indices = #map}, {transform_indices = #map1}, {transform_indices = #map}]} {
    %mul3A = arith.constant 2 : i32
    %mul3A_0 = arith.muli %arg1, %mul3A : i32
    %add3A = arith.addi %mul3A_0, %arg0 : i32
    %mul3A_1 = arith.constant 256 : i32
    %mul3A_2 = arith.muli %add3A, %mul3A_1 : i32
    %add3A_3 = arith.constant 0 : i32
    %add3A_4 = arith.addi %mul3A_2, %add3A_3 : i32
    %dma_start3A = arith.constant 0 : i32
    %dma_start3A_5 = arith.constant 0 : i32
    %dma_start3A_6 = arith.constant 0 : i32
    %dma_start3A_7 = arith.constant 0 : i32
    %dma_start3A_8 = arith.constant 0 : i32
    %dma_start3A_9 = tpu.memref_slice %arg5[%dma_start3A, %dma_start3A_6, %dma_start3A_7, %dma_start3A_8] : memref<8x4x2x1024xf32, #tpu.memory_space<vmem>> -> memref<1x4x2x1024xf32, #tpu.memory_space<vmem>>
    %dma_start3A_10 = tpu.memref_squeeze %dma_start3A_9 : memref<1x4x2x1024xf32, #tpu.memory_space<vmem>> -> memref<4x2x1024xf32, #tpu.memory_space<vmem>>
    %dma_start3A_11 = arith.constant 0 : i32
    %dma_start3A_12 = arith.constant 0 : i32
    %dma_start3A_13 = tpu.memref_slice %arg2[%dma_start3A_11, %add3A_4, %dma_start3A_12] : memref<4x8192x1024xf32, #tpu.memory_space<hbm>> -> memref<4x2x1024xf32, #tpu.memory_space<hbm>>
    %dma_start3A_14 = tpu.memref_slice %arg7[%dma_start3A_5] : memref<8x!tpu.dma_semaphore, #tpu.memory_space<semaphore_mem>> -> memref<1x!tpu.dma_semaphore, #tpu.memory_space<semaphore_mem>>
    %dma_start3A_15 = tpu.memref_squeeze %dma_start3A_14 : memref<1x!tpu.dma_semaphore, #tpu.memory_space<semaphore_mem>> -> memref<!tpu.dma_semaphore, #tpu.memory_space<semaphore_mem>>
    %dma_start3A_16 = arith.constant 0 : i32
    %dma_start3A_17 = arith.constant 0 : i32
    %dma_start3A_18 = arith.constant 0 : i32
    %dma_start3A_19 = tpu.memref_slice %arg5[%dma_start3A, %dma_start3A_16, %dma_start3A_17, %dma_start3A_18] : memref<8x4x2x1024xf32, #tpu.memory_space<vmem>> -> memref<1x4x2x1024xf32, #tpu.memory_space<vmem>>
    %dma_start3A_20 = tpu.memref_squeeze %dma_start3A_19 : memref<1x4x2x1024xf32, #tpu.memory_space<vmem>> -> memref<4x2x1024xf32, #tpu.memory_space<vmem>>
    %dma_start3A_21 = arith.constant 0 : i32
    %dma_start3A_22 = arith.constant 0 : i32
    %dma_start3A_23 = tpu.memref_slice %arg2[%dma_start3A_21, %add3A_4, %dma_start3A_22] : memref<4x8192x1024xf32, #tpu.memory_space<hbm>> -> memref<4x2x1024xf32, #tpu.memory_space<hbm>>
    tpu.enqueue_dma source(%dma_start3A_23 : memref<4x2x1024xf32, #tpu.memory_space<hbm>>) target(%dma_start3A_20 : memref<4x2x1024xf32, #tpu.memory_space<vmem>>) target_semaphore(%dma_start3A_15 : memref<!tpu.dma_semaphore, #tpu.memory_space<semaphore_mem>>)
    %dma_start3A_24 = arith.constant 0 : i32
    %dma_start3A_25 = arith.constant 0 : i32
    %dma_start3A_26 = arith.constant 0 : i32
    %dma_start3A_27 = arith.constant 0 : i32
    %dma_start3A_28 = tpu.memref_slice %arg6[%dma_start3A_24, %dma_start3A_26, %dma_start3A_27] : memref<8x2x1024xf32, #tpu.memory_space<vmem>> -> memref<1x2x1024xf32, #tpu.memory_space<vmem>>
    %dma_start3A_29 = tpu.memref_squeeze %dma_start3A_28 : memref<1x2x1024xf32, #tpu.memory_space<vmem>> -> memref<2x1024xf32, #tpu.memory_space<vmem>>
    %dma_start3A_30 = arith.constant 0 : i32
    %dma_start3A_31 = tpu.memref_slice %arg3[%add3A_4, %dma_start3A_30] : memref<8192x1024xf32, #tpu.memory_space<hbm>> -> memref<2x1024xf32, #tpu.memory_space<hbm>>
    %dma_start3A_32 = tpu.memref_slice %arg8[%dma_start3A_25] : memref<8x!tpu.dma_semaphore, #tpu.memory_space<semaphore_mem>> -> memref<1x!tpu.dma_semaphore, #tpu.memory_space<semaphore_mem>>
    %dma_start3A_33 = tpu.memref_squeeze %dma_start3A_32 : memref<1x!tpu.dma_semaphore, #tpu.memory_space<semaphore_mem>> -> memref<!tpu.dma_semaphore, #tpu.memory_space<semaphore_mem>>
    %dma_start3A_34 = arith.constant 0 : i32
    %dma_start3A_35 = arith.constant 0 : i32
    %dma_start3A_36 = tpu.memref_slice %arg6[%dma_start3A_24, %dma_start3A_34, %dma_start3A_35] : memref<8x2x1024xf32, #tpu.memory_space<vmem>> -> memref<1x2x1024xf32, #tpu.memory_space<vmem>>
    %dma_start3A_37 = tpu.memref_squeeze %dma_start3A_36 : memref<1x2x1024xf32, #tpu.memory_space<vmem>> -> memref<2x1024xf32, #tpu.memory_space<vmem>>
    %dma_start3A_38 = arith.constant 0 : i32
    %dma_start3A_39 = tpu.memref_slice %arg3[%add3A_4, %dma_start3A_38] : memref<8192x1024xf32, #tpu.memory_space<hbm>> -> memref<2x1024xf32, #tpu.memory_space<hbm>>
    tpu.enqueue_dma source(%dma_start3A_39 : memref<2x1024xf32, #tpu.memory_space<hbm>>) target(%dma_start3A_37 : memref<2x1024xf32, #tpu.memory_space<vmem>>) target_semaphore(%dma_start3A_33 : memref<!tpu.dma_semaphore, #tpu.memory_space<semaphore_mem>>)
    %add3A_40 = arith.constant 2 : i32
    %add3A_41 = arith.addi %mul3A_2, %add3A_40 : i32
    %dma_start3A_42 = arith.constant 1 : i32
    %dma_start3A_43 = arith.constant 1 : i32
    %dma_start3A_44 = arith.constant 0 : i32
    %dma_start3A_45 = arith.constant 0 : i32
    %dma_start3A_46 = arith.constant 0 : i32
    %dma_start3A_47 = tpu.memref_slice %arg5[%dma_start3A_42, %dma_start3A_44, %dma_start3A_45, %dma_start3A_46] : memref<8x4x2x1024xf32, #tpu.memory_space<vmem>> -> memref<1x4x2x1024xf32, #tpu.memory_space<vmem>>
    %dma_start3A_48 = tpu.memref_squeeze %dma_start3A_47 : memref<1x4x2x1024xf32, #tpu.memory_space<vmem>> -> memref<4x2x1024xf32, #tpu.memory_space<vmem>>
    %dma_start3A_49 = arith.constant 0 : i32
    %dma_start3A_50 = arith.constant 0 : i32
    %dma_start3A_51 = tpu.memref_slice %arg2[%dma_start3A_49, %add3A_41, %dma_start3A_50] : memref<4x8192x1024xf32, #tpu.memory_space<hbm>> -> memref<4x2x1024xf32, #tpu.memory_space<hbm>>
    %dma_start3A_52 = tpu.memref_slice %arg7[%dma_start3A_43] : memref<8x!tpu.dma_semaphore, #tpu.memory_space<semaphore_mem>> -> memref<1x!tpu.dma_semaphore, #tpu.memory_space<semaphore_mem>>
    %dma_start3A_53 = tpu.memref_squeeze %dma_start3A_52 : memref<1x!tpu.dma_semaphore, #tpu.memory_space<semaphore_mem>> -> memref<!tpu.dma_semaphore, #tpu.memory_space<semaphore_mem>>
    %dma_start3A_54 = arith.constant 0 : i32
    %dma_start3A_55 = arith.constant 0 : i32
    %dma_start3A_56 = arith.constant 0 : i32
    %dma_start3A_57 = tpu.memref_slice %arg5[%dma_start3A_42, %dma_start3A_54, %dma_start3A_55, %dma_start3A_56] : memref<8x4x2x1024xf32, #tpu.memory_space<vmem>> -> memref<1x4x2x1024xf32, #tpu.memory_space<vmem>>
    %dma_start3A_58 = tpu.memref_squeeze %dma_start3A_57 : memref<1x4x2x1024xf32, #tpu.memory_space<vmem>> -> memref<4x2x1024xf32, #tpu.memory_space<vmem>>
    %dma_start3A_59 = arith.constant 0 : i32
    %dma_start3A_60 = arith.constant 0 : i32
    %dma_start3A_61 = tpu.memref_slice %arg2[%dma_start3A_59, %add3A_41, %dma_start3A_60] : memref<4x8192x1024xf32, #tpu.memory_space<hbm>> -> memref<4x2x1024xf32, #tpu.memory_space<hbm>>
    tpu.enqueue_dma source(%dma_start3A_61 : memref<4x2x1024xf32, #tpu.memory_space<hbm>>) target(%dma_start3A_58 : memref<4x2x1024xf32, #tpu.memory_space<vmem>>) target_semaphore(%dma_start3A_53 : memref<!tpu.dma_semaphore, #tpu.memory_space<semaphore_mem>>)
    %dma_start3A_62 = arith.constant 1 : i32
    %dma_start3A_63 = arith.constant 1 : i32
    %dma_start3A_64 = arith.constant 0 : i32
    %dma_start3A_65 = arith.constant 0 : i32
    %dma_start3A_66 = tpu.memref_slice %arg6[%dma_start3A_62, %dma_start3A_64, %dma_start3A_65] : memref<8x2x1024xf32, #tpu.memory_space<vmem>> -> memref<1x2x1024xf32, #tpu.memory_space<vmem>>
    %dma_start3A_67 = tpu.memref_squeeze %dma_start3A_66 : memref<1x2x1024xf32, #tpu.memory_space<vmem>> -> memref<2x1024xf32, #tpu.memory_space<vmem>>
    %dma_start3A_68 = arith.constant 0 : i32
    %dma_start3A_69 = tpu.memref_slice %arg3[%add3A_41, %dma_start3A_68] : memref<8192x1024xf32, #tpu.memory_space<hbm>> -> memref<2x1024xf32, #tpu.memory_space<hbm>>
    %dma_start3A_70 = tpu.memref_slice %arg8[%dma_start3A_63] : memref<8x!tpu.dma_semaphore, #tpu.memory_space<semaphore_mem>> -> memref<1x!tpu.dma_semaphore, #tpu.memory_space<semaphore_mem>>
    %dma_start3A_71 = tpu.memref_squeeze %dma_start3A_70 : memref<1x!tpu.dma_semaphore, #tpu.memory_space<semaphore_mem>> -> memref<!tpu.dma_semaphore, #tpu.memory_space<semaphore_mem>>
    %dma_start3A_72 = arith.constant 0 : i32
    %dma_start3A_73 = arith.constant 0 : i32
    %dma_start3A_74 = tpu.memref_slice %arg6[%dma_start3A_62, %dma_start3A_72, %dma_start3A_73] : memref<8x2x1024xf32, #tpu.memory_space<vmem>> -> memref<1x2x1024xf32, #tpu.memory_space<vmem>>
    %dma_start3A_75 = tpu.memref_squeeze %dma_start3A_74 : memref<1x2x1024xf32, #tpu.memory_space<vmem>> -> memref<2x1024xf32, #tpu.memory_space<vmem>>
    %dma_start3A_76 = arith.constant 0 : i32
    %dma_start3A_77 = tpu.memref_slice %arg3[%add3A_41, %dma_start3A_76] : memref<8192x1024xf32, #tpu.memory_space<hbm>> -> memref<2x1024xf32, #tpu.memory_space<hbm>>
    tpu.enqueue_dma source(%dma_start3A_77 : memref<2x1024xf32, #tpu.memory_space<hbm>>) target(%dma_start3A_75 : memref<2x1024xf32, #tpu.memory_space<vmem>>) target_semaphore(%dma_start3A_71 : memref<!tpu.dma_semaphore, #tpu.memory_space<semaphore_mem>>)
    %add3A_78 = arith.constant 4 : i32
    %add3A_79 = arith.addi %mul3A_2, %add3A_78 : i32
    %dma_start3A_80 = arith.constant 2 : i32
    %dma_start3A_81 = arith.constant 2 : i32
    %dma_start3A_82 = arith.constant 0 : i32
    %dma_start3A_83 = arith.constant 0 : i32
    %dma_start3A_84 = arith.constant 0 : i32
    %dma_start3A_85 = tpu.memref_slice %arg5[%dma_start3A_80, %dma_start3A_82, %dma_start3A_83, %dma_start3A_84] : memref<8x4x2x1024xf32, #tpu.memory_space<vmem>> -> memref<1x4x2x1024xf32, #tpu.memory_space<vmem>>
    %dma_start3A_86 = tpu.memref_squeeze %dma_start3A_85 : memref<1x4x2x1024xf32, #tpu.memory_space<vmem>> -> memref<4x2x1024xf32, #tpu.memory_space<vmem>>
    %dma_start3A_87 = arith.constant 0 : i32
    %dma_start3A_88 = arith.constant 0 : i32
    %dma_start3A_89 = tpu.memref_slice %arg2[%dma_start3A_87, %add3A_79, %dma_start3A_88] : memref<4x8192x1024xf32, #tpu.memory_space<hbm>> -> memref<4x2x1024xf32, #tpu.memory_space<hbm>>
    %dma_start3A_90 = tpu.memref_slice %arg7[%dma_start3A_81] : memref<8x!tpu.dma_semaphore, #tpu.memory_space<semaphore_mem>> -> memref<1x!tpu.dma_semaphore, #tpu.memory_space<semaphore_mem>>
    %dma_start3A_91 = tpu.memref_squeeze %dma_start3A_90 : memref<1x!tpu.dma_semaphore, #tpu.memory_space<semaphore_mem>> -> memref<!tpu.dma_semaphore, #tpu.memory_space<semaphore_mem>>
    %dma_start3A_92 = arith.constant 0 : i32
    %dma_start3A_93 = arith.constant 0 : i32
    %dma_start3A_94 = arith.constant 0 : i32
    %dma_start3A_95 = tpu.memref_slice %arg5[%dma_start3A_80, %dma_start3A_92, %dma_start3A_93, %dma_start3A_94] : memref<8x4x2x1024xf32, #tpu.memory_space<vmem>> -> memref<1x4x2x1024xf32, #tpu.memory_space<vmem>>
    %dma_start3A_96 = tpu.memref_squeeze %dma_start3A_95 : memref<1x4x2x1024xf32, #tpu.memory_space<vmem>> -> memref<4x2x1024xf32, #tpu.memory_space<vmem>>
    %dma_start3A_97 = arith.constant 0 : i32
    %dma_start3A_98 = arith.constant 0 : i32
    %dma_start3A_99 = tpu.memref_slice %arg2[%dma_start3A_97, %add3A_79, %dma_start3A_98] : memref<4x8192x1024xf32, #tpu.memory_space<hbm>> -> memref<4x2x1024xf32, #tpu.memory_space<hbm>>
    tpu.enqueue_dma source(%dma_start3A_99 : memref<4x2x1024xf32, #tpu.memory_space<hbm>>) target(%dma_start3A_96 : memref<4x2x1024xf32, #tpu.memory_space<vmem>>) target_semaphore(%dma_start3A_91 : memref<!tpu.dma_semaphore, #tpu.memory_space<semaphore_mem>>)
    %dma_start3A_100 = arith.constant 2 : i32
    %dma_start3A_101 = arith.constant 2 : i32
    %dma_start3A_102 = arith.constant 0 : i32
    %dma_start3A_103 = arith.constant 0 : i32
    %dma_start3A_104 = tpu.memref_slice %arg6[%dma_start3A_100, %dma_start3A_102, %dma_start3A_103] : memref<8x2x1024xf32, #tpu.memory_space<vmem>> -> memref<1x2x1024xf32, #tpu.memory_space<vmem>>
    %dma_start3A_105 = tpu.memref_squeeze %dma_start3A_104 : memref<1x2x1024xf32, #tpu.memory_space<vmem>> -> memref<2x1024xf32, #tpu.memory_space<vmem>>
    %dma_start3A_106 = arith.constant 0 : i32
    %dma_start3A_107 = tpu.memref_slice %arg3[%add3A_79, %dma_start3A_106] : memref<8192x1024xf32, #tpu.memory_space<hbm>> -> memref<2x1024xf32, #tpu.memory_space<hbm>>
    %dma_start3A_108 = tpu.memref_slice %arg8[%dma_start3A_101] : memref<8x!tpu.dma_semaphore, #tpu.memory_space<semaphore_mem>> -> memref<1x!tpu.dma_semaphore, #tpu.memory_space<semaphore_mem>>
    %dma_start3A_109 = tpu.memref_squeeze %dma_start3A_108 : memref<1x!tpu.dma_semaphore, #tpu.memory_space<semaphore_mem>> -> memref<!tpu.dma_semaphore, #tpu.memory_space<semaphore_mem>>
    %dma_start3A_110 = arith.constant 0 : i32
    %dma_start3A_111 = arith.constant 0 : i32
    %dma_start3A_112 = tpu.memref_slice %arg6[%dma_start3A_100, %dma_start3A_110, %dma_start3A_111] : memref<8x2x1024xf32, #tpu.memory_space<vmem>> -> memref<1x2x1024xf32, #tpu.memory_space<vmem>>
    %dma_start3A_113 = tpu.memref_squeeze %dma_start3A_112 : memref<1x2x1024xf32, #tpu.memory_space<vmem>> -> memref<2x1024xf32, #tpu.memory_space<vmem>>
    %dma_start3A_114 = arith.constant 0 : i32
    %dma_start3A_115 = tpu.memref_slice %arg3[%add3A_79, %dma_start3A_114] : memref<8192x1024xf32, #tpu.memory_space<hbm>> -> memref<2x1024xf32, #tpu.memory_space<hbm>>
    tpu.enqueue_dma source(%dma_start3A_115 : memref<2x1024xf32, #tpu.memory_space<hbm>>) target(%dma_start3A_113 : memref<2x1024xf32, #tpu.memory_space<vmem>>) target_semaphore(%dma_start3A_109 : memref<!tpu.dma_semaphore, #tpu.memory_space<semaphore_mem>>)
    %add3A_116 = arith.constant 6 : i32
    %add3A_117 = arith.addi %mul3A_2, %add3A_116 : i32
    %dma_start3A_118 = arith.constant 3 : i32
    %dma_start3A_119 = arith.constant 3 : i32
    %dma_start3A_120 = arith.constant 0 : i32
    %dma_start3A_121 = arith.constant 0 : i32
    %dma_start3A_122 = arith.constant 0 : i32
    %dma_start3A_123 = tpu.memref_slice %arg5[%dma_start3A_118, %dma_start3A_120, %dma_start3A_121, %dma_start3A_122] : memref<8x4x2x1024xf32, #tpu.memory_space<vmem>> -> memref<1x4x2x1024xf32, #tpu.memory_space<vmem>>
    %dma_start3A_124 = tpu.memref_squeeze %dma_start3A_123 : memref<1x4x2x1024xf32, #tpu.memory_space<vmem>> -> memref<4x2x1024xf32, #tpu.memory_space<vmem>>
    %dma_start3A_125 = arith.constant 0 : i32
    %dma_start3A_126 = arith.constant 0 : i32
    %dma_start3A_127 = tpu.memref_slice %arg2[%dma_start3A_125, %add3A_117, %dma_start3A_126] : memref<4x8192x1024xf32, #tpu.memory_space<hbm>> -> memref<4x2x1024xf32, #tpu.memory_space<hbm>>
    %dma_start3A_128 = tpu.memref_slice %arg7[%dma_start3A_119] : memref<8x!tpu.dma_semaphore, #tpu.memory_space<semaphore_mem>> -> memref<1x!tpu.dma_semaphore, #tpu.memory_space<semaphore_mem>>
    %dma_start3A_129 = tpu.memref_squeeze %dma_start3A_128 : memref<1x!tpu.dma_semaphore, #tpu.memory_space<semaphore_mem>> -> memref<!tpu.dma_semaphore, #tpu.memory_space<semaphore_mem>>
    %dma_start3A_130 = arith.constant 0 : i32
    %dma_start3A_131 = arith.constant 0 : i32
    %dma_start3A_132 = arith.constant 0 : i32
    %dma_start3A_133 = tpu.memref_slice %arg5[%dma_start3A_118, %dma_start3A_130, %dma_start3A_131, %dma_start3A_132] : memref<8x4x2x1024xf32, #tpu.memory_space<vmem>> -> memref<1x4x2x1024xf32, #tpu.memory_space<vmem>>
    %dma_start3A_134 = tpu.memref_squeeze %dma_start3A_133 : memref<1x4x2x1024xf32, #tpu.memory_space<vmem>> -> memref<4x2x1024xf32, #tpu.memory_space<vmem>>
    %dma_start3A_135 = arith.constant 0 : i32
    %dma_start3A_136 = arith.constant 0 : i32
    %dma_start3A_137 = tpu.memref_slice %arg2[%dma_start3A_135, %add3A_117, %dma_start3A_136] : memref<4x8192x1024xf32, #tpu.memory_space<hbm>> -> memref<4x2x1024xf32, #tpu.memory_space<hbm>>
    tpu.enqueue_dma source(%dma_start3A_137 : memref<4x2x1024xf32, #tpu.memory_space<hbm>>) target(%dma_start3A_134 : memref<4x2x1024xf32, #tpu.memory_space<vmem>>) target_semaphore(%dma_start3A_129 : memref<!tpu.dma_semaphore, #tpu.memory_space<semaphore_mem>>)
    %dma_start3A_138 = arith.constant 3 : i32
    %dma_start3A_139 = arith.constant 3 : i32
    %dma_start3A_140 = arith.constant 0 : i32
    %dma_start3A_141 = arith.constant 0 : i32
    %dma_start3A_142 = tpu.memref_slice %arg6[%dma_start3A_138, %dma_start3A_140, %dma_start3A_141] : memref<8x2x1024xf32, #tpu.memory_space<vmem>> -> memref<1x2x1024xf32, #tpu.memory_space<vmem>>
    %dma_start3A_143 = tpu.memref_squeeze %dma_start3A_142 : memref<1x2x1024xf32, #tpu.memory_space<vmem>> -> memref<2x1024xf32, #tpu.memory_space<vmem>>
    %dma_start3A_144 = arith.constant 0 : i32
    %dma_start3A_145 = tpu.memref_slice %arg3[%add3A_117, %dma_start3A_144] : memref<8192x1024xf32, #tpu.memory_space<hbm>> -> memref<2x1024xf32, #tpu.memory_space<hbm>>
    %dma_start3A_146 = tpu.memref_slice %arg8[%dma_start3A_139] : memref<8x!tpu.dma_semaphore, #tpu.memory_space<semaphore_mem>> -> memref<1x!tpu.dma_semaphore, #tpu.memory_space<semaphore_mem>>
    %dma_start3A_147 = tpu.memref_squeeze %dma_start3A_146 : memref<1x!tpu.dma_semaphore, #tpu.memory_space<semaphore_mem>> -> memref<!tpu.dma_semaphore, #tpu.memory_space<semaphore_mem>>
    %dma_start3A_148 = arith.constant 0 : i32
    %dma_start3A_149 = arith.constant 0 : i32
    %dma_start3A_150 = tpu.memref_slice %arg6[%dma_start3A_138, %dma_start3A_148, %dma_start3A_149] : memref<8x2x1024xf32, #tpu.memory_space<vmem>> -> memref<1x2x1024xf32, #tpu.memory_space<vmem>>
    %dma_start3A_151 = tpu.memref_squeeze %dma_start3A_150 : memref<1x2x1024xf32, #tpu.memory_space<vmem>> -> memref<2x1024xf32, #tpu.memory_space<vmem>>
    %dma_start3A_152 = arith.constant 0 : i32
    %dma_start3A_153 = tpu.memref_slice %arg3[%add3A_117, %dma_start3A_152] : memref<8192x1024xf32, #tpu.memory_space<hbm>> -> memref<2x1024xf32, #tpu.memory_space<hbm>>
    tpu.enqueue_dma source(%dma_start3A_153 : memref<2x1024xf32, #tpu.memory_space<hbm>>) target(%dma_start3A_151 : memref<2x1024xf32, #tpu.memory_space<vmem>>) target_semaphore(%dma_start3A_147 : memref<!tpu.dma_semaphore, #tpu.memory_space<semaphore_mem>>)
    %add3A_154 = arith.constant 8 : i32
    %add3A_155 = arith.addi %mul3A_2, %add3A_154 : i32
    %dma_start3A_156 = arith.constant 4 : i32
    %dma_start3A_157 = arith.constant 4 : i32
    %dma_start3A_158 = arith.constant 0 : i32
    %dma_start3A_159 = arith.constant 0 : i32
    %dma_start3A_160 = arith.constant 0 : i32
    %dma_start3A_161 = tpu.memref_slice %arg5[%dma_start3A_156, %dma_start3A_158, %dma_start3A_159, %dma_start3A_160] : memref<8x4x2x1024xf32, #tpu.memory_space<vmem>> -> memref<1x4x2x1024xf32, #tpu.memory_space<vmem>>
    %dma_start3A_162 = tpu.memref_squeeze %dma_start3A_161 : memref<1x4x2x1024xf32, #tpu.memory_space<vmem>> -> memref<4x2x1024xf32, #tpu.memory_space<vmem>>
    %dma_start3A_163 = arith.constant 0 : i32
    %dma_start3A_164 = arith.constant 0 : i32
    %dma_start3A_165 = tpu.memref_slice %arg2[%dma_start3A_163, %add3A_155, %dma_start3A_164] : memref<4x8192x1024xf32, #tpu.memory_space<hbm>> -> memref<4x2x1024xf32, #tpu.memory_space<hbm>>
    %dma_start3A_166 = tpu.memref_slice %arg7[%dma_start3A_157] : memref<8x!tpu.dma_semaphore, #tpu.memory_space<semaphore_mem>> -> memref<1x!tpu.dma_semaphore, #tpu.memory_space<semaphore_mem>>
    %dma_start3A_167 = tpu.memref_squeeze %dma_start3A_166 : memref<1x!tpu.dma_semaphore, #tpu.memory_space<semaphore_mem>> -> memref<!tpu.dma_semaphore, #tpu.memory_space<semaphore_mem>>
    %dma_start3A_168 = arith.constant 0 : i32
    %dma_start3A_169 = arith.constant 0 : i32
    %dma_start3A_170 = arith.constant 0 : i32
    %dma_start3A_171 = tpu.memref_slice %arg5[%dma_start3A_156, %dma_start3A_168, %dma_start3A_169, %dma_start3A_170] : memref<8x4x2x1024xf32, #tpu.memory_space<vmem>> -> memref<1x4x2x1024xf32, #tpu.memory_space<vmem>>
    %dma_start3A_172 = tpu.memref_squeeze %dma_start3A_171 : memref<1x4x2x1024xf32, #tpu.memory_space<vmem>> -> memref<4x2x1024xf32, #tpu.memory_space<vmem>>
    %dma_start3A_173 = arith.constant 0 : i32
    %dma_start3A_174 = arith.constant 0 : i32
    %dma_start3A_175 = tpu.memref_slice %arg2[%dma_start3A_173, %add3A_155, %dma_start3A_174] : memref<4x8192x1024xf32, #tpu.memory_space<hbm>> -> memref<4x2x1024xf32, #tpu.memory_space<hbm>>
    tpu.enqueue_dma source(%dma_start3A_175 : memref<4x2x1024xf32, #tpu.memory_space<hbm>>) target(%dma_start3A_172 : memref<4x2x1024xf32, #tpu.memory_space<vmem>>) target_semaphore(%dma_start3A_167 : memref<!tpu.dma_semaphore, #tpu.memory_space<semaphore_mem>>)
    %dma_start3A_176 = arith.constant 4 : i32
    %dma_start3A_177 = arith.constant 4 : i32
    %dma_start3A_178 = arith.constant 0 : i32
    %dma_start3A_179 = arith.constant 0 : i32
    %dma_start3A_180 = tpu.memref_slice %arg6[%dma_start3A_176, %dma_start3A_178, %dma_start3A_179] : memref<8x2x1024xf32, #tpu.memory_space<vmem>> -> memref<1x2x1024xf32, #tpu.memory_space<vmem>>
    %dma_start3A_181 = tpu.memref_squeeze %dma_start3A_180 : memref<1x2x1024xf32, #tpu.memory_space<vmem>> -> memref<2x1024xf32, #tpu.memory_space<vmem>>
    %dma_start3A_182 = arith.constant 0 : i32
    %dma_start3A_183 = tpu.memref_slice %arg3[%add3A_155, %dma_start3A_182] : memref<8192x1024xf32, #tpu.memory_space<hbm>> -> memref<2x1024xf32, #tpu.memory_space<hbm>>
    %dma_start3A_184 = tpu.memref_slice %arg8[%dma_start3A_177] : memref<8x!tpu.dma_semaphore, #tpu.memory_space<semaphore_mem>> -> memref<1x!tpu.dma_semaphore, #tpu.memory_space<semaphore_mem>>
    %dma_start3A_185 = tpu.memref_squeeze %dma_start3A_184 : memref<1x!tpu.dma_semaphore, #tpu.memory_space<semaphore_mem>> -> memref<!tpu.dma_semaphore, #tpu.memory_space<semaphore_mem>>
    %dma_start3A_186 = arith.constant 0 : i32
    %dma_start3A_187 = arith.constant 0 : i32
    %dma_start3A_188 = tpu.memref_slice %arg6[%dma_start3A_176, %dma_start3A_186, %dma_start3A_187] : memref<8x2x1024xf32, #tpu.memory_space<vmem>> -> memref<1x2x1024xf32, #tpu.memory_space<vmem>>
    %dma_start3A_189 = tpu.memref_squeeze %dma_start3A_188 : memref<1x2x1024xf32, #tpu.memory_space<vmem>> -> memref<2x1024xf32, #tpu.memory_space<vmem>>
    %dma_start3A_190 = arith.constant 0 : i32
    %dma_start3A_191 = tpu.memref_slice %arg3[%add3A_155, %dma_start3A_190] : memref<8192x1024xf32, #tpu.memory_space<hbm>> -> memref<2x1024xf32, #tpu.memory_space<hbm>>
    tpu.enqueue_dma source(%dma_start3A_191 : memref<2x1024xf32, #tpu.memory_space<hbm>>) target(%dma_start3A_189 : memref<2x1024xf32, #tpu.memory_space<vmem>>) target_semaphore(%dma_start3A_185 : memref<!tpu.dma_semaphore, #tpu.memory_space<semaphore_mem>>)
    %add3A_192 = arith.constant 10 : i32
    %add3A_193 = arith.addi %mul3A_2, %add3A_192 : i32
    %dma_start3A_194 = arith.constant 5 : i32
    %dma_start3A_195 = arith.constant 5 : i32
    %dma_start3A_196 = arith.constant 0 : i32
    %dma_start3A_197 = arith.constant 0 : i32
    %dma_start3A_198 = arith.constant 0 : i32
    %dma_start3A_199 = tpu.memref_slice %arg5[%dma_start3A_194, %dma_start3A_196, %dma_start3A_197, %dma_start3A_198] : memref<8x4x2x1024xf32, #tpu.memory_space<vmem>> -> memref<1x4x2x1024xf32, #tpu.memory_space<vmem>>
    %dma_start3A_200 = tpu.memref_squeeze %dma_start3A_199 : memref<1x4x2x1024xf32, #tpu.memory_space<vmem>> -> memref<4x2x1024xf32, #tpu.memory_space<vmem>>
    %dma_start3A_201 = arith.constant 0 : i32
    %dma_start3A_202 = arith.constant 0 : i32
    %dma_start3A_203 = tpu.memref_slice %arg2[%dma_start3A_201, %add3A_193, %dma_start3A_202] : memref<4x8192x1024xf32, #tpu.memory_space<hbm>> -> memref<4x2x1024xf32, #tpu.memory_space<hbm>>
    %dma_start3A_204 = tpu.memref_slice %arg7[%dma_start3A_195] : memref<8x!tpu.dma_semaphore, #tpu.memory_space<semaphore_mem>> -> memref<1x!tpu.dma_semaphore, #tpu.memory_space<semaphore_mem>>
    %dma_start3A_205 = tpu.memref_squeeze %dma_start3A_204 : memref<1x!tpu.dma_semaphore, #tpu.memory_space<semaphore_mem>> -> memref<!tpu.dma_semaphore, #tpu.memory_space<semaphore_mem>>
    %dma_start3A_206 = arith.constant 0 : i32
    %dma_start3A_207 = arith.constant 0 : i32
    %dma_start3A_208 = arith.constant 0 : i32
    %dma_start3A_209 = tpu.memref_slice %arg5[%dma_start3A_194, %dma_start3A_206, %dma_start3A_207, %dma_start3A_208] : memref<8x4x2x1024xf32, #tpu.memory_space<vmem>> -> memref<1x4x2x1024xf32, #tpu.memory_space<vmem>>
    %dma_start3A_210 = tpu.memref_squeeze %dma_start3A_209 : memref<1x4x2x1024xf32, #tpu.memory_space<vmem>> -> memref<4x2x1024xf32, #tpu.memory_space<vmem>>
    %dma_start3A_211 = arith.constant 0 : i32
    %dma_start3A_212 = arith.constant 0 : i32
    %dma_start3A_213 = tpu.memref_slice %arg2[%dma_start3A_211, %add3A_193, %dma_start3A_212] : memref<4x8192x1024xf32, #tpu.memory_space<hbm>> -> memref<4x2x1024xf32, #tpu.memory_space<hbm>>
    tpu.enqueue_dma source(%dma_start3A_213 : memref<4x2x1024xf32, #tpu.memory_space<hbm>>) target(%dma_start3A_210 : memref<4x2x1024xf32, #tpu.memory_space<vmem>>) target_semaphore(%dma_start3A_205 : memref<!tpu.dma_semaphore, #tpu.memory_space<semaphore_mem>>)
    %dma_start3A_214 = arith.constant 5 : i32
    %dma_start3A_215 = arith.constant 5 : i32
    %dma_start3A_216 = arith.constant 0 : i32
    %dma_start3A_217 = arith.constant 0 : i32
    %dma_start3A_218 = tpu.memref_slice %arg6[%dma_start3A_214, %dma_start3A_216, %dma_start3A_217] : memref<8x2x1024xf32, #tpu.memory_space<vmem>> -> memref<1x2x1024xf32, #tpu.memory_space<vmem>>
    %dma_start3A_219 = tpu.memref_squeeze %dma_start3A_218 : memref<1x2x1024xf32, #tpu.memory_space<vmem>> -> memref<2x1024xf32, #tpu.memory_space<vmem>>
    %dma_start3A_220 = arith.constant 0 : i32
    %dma_start3A_221 = tpu.memref_slice %arg3[%add3A_193, %dma_start3A_220] : memref<8192x1024xf32, #tpu.memory_space<hbm>> -> memref<2x1024xf32, #tpu.memory_space<hbm>>
    %dma_start3A_222 = tpu.memref_slice %arg8[%dma_start3A_215] : memref<8x!tpu.dma_semaphore, #tpu.memory_space<semaphore_mem>> -> memref<1x!tpu.dma_semaphore, #tpu.memory_space<semaphore_mem>>
    %dma_start3A_223 = tpu.memref_squeeze %dma_start3A_222 : memref<1x!tpu.dma_semaphore, #tpu.memory_space<semaphore_mem>> -> memref<!tpu.dma_semaphore, #tpu.memory_space<semaphore_mem>>
    %dma_start3A_224 = arith.constant 0 : i32
    %dma_start3A_225 = arith.constant 0 : i32
    %dma_start3A_226 = tpu.memref_slice %arg6[%dma_start3A_214, %dma_start3A_224, %dma_start3A_225] : memref<8x2x1024xf32, #tpu.memory_space<vmem>> -> memref<1x2x1024xf32, #tpu.memory_space<vmem>>
    %dma_start3A_227 = tpu.memref_squeeze %dma_start3A_226 : memref<1x2x1024xf32, #tpu.memory_space<vmem>> -> memref<2x1024xf32, #tpu.memory_space<vmem>>
    %dma_start3A_228 = arith.constant 0 : i32
    %dma_start3A_229 = tpu.memref_slice %arg3[%add3A_193, %dma_start3A_228] : memref<8192x1024xf32, #tpu.memory_space<hbm>> -> memref<2x1024xf32, #tpu.memory_space<hbm>>
    tpu.enqueue_dma source(%dma_start3A_229 : memref<2x1024xf32, #tpu.memory_space<hbm>>) target(%dma_start3A_227 : memref<2x1024xf32, #tpu.memory_space<vmem>>) target_semaphore(%dma_start3A_223 : memref<!tpu.dma_semaphore, #tpu.memory_space<semaphore_mem>>)
    %add3A_230 = arith.constant 12 : i32
    %add3A_231 = arith.addi %mul3A_2, %add3A_230 : i32
    %dma_start3A_232 = arith.constant 6 : i32
    %dma_start3A_233 = arith.constant 6 : i32
    %dma_start3A_234 = arith.constant 0 : i32
    %dma_start3A_235 = arith.constant 0 : i32
    %dma_start3A_236 = arith.constant 0 : i32
    %dma_start3A_237 = tpu.memref_slice %arg5[%dma_start3A_232, %dma_start3A_234, %dma_start3A_235, %dma_start3A_236] : memref<8x4x2x1024xf32, #tpu.memory_space<vmem>> -> memref<1x4x2x1024xf32, #tpu.memory_space<vmem>>
    %dma_start3A_238 = tpu.memref_squeeze %dma_start3A_237 : memref<1x4x2x1024xf32, #tpu.memory_space<vmem>> -> memref<4x2x1024xf32, #tpu.memory_space<vmem>>
    %dma_start3A_239 = arith.constant 0 : i32
    %dma_start3A_240 = arith.constant 0 : i32
    %dma_start3A_241 = tpu.memref_slice %arg2[%dma_start3A_239, %add3A_231, %dma_start3A_240] : memref<4x8192x1024xf32, #tpu.memory_space<hbm>> -> memref<4x2x1024xf32, #tpu.memory_space<hbm>>
    %dma_start3A_242 = tpu.memref_slice %arg7[%dma_start3A_233] : memref<8x!tpu.dma_semaphore, #tpu.memory_space<semaphore_mem>> -> memref<1x!tpu.dma_semaphore, #tpu.memory_space<semaphore_mem>>
    %dma_start3A_243 = tpu.memref_squeeze %dma_start3A_242 : memref<1x!tpu.dma_semaphore, #tpu.memory_space<semaphore_mem>> -> memref<!tpu.dma_semaphore, #tpu.memory_space<semaphore_mem>>
    %dma_start3A_244 = arith.constant 0 : i32
    %dma_start3A_245 = arith.constant 0 : i32
    %dma_start3A_246 = arith.constant 0 : i32
    %dma_start3A_247 = tpu.memref_slice %arg5[%dma_start3A_232, %dma_start3A_244, %dma_start3A_245, %dma_start3A_246] : memref<8x4x2x1024xf32, #tpu.memory_space<vmem>> -> memref<1x4x2x1024xf32, #tpu.memory_space<vmem>>
    %dma_start3A_248 = tpu.memref_squeeze %dma_start3A_247 : memref<1x4x2x1024xf32, #tpu.memory_space<vmem>> -> memref<4x2x1024xf32, #tpu.memory_space<vmem>>
    %dma_start3A_249 = arith.constant 0 : i32
    %dma_start3A_250 = arith.constant 0 : i32
    %dma_start3A_251 = tpu.memref_slice %arg2[%dma_start3A_249, %add3A_231, %dma_start3A_250] : memref<4x8192x1024xf32, #tpu.memory_space<hbm>> -> memref<4x2x1024xf32, #tpu.memory_space<hbm>>
    tpu.enqueue_dma source(%dma_start3A_251 : memref<4x2x1024xf32, #tpu.memory_space<hbm>>) target(%dma_start3A_248 : memref<4x2x1024xf32, #tpu.memory_space<vmem>>) target_semaphore(%dma_start3A_243 : memref<!tpu.dma_semaphore, #tpu.memory_space<semaphore_mem>>)
    %dma_start3A_252 = arith.constant 6 : i32
    %dma_start3A_253 = arith.constant 6 : i32
    %dma_start3A_254 = arith.constant 0 : i32
    %dma_start3A_255 = arith.constant 0 : i32
    %dma_start3A_256 = tpu.memref_slice %arg6[%dma_start3A_252, %dma_start3A_254, %dma_start3A_255] : memref<8x2x1024xf32, #tpu.memory_space<vmem>> -> memref<1x2x1024xf32, #tpu.memory_space<vmem>>
    %dma_start3A_257 = tpu.memref_squeeze %dma_start3A_256 : memref<1x2x1024xf32, #tpu.memory_space<vmem>> -> memref<2x1024xf32, #tpu.memory_space<vmem>>
    %dma_start3A_258 = arith.constant 0 : i32
    %dma_start3A_259 = tpu.memref_slice %arg3[%add3A_231, %dma_start3A_258] : memref<8192x1024xf32, #tpu.memory_space<hbm>> -> memref<2x1024xf32, #tpu.memory_space<hbm>>
    %dma_start3A_260 = tpu.memref_slice %arg8[%dma_start3A_253] : memref<8x!tpu.dma_semaphore, #tpu.memory_space<semaphore_mem>> -> memref<1x!tpu.dma_semaphore, #tpu.memory_space<semaphore_mem>>
    %dma_start3A_261 = tpu.memref_squeeze %dma_start3A_260 : memref<1x!tpu.dma_semaphore, #tpu.memory_space<semaphore_mem>> -> memref<!tpu.dma_semaphore, #tpu.memory_space<semaphore_mem>>
    %dma_start3A_262 = arith.constant 0 : i32
    %dma_start3A_263 = arith.constant 0 : i32
    %dma_start3A_264 = tpu.memref_slice %arg6[%dma_start3A_252, %dma_start3A_262, %dma_start3A_263] : memref<8x2x1024xf32, #tpu.memory_space<vmem>> -> memref<1x2x1024xf32, #tpu.memory_space<vmem>>
    %dma_start3A_265 = tpu.memref_squeeze %dma_start3A_264 : memref<1x2x1024xf32, #tpu.memory_space<vmem>> -> memref<2x1024xf32, #tpu.memory_space<vmem>>
    %dma_start3A_266 = arith.constant 0 : i32
    %dma_start3A_267 = tpu.memref_slice %arg3[%add3A_231, %dma_start3A_266] : memref<8192x1024xf32, #tpu.memory_space<hbm>> -> memref<2x1024xf32, #tpu.memory_space<hbm>>
    tpu.enqueue_dma source(%dma_start3A_267 : memref<2x1024xf32, #tpu.memory_space<hbm>>) target(%dma_start3A_265 : memref<2x1024xf32, #tpu.memory_space<vmem>>) target_semaphore(%dma_start3A_261 : memref<!tpu.dma_semaphore, #tpu.memory_space<semaphore_mem>>)
    %scan3A = arith.constant 0 : i32
    %scan3A_268 = arith.constant 0 : i32
    %scan3A_269 = arith.constant 16 : i32
    %scan3A_270 = arith.addi %scan3A_268, %scan3A_269 : i32
    %scan3A_271 = arith.constant 1 : i32
    %scan3A_272 = scf.for %scan3A_295 = %scan3A_268 to %scan3A_270 step %scan3A_271 iter_args(%scan3A_296 = %scan3A) -> (i32)  : i32 {
      %mul3A_297 = arith.constant 8 : i32
      %mul3A_298 = arith.muli %mul3A_297, %scan3A_295 : i32
      %add3A_299 = arith.constant 0 : i32
      %add3A_300 = arith.addi %mul3A_298, %add3A_299 : i32
      %mul3A_301 = arith.constant 2 : i32
      %mul3A_302 = arith.muli %add3A_300, %mul3A_301 : i32
      %add3A_303 = arith.addi %mul3A_2, %mul3A_302 : i32
      %dma_wait3A_304 = arith.constant 0 : i32
      %dma_wait3A_305 = arith.constant 0 : i32
      %dma_wait3A_306 = arith.constant 0 : i32
      %dma_wait3A_307 = arith.constant 0 : i32
      %dma_wait3A_308 = arith.constant 0 : i32
      %dma_wait3A_309 = tpu.memref_slice %arg5[%dma_wait3A_304, %dma_wait3A_306, %dma_wait3A_307, %dma_wait3A_308] : memref<8x4x2x1024xf32, #tpu.memory_space<vmem>> -> memref<1x4x2x1024xf32, #tpu.memory_space<vmem>>
      %dma_wait3A_310 = tpu.memref_squeeze %dma_wait3A_309 : memref<1x4x2x1024xf32, #tpu.memory_space<vmem>> -> memref<4x2x1024xf32, #tpu.memory_space<vmem>>
      %dma_wait3A_311 = arith.constant 0 : i32
      %dma_wait3A_312 = arith.constant 0 : i32
      %dma_wait3A_313 = tpu.memref_slice %arg2[%dma_wait3A_311, %add3A_303, %dma_wait3A_312] : memref<4x8192x1024xf32, #tpu.memory_space<hbm>> -> memref<4x2x1024xf32, #tpu.memory_space<hbm>>
      %dma_wait3A_314 = tpu.memref_slice %arg7[%dma_wait3A_305] : memref<8x!tpu.dma_semaphore, #tpu.memory_space<semaphore_mem>> -> memref<1x!tpu.dma_semaphore, #tpu.memory_space<semaphore_mem>>
      %dma_wait3A_315 = tpu.memref_squeeze %dma_wait3A_314 : memref<1x!tpu.dma_semaphore, #tpu.memory_space<semaphore_mem>> -> memref<!tpu.dma_semaphore, #tpu.memory_space<semaphore_mem>>
      %dma_wait3A_316 = arith.constant 0 : i32
      %dma_wait3A_317 = arith.constant 0 : i32
      %dma_wait3A_318 = arith.constant 0 : i32
      %dma_wait3A_319 = tpu.memref_slice %arg5[%dma_wait3A_304, %dma_wait3A_316, %dma_wait3A_317, %dma_wait3A_318] : memref<8x4x2x1024xf32, #tpu.memory_space<vmem>> -> memref<1x4x2x1024xf32, #tpu.memory_space<vmem>>
      %dma_wait3A_320 = tpu.memref_squeeze %dma_wait3A_319 : memref<1x4x2x1024xf32, #tpu.memory_space<vmem>> -> memref<4x2x1024xf32, #tpu.memory_space<vmem>>
      %dma_wait3A_321 = arith.constant 0 : i32
      %dma_wait3A_322 = arith.constant 0 : i32
      %dma_wait3A_323 = tpu.memref_slice %arg2[%dma_wait3A_321, %add3A_303, %dma_wait3A_322] : memref<4x8192x1024xf32, #tpu.memory_space<hbm>> -> memref<4x2x1024xf32, #tpu.memory_space<hbm>>
      tpu.wait_dma2 semaphore(%dma_wait3A_315 : memref<!tpu.dma_semaphore, #tpu.memory_space<semaphore_mem>>) src(%dma_wait3A_323 : memref<4x2x1024xf32, #tpu.memory_space<hbm>>) dst(%dma_wait3A_320 : memref<4x2x1024xf32, #tpu.memory_space<vmem>>)
      %dma_wait3A_324 = arith.constant 0 : i32
      %dma_wait3A_325 = arith.constant 0 : i32
      %dma_wait3A_326 = arith.constant 0 : i32
      %dma_wait3A_327 = arith.constant 0 : i32
      %dma_wait3A_328 = tpu.memref_slice %arg6[%dma_wait3A_324, %dma_wait3A_326, %dma_wait3A_327] : memref<8x2x1024xf32, #tpu.memory_space<vmem>> -> memref<1x2x1024xf32, #tpu.memory_space<vmem>>
      %dma_wait3A_329 = tpu.memref_squeeze %dma_wait3A_328 : memref<1x2x1024xf32, #tpu.memory_space<vmem>> -> memref<2x1024xf32, #tpu.memory_space<vmem>>
      %dma_wait3A_330 = arith.constant 0 : i32
      %dma_wait3A_331 = tpu.memref_slice %arg3[%add3A_303, %dma_wait3A_330] : memref<8192x1024xf32, #tpu.memory_space<hbm>> -> memref<2x1024xf32, #tpu.memory_space<hbm>>
      %dma_wait3A_332 = tpu.memref_slice %arg8[%dma_wait3A_325] : memref<8x!tpu.dma_semaphore, #tpu.memory_space<semaphore_mem>> -> memref<1x!tpu.dma_semaphore, #tpu.memory_space<semaphore_mem>>
      %dma_wait3A_333 = tpu.memref_squeeze %dma_wait3A_332 : memref<1x!tpu.dma_semaphore, #tpu.memory_space<semaphore_mem>> -> memref<!tpu.dma_semaphore, #tpu.memory_space<semaphore_mem>>
      %dma_wait3A_334 = arith.constant 0 : i32
      %dma_wait3A_335 = arith.constant 0 : i32
      %dma_wait3A_336 = tpu.memref_slice %arg6[%dma_wait3A_324, %dma_wait3A_334, %dma_wait3A_335] : memref<8x2x1024xf32, #tpu.memory_space<vmem>> -> memref<1x2x1024xf32, #tpu.memory_space<vmem>>
      %dma_wait3A_337 = tpu.memref_squeeze %dma_wait3A_336 : memref<1x2x1024xf32, #tpu.memory_space<vmem>> -> memref<2x1024xf32, #tpu.memory_space<vmem>>
      %dma_wait3A_338 = arith.constant 0 : i32
      %dma_wait3A_339 = tpu.memref_slice %arg3[%add3A_303, %dma_wait3A_338] : memref<8192x1024xf32, #tpu.memory_space<hbm>> -> memref<2x1024xf32, #tpu.memory_space<hbm>>
      tpu.wait_dma2 semaphore(%dma_wait3A_333 : memref<!tpu.dma_semaphore, #tpu.memory_space<semaphore_mem>>) src(%dma_wait3A_339 : memref<2x1024xf32, #tpu.memory_space<hbm>>) dst(%dma_wait3A_337 : memref<2x1024xf32, #tpu.memory_space<vmem>>)
      %scan3A_340 = arith.constant 0 : i32
      %scan3A_341 = arith.constant 0 : i32
      %scan3A_342 = arith.constant 64 : i32
      %scan3A_343 = arith.addi %scan3A_341, %scan3A_342 : i32
      %scan3A_344 = arith.constant 1 : i32
      %scan3A_345 = scf.for %scan3A_974 = %scan3A_341 to %scan3A_343 step %scan3A_344 iter_args(%scan3A_975 = %scan3A_340) -> (i32)  : i32 {
        %mul3A_976 = arith.constant 16 : i32
        %mul3A_977 = arith.muli %scan3A_974, %mul3A_976 : i32
        %get3A = arith.constant 0 : i32
        %get3A_978 = arith.constant 0 : i32
        %get3A_979 = arith.index_cast %get3A : i32 to index
        %get3A_980 = arith.index_cast %get3A_978 : i32 to index
        %get3A_981 = arith.index_cast %mul3A_977 : i32 to index
        %get3A_982 = tpu.vector_load %arg6[%get3A_979, %get3A_980, %get3A_981] {strides = array<i32>} : memref<8x2x1024xf32, #tpu.memory_space<vmem>>, vector<1x1x16xf32>,
        %get3A_983 = vector.shape_cast %get3A_982 : vector<1x1x16xf32> to vector<16xf32>
        %get3A_984 = arith.constant 0 : i32
        %get3A_985 = arith.constant 0 : i32
        %get3A_986 = arith.constant 0 : i32
        %get3A_987 = arith.index_cast %get3A_984 : i32 to index
        %get3A_988 = arith.index_cast %get3A_985 : i32 to index
        %get3A_989 = arith.index_cast %get3A_986 : i32 to index
        %get3A_990 = arith.index_cast %mul3A_977 : i32 to index
        %get3A_991 = tpu.vector_load %arg5[%get3A_987, %get3A_988, %get3A_989, %get3A_990] {strides = array<i32>} : memref<8x4x2x1024xf32, #tpu.memory_space<vmem>>, vector<1x1x1x16xf32>,
        %get3A_992 = vector.shape_cast %get3A_991 : vector<1x1x1x16xf32> to vector<16xf32>
        %add3A_993 = arith.addf %get3A_992, %get3A_983 : vector<16xf32>
        %swap3A = arith.constant 0 : i32
        %swap3A_994 = arith.constant 0 : i32
        %swap3A_995 = arith.constant 0 : i32
        %swap3A_996 = arith.index_cast %swap3A : i32 to index
        %swap3A_997 = arith.index_cast %swap3A_994 : i32 to index
        %swap3A_998 = arith.index_cast %swap3A_995 : i32 to index
        %swap3A_999 = arith.index_cast %mul3A_977 : i32 to index
        %swap3A_1000 = tpu.vector_load %arg5[%swap3A_996, %swap3A_997, %swap3A_998, %swap3A_999] {strides = array<i32>} : memref<8x4x2x1024xf32, #tpu.memory_space<vmem>>, vector<1x1x1x16xf32>,
        %swap3A_1001 = vector.shape_cast %swap3A_1000 : vector<1x1x1x16xf32> to vector<16xf32>
        %swap3A_1002 = vector.shape_cast %add3A_993 : vector<16xf32> to vector<1x1x1x16xf32>
        tpu.vector_store %arg5[%swap3A_996, %swap3A_997, %swap3A_998, %swap3A_999], %swap3A_1002 {strides = array<i32>} : memref<8x4x2x1024xf32, #tpu.memory_space<vmem>>, vector<1x1x1x16xf32>,
        %get3A_1003 = arith.constant 0 : i32
        %get3A_1004 = arith.constant 1 : i32
        %get3A_1005 = arith.constant 0 : i32
        %get3A_1006 = arith.index_cast %get3A_1003 : i32 to index
        %get3A_1007 = arith.index_cast %get3A_1004 : i32 to index
        %get3A_1008 = arith.index_cast %get3A_1005 : i32 to index
        %get3A_1009 = arith.index_cast %mul3A_977 : i32 to index
        %get3A_1010 = tpu.vector_load %arg5[%get3A_1006, %get3A_1007, %get3A_1008, %get3A_1009] {strides = array<i32>} : memref<8x4x2x1024xf32, #tpu.memory_space<vmem>>, vector<1x1x1x16xf32>,
        %get3A_1011 = vector.shape_cast %get3A_1010 : vector<1x1x1x16xf32> to vector<16xf32>
        %add3A_1012 = arith.addf %get3A_1011, %get3A_983 : vector<16xf32>
        %swap3A_1013 = arith.constant 0 : i32
        %swap3A_1014 = arith.constant 1 : i32
        %swap3A_1015 = arith.constant 0 : i32
        %swap3A_1016 = arith.index_cast %swap3A_1013 : i32 to index
        %swap3A_1017 = arith.index_cast %swap3A_1014 : i32 to index
        %swap3A_1018 = arith.index_cast %swap3A_1015 : i32 to index
        %swap3A_1019 = arith.index_cast %mul3A_977 : i32 to index
        %swap3A_1020 = tpu.vector_load %arg5[%swap3A_1016, %swap3A_1017, %swap3A_1018, %swap3A_1019] {strides = array<i32>} : memref<8x4x2x1024xf32, #tpu.memory_space<vmem>>, vector<1x1x1x16xf32>,
        %swap3A_1021 = vector.shape_cast %swap3A_1020 : vector<1x1x1x16xf32> to vector<16xf32>
        %swap3A_1022 = vector.shape_cast %add3A_1012 : vector<16xf32> to vector<1x1x1x16xf32>
        tpu.vector_store %arg5[%swap3A_1016, %swap3A_1017, %swap3A_1018, %swap3A_1019], %swap3A_1022 {strides = array<i32>} : memref<8x4x2x1024xf32, #tpu.memory_space<vmem>>, vector<1x1x1x16xf32>,
        %get3A_1023 = arith.constant 0 : i32
        %get3A_1024 = arith.constant 2 : i32
        %get3A_1025 = arith.constant 0 : i32
        %get3A_1026 = arith.index_cast %get3A_1023 : i32 to index
        %get3A_1027 = arith.index_cast %get3A_1024 : i32 to index
        %get3A_1028 = arith.index_cast %get3A_1025 : i32 to index
        %get3A_1029 = arith.index_cast %mul3A_977 : i32 to index
        %get3A_1030 = tpu.vector_load %arg5[%get3A_1026, %get3A_1027, %get3A_1028, %get3A_1029] {strides = array<i32>} : memref<8x4x2x1024xf32, #tpu.memory_space<vmem>>, vector<1x1x1x16xf32>,
        %get3A_1031 = vector.shape_cast %get3A_1030 : vector<1x1x1x16xf32> to vector<16xf32>
        %add3A_1032 = arith.addf %get3A_1031, %get3A_983 : vector<16xf32>
        %swap3A_1033 = arith.constant 0 : i32
        %swap3A_1034 = arith.constant 2 : i32
        %swap3A_1035 = arith.constant 0 : i32
        %swap3A_1036 = arith.index_cast %swap3A_1033 : i32 to index
        %swap3A_1037 = arith.index_cast %swap3A_1034 : i32 to index
        %swap3A_1038 = arith.index_cast %swap3A_1035 : i32 to index
        %swap3A_1039 = arith.index_cast %mul3A_977 : i32 to index
        %swap3A_1040 = tpu.vector_load %arg5[%swap3A_1036, %swap3A_1037, %swap3A_1038, %swap3A_1039] {strides = array<i32>} : memref<8x4x2x1024xf32, #tpu.memory_space<vmem>>, vector<1x1x1x16xf32>,
        %swap3A_1041 = vector.shape_cast %swap3A_1040 : vector<1x1x1x16xf32> to vector<16xf32>
        %swap3A_1042 = vector.shape_cast %add3A_1032 : vector<16xf32> to vector<1x1x1x16xf32>
        tpu.vector_store %arg5[%swap3A_1036, %swap3A_1037, %swap3A_1038, %swap3A_1039], %swap3A_1042 {strides = array<i32>} : memref<8x4x2x1024xf32, #tpu.memory_space<vmem>>, vector<1x1x1x16xf32>,
        %get3A_1043 = arith.constant 0 : i32
        %get3A_1044 = arith.constant 3 : i32
        %get3A_1045 = arith.constant 0 : i32
        %get3A_1046 = arith.index_cast %get3A_1043 : i32 to index
        %get3A_1047 = arith.index_cast %get3A_1044 : i32 to index
        %get3A_1048 = arith.index_cast %get3A_1045 : i32 to index
        %get3A_1049 = arith.index_cast %mul3A_977 : i32 to index
        %get3A_1050 = tpu.vector_load %arg5[%get3A_1046, %get3A_1047, %get3A_1048, %get3A_1049] {strides = array<i32>} : memref<8x4x2x1024xf32, #tpu.memory_space<vmem>>, vector<1x1x1x16xf32>,
        %get3A_1051 = vector.shape_cast %get3A_1050 : vector<1x1x1x16xf32> to vector<16xf32>
        %add3A_1052 = arith.addf %get3A_1051, %get3A_983 : vector<16xf32>
        %swap3A_1053 = arith.constant 0 : i32
        %swap3A_1054 = arith.constant 3 : i32
        %swap3A_1055 = arith.constant 0 : i32
        %swap3A_1056 = arith.index_cast %swap3A_1053 : i32 to index
        %swap3A_1057 = arith.index_cast %swap3A_1054 : i32 to index
        %swap3A_1058 = arith.index_cast %swap3A_1055 : i32 to index
        %swap3A_1059 = arith.index_cast %mul3A_977 : i32 to index
        %swap3A_1060 = tpu.vector_load %arg5[%swap3A_1056, %swap3A_1057, %swap3A_1058, %swap3A_1059] {strides = array<i32>} : memref<8x4x2x1024xf32, #tpu.memory_space<vmem>>, vector<1x1x1x16xf32>,
        %swap3A_1061 = vector.shape_cast %swap3A_1060 : vector<1x1x1x16xf32> to vector<16xf32>
        %swap3A_1062 = vector.shape_cast %add3A_1052 : vector<16xf32> to vector<1x1x1x16xf32>
        tpu.vector_store %arg5[%swap3A_1056, %swap3A_1057, %swap3A_1058, %swap3A_1059], %swap3A_1062 {strides = array<i32>} : memref<8x4x2x1024xf32, #tpu.memory_space<vmem>>, vector<1x1x1x16xf32>,
        %get3A_1063 = arith.constant 0 : i32
        %get3A_1064 = arith.constant 1 : i32
        %get3A_1065 = arith.index_cast %get3A_1063 : i32 to index
        %get3A_1066 = arith.index_cast %get3A_1064 : i32 to index
        %get3A_1067 = arith.index_cast %mul3A_977 : i32 to index
        %get3A_1068 = tpu.vector_load %arg6[%get3A_1065, %get3A_1066, %get3A_1067] {strides = array<i32>} : memref<8x2x1024xf32, #tpu.memory_space<vmem>>, vector<1x1x16xf32>,
        %get3A_1069 = vector.shape_cast %get3A_1068 : vector<1x1x16xf32> to vector<16xf32>
        %get3A_1070 = arith.constant 0 : i32
        %get3A_1071 = arith.constant 0 : i32
        %get3A_1072 = arith.constant 1 : i32
        %get3A_1073 = arith.index_cast %get3A_1070 : i32 to index
        %get3A_1074 = arith.index_cast %get3A_1071 : i32 to index
        %get3A_1075 = arith.index_cast %get3A_1072 : i32 to index
        %get3A_1076 = arith.index_cast %mul3A_977 : i32 to index
        %get3A_1077 = tpu.vector_load %arg5[%get3A_1073, %get3A_1074, %get3A_1075, %get3A_1076] {strides = array<i32>} : memref<8x4x2x1024xf32, #tpu.memory_space<vmem>>, vector<1x1x1x16xf32>,
        %get3A_1078 = vector.shape_cast %get3A_1077 : vector<1x1x1x16xf32> to vector<16xf32>
        %add3A_1079 = arith.addf %get3A_1078, %get3A_1069 : vector<16xf32>
        %swap3A_1080 = arith.constant 0 : i32
        %swap3A_1081 = arith.constant 0 : i32
        %swap3A_1082 = arith.constant 1 : i32
        %swap3A_1083 = arith.index_cast %swap3A_1080 : i32 to index
        %swap3A_1084 = arith.index_cast %swap3A_1081 : i32 to index
        %swap3A_1085 = arith.index_cast %swap3A_1082 : i32 to index
        %swap3A_1086 = arith.index_cast %mul3A_977 : i32 to index
        %swap3A_1087 = tpu.vector_load %arg5[%swap3A_1083, %swap3A_1084, %swap3A_1085, %swap3A_1086] {strides = array<i32>} : memref<8x4x2x1024xf32, #tpu.memory_space<vmem>>, vector<1x1x1x16xf32>,
        %swap3A_1088 = vector.shape_cast %swap3A_1087 : vector<1x1x1x16xf32> to vector<16xf32>
        %swap3A_1089 = vector.shape_cast %add3A_1079 : vector<16xf32> to vector<1x1x1x16xf32>
        tpu.vector_store %arg5[%swap3A_1083, %swap3A_1084, %swap3A_1085, %swap3A_1086], %swap3A_1089 {strides = array<i32>} : memref<8x4x2x1024xf32, #tpu.memory_space<vmem>>, vector<1x1x1x16xf32>,
        %get3A_1090 = arith.constant 0 : i32
        %get3A_1091 = arith.constant 1 : i32
        %get3A_1092 = arith.constant 1 : i32
        %get3A_1093 = arith.index_cast %get3A_1090 : i32 to index
        %get3A_1094 = arith.index_cast %get3A_1091 : i32 to index
        %get3A_1095 = arith.index_cast %get3A_1092 : i32 to index
        %get3A_1096 = arith.index_cast %mul3A_977 : i32 to index
        %get3A_1097 = tpu.vector_load %arg5[%get3A_1093, %get3A_1094, %get3A_1095, %get3A_1096] {strides = array<i32>} : memref<8x4x2x1024xf32, #tpu.memory_space<vmem>>, vector<1x1x1x16xf32>,
        %get3A_1098 = vector.shape_cast %get3A_1097 : vector<1x1x1x16xf32> to vector<16xf32>
        %add3A_1099 = arith.addf %get3A_1098, %get3A_1069 : vector<16xf32>
        %swap3A_1100 = arith.constant 0 : i32
        %swap3A_1101 = arith.constant 1 : i32
        %swap3A_1102 = arith.constant 1 : i32
        %swap3A_1103 = arith.index_cast %swap3A_1100 : i32 to index
        %swap3A_1104 = arith.index_cast %swap3A_1101 : i32 to index
        %swap3A_1105 = arith.index_cast %swap3A_1102 : i32 to index
        %swap3A_1106 = arith.index_cast %mul3A_977 : i32 to index
        %swap3A_1107 = tpu.vector_load %arg5[%swap3A_1103, %swap3A_1104, %swap3A_1105, %swap3A_1106] {strides = array<i32>} : memref<8x4x2x1024xf32, #tpu.memory_space<vmem>>, vector<1x1x1x16xf32>,
        %swap3A_1108 = vector.shape_cast %swap3A_1107 : vector<1x1x1x16xf32> to vector<16xf32>
        %swap3A_1109 = vector.shape_cast %add3A_1099 : vector<16xf32> to vector<1x1x1x16xf32>
        tpu.vector_store %arg5[%swap3A_1103, %swap3A_1104, %swap3A_1105, %swap3A_1106], %swap3A_1109 {strides = array<i32>} : memref<8x4x2x1024xf32, #tpu.memory_space<vmem>>, vector<1x1x1x16xf32>,
        %get3A_1110 = arith.constant 0 : i32
        %get3A_1111 = arith.constant 2 : i32
        %get3A_1112 = arith.constant 1 : i32
        %get3A_1113 = arith.index_cast %get3A_1110 : i32 to index
        %get3A_1114 = arith.index_cast %get3A_1111 : i32 to index
        %get3A_1115 = arith.index_cast %get3A_1112 : i32 to index
        %get3A_1116 = arith.index_cast %mul3A_977 : i32 to index
        %get3A_1117 = tpu.vector_load %arg5[%get3A_1113, %get3A_1114, %get3A_1115, %get3A_1116] {strides = array<i32>} : memref<8x4x2x1024xf32, #tpu.memory_space<vmem>>, vector<1x1x1x16xf32>,
        %get3A_1118 = vector.shape_cast %get3A_1117 : vector<1x1x1x16xf32> to vector<16xf32>
        %add3A_1119 = arith.addf %get3A_1118, %get3A_1069 : vector<16xf32>
        %swap3A_1120 = arith.constant 0 : i32
        %swap3A_1121 = arith.constant 2 : i32
        %swap3A_1122 = arith.constant 1 : i32
        %swap3A_1123 = arith.index_cast %swap3A_1120 : i32 to index
        %swap3A_1124 = arith.index_cast %swap3A_1121 : i32 to index
        %swap3A_1125 = arith.index_cast %swap3A_1122 : i32 to index
        %swap3A_1126 = arith.index_cast %mul3A_977 : i32 to index
        %swap3A_1127 = tpu.vector_load %arg5[%swap3A_1123, %swap3A_1124, %swap3A_1125, %swap3A_1126] {strides = array<i32>} : memref<8x4x2x1024xf32, #tpu.memory_space<vmem>>, vector<1x1x1x16xf32>,
        %swap3A_1128 = vector.shape_cast %swap3A_1127 : vector<1x1x1x16xf32> to vector<16xf32>
        %swap3A_1129 = vector.shape_cast %add3A_1119 : vector<16xf32> to vector<1x1x1x16xf32>
        tpu.vector_store %arg5[%swap3A_1123, %swap3A_1124, %swap3A_1125, %swap3A_1126], %swap3A_1129 {strides = array<i32>} : memref<8x4x2x1024xf32, #tpu.memory_space<vmem>>, vector<1x1x1x16xf32>,
        %get3A_1130 = arith.constant 0 : i32
        %get3A_1131 = arith.constant 3 : i32
        %get3A_1132 = arith.constant 1 : i32
        %get3A_1133 = arith.index_cast %get3A_1130 : i32 to index
        %get3A_1134 = arith.index_cast %get3A_1131 : i32 to index
        %get3A_1135 = arith.index_cast %get3A_1132 : i32 to index
        %get3A_1136 = arith.index_cast %mul3A_977 : i32 to index
        %get3A_1137 = tpu.vector_load %arg5[%get3A_1133, %get3A_1134, %get3A_1135, %get3A_1136] {strides = array<i32>} : memref<8x4x2x1024xf32, #tpu.memory_space<vmem>>, vector<1x1x1x16xf32>,
        %get3A_1138 = vector.shape_cast %get3A_1137 : vector<1x1x1x16xf32> to vector<16xf32>
        %add3A_1139 = arith.addf %get3A_1138, %get3A_1069 : vector<16xf32>
        %swap3A_1140 = arith.constant 0 : i32
        %swap3A_1141 = arith.constant 3 : i32
        %swap3A_1142 = arith.constant 1 : i32
        %swap3A_1143 = arith.index_cast %swap3A_1140 : i32 to index
        %swap3A_1144 = arith.index_cast %swap3A_1141 : i32 to index
        %swap3A_1145 = arith.index_cast %swap3A_1142 : i32 to index
        %swap3A_1146 = arith.index_cast %mul3A_977 : i32 to index
        %swap3A_1147 = tpu.vector_load %arg5[%swap3A_1143, %swap3A_1144, %swap3A_1145, %swap3A_1146] {strides = array<i32>} : memref<8x4x2x1024xf32, #tpu.memory_space<vmem>>, vector<1x1x1x16xf32>,
        %swap3A_1148 = vector.shape_cast %swap3A_1147 : vector<1x1x1x16xf32> to vector<16xf32>
        %swap3A_1149 = vector.shape_cast %add3A_1139 : vector<16xf32> to vector<1x1x1x16xf32>
        tpu.vector_store %arg5[%swap3A_1143, %swap3A_1144, %swap3A_1145, %swap3A_1146], %swap3A_1149 {strides = array<i32>} : memref<8x4x2x1024xf32, #tpu.memory_space<vmem>>, vector<1x1x1x16xf32>,
        %scan3A_1150 = arith.constant 0 : i32
        scf.yield %scan3A_1150 : i32
      }
      %scan3A_346 = arith.constant 64 : i32
      %mul3A_347 = arith.constant 2 : i32
      %mul3A_348 = arith.muli %add3A_300, %mul3A_347 : i32
      %add3A_349 = arith.addi %mul3A_2, %mul3A_348 : i32
      %dma_start3A_350 = arith.constant 0 : i32
      %dma_start3A_351 = arith.constant 0 : i32
      %dma_start3A_352 = arith.constant 0 : i32
      %dma_start3A_353 = arith.constant 0 : i32
      %dma_start3A_354 = arith.constant 0 : i32
      %dma_start3A_355 = tpu.memref_slice %arg5[%dma_start3A_350, %dma_start3A_352, %dma_start3A_353, %dma_start3A_354] : memref<8x4x2x1024xf32, #tpu.memory_space<vmem>> -> memref<1x4x2x1024xf32, #tpu.memory_space<vmem>>
      %dma_start3A_356 = tpu.memref_squeeze %dma_start3A_355 : memref<1x4x2x1024xf32, #tpu.memory_space<vmem>> -> memref<4x2x1024xf32, #tpu.memory_space<vmem>>
      %dma_start3A_357 = arith.constant 0 : i32
      %dma_start3A_358 = arith.constant 0 : i32
      %dma_start3A_359 = tpu.memref_slice %arg4[%dma_start3A_357, %add3A_349, %dma_start3A_358] : memref<4x8192x1024xf32, #tpu.memory_space<hbm>> -> memref<4x2x1024xf32, #tpu.memory_space<hbm>>
      %dma_start3A_360 = tpu.memref_slice %arg9[%dma_start3A_351] : memref<8x!tpu.dma_semaphore, #tpu.memory_space<semaphore_mem>> -> memref<1x!tpu.dma_semaphore, #tpu.memory_space<semaphore_mem>>
      %dma_start3A_361 = tpu.memref_squeeze %dma_start3A_360 : memref<1x!tpu.dma_semaphore, #tpu.memory_space<semaphore_mem>> -> memref<!tpu.dma_semaphore, #tpu.memory_space<semaphore_mem>>
      %dma_start3A_362 = arith.constant 0 : i32
      %dma_start3A_363 = arith.constant 0 : i32
      %dma_start3A_364 = tpu.memref_slice %arg4[%dma_start3A_362, %add3A_349, %dma_start3A_363] : memref<4x8192x1024xf32, #tpu.memory_space<hbm>> -> memref<4x2x1024xf32, #tpu.memory_space<hbm>>
      %dma_start3A_365 = arith.constant 0 : i32
      %dma_start3A_366 = arith.constant 0 : i32
      %dma_start3A_367 = arith.constant 0 : i32
      %dma_start3A_368 = tpu.memref_slice %arg5[%dma_start3A_350, %dma_start3A_365, %dma_start3A_366, %dma_start3A_367] : memref<8x4x2x1024xf32, #tpu.memory_space<vmem>> -> memref<1x4x2x1024xf32, #tpu.memory_space<vmem>>
      %dma_start3A_369 = tpu.memref_squeeze %dma_start3A_368 : memref<1x4x2x1024xf32, #tpu.memory_space<vmem>> -> memref<4x2x1024xf32, #tpu.memory_space<vmem>>
      tpu.enqueue_dma source(%dma_start3A_369 : memref<4x2x1024xf32, #tpu.memory_space<vmem>>) target(%dma_start3A_364 : memref<4x2x1024xf32, #tpu.memory_space<hbm>>) target_semaphore(%dma_start3A_361 : memref<!tpu.dma_semaphore, #tpu.memory_space<semaphore_mem>>)
      %ge3A = arith.constant 1 : i32
      %ge3A_370 = arith.cmpi sge, %add3A_300, %ge3A : i32
      %convert_element_type3A = arith.extui %ge3A_370 : i1 to i32
      %cond3A = arith.constant 0 : i32
      %cond3A_371 = arith.cmpi ne, %convert_element_type3A, %cond3A : i32
      scf.if %cond3A_371 {
        %sub3A = arith.constant 1 : i32
        %sub3A_974 = arith.subi %add3A_300, %sub3A : i32
        %mul3A_975 = arith.constant 2 : i32
        %mul3A_976 = arith.muli %sub3A_974, %mul3A_975 : i32
        %add3A_977 = arith.addi %mul3A_2, %mul3A_976 : i32
        %dma_wait3A_978 = arith.constant 7 : i32
        %dma_wait3A_979 = arith.constant 7 : i32
        %dma_wait3A_980 = arith.constant 0 : i32
        %dma_wait3A_981 = arith.constant 0 : i32
        %dma_wait3A_982 = arith.constant 0 : i32
        %dma_wait3A_983 = tpu.memref_slice %arg5[%dma_wait3A_978, %dma_wait3A_980, %dma_wait3A_981, %dma_wait3A_982] : memref<8x4x2x1024xf32, #tpu.memory_space<vmem>> -> memref<1x4x2x1024xf32, #tpu.memory_space<vmem>>
        %dma_wait3A_984 = tpu.memref_squeeze %dma_wait3A_983 : memref<1x4x2x1024xf32, #tpu.memory_space<vmem>> -> memref<4x2x1024xf32, #tpu.memory_space<vmem>>
        %dma_wait3A_985 = arith.constant 0 : i32
        %dma_wait3A_986 = arith.constant 0 : i32
        %dma_wait3A_987 = tpu.memref_slice %arg4[%dma_wait3A_985, %add3A_977, %dma_wait3A_986] : memref<4x8192x1024xf32, #tpu.memory_space<hbm>> -> memref<4x2x1024xf32, #tpu.memory_space<hbm>>
        %dma_wait3A_988 = tpu.memref_slice %arg9[%dma_wait3A_979] : memref<8x!tpu.dma_semaphore, #tpu.memory_space<semaphore_mem>> -> memref<1x!tpu.dma_semaphore, #tpu.memory_space<semaphore_mem>>
        %dma_wait3A_989 = tpu.memref_squeeze %dma_wait3A_988 : memref<1x!tpu.dma_semaphore, #tpu.memory_space<semaphore_mem>> -> memref<!tpu.dma_semaphore, #tpu.memory_space<semaphore_mem>>
        %dma_wait3A_990 = arith.constant 0 : i32
        %dma_wait3A_991 = arith.constant 0 : i32
        %dma_wait3A_992 = tpu.memref_slice %arg4[%dma_wait3A_990, %add3A_977, %dma_wait3A_991] : memref<4x8192x1024xf32, #tpu.memory_space<hbm>> -> memref<4x2x1024xf32, #tpu.memory_space<hbm>>
        %dma_wait3A_993 = arith.constant 0 : i32
        %dma_wait3A_994 = arith.constant 0 : i32
        %dma_wait3A_995 = arith.constant 0 : i32
        %dma_wait3A_996 = tpu.memref_slice %arg5[%dma_wait3A_978, %dma_wait3A_993, %dma_wait3A_994, %dma_wait3A_995] : memref<8x4x2x1024xf32, #tpu.memory_space<vmem>> -> memref<1x4x2x1024xf32, #tpu.memory_space<vmem>>
        %dma_wait3A_997 = tpu.memref_squeeze %dma_wait3A_996 : memref<1x4x2x1024xf32, #tpu.memory_space<vmem>> -> memref<4x2x1024xf32, #tpu.memory_space<vmem>>
        tpu.wait_dma2 semaphore(%dma_wait3A_989 : memref<!tpu.dma_semaphore, #tpu.memory_space<semaphore_mem>>) src(%dma_wait3A_997 : memref<4x2x1024xf32, #tpu.memory_space<vmem>>) dst(%dma_wait3A_992 : memref<4x2x1024xf32, #tpu.memory_space<hbm>>)
      } else {
      }
      %add3A_372 = arith.constant 7 : i32
      %add3A_373 = arith.addi %add3A_300, %add3A_372 : i32
      %lt3A = arith.constant 128 : i32
      %lt3A_374 = arith.cmpi slt, %add3A_373, %lt3A : i32
      %convert_element_type3A_375 = arith.extui %lt3A_374 : i1 to i32
      %cond3A_376 = arith.constant 0 : i32
      %cond3A_377 = arith.cmpi ne, %convert_element_type3A_375, %cond3A_376 : i32
      scf.if %cond3A_377 {
        %add3A_974 = arith.constant 7 : i32
        %add3A_975 = arith.addi %add3A_300, %add3A_974 : i32
        %mul3A_976 = arith.constant 2 : i32
        %mul3A_977 = arith.muli %add3A_975, %mul3A_976 : i32
        %add3A_978 = arith.addi %mul3A_2, %mul3A_977 : i32
        %dma_start3A_979 = arith.constant 7 : i32
        %dma_start3A_980 = arith.constant 7 : i32
        %dma_start3A_981 = arith.constant 0 : i32
        %dma_start3A_982 = arith.constant 0 : i32
        %dma_start3A_983 = arith.constant 0 : i32
        %dma_start3A_984 = tpu.memref_slice %arg5[%dma_start3A_979, %dma_start3A_981, %dma_start3A_982, %dma_start3A_983] : memref<8x4x2x1024xf32, #tpu.memory_space<vmem>> -> memref<1x4x2x1024xf32, #tpu.memory_space<vmem>>
        %dma_start3A_985 = tpu.memref_squeeze %dma_start3A_984 : memref<1x4x2x1024xf32, #tpu.memory_space<vmem>> -> memref<4x2x1024xf32, #tpu.memory_space<vmem>>
        %dma_start3A_986 = arith.constant 0 : i32
        %dma_start3A_987 = arith.constant 0 : i32
        %dma_start3A_988 = tpu.memref_slice %arg2[%dma_start3A_986, %add3A_978, %dma_start3A_987] : memref<4x8192x1024xf32, #tpu.memory_space<hbm>> -> memref<4x2x1024xf32, #tpu.memory_space<hbm>>
        %dma_start3A_989 = tpu.memref_slice %arg7[%dma_start3A_980] : memref<8x!tpu.dma_semaphore, #tpu.memory_space<semaphore_mem>> -> memref<1x!tpu.dma_semaphore, #tpu.memory_space<semaphore_mem>>
        %dma_start3A_990 = tpu.memref_squeeze %dma_start3A_989 : memref<1x!tpu.dma_semaphore, #tpu.memory_space<semaphore_mem>> -> memref<!tpu.dma_semaphore, #tpu.memory_space<semaphore_mem>>
        %dma_start3A_991 = arith.constant 0 : i32
        %dma_start3A_992 = arith.constant 0 : i32
        %dma_start3A_993 = arith.constant 0 : i32
        %dma_start3A_994 = tpu.memref_slice %arg5[%dma_start3A_979, %dma_start3A_991, %dma_start3A_992, %dma_start3A_993] : memref<8x4x2x1024xf32, #tpu.memory_space<vmem>> -> memref<1x4x2x1024xf32, #tpu.memory_space<vmem>>
        %dma_start3A_995 = tpu.memref_squeeze %dma_start3A_994 : memref<1x4x2x1024xf32, #tpu.memory_space<vmem>> -> memref<4x2x1024xf32, #tpu.memory_space<vmem>>
        %dma_start3A_996 = arith.constant 0 : i32
        %dma_start3A_997 = arith.constant 0 : i32
        %dma_start3A_998 = tpu.memref_slice %arg2[%dma_start3A_996, %add3A_978, %dma_start3A_997] : memref<4x8192x1024xf32, #tpu.memory_space<hbm>> -> memref<4x2x1024xf32, #tpu.memory_space<hbm>>
        tpu.enqueue_dma source(%dma_start3A_998 : memref<4x2x1024xf32, #tpu.memory_space<hbm>>) target(%dma_start3A_995 : memref<4x2x1024xf32, #tpu.memory_space<vmem>>) target_semaphore(%dma_start3A_990 : memref<!tpu.dma_semaphore, #tpu.memory_space<semaphore_mem>>)
        %dma_start3A_999 = arith.constant 7 : i32
        %dma_start3A_1000 = arith.constant 7 : i32
        %dma_start3A_1001 = arith.constant 0 : i32
        %dma_start3A_1002 = arith.constant 0 : i32
        %dma_start3A_1003 = tpu.memref_slice %arg6[%dma_start3A_999, %dma_start3A_1001, %dma_start3A_1002] : memref<8x2x1024xf32, #tpu.memory_space<vmem>> -> memref<1x2x1024xf32, #tpu.memory_space<vmem>>
        %dma_start3A_1004 = tpu.memref_squeeze %dma_start3A_1003 : memref<1x2x1024xf32, #tpu.memory_space<vmem>> -> memref<2x1024xf32, #tpu.memory_space<vmem>>
        %dma_start3A_1005 = arith.constant 0 : i32
        %dma_start3A_1006 = tpu.memref_slice %arg3[%add3A_978, %dma_start3A_1005] : memref<8192x1024xf32, #tpu.memory_space<hbm>> -> memref<2x1024xf32, #tpu.memory_space<hbm>>
        %dma_start3A_1007 = tpu.memref_slice %arg8[%dma_start3A_1000] : memref<8x!tpu.dma_semaphore, #tpu.memory_space<semaphore_mem>> -> memref<1x!tpu.dma_semaphore, #tpu.memory_space<semaphore_mem>>
        %dma_start3A_1008 = tpu.memref_squeeze %dma_start3A_1007 : memref<1x!tpu.dma_semaphore, #tpu.memory_space<semaphore_mem>> -> memref<!tpu.dma_semaphore, #tpu.memory_space<semaphore_mem>>
        %dma_start3A_1009 = arith.constant 0 : i32
        %dma_start3A_1010 = arith.constant 0 : i32
        %dma_start3A_1011 = tpu.memref_slice %arg6[%dma_start3A_999, %dma_start3A_1009, %dma_start3A_1010] : memref<8x2x1024xf32, #tpu.memory_space<vmem>> -> memref<1x2x1024xf32, #tpu.memory_space<vmem>>
        %dma_start3A_1012 = tpu.memref_squeeze %dma_start3A_1011 : memref<1x2x1024xf32, #tpu.memory_space<vmem>> -> memref<2x1024xf32, #tpu.memory_space<vmem>>
        %dma_start3A_1013 = arith.constant 0 : i32
        %dma_start3A_1014 = tpu.memref_slice %arg3[%add3A_978, %dma_start3A_1013] : memref<8192x1024xf32, #tpu.memory_space<hbm>> -> memref<2x1024xf32, #tpu.memory_space<hbm>>
        tpu.enqueue_dma source(%dma_start3A_1014 : memref<2x1024xf32, #tpu.memory_space<hbm>>) target(%dma_start3A_1012 : memref<2x1024xf32, #tpu.memory_space<vmem>>) target_semaphore(%dma_start3A_1008 : memref<!tpu.dma_semaphore, #tpu.memory_space<semaphore_mem>>)
      } else {
      }
      %mul3A_378 = arith.constant 8 : i32
      %mul3A_379 = arith.muli %mul3A_378, %scan3A_295 : i32
      %add3A_380 = arith.constant 1 : i32
      %add3A_381 = arith.addi %mul3A_379, %add3A_380 : i32
      %mul3A_382 = arith.constant 2 : i32
      %mul3A_383 = arith.muli %add3A_381, %mul3A_382 : i32
      %add3A_384 = arith.addi %mul3A_2, %mul3A_383 : i32
      %dma_wait3A_385 = arith.constant 1 : i32
      %dma_wait3A_386 = arith.constant 1 : i32
      %dma_wait3A_387 = arith.constant 0 : i32
      %dma_wait3A_388 = arith.constant 0 : i32
      %dma_wait3A_389 = arith.constant 0 : i32
      %dma_wait3A_390 = tpu.memref_slice %arg5[%dma_wait3A_385, %dma_wait3A_387, %dma_wait3A_388, %dma_wait3A_389] : memref<8x4x2x1024xf32, #tpu.memory_space<vmem>> -> memref<1x4x2x1024xf32, #tpu.memory_space<vmem>>
      %dma_wait3A_391 = tpu.memref_squeeze %dma_wait3A_390 : memref<1x4x2x1024xf32, #tpu.memory_space<vmem>> -> memref<4x2x1024xf32, #tpu.memory_space<vmem>>
      %dma_wait3A_392 = arith.constant 0 : i32
      %dma_wait3A_393 = arith.constant 0 : i32
      %dma_wait3A_394 = tpu.memref_slice %arg2[%dma_wait3A_392, %add3A_384, %dma_wait3A_393] : memref<4x8192x1024xf32, #tpu.memory_space<hbm>> -> memref<4x2x1024xf32, #tpu.memory_space<hbm>>
      %dma_wait3A_395 = tpu.memref_slice %arg7[%dma_wait3A_386] : memref<8x!tpu.dma_semaphore, #tpu.memory_space<semaphore_mem>> -> memref<1x!tpu.dma_semaphore, #tpu.memory_space<semaphore_mem>>
      %dma_wait3A_396 = tpu.memref_squeeze %dma_wait3A_395 : memref<1x!tpu.dma_semaphore, #tpu.memory_space<semaphore_mem>> -> memref<!tpu.dma_semaphore, #tpu.memory_space<semaphore_mem>>
      %dma_wait3A_397 = arith.constant 0 : i32
      %dma_wait3A_398 = arith.constant 0 : i32
      %dma_wait3A_399 = arith.constant 0 : i32
      %dma_wait3A_400 = tpu.memref_slice %arg5[%dma_wait3A_385, %dma_wait3A_397, %dma_wait3A_398, %dma_wait3A_399] : memref<8x4x2x1024xf32, #tpu.memory_space<vmem>> -> memref<1x4x2x1024xf32, #tpu.memory_space<vmem>>
      %dma_wait3A_401 = tpu.memref_squeeze %dma_wait3A_400 : memref<1x4x2x1024xf32, #tpu.memory_space<vmem>> -> memref<4x2x1024xf32, #tpu.memory_space<vmem>>
      %dma_wait3A_402 = arith.constant 0 : i32
      %dma_wait3A_403 = arith.constant 0 : i32
      %dma_wait3A_404 = tpu.memref_slice %arg2[%dma_wait3A_402, %add3A_384, %dma_wait3A_403] : memref<4x8192x1024xf32, #tpu.memory_space<hbm>> -> memref<4x2x1024xf32, #tpu.memory_space<hbm>>
      tpu.wait_dma2 semaphore(%dma_wait3A_396 : memref<!tpu.dma_semaphore, #tpu.memory_space<semaphore_mem>>) src(%dma_wait3A_404 : memref<4x2x1024xf32, #tpu.memory_space<hbm>>) dst(%dma_wait3A_401 : memref<4x2x1024xf32, #tpu.memory_space<vmem>>)
      %dma_wait3A_405 = arith.constant 1 : i32
      %dma_wait3A_406 = arith.constant 1 : i32
      %dma_wait3A_407 = arith.constant 0 : i32
      %dma_wait3A_408 = arith.constant 0 : i32
      %dma_wait3A_409 = tpu.memref_slice %arg6[%dma_wait3A_405, %dma_wait3A_407, %dma_wait3A_408] : memref<8x2x1024xf32, #tpu.memory_space<vmem>> -> memref<1x2x1024xf32, #tpu.memory_space<vmem>>
      %dma_wait3A_410 = tpu.memref_squeeze %dma_wait3A_409 : memref<1x2x1024xf32, #tpu.memory_space<vmem>> -> memref<2x1024xf32, #tpu.memory_space<vmem>>
      %dma_wait3A_411 = arith.constant 0 : i32
      %dma_wait3A_412 = tpu.memref_slice %arg3[%add3A_384, %dma_wait3A_411] : memref<8192x1024xf32, #tpu.memory_space<hbm>> -> memref<2x1024xf32, #tpu.memory_space<hbm>>
      %dma_wait3A_413 = tpu.memref_slice %arg8[%dma_wait3A_406] : memref<8x!tpu.dma_semaphore, #tpu.memory_space<semaphore_mem>> -> memref<1x!tpu.dma_semaphore, #tpu.memory_space<semaphore_mem>>
      %dma_wait3A_414 = tpu.memref_squeeze %dma_wait3A_413 : memref<1x!tpu.dma_semaphore, #tpu.memory_space<semaphore_mem>> -> memref<!tpu.dma_semaphore, #tpu.memory_space<semaphore_mem>>
      %dma_wait3A_415 = arith.constant 0 : i32
      %dma_wait3A_416 = arith.constant 0 : i32
      %dma_wait3A_417 = tpu.memref_slice %arg6[%dma_wait3A_405, %dma_wait3A_415, %dma_wait3A_416] : memref<8x2x1024xf32, #tpu.memory_space<vmem>> -> memref<1x2x1024xf32, #tpu.memory_space<vmem>>
      %dma_wait3A_418 = tpu.memref_squeeze %dma_wait3A_417 : memref<1x2x1024xf32, #tpu.memory_space<vmem>> -> memref<2x1024xf32, #tpu.memory_space<vmem>>
      %dma_wait3A_419 = arith.constant 0 : i32
      %dma_wait3A_420 = tpu.memref_slice %arg3[%add3A_384, %dma_wait3A_419] : memref<8192x1024xf32, #tpu.memory_space<hbm>> -> memref<2x1024xf32, #tpu.memory_space<hbm>>
      tpu.wait_dma2 semaphore(%dma_wait3A_414 : memref<!tpu.dma_semaphore, #tpu.memory_space<semaphore_mem>>) src(%dma_wait3A_420 : memref<2x1024xf32, #tpu.memory_space<hbm>>) dst(%dma_wait3A_418 : memref<2x1024xf32, #tpu.memory_space<vmem>>)
      %scan3A_421 = arith.constant 0 : i32
      %scan3A_422 = arith.constant 0 : i32
      %scan3A_423 = arith.constant 64 : i32
      %scan3A_424 = arith.addi %scan3A_422, %scan3A_423 : i32
      %scan3A_425 = arith.constant 1 : i32
      %scan3A_426 = scf.for %scan3A_974 = %scan3A_422 to %scan3A_424 step %scan3A_425 iter_args(%scan3A_975 = %scan3A_421) -> (i32)  : i32 {
        %mul3A_976 = arith.constant 16 : i32
        %mul3A_977 = arith.muli %scan3A_974, %mul3A_976 : i32
        %get3A = arith.constant 1 : i32
        %get3A_978 = arith.constant 0 : i32
        %get3A_979 = arith.index_cast %get3A : i32 to index
        %get3A_980 = arith.index_cast %get3A_978 : i32 to index
        %get3A_981 = arith.index_cast %mul3A_977 : i32 to index
        %get3A_982 = tpu.vector_load %arg6[%get3A_979, %get3A_980, %get3A_981] {strides = array<i32>} : memref<8x2x1024xf32, #tpu.memory_space<vmem>>, vector<1x1x16xf32>,
        %get3A_983 = vector.shape_cast %get3A_982 : vector<1x1x16xf32> to vector<16xf32>
        %get3A_984 = arith.constant 1 : i32
        %get3A_985 = arith.constant 0 : i32
        %get3A_986 = arith.constant 0 : i32
        %get3A_987 = arith.index_cast %get3A_984 : i32 to index
        %get3A_988 = arith.index_cast %get3A_985 : i32 to index
        %get3A_989 = arith.index_cast %get3A_986 : i32 to index
        %get3A_990 = arith.index_cast %mul3A_977 : i32 to index
        %get3A_991 = tpu.vector_load %arg5[%get3A_987, %get3A_988, %get3A_989, %get3A_990] {strides = array<i32>} : memref<8x4x2x1024xf32, #tpu.memory_space<vmem>>, vector<1x1x1x16xf32>,
        %get3A_992 = vector.shape_cast %get3A_991 : vector<1x1x1x16xf32> to vector<16xf32>
        %add3A_993 = arith.addf %get3A_992, %get3A_983 : vector<16xf32>
        %swap3A = arith.constant 1 : i32
        %swap3A_994 = arith.constant 0 : i32
        %swap3A_995 = arith.constant 0 : i32
        %swap3A_996 = arith.index_cast %swap3A : i32 to index
        %swap3A_997 = arith.index_cast %swap3A_994 : i32 to index
        %swap3A_998 = arith.index_cast %swap3A_995 : i32 to index
        %swap3A_999 = arith.index_cast %mul3A_977 : i32 to index
        %swap3A_1000 = tpu.vector_load %arg5[%swap3A_996, %swap3A_997, %swap3A_998, %swap3A_999] {strides = array<i32>} : memref<8x4x2x1024xf32, #tpu.memory_space<vmem>>, vector<1x1x1x16xf32>,
        %swap3A_1001 = vector.shape_cast %swap3A_1000 : vector<1x1x1x16xf32> to vector<16xf32>
        %swap3A_1002 = vector.shape_cast %add3A_993 : vector<16xf32> to vector<1x1x1x16xf32>
        tpu.vector_store %arg5[%swap3A_996, %swap3A_997, %swap3A_998, %swap3A_999], %swap3A_1002 {strides = array<i32>} : memref<8x4x2x1024xf32, #tpu.memory_space<vmem>>, vector<1x1x1x16xf32>,
        %get3A_1003 = arith.constant 1 : i32
        %get3A_1004 = arith.constant 1 : i32
        %get3A_1005 = arith.constant 0 : i32
        %get3A_1006 = arith.index_cast %get3A_1003 : i32 to index
        %get3A_1007 = arith.index_cast %get3A_1004 : i32 to index
        %get3A_1008 = arith.index_cast %get3A_1005 : i32 to index
        %get3A_1009 = arith.index_cast %mul3A_977 : i32 to index
        %get3A_1010 = tpu.vector_load %arg5[%get3A_1006, %get3A_1007, %get3A_1008, %get3A_1009] {strides = array<i32>} : memref<8x4x2x1024xf32, #tpu.memory_space<vmem>>, vector<1x1x1x16xf32>,
        %get3A_1011 = vector.shape_cast %get3A_1010 : vector<1x1x1x16xf32> to vector<16xf32>
        %add3A_1012 = arith.addf %get3A_1011, %get3A_983 : vector<16xf32>
        %swap3A_1013 = arith.constant 1 : i32
        %swap3A_1014 = arith.constant 1 : i32
        %swap3A_1015 = arith.constant 0 : i32
        %swap3A_1016 = arith.index_cast %swap3A_1013 : i32 to index
        %swap3A_1017 = arith.index_cast %swap3A_1014 : i32 to index
        %swap3A_1018 = arith.index_cast %swap3A_1015 : i32 to index
        %swap3A_1019 = arith.index_cast %mul3A_977 : i32 to index
        %swap3A_1020 = tpu.vector_load %arg5[%swap3A_1016, %swap3A_1017, %swap3A_1018, %swap3A_1019] {strides = array<i32>} : memref<8x4x2x1024xf32, #tpu.memory_space<vmem>>, vector<1x1x1x16xf32>,
        %swap3A_1021 = vector.shape_cast %swap3A_1020 : vector<1x1x1x16xf32> to vector<16xf32>
        %swap3A_1022 = vector.shape_cast %add3A_1012 : vector<16xf32> to vector<1x1x1x16xf32>
        tpu.vector_store %arg5[%swap3A_1016, %swap3A_1017, %swap3A_1018, %swap3A_1019], %swap3A_1022 {strides = array<i32>} : memref<8x4x2x1024xf32, #tpu.memory_space<vmem>>, vector<1x1x1x16xf32>,
        %get3A_1023 = arith.constant 1 : i32
        %get3A_1024 = arith.constant 2 : i32
        %get3A_1025 = arith.constant 0 : i32
        %get3A_1026 = arith.index_cast %get3A_1023 : i32 to index
        %get3A_1027 = arith.index_cast %get3A_1024 : i32 to index
        %get3A_1028 = arith.index_cast %get3A_1025 : i32 to index
        %get3A_1029 = arith.index_cast %mul3A_977 : i32 to index
        %get3A_1030 = tpu.vector_load %arg5[%get3A_1026, %get3A_1027, %get3A_1028, %get3A_1029] {strides = array<i32>} : memref<8x4x2x1024xf32, #tpu.memory_space<vmem>>, vector<1x1x1x16xf32>,
        %get3A_1031 = vector.shape_cast %get3A_1030 : vector<1x1x1x16xf32> to vector<16xf32>
        %add3A_1032 = arith.addf %get3A_1031, %get3A_983 : vector<16xf32>
        %swap3A_1033 = arith.constant 1 : i32
        %swap3A_1034 = arith.constant 2 : i32
        %swap3A_1035 = arith.constant 0 : i32
        %swap3A_1036 = arith.index_cast %swap3A_1033 : i32 to index
        %swap3A_1037 = arith.index_cast %swap3A_1034 : i32 to index
        %swap3A_1038 = arith.index_cast %swap3A_1035 : i32 to index
        %swap3A_1039 = arith.index_cast %mul3A_977 : i32 to index
        %swap3A_1040 = tpu.vector_load %arg5[%swap3A_1036, %swap3A_1037, %swap3A_1038, %swap3A_1039] {strides = array<i32>} : memref<8x4x2x1024xf32, #tpu.memory_space<vmem>>, vector<1x1x1x16xf32>,
        %swap3A_1041 = vector.shape_cast %swap3A_1040 : vector<1x1x1x16xf32> to vector<16xf32>
        %swap3A_1042 = vector.shape_cast %add3A_1032 : vector<16xf32> to vector<1x1x1x16xf32>
        tpu.vector_store %arg5[%swap3A_1036, %swap3A_1037, %swap3A_1038, %swap3A_1039], %swap3A_1042 {strides = array<i32>} : memref<8x4x2x1024xf32, #tpu.memory_space<vmem>>, vector<1x1x1x16xf32>,
        %get3A_1043 = arith.constant 1 : i32
        %get3A_1044 = arith.constant 3 : i32
        %get3A_1045 = arith.constant 0 : i32
        %get3A_1046 = arith.index_cast %get3A_1043 : i32 to index
        %get3A_1047 = arith.index_cast %get3A_1044 : i32 to index
        %get3A_1048 = arith.index_cast %get3A_1045 : i32 to index
        %get3A_1049 = arith.index_cast %mul3A_977 : i32 to index
        %get3A_1050 = tpu.vector_load %arg5[%get3A_1046, %get3A_1047, %get3A_1048, %get3A_1049] {strides = array<i32>} : memref<8x4x2x1024xf32, #tpu.memory_space<vmem>>, vector<1x1x1x16xf32>,
        %get3A_1051 = vector.shape_cast %get3A_1050 : vector<1x1x1x16xf32> to vector<16xf32>
        %add3A_1052 = arith.addf %get3A_1051, %get3A_983 : vector<16xf32>
        %swap3A_1053 = arith.constant 1 : i32
        %swap3A_1054 = arith.constant 3 : i32
        %swap3A_1055 = arith.constant 0 : i32
        %swap3A_1056 = arith.index_cast %swap3A_1053 : i32 to index
        %swap3A_1057 = arith.index_cast %swap3A_1054 : i32 to index
        %swap3A_1058 = arith.index_cast %swap3A_1055 : i32 to index
        %swap3A_1059 = arith.index_cast %mul3A_977 : i32 to index
        %swap3A_1060 = tpu.vector_load %arg5[%swap3A_1056, %swap3A_1057, %swap3A_1058, %swap3A_1059] {strides = array<i32>} : memref<8x4x2x1024xf32, #tpu.memory_space<vmem>>, vector<1x1x1x16xf32>,
        %swap3A_1061 = vector.shape_cast %swap3A_1060 : vector<1x1x1x16xf32> to vector<16xf32>
        %swap3A_1062 = vector.shape_cast %add3A_1052 : vector<16xf32> to vector<1x1x1x16xf32>
        tpu.vector_store %arg5[%swap3A_1056, %swap3A_1057, %swap3A_1058, %swap3A_1059], %swap3A_1062 {strides = array<i32>} : memref<8x4x2x1024xf32, #tpu.memory_space<vmem>>, vector<1x1x1x16xf32>,
        %get3A_1063 = arith.constant 1 : i32
        %get3A_1064 = arith.constant 1 : i32
        %get3A_1065 = arith.index_cast %get3A_1063 : i32 to index
        %get3A_1066 = arith.index_cast %get3A_1064 : i32 to index
        %get3A_1067 = arith.index_cast %mul3A_977 : i32 to index
        %get3A_1068 = tpu.vector_load %arg6[%get3A_1065, %get3A_1066, %get3A_1067] {strides = array<i32>} : memref<8x2x1024xf32, #tpu.memory_space<vmem>>, vector<1x1x16xf32>,
        %get3A_1069 = vector.shape_cast %get3A_1068 : vector<1x1x16xf32> to vector<16xf32>
        %get3A_1070 = arith.constant 1 : i32
        %get3A_1071 = arith.constant 0 : i32
        %get3A_1072 = arith.constant 1 : i32
        %get3A_1073 = arith.index_cast %get3A_1070 : i32 to index
        %get3A_1074 = arith.index_cast %get3A_1071 : i32 to index
        %get3A_1075 = arith.index_cast %get3A_1072 : i32 to index
        %get3A_1076 = arith.index_cast %mul3A_977 : i32 to index
        %get3A_1077 = tpu.vector_load %arg5[%get3A_1073, %get3A_1074, %get3A_1075, %get3A_1076] {strides = array<i32>} : memref<8x4x2x1024xf32, #tpu.memory_space<vmem>>, vector<1x1x1x16xf32>,
        %get3A_1078 = vector.shape_cast %get3A_1077 : vector<1x1x1x16xf32> to vector<16xf32>
        %add3A_1079 = arith.addf %get3A_1078, %get3A_1069 : vector<16xf32>
        %swap3A_1080 = arith.constant 1 : i32
        %swap3A_1081 = arith.constant 0 : i32
        %swap3A_1082 = arith.constant 1 : i32
        %swap3A_1083 = arith.index_cast %swap3A_1080 : i32 to index
        %swap3A_1084 = arith.index_cast %swap3A_1081 : i32 to index
        %swap3A_1085 = arith.index_cast %swap3A_1082 : i32 to index
        %swap3A_1086 = arith.index_cast %mul3A_977 : i32 to index
        %swap3A_1087 = tpu.vector_load %arg5[%swap3A_1083, %swap3A_1084, %swap3A_1085, %swap3A_1086] {strides = array<i32>} : memref<8x4x2x1024xf32, #tpu.memory_space<vmem>>, vector<1x1x1x16xf32>,
        %swap3A_1088 = vector.shape_cast %swap3A_1087 : vector<1x1x1x16xf32> to vector<16xf32>
        %swap3A_1089 = vector.shape_cast %add3A_1079 : vector<16xf32> to vector<1x1x1x16xf32>
        tpu.vector_store %arg5[%swap3A_1083, %swap3A_1084, %swap3A_1085, %swap3A_1086], %swap3A_1089 {strides = array<i32>} : memref<8x4x2x1024xf32, #tpu.memory_space<vmem>>, vector<1x1x1x16xf32>,
        %get3A_1090 = arith.constant 1 : i32
        %get3A_1091 = arith.constant 1 : i32
        %get3A_1092 = arith.constant 1 : i32
        %get3A_1093 = arith.index_cast %get3A_1090 : i32 to index
        %get3A_1094 = arith.index_cast %get3A_1091 : i32 to index
        %get3A_1095 = arith.index_cast %get3A_1092 : i32 to index
        %get3A_1096 = arith.index_cast %mul3A_977 : i32 to index
        %get3A_1097 = tpu.vector_load %arg5[%get3A_1093, %get3A_1094, %get3A_1095, %get3A_1096] {strides = array<i32>} : memref<8x4x2x1024xf32, #tpu.memory_space<vmem>>, vector<1x1x1x16xf32>,
        %get3A_1098 = vector.shape_cast %get3A_1097 : vector<1x1x1x16xf32> to vector<16xf32>
        %add3A_1099 = arith.addf %get3A_1098, %get3A_1069 : vector<16xf32>
        %swap3A_1100 = arith.constant 1 : i32
        %swap3A_1101 = arith.constant 1 : i32
        %swap3A_1102 = arith.constant 1 : i32
        %swap3A_1103 = arith.index_cast %swap3A_1100 : i32 to index
        %swap3A_1104 = arith.index_cast %swap3A_1101 : i32 to index
        %swap3A_1105 = arith.index_cast %swap3A_1102 : i32 to index
        %swap3A_1106 = arith.index_cast %mul3A_977 : i32 to index
        %swap3A_1107 = tpu.vector_load %arg5[%swap3A_1103, %swap3A_1104, %swap3A_1105, %swap3A_1106] {strides = array<i32>} : memref<8x4x2x1024xf32, #tpu.memory_space<vmem>>, vector<1x1x1x16xf32>,
        %swap3A_1108 = vector.shape_cast %swap3A_1107 : vector<1x1x1x16xf32> to vector<16xf32>
        %swap3A_1109 = vector.shape_cast %add3A_1099 : vector<16xf32> to vector<1x1x1x16xf32>
        tpu.vector_store %arg5[%swap3A_1103, %swap3A_1104, %swap3A_1105, %swap3A_1106], %swap3A_1109 {strides = array<i32>} : memref<8x4x2x1024xf32, #tpu.memory_space<vmem>>, vector<1x1x1x16xf32>,
        %get3A_1110 = arith.constant 1 : i32
        %get3A_1111 = arith.constant 2 : i32
        %get3A_1112 = arith.constant 1 : i32
        %get3A_1113 = arith.index_cast %get3A_1110 : i32 to index
        %get3A_1114 = arith.index_cast %get3A_1111 : i32 to index
        %get3A_1115 = arith.index_cast %get3A_1112 : i32 to index
        %get3A_1116 = arith.index_cast %mul3A_977 : i32 to index
        %get3A_1117 = tpu.vector_load %arg5[%get3A_1113, %get3A_1114, %get3A_1115, %get3A_1116] {strides = array<i32>} : memref<8x4x2x1024xf32, #tpu.memory_space<vmem>>, vector<1x1x1x16xf32>,
        %get3A_1118 = vector.shape_cast %get3A_1117 : vector<1x1x1x16xf32> to vector<16xf32>
        %add3A_1119 = arith.addf %get3A_1118, %get3A_1069 : vector<16xf32>
        %swap3A_1120 = arith.constant 1 : i32
        %swap3A_1121 = arith.constant 2 : i32
        %swap3A_1122 = arith.constant 1 : i32
        %swap3A_1123 = arith.index_cast %swap3A_1120 : i32 to index
        %swap3A_1124 = arith.index_cast %swap3A_1121 : i32 to index
        %swap3A_1125 = arith.index_cast %swap3A_1122 : i32 to index
        %swap3A_1126 = arith.index_cast %mul3A_977 : i32 to index
        %swap3A_1127 = tpu.vector_load %arg5[%swap3A_1123, %swap3A_1124, %swap3A_1125, %swap3A_1126] {strides = array<i32>} : memref<8x4x2x1024xf32, #tpu.memory_space<vmem>>, vector<1x1x1x16xf32>,
        %swap3A_1128 = vector.shape_cast %swap3A_1127 : vector<1x1x1x16xf32> to vector<16xf32>
        %swap3A_1129 = vector.shape_cast %add3A_1119 : vector<16xf32> to vector<1x1x1x16xf32>
        tpu.vector_store %arg5[%swap3A_1123, %swap3A_1124, %swap3A_1125, %swap3A_1126], %swap3A_1129 {strides = array<i32>} : memref<8x4x2x1024xf32, #tpu.memory_space<vmem>>, vector<1x1x1x16xf32>,
        %get3A_1130 = arith.constant 1 : i32
        %get3A_1131 = arith.constant 3 : i32
        %get3A_1132 = arith.constant 1 : i32
        %get3A_1133 = arith.index_cast %get3A_1130 : i32 to index
        %get3A_1134 = arith.index_cast %get3A_1131 : i32 to index
        %get3A_1135 = arith.index_cast %get3A_1132 : i32 to index
        %get3A_1136 = arith.index_cast %mul3A_977 : i32 to index
        %get3A_1137 = tpu.vector_load %arg5[%get3A_1133, %get3A_1134, %get3A_1135, %get3A_1136] {strides = array<i32>} : memref<8x4x2x1024xf32, #tpu.memory_space<vmem>>, vector<1x1x1x16xf32>,
        %get3A_1138 = vector.shape_cast %get3A_1137 : vector<1x1x1x16xf32> to vector<16xf32>
        %add3A_1139 = arith.addf %get3A_1138, %get3A_1069 : vector<16xf32>
        %swap3A_1140 = arith.constant 1 : i32
        %swap3A_1141 = arith.constant 3 : i32
        %swap3A_1142 = arith.constant 1 : i32
        %swap3A_1143 = arith.index_cast %swap3A_1140 : i32 to index
        %swap3A_1144 = arith.index_cast %swap3A_1141 : i32 to index
        %swap3A_1145 = arith.index_cast %swap3A_1142 : i32 to index
        %swap3A_1146 = arith.index_cast %mul3A_977 : i32 to index
        %swap3A_1147 = tpu.vector_load %arg5[%swap3A_1143, %swap3A_1144, %swap3A_1145, %swap3A_1146] {strides = array<i32>} : memref<8x4x2x1024xf32, #tpu.memory_space<vmem>>, vector<1x1x1x16xf32>,
        %swap3A_1148 = vector.shape_cast %swap3A_1147 : vector<1x1x1x16xf32> to vector<16xf32>
        %swap3A_1149 = vector.shape_cast %add3A_1139 : vector<16xf32> to vector<1x1x1x16xf32>
        tpu.vector_store %arg5[%swap3A_1143, %swap3A_1144, %swap3A_1145, %swap3A_1146], %swap3A_1149 {strides = array<i32>} : memref<8x4x2x1024xf32, #tpu.memory_space<vmem>>, vector<1x1x1x16xf32>,
        %scan3A_1150 = arith.constant 0 : i32
        scf.yield %scan3A_1150 : i32
      }
      %scan3A_427 = arith.constant 64 : i32
      %mul3A_428 = arith.constant 2 : i32
      %mul3A_429 = arith.muli %add3A_381, %mul3A_428 : i32
      %add3A_430 = arith.addi %mul3A_2, %mul3A_429 : i32
      %dma_start3A_431 = arith.constant 1 : i32
      %dma_start3A_432 = arith.constant 1 : i32
      %dma_start3A_433 = arith.constant 0 : i32
      %dma_start3A_434 = arith.constant 0 : i32
      %dma_start3A_435 = arith.constant 0 : i32
      %dma_start3A_436 = tpu.memref_slice %arg5[%dma_start3A_431, %dma_start3A_433, %dma_start3A_434, %dma_start3A_435] : memref<8x4x2x1024xf32, #tpu.memory_space<vmem>> -> memref<1x4x2x1024xf32, #tpu.memory_space<vmem>>
      %dma_start3A_437 = tpu.memref_squeeze %dma_start3A_436 : memref<1x4x2x1024xf32, #tpu.memory_space<vmem>> -> memref<4x2x1024xf32, #tpu.memory_space<vmem>>
      %dma_start3A_438 = arith.constant 0 : i32
      %dma_start3A_439 = arith.constant 0 : i32
      %dma_start3A_440 = tpu.memref_slice %arg4[%dma_start3A_438, %add3A_430, %dma_start3A_439] : memref<4x8192x1024xf32, #tpu.memory_space<hbm>> -> memref<4x2x1024xf32, #tpu.memory_space<hbm>>
      %dma_start3A_441 = tpu.memref_slice %arg9[%dma_start3A_432] : memref<8x!tpu.dma_semaphore, #tpu.memory_space<semaphore_mem>> -> memref<1x!tpu.dma_semaphore, #tpu.memory_space<semaphore_mem>>
      %dma_start3A_442 = tpu.memref_squeeze %dma_start3A_441 : memref<1x!tpu.dma_semaphore, #tpu.memory_space<semaphore_mem>> -> memref<!tpu.dma_semaphore, #tpu.memory_space<semaphore_mem>>
      %dma_start3A_443 = arith.constant 0 : i32
      %dma_start3A_444 = arith.constant 0 : i32
      %dma_start3A_445 = tpu.memref_slice %arg4[%dma_start3A_443, %add3A_430, %dma_start3A_444] : memref<4x8192x1024xf32, #tpu.memory_space<hbm>> -> memref<4x2x1024xf32, #tpu.memory_space<hbm>>
      %dma_start3A_446 = arith.constant 0 : i32
      %dma_start3A_447 = arith.constant 0 : i32
      %dma_start3A_448 = arith.constant 0 : i32
      %dma_start3A_449 = tpu.memref_slice %arg5[%dma_start3A_431, %dma_start3A_446, %dma_start3A_447, %dma_start3A_448] : memref<8x4x2x1024xf32, #tpu.memory_space<vmem>> -> memref<1x4x2x1024xf32, #tpu.memory_space<vmem>>
      %dma_start3A_450 = tpu.memref_squeeze %dma_start3A_449 : memref<1x4x2x1024xf32, #tpu.memory_space<vmem>> -> memref<4x2x1024xf32, #tpu.memory_space<vmem>>
      tpu.enqueue_dma source(%dma_start3A_450 : memref<4x2x1024xf32, #tpu.memory_space<vmem>>) target(%dma_start3A_445 : memref<4x2x1024xf32, #tpu.memory_space<hbm>>) target_semaphore(%dma_start3A_442 : memref<!tpu.dma_semaphore, #tpu.memory_space<semaphore_mem>>)
      %ge3A_451 = arith.constant 1 : i32
      %ge3A_452 = arith.cmpi sge, %add3A_381, %ge3A_451 : i32
      %convert_element_type3A_453 = arith.extui %ge3A_452 : i1 to i32
      %cond3A_454 = arith.constant 0 : i32
      %cond3A_455 = arith.cmpi ne, %convert_element_type3A_453, %cond3A_454 : i32
      scf.if %cond3A_455 {
        %sub3A = arith.constant 1 : i32
        %sub3A_974 = arith.subi %add3A_381, %sub3A : i32
        %mul3A_975 = arith.constant 2 : i32
        %mul3A_976 = arith.muli %sub3A_974, %mul3A_975 : i32
        %add3A_977 = arith.addi %mul3A_2, %mul3A_976 : i32
        %dma_wait3A_978 = arith.constant 0 : i32
        %dma_wait3A_979 = arith.constant 0 : i32
        %dma_wait3A_980 = arith.constant 0 : i32
        %dma_wait3A_981 = arith.constant 0 : i32
        %dma_wait3A_982 = arith.constant 0 : i32
        %dma_wait3A_983 = tpu.memref_slice %arg5[%dma_wait3A_978, %dma_wait3A_980, %dma_wait3A_981, %dma_wait3A_982] : memref<8x4x2x1024xf32, #tpu.memory_space<vmem>> -> memref<1x4x2x1024xf32, #tpu.memory_space<vmem>>
        %dma_wait3A_984 = tpu.memref_squeeze %dma_wait3A_983 : memref<1x4x2x1024xf32, #tpu.memory_space<vmem>> -> memref<4x2x1024xf32, #tpu.memory_space<vmem>>
        %dma_wait3A_985 = arith.constant 0 : i32
        %dma_wait3A_986 = arith.constant 0 : i32
        %dma_wait3A_987 = tpu.memref_slice %arg4[%dma_wait3A_985, %add3A_977, %dma_wait3A_986] : memref<4x8192x1024xf32, #tpu.memory_space<hbm>> -> memref<4x2x1024xf32, #tpu.memory_space<hbm>>
        %dma_wait3A_988 = tpu.memref_slice %arg9[%dma_wait3A_979] : memref<8x!tpu.dma_semaphore, #tpu.memory_space<semaphore_mem>> -> memref<1x!tpu.dma_semaphore, #tpu.memory_space<semaphore_mem>>
        %dma_wait3A_989 = tpu.memref_squeeze %dma_wait3A_988 : memref<1x!tpu.dma_semaphore, #tpu.memory_space<semaphore_mem>> -> memref<!tpu.dma_semaphore, #tpu.memory_space<semaphore_mem>>
        %dma_wait3A_990 = arith.constant 0 : i32
        %dma_wait3A_991 = arith.constant 0 : i32
        %dma_wait3A_992 = tpu.memref_slice %arg4[%dma_wait3A_990, %add3A_977, %dma_wait3A_991] : memref<4x8192x1024xf32, #tpu.memory_space<hbm>> -> memref<4x2x1024xf32, #tpu.memory_space<hbm>>
        %dma_wait3A_993 = arith.constant 0 : i32
        %dma_wait3A_994 = arith.constant 0 : i32
        %dma_wait3A_995 = arith.constant 0 : i32
        %dma_wait3A_996 = tpu.memref_slice %arg5[%dma_wait3A_978, %dma_wait3A_993, %dma_wait3A_994, %dma_wait3A_995] : memref<8x4x2x1024xf32, #tpu.memory_space<vmem>> -> memref<1x4x2x1024xf32, #tpu.memory_space<vmem>>
        %dma_wait3A_997 = tpu.memref_squeeze %dma_wait3A_996 : memref<1x4x2x1024xf32, #tpu.memory_space<vmem>> -> memref<4x2x1024xf32, #tpu.memory_space<vmem>>
        tpu.wait_dma2 semaphore(%dma_wait3A_989 : memref<!tpu.dma_semaphore, #tpu.memory_space<semaphore_mem>>) src(%dma_wait3A_997 : memref<4x2x1024xf32, #tpu.memory_space<vmem>>) dst(%dma_wait3A_992 : memref<4x2x1024xf32, #tpu.memory_space<hbm>>)
      } else {
      }
      %add3A_456 = arith.constant 7 : i32
      %add3A_457 = arith.addi %add3A_381, %add3A_456 : i32
      %lt3A_458 = arith.constant 128 : i32
      %lt3A_459 = arith.cmpi slt, %add3A_457, %lt3A_458 : i32
      %convert_element_type3A_460 = arith.extui %lt3A_459 : i1 to i32
      %cond3A_461 = arith.constant 0 : i32
      %cond3A_462 = arith.cmpi ne, %convert_element_type3A_460, %cond3A_461 : i32
      scf.if %cond3A_462 {
        %add3A_974 = arith.constant 7 : i32
        %add3A_975 = arith.addi %add3A_381, %add3A_974 : i32
        %mul3A_976 = arith.constant 2 : i32
        %mul3A_977 = arith.muli %add3A_975, %mul3A_976 : i32
        %add3A_978 = arith.addi %mul3A_2, %mul3A_977 : i32
        %dma_start3A_979 = arith.constant 0 : i32
        %dma_start3A_980 = arith.constant 0 : i32
        %dma_start3A_981 = arith.constant 0 : i32
        %dma_start3A_982 = arith.constant 0 : i32
        %dma_start3A_983 = arith.constant 0 : i32
        %dma_start3A_984 = tpu.memref_slice %arg5[%dma_start3A_979, %dma_start3A_981, %dma_start3A_982, %dma_start3A_983] : memref<8x4x2x1024xf32, #tpu.memory_space<vmem>> -> memref<1x4x2x1024xf32, #tpu.memory_space<vmem>>
        %dma_start3A_985 = tpu.memref_squeeze %dma_start3A_984 : memref<1x4x2x1024xf32, #tpu.memory_space<vmem>> -> memref<4x2x1024xf32, #tpu.memory_space<vmem>>
        %dma_start3A_986 = arith.constant 0 : i32
        %dma_start3A_987 = arith.constant 0 : i32
        %dma_start3A_988 = tpu.memref_slice %arg2[%dma_start3A_986, %add3A_978, %dma_start3A_987] : memref<4x8192x1024xf32, #tpu.memory_space<hbm>> -> memref<4x2x1024xf32, #tpu.memory_space<hbm>>
        %dma_start3A_989 = tpu.memref_slice %arg7[%dma_start3A_980] : memref<8x!tpu.dma_semaphore, #tpu.memory_space<semaphore_mem>> -> memref<1x!tpu.dma_semaphore, #tpu.memory_space<semaphore_mem>>
        %dma_start3A_990 = tpu.memref_squeeze %dma_start3A_989 : memref<1x!tpu.dma_semaphore, #tpu.memory_space<semaphore_mem>> -> memref<!tpu.dma_semaphore, #tpu.memory_space<semaphore_mem>>
        %dma_start3A_991 = arith.constant 0 : i32
        %dma_start3A_992 = arith.constant 0 : i32
        %dma_start3A_993 = arith.constant 0 : i32
        %dma_start3A_994 = tpu.memref_slice %arg5[%dma_start3A_979, %dma_start3A_991, %dma_start3A_992, %dma_start3A_993] : memref<8x4x2x1024xf32, #tpu.memory_space<vmem>> -> memref<1x4x2x1024xf32, #tpu.memory_space<vmem>>
        %dma_start3A_995 = tpu.memref_squeeze %dma_start3A_994 : memref<1x4x2x1024xf32, #tpu.memory_space<vmem>> -> memref<4x2x1024xf32, #tpu.memory_space<vmem>>
        %dma_start3A_996 = arith.constant 0 : i32
        %dma_start3A_997 = arith.constant 0 : i32
        %dma_start3A_998 = tpu.memref_slice %arg2[%dma_start3A_996, %add3A_978, %dma_start3A_997] : memref<4x8192x1024xf32, #tpu.memory_space<hbm>> -> memref<4x2x1024xf32, #tpu.memory_space<hbm>>
        tpu.enqueue_dma source(%dma_start3A_998 : memref<4x2x1024xf32, #tpu.memory_space<hbm>>) target(%dma_start3A_995 : memref<4x2x1024xf32, #tpu.memory_space<vmem>>) target_semaphore(%dma_start3A_990 : memref<!tpu.dma_semaphore, #tpu.memory_space<semaphore_mem>>)
        %dma_start3A_999 = arith.constant 0 : i32
        %dma_start3A_1000 = arith.constant 0 : i32
        %dma_start3A_1001 = arith.constant 0 : i32
        %dma_start3A_1002 = arith.constant 0 : i32
        %dma_start3A_1003 = tpu.memref_slice %arg6[%dma_start3A_999, %dma_start3A_1001, %dma_start3A_1002] : memref<8x2x1024xf32, #tpu.memory_space<vmem>> -> memref<1x2x1024xf32, #tpu.memory_space<vmem>>
        %dma_start3A_1004 = tpu.memref_squeeze %dma_start3A_1003 : memref<1x2x1024xf32, #tpu.memory_space<vmem>> -> memref<2x1024xf32, #tpu.memory_space<vmem>>
        %dma_start3A_1005 = arith.constant 0 : i32
        %dma_start3A_1006 = tpu.memref_slice %arg3[%add3A_978, %dma_start3A_1005] : memref<8192x1024xf32, #tpu.memory_space<hbm>> -> memref<2x1024xf32, #tpu.memory_space<hbm>>
        %dma_start3A_1007 = tpu.memref_slice %arg8[%dma_start3A_1000] : memref<8x!tpu.dma_semaphore, #tpu.memory_space<semaphore_mem>> -> memref<1x!tpu.dma_semaphore, #tpu.memory_space<semaphore_mem>>
        %dma_start3A_1008 = tpu.memref_squeeze %dma_start3A_1007 : memref<1x!tpu.dma_semaphore, #tpu.memory_space<semaphore_mem>> -> memref<!tpu.dma_semaphore, #tpu.memory_space<semaphore_mem>>
        %dma_start3A_1009 = arith.constant 0 : i32
        %dma_start3A_1010 = arith.constant 0 : i32
        %dma_start3A_1011 = tpu.memref_slice %arg6[%dma_start3A_999, %dma_start3A_1009, %dma_start3A_1010] : memref<8x2x1024xf32, #tpu.memory_space<vmem>> -> memref<1x2x1024xf32, #tpu.memory_space<vmem>>
        %dma_start3A_1012 = tpu.memref_squeeze %dma_start3A_1011 : memref<1x2x1024xf32, #tpu.memory_space<vmem>> -> memref<2x1024xf32, #tpu.memory_space<vmem>>
        %dma_start3A_1013 = arith.constant 0 : i32
        %dma_start3A_1014 = tpu.memref_slice %arg3[%add3A_978, %dma_start3A_1013] : memref<8192x1024xf32, #tpu.memory_space<hbm>> -> memref<2x1024xf32, #tpu.memory_space<hbm>>
        tpu.enqueue_dma source(%dma_start3A_1014 : memref<2x1024xf32, #tpu.memory_space<hbm>>) target(%dma_start3A_1012 : memref<2x1024xf32, #tpu.memory_space<vmem>>) target_semaphore(%dma_start3A_1008 : memref<!tpu.dma_semaphore, #tpu.memory_space<semaphore_mem>>)
      } else {
      }
      %mul3A_463 = arith.constant 8 : i32
      %mul3A_464 = arith.muli %mul3A_463, %scan3A_295 : i32
      %add3A_465 = arith.constant 2 : i32
      %add3A_466 = arith.addi %mul3A_464, %add3A_465 : i32
      %mul3A_467 = arith.constant 2 : i32
      %mul3A_468 = arith.muli %add3A_466, %mul3A_467 : i32
      %add3A_469 = arith.addi %mul3A_2, %mul3A_468 : i32
      %dma_wait3A_470 = arith.constant 2 : i32
      %dma_wait3A_471 = arith.constant 2 : i32
      %dma_wait3A_472 = arith.constant 0 : i32
      %dma_wait3A_473 = arith.constant 0 : i32
      %dma_wait3A_474 = arith.constant 0 : i32
      %dma_wait3A_475 = tpu.memref_slice %arg5[%dma_wait3A_470, %dma_wait3A_472, %dma_wait3A_473, %dma_wait3A_474] : memref<8x4x2x1024xf32, #tpu.memory_space<vmem>> -> memref<1x4x2x1024xf32, #tpu.memory_space<vmem>>
      %dma_wait3A_476 = tpu.memref_squeeze %dma_wait3A_475 : memref<1x4x2x1024xf32, #tpu.memory_space<vmem>> -> memref<4x2x1024xf32, #tpu.memory_space<vmem>>
      %dma_wait3A_477 = arith.constant 0 : i32
      %dma_wait3A_478 = arith.constant 0 : i32
      %dma_wait3A_479 = tpu.memref_slice %arg2[%dma_wait3A_477, %add3A_469, %dma_wait3A_478] : memref<4x8192x1024xf32, #tpu.memory_space<hbm>> -> memref<4x2x1024xf32, #tpu.memory_space<hbm>>
      %dma_wait3A_480 = tpu.memref_slice %arg7[%dma_wait3A_471] : memref<8x!tpu.dma_semaphore, #tpu.memory_space<semaphore_mem>> -> memref<1x!tpu.dma_semaphore, #tpu.memory_space<semaphore_mem>>
      %dma_wait3A_481 = tpu.memref_squeeze %dma_wait3A_480 : memref<1x!tpu.dma_semaphore, #tpu.memory_space<semaphore_mem>> -> memref<!tpu.dma_semaphore, #tpu.memory_space<semaphore_mem>>
      %dma_wait3A_482 = arith.constant 0 : i32
      %dma_wait3A_483 = arith.constant 0 : i32
      %dma_wait3A_484 = arith.constant 0 : i32
      %dma_wait3A_485 = tpu.memref_slice %arg5[%dma_wait3A_470, %dma_wait3A_482, %dma_wait3A_483, %dma_wait3A_484] : memref<8x4x2x1024xf32, #tpu.memory_space<vmem>> -> memref<1x4x2x1024xf32, #tpu.memory_space<vmem>>
      %dma_wait3A_486 = tpu.memref_squeeze %dma_wait3A_485 : memref<1x4x2x1024xf32, #tpu.memory_space<vmem>> -> memref<4x2x1024xf32, #tpu.memory_space<vmem>>
      %dma_wait3A_487 = arith.constant 0 : i32
      %dma_wait3A_488 = arith.constant 0 : i32
      %dma_wait3A_489 = tpu.memref_slice %arg2[%dma_wait3A_487, %add3A_469, %dma_wait3A_488] : memref<4x8192x1024xf32, #tpu.memory_space<hbm>> -> memref<4x2x1024xf32, #tpu.memory_space<hbm>>
      tpu.wait_dma2 semaphore(%dma_wait3A_481 : memref<!tpu.dma_semaphore, #tpu.memory_space<semaphore_mem>>) src(%dma_wait3A_489 : memref<4x2x1024xf32, #tpu.memory_space<hbm>>) dst(%dma_wait3A_486 : memref<4x2x1024xf32, #tpu.memory_space<vmem>>)
      %dma_wait3A_490 = arith.constant 2 : i32
      %dma_wait3A_491 = arith.constant 2 : i32
      %dma_wait3A_492 = arith.constant 0 : i32
      %dma_wait3A_493 = arith.constant 0 : i32
      %dma_wait3A_494 = tpu.memref_slice %arg6[%dma_wait3A_490, %dma_wait3A_492, %dma_wait3A_493] : memref<8x2x1024xf32, #tpu.memory_space<vmem>> -> memref<1x2x1024xf32, #tpu.memory_space<vmem>>
      %dma_wait3A_495 = tpu.memref_squeeze %dma_wait3A_494 : memref<1x2x1024xf32, #tpu.memory_space<vmem>> -> memref<2x1024xf32, #tpu.memory_space<vmem>>
      %dma_wait3A_496 = arith.constant 0 : i32
      %dma_wait3A_497 = tpu.memref_slice %arg3[%add3A_469, %dma_wait3A_496] : memref<8192x1024xf32, #tpu.memory_space<hbm>> -> memref<2x1024xf32, #tpu.memory_space<hbm>>
      %dma_wait3A_498 = tpu.memref_slice %arg8[%dma_wait3A_491] : memref<8x!tpu.dma_semaphore, #tpu.memory_space<semaphore_mem>> -> memref<1x!tpu.dma_semaphore, #tpu.memory_space<semaphore_mem>>
      %dma_wait3A_499 = tpu.memref_squeeze %dma_wait3A_498 : memref<1x!tpu.dma_semaphore, #tpu.memory_space<semaphore_mem>> -> memref<!tpu.dma_semaphore, #tpu.memory_space<semaphore_mem>>
      %dma_wait3A_500 = arith.constant 0 : i32
      %dma_wait3A_501 = arith.constant 0 : i32
      %dma_wait3A_502 = tpu.memref_slice %arg6[%dma_wait3A_490, %dma_wait3A_500, %dma_wait3A_501] : memref<8x2x1024xf32, #tpu.memory_space<vmem>> -> memref<1x2x1024xf32, #tpu.memory_space<vmem>>
      %dma_wait3A_503 = tpu.memref_squeeze %dma_wait3A_502 : memref<1x2x1024xf32, #tpu.memory_space<vmem>> -> memref<2x1024xf32, #tpu.memory_space<vmem>>
      %dma_wait3A_504 = arith.constant 0 : i32
      %dma_wait3A_505 = tpu.memref_slice %arg3[%add3A_469, %dma_wait3A_504] : memref<8192x1024xf32, #tpu.memory_space<hbm>> -> memref<2x1024xf32, #tpu.memory_space<hbm>>
      tpu.wait_dma2 semaphore(%dma_wait3A_499 : memref<!tpu.dma_semaphore, #tpu.memory_space<semaphore_mem>>) src(%dma_wait3A_505 : memref<2x1024xf32, #tpu.memory_space<hbm>>) dst(%dma_wait3A_503 : memref<2x1024xf32, #tpu.memory_space<vmem>>)
      %scan3A_506 = arith.constant 0 : i32
      %scan3A_507 = arith.constant 0 : i32
      %scan3A_508 = arith.constant 64 : i32
      %scan3A_509 = arith.addi %scan3A_507, %scan3A_508 : i32
      %scan3A_510 = arith.constant 1 : i32
      %scan3A_511 = scf.for %scan3A_974 = %scan3A_507 to %scan3A_509 step %scan3A_510 iter_args(%scan3A_975 = %scan3A_506) -> (i32)  : i32 {
        %mul3A_976 = arith.constant 16 : i32
        %mul3A_977 = arith.muli %scan3A_974, %mul3A_976 : i32
        %get3A = arith.constant 2 : i32
        %get3A_978 = arith.constant 0 : i32
        %get3A_979 = arith.index_cast %get3A : i32 to index
        %get3A_980 = arith.index_cast %get3A_978 : i32 to index
        %get3A_981 = arith.index_cast %mul3A_977 : i32 to index
        %get3A_982 = tpu.vector_load %arg6[%get3A_979, %get3A_980, %get3A_981] {strides = array<i32>} : memref<8x2x1024xf32, #tpu.memory_space<vmem>>, vector<1x1x16xf32>,
        %get3A_983 = vector.shape_cast %get3A_982 : vector<1x1x16xf32> to vector<16xf32>
        %get3A_984 = arith.constant 2 : i32
        %get3A_985 = arith.constant 0 : i32
        %get3A_986 = arith.constant 0 : i32
        %get3A_987 = arith.index_cast %get3A_984 : i32 to index
        %get3A_988 = arith.index_cast %get3A_985 : i32 to index
        %get3A_989 = arith.index_cast %get3A_986 : i32 to index
        %get3A_990 = arith.index_cast %mul3A_977 : i32 to index
        %get3A_991 = tpu.vector_load %arg5[%get3A_987, %get3A_988, %get3A_989, %get3A_990] {strides = array<i32>} : memref<8x4x2x1024xf32, #tpu.memory_space<vmem>>, vector<1x1x1x16xf32>,
        %get3A_992 = vector.shape_cast %get3A_991 : vector<1x1x1x16xf32> to vector<16xf32>
        %add3A_993 = arith.addf %get3A_992, %get3A_983 : vector<16xf32>
        %swap3A = arith.constant 2 : i32
        %swap3A_994 = arith.constant 0 : i32
        %swap3A_995 = arith.constant 0 : i32
        %swap3A_996 = arith.index_cast %swap3A : i32 to index
        %swap3A_997 = arith.index_cast %swap3A_994 : i32 to index
        %swap3A_998 = arith.index_cast %swap3A_995 : i32 to index
        %swap3A_999 = arith.index_cast %mul3A_977 : i32 to index
        %swap3A_1000 = tpu.vector_load %arg5[%swap3A_996, %swap3A_997, %swap3A_998, %swap3A_999] {strides = array<i32>} : memref<8x4x2x1024xf32, #tpu.memory_space<vmem>>, vector<1x1x1x16xf32>,
        %swap3A_1001 = vector.shape_cast %swap3A_1000 : vector<1x1x1x16xf32> to vector<16xf32>
        %swap3A_1002 = vector.shape_cast %add3A_993 : vector<16xf32> to vector<1x1x1x16xf32>
        tpu.vector_store %arg5[%swap3A_996, %swap3A_997, %swap3A_998, %swap3A_999], %swap3A_1002 {strides = array<i32>} : memref<8x4x2x1024xf32, #tpu.memory_space<vmem>>, vector<1x1x1x16xf32>,
        %get3A_1003 = arith.constant 2 : i32
        %get3A_1004 = arith.constant 1 : i32
        %get3A_1005 = arith.constant 0 : i32
        %get3A_1006 = arith.index_cast %get3A_1003 : i32 to index
        %get3A_1007 = arith.index_cast %get3A_1004 : i32 to index
        %get3A_1008 = arith.index_cast %get3A_1005 : i32 to index
        %get3A_1009 = arith.index_cast %mul3A_977 : i32 to index
        %get3A_1010 = tpu.vector_load %arg5[%get3A_1006, %get3A_1007, %get3A_1008, %get3A_1009] {strides = array<i32>} : memref<8x4x2x1024xf32, #tpu.memory_space<vmem>>, vector<1x1x1x16xf32>,
        %get3A_1011 = vector.shape_cast %get3A_1010 : vector<1x1x1x16xf32> to vector<16xf32>
        %add3A_1012 = arith.addf %get3A_1011, %get3A_983 : vector<16xf32>
        %swap3A_1013 = arith.constant 2 : i32
        %swap3A_1014 = arith.constant 1 : i32
        %swap3A_1015 = arith.constant 0 : i32
        %swap3A_1016 = arith.index_cast %swap3A_1013 : i32 to index
        %swap3A_1017 = arith.index_cast %swap3A_1014 : i32 to index
        %swap3A_1018 = arith.index_cast %swap3A_1015 : i32 to index
        %swap3A_1019 = arith.index_cast %mul3A_977 : i32 to index
        %swap3A_1020 = tpu.vector_load %arg5[%swap3A_1016, %swap3A_1017, %swap3A_1018, %swap3A_1019] {strides = array<i32>} : memref<8x4x2x1024xf32, #tpu.memory_space<vmem>>, vector<1x1x1x16xf32>,
        %swap3A_1021 = vector.shape_cast %swap3A_1020 : vector<1x1x1x16xf32> to vector<16xf32>
        %swap3A_1022 = vector.shape_cast %add3A_1012 : vector<16xf32> to vector<1x1x1x16xf32>
        tpu.vector_store %arg5[%swap3A_1016, %swap3A_1017, %swap3A_1018, %swap3A_1019], %swap3A_1022 {strides = array<i32>} : memref<8x4x2x1024xf32, #tpu.memory_space<vmem>>, vector<1x1x1x16xf32>,
        %get3A_1023 = arith.constant 2 : i32
        %get3A_1024 = arith.constant 2 : i32
        %get3A_1025 = arith.constant 0 : i32
        %get3A_1026 = arith.index_cast %get3A_1023 : i32 to index
        %get3A_1027 = arith.index_cast %get3A_1024 : i32 to index
        %get3A_1028 = arith.index_cast %get3A_1025 : i32 to index
        %get3A_1029 = arith.index_cast %mul3A_977 : i32 to index
        %get3A_1030 = tpu.vector_load %arg5[%get3A_1026, %get3A_1027, %get3A_1028, %get3A_1029] {strides = array<i32>} : memref<8x4x2x1024xf32, #tpu.memory_space<vmem>>, vector<1x1x1x16xf32>,
        %get3A_1031 = vector.shape_cast %get3A_1030 : vector<1x1x1x16xf32> to vector<16xf32>
        %add3A_1032 = arith.addf %get3A_1031, %get3A_983 : vector<16xf32>
        %swap3A_1033 = arith.constant 2 : i32
        %swap3A_1034 = arith.constant 2 : i32
        %swap3A_1035 = arith.constant 0 : i32
        %swap3A_1036 = arith.index_cast %swap3A_1033 : i32 to index
        %swap3A_1037 = arith.index_cast %swap3A_1034 : i32 to index
        %swap3A_1038 = arith.index_cast %swap3A_1035 : i32 to index
        %swap3A_1039 = arith.index_cast %mul3A_977 : i32 to index
        %swap3A_1040 = tpu.vector_load %arg5[%swap3A_1036, %swap3A_1037, %swap3A_1038, %swap3A_1039] {strides = array<i32>} : memref<8x4x2x1024xf32, #tpu.memory_space<vmem>>, vector<1x1x1x16xf32>,
        %swap3A_1041 = vector.shape_cast %swap3A_1040 : vector<1x1x1x16xf32> to vector<16xf32>
        %swap3A_1042 = vector.shape_cast %add3A_1032 : vector<16xf32> to vector<1x1x1x16xf32>
        tpu.vector_store %arg5[%swap3A_1036, %swap3A_1037, %swap3A_1038, %swap3A_1039], %swap3A_1042 {strides = array<i32>} : memref<8x4x2x1024xf32, #tpu.memory_space<vmem>>, vector<1x1x1x16xf32>,
        %get3A_1043 = arith.constant 2 : i32
        %get3A_1044 = arith.constant 3 : i32
        %get3A_1045 = arith.constant 0 : i32
        %get3A_1046 = arith.index_cast %get3A_1043 : i32 to index
        %get3A_1047 = arith.index_cast %get3A_1044 : i32 to index
        %get3A_1048 = arith.index_cast %get3A_1045 : i32 to index
        %get3A_1049 = arith.index_cast %mul3A_977 : i32 to index
        %get3A_1050 = tpu.vector_load %arg5[%get3A_1046, %get3A_1047, %get3A_1048, %get3A_1049] {strides = array<i32>} : memref<8x4x2x1024xf32, #tpu.memory_space<vmem>>, vector<1x1x1x16xf32>,
        %get3A_1051 = vector.shape_cast %get3A_1050 : vector<1x1x1x16xf32> to vector<16xf32>
        %add3A_1052 = arith.addf %get3A_1051, %get3A_983 : vector<16xf32>
        %swap3A_1053 = arith.constant 2 : i32
        %swap3A_1054 = arith.constant 3 : i32
        %swap3A_1055 = arith.constant 0 : i32
        %swap3A_1056 = arith.index_cast %swap3A_1053 : i32 to index
        %swap3A_1057 = arith.index_cast %swap3A_1054 : i32 to index
        %swap3A_1058 = arith.index_cast %swap3A_1055 : i32 to index
        %swap3A_1059 = arith.index_cast %mul3A_977 : i32 to index
        %swap3A_1060 = tpu.vector_load %arg5[%swap3A_1056, %swap3A_1057, %swap3A_1058, %swap3A_1059] {strides = array<i32>} : memref<8x4x2x1024xf32, #tpu.memory_space<vmem>>, vector<1x1x1x16xf32>,
        %swap3A_1061 = vector.shape_cast %swap3A_1060 : vector<1x1x1x16xf32> to vector<16xf32>
        %swap3A_1062 = vector.shape_cast %add3A_1052 : vector<16xf32> to vector<1x1x1x16xf32>
        tpu.vector_store %arg5[%swap3A_1056, %swap3A_1057, %swap3A_1058, %swap3A_1059], %swap3A_1062 {strides = array<i32>} : memref<8x4x2x1024xf32, #tpu.memory_space<vmem>>, vector<1x1x1x16xf32>,
        %get3A_1063 = arith.constant 2 : i32
        %get3A_1064 = arith.constant 1 : i32
        %get3A_1065 = arith.index_cast %get3A_1063 : i32 to index
        %get3A_1066 = arith.index_cast %get3A_1064 : i32 to index
        %get3A_1067 = arith.index_cast %mul3A_977 : i32 to index
        %get3A_1068 = tpu.vector_load %arg6[%get3A_1065, %get3A_1066, %get3A_1067] {strides = array<i32>} : memref<8x2x1024xf32, #tpu.memory_space<vmem>>, vector<1x1x16xf32>,
        %get3A_1069 = vector.shape_cast %get3A_1068 : vector<1x1x16xf32> to vector<16xf32>
        %get3A_1070 = arith.constant 2 : i32
        %get3A_1071 = arith.constant 0 : i32
        %get3A_1072 = arith.constant 1 : i32
        %get3A_1073 = arith.index_cast %get3A_1070 : i32 to index
        %get3A_1074 = arith.index_cast %get3A_1071 : i32 to index
        %get3A_1075 = arith.index_cast %get3A_1072 : i32 to index
        %get3A_1076 = arith.index_cast %mul3A_977 : i32 to index
        %get3A_1077 = tpu.vector_load %arg5[%get3A_1073, %get3A_1074, %get3A_1075, %get3A_1076] {strides = array<i32>} : memref<8x4x2x1024xf32, #tpu.memory_space<vmem>>, vector<1x1x1x16xf32>,
        %get3A_1078 = vector.shape_cast %get3A_1077 : vector<1x1x1x16xf32> to vector<16xf32>
        %add3A_1079 = arith.addf %get3A_1078, %get3A_1069 : vector<16xf32>
        %swap3A_1080 = arith.constant 2 : i32
        %swap3A_1081 = arith.constant 0 : i32
        %swap3A_1082 = arith.constant 1 : i32
        %swap3A_1083 = arith.index_cast %swap3A_1080 : i32 to index
        %swap3A_1084 = arith.index_cast %swap3A_1081 : i32 to index
        %swap3A_1085 = arith.index_cast %swap3A_1082 : i32 to index
        %swap3A_1086 = arith.index_cast %mul3A_977 : i32 to index
        %swap3A_1087 = tpu.vector_load %arg5[%swap3A_1083, %swap3A_1084, %swap3A_1085, %swap3A_1086] {strides = array<i32>} : memref<8x4x2x1024xf32, #tpu.memory_space<vmem>>, vector<1x1x1x16xf32>,
        %swap3A_1088 = vector.shape_cast %swap3A_1087 : vector<1x1x1x16xf32> to vector<16xf32>
        %swap3A_1089 = vector.shape_cast %add3A_1079 : vector<16xf32> to vector<1x1x1x16xf32>
        tpu.vector_store %arg5[%swap3A_1083, %swap3A_1084, %swap3A_1085, %swap3A_1086], %swap3A_1089 {strides = array<i32>} : memref<8x4x2x1024xf32, #tpu.memory_space<vmem>>, vector<1x1x1x16xf32>,
        %get3A_1090 = arith.constant 2 : i32
        %get3A_1091 = arith.constant 1 : i32
        %get3A_1092 = arith.constant 1 : i32
        %get3A_1093 = arith.index_cast %get3A_1090 : i32 to index
        %get3A_1094 = arith.index_cast %get3A_1091 : i32 to index
        %get3A_1095 = arith.index_cast %get3A_1092 : i32 to index
        %get3A_1096 = arith.index_cast %mul3A_977 : i32 to index
        %get3A_1097 = tpu.vector_load %arg5[%get3A_1093, %get3A_1094, %get3A_1095, %get3A_1096] {strides = array<i32>} : memref<8x4x2x1024xf32, #tpu.memory_space<vmem>>, vector<1x1x1x16xf32>,
        %get3A_1098 = vector.shape_cast %get3A_1097 : vector<1x1x1x16xf32> to vector<16xf32>
        %add3A_1099 = arith.addf %get3A_1098, %get3A_1069 : vector<16xf32>
        %swap3A_1100 = arith.constant 2 : i32
        %swap3A_1101 = arith.constant 1 : i32
        %swap3A_1102 = arith.constant 1 : i32
        %swap3A_1103 = arith.index_cast %swap3A_1100 : i32 to index
        %swap3A_1104 = arith.index_cast %swap3A_1101 : i32 to index
        %swap3A_1105 = arith.index_cast %swap3A_1102 : i32 to index
        %swap3A_1106 = arith.index_cast %mul3A_977 : i32 to index
        %swap3A_1107 = tpu.vector_load %arg5[%swap3A_1103, %swap3A_1104, %swap3A_1105, %swap3A_1106] {strides = array<i32>} : memref<8x4x2x1024xf32, #tpu.memory_space<vmem>>, vector<1x1x1x16xf32>,
        %swap3A_1108 = vector.shape_cast %swap3A_1107 : vector<1x1x1x16xf32> to vector<16xf32>
        %swap3A_1109 = vector.shape_cast %add3A_1099 : vector<16xf32> to vector<1x1x1x16xf32>
        tpu.vector_store %arg5[%swap3A_1103, %swap3A_1104, %swap3A_1105, %swap3A_1106], %swap3A_1109 {strides = array<i32>} : memref<8x4x2x1024xf32, #tpu.memory_space<vmem>>, vector<1x1x1x16xf32>,
        %get3A_1110 = arith.constant 2 : i32
        %get3A_1111 = arith.constant 2 : i32
        %get3A_1112 = arith.constant 1 : i32
        %get3A_1113 = arith.index_cast %get3A_1110 : i32 to index
        %get3A_1114 = arith.index_cast %get3A_1111 : i32 to index
        %get3A_1115 = arith.index_cast %get3A_1112 : i32 to index
        %get3A_1116 = arith.index_cast %mul3A_977 : i32 to index
        %get3A_1117 = tpu.vector_load %arg5[%get3A_1113, %get3A_1114, %get3A_1115, %get3A_1116] {strides = array<i32>} : memref<8x4x2x1024xf32, #tpu.memory_space<vmem>>, vector<1x1x1x16xf32>,
        %get3A_1118 = vector.shape_cast %get3A_1117 : vector<1x1x1x16xf32> to vector<16xf32>
        %add3A_1119 = arith.addf %get3A_1118, %get3A_1069 : vector<16xf32>
        %swap3A_1120 = arith.constant 2 : i32
        %swap3A_1121 = arith.constant 2 : i32
        %swap3A_1122 = arith.constant 1 : i32
        %swap3A_1123 = arith.index_cast %swap3A_1120 : i32 to index
        %swap3A_1124 = arith.index_cast %swap3A_1121 : i32 to index
        %swap3A_1125 = arith.index_cast %swap3A_1122 : i32 to index
        %swap3A_1126 = arith.index_cast %mul3A_977 : i32 to index
        %swap3A_1127 = tpu.vector_load %arg5[%swap3A_1123, %swap3A_1124, %swap3A_1125, %swap3A_1126] {strides = array<i32>} : memref<8x4x2x1024xf32, #tpu.memory_space<vmem>>, vector<1x1x1x16xf32>,
        %swap3A_1128 = vector.shape_cast %swap3A_1127 : vector<1x1x1x16xf32> to vector<16xf32>
        %swap3A_1129 = vector.shape_cast %add3A_1119 : vector<16xf32> to vector<1x1x1x16xf32>
        tpu.vector_store %arg5[%swap3A_1123, %swap3A_1124, %swap3A_1125, %swap3A_1126], %swap3A_1129 {strides = array<i32>} : memref<8x4x2x1024xf32, #tpu.memory_space<vmem>>, vector<1x1x1x16xf32>,
        %get3A_1130 = arith.constant 2 : i32
        %get3A_1131 = arith.constant 3 : i32
        %get3A_1132 = arith.constant 1 : i32
        %get3A_1133 = arith.index_cast %get3A_1130 : i32 to index
        %get3A_1134 = arith.index_cast %get3A_1131 : i32 to index
        %get3A_1135 = arith.index_cast %get3A_1132 : i32 to index
        %get3A_1136 = arith.index_cast %mul3A_977 : i32 to index
        %get3A_1137 = tpu.vector_load %arg5[%get3A_1133, %get3A_1134, %get3A_1135, %get3A_1136] {strides = array<i32>} : memref<8x4x2x1024xf32, #tpu.memory_space<vmem>>, vector<1x1x1x16xf32>,
        %get3A_1138 = vector.shape_cast %get3A_1137 : vector<1x1x1x16xf32> to vector<16xf32>
        %add3A_1139 = arith.addf %get3A_1138, %get3A_1069 : vector<16xf32>
        %swap3A_1140 = arith.constant 2 : i32
        %swap3A_1141 = arith.constant 3 : i32
        %swap3A_1142 = arith.constant 1 : i32
        %swap3A_1143 = arith.index_cast %swap3A_1140 : i32 to index
        %swap3A_1144 = arith.index_cast %swap3A_1141 : i32 to index
        %swap3A_1145 = arith.index_cast %swap3A_1142 : i32 to index
        %swap3A_1146 = arith.index_cast %mul3A_977 : i32 to index
        %swap3A_1147 = tpu.vector_load %arg5[%swap3A_1143, %swap3A_1144, %swap3A_1145, %swap3A_1146] {strides = array<i32>} : memref<8x4x2x1024xf32, #tpu.memory_space<vmem>>, vector<1x1x1x16xf32>,
        %swap3A_1148 = vector.shape_cast %swap3A_1147 : vector<1x1x1x16xf32> to vector<16xf32>
        %swap3A_1149 = vector.shape_cast %add3A_1139 : vector<16xf32> to vector<1x1x1x16xf32>
        tpu.vector_store %arg5[%swap3A_1143, %swap3A_1144, %swap3A_1145, %swap3A_1146], %swap3A_1149 {strides = array<i32>} : memref<8x4x2x1024xf32, #tpu.memory_space<vmem>>, vector<1x1x1x16xf32>,
        %scan3A_1150 = arith.constant 0 : i32
        scf.yield %scan3A_1150 : i32
      }
      %scan3A_512 = arith.constant 64 : i32
      %mul3A_513 = arith.constant 2 : i32
      %mul3A_514 = arith.muli %add3A_466, %mul3A_513 : i32
      %add3A_515 = arith.addi %mul3A_2, %mul3A_514 : i32
      %dma_start3A_516 = arith.constant 2 : i32
      %dma_start3A_517 = arith.constant 2 : i32
      %dma_start3A_518 = arith.constant 0 : i32
      %dma_start3A_519 = arith.constant 0 : i32
      %dma_start3A_520 = arith.constant 0 : i32
      %dma_start3A_521 = tpu.memref_slice %arg5[%dma_start3A_516, %dma_start3A_518, %dma_start3A_519, %dma_start3A_520] : memref<8x4x2x1024xf32, #tpu.memory_space<vmem>> -> memref<1x4x2x1024xf32, #tpu.memory_space<vmem>>
      %dma_start3A_522 = tpu.memref_squeeze %dma_start3A_521 : memref<1x4x2x1024xf32, #tpu.memory_space<vmem>> -> memref<4x2x1024xf32, #tpu.memory_space<vmem>>
      %dma_start3A_523 = arith.constant 0 : i32
      %dma_start3A_524 = arith.constant 0 : i32
      %dma_start3A_525 = tpu.memref_slice %arg4[%dma_start3A_523, %add3A_515, %dma_start3A_524] : memref<4x8192x1024xf32, #tpu.memory_space<hbm>> -> memref<4x2x1024xf32, #tpu.memory_space<hbm>>
      %dma_start3A_526 = tpu.memref_slice %arg9[%dma_start3A_517] : memref<8x!tpu.dma_semaphore, #tpu.memory_space<semaphore_mem>> -> memref<1x!tpu.dma_semaphore, #tpu.memory_space<semaphore_mem>>
      %dma_start3A_527 = tpu.memref_squeeze %dma_start3A_526 : memref<1x!tpu.dma_semaphore, #tpu.memory_space<semaphore_mem>> -> memref<!tpu.dma_semaphore, #tpu.memory_space<semaphore_mem>>
      %dma_start3A_528 = arith.constant 0 : i32
      %dma_start3A_529 = arith.constant 0 : i32
      %dma_start3A_530 = tpu.memref_slice %arg4[%dma_start3A_528, %add3A_515, %dma_start3A_529] : memref<4x8192x1024xf32, #tpu.memory_space<hbm>> -> memref<4x2x1024xf32, #tpu.memory_space<hbm>>
      %dma_start3A_531 = arith.constant 0 : i32
      %dma_start3A_532 = arith.constant 0 : i32
      %dma_start3A_533 = arith.constant 0 : i32
      %dma_start3A_534 = tpu.memref_slice %arg5[%dma_start3A_516, %dma_start3A_531, %dma_start3A_532, %dma_start3A_533] : memref<8x4x2x1024xf32, #tpu.memory_space<vmem>> -> memref<1x4x2x1024xf32, #tpu.memory_space<vmem>>
      %dma_start3A_535 = tpu.memref_squeeze %dma_start3A_534 : memref<1x4x2x1024xf32, #tpu.memory_space<vmem>> -> memref<4x2x1024xf32, #tpu.memory_space<vmem>>
      tpu.enqueue_dma source(%dma_start3A_535 : memref<4x2x1024xf32, #tpu.memory_space<vmem>>) target(%dma_start3A_530 : memref<4x2x1024xf32, #tpu.memory_space<hbm>>) target_semaphore(%dma_start3A_527 : memref<!tpu.dma_semaphore, #tpu.memory_space<semaphore_mem>>)
      %ge3A_536 = arith.constant 1 : i32
      %ge3A_537 = arith.cmpi sge, %add3A_466, %ge3A_536 : i32
      %convert_element_type3A_538 = arith.extui %ge3A_537 : i1 to i32
      %cond3A_539 = arith.constant 0 : i32
      %cond3A_540 = arith.cmpi ne, %convert_element_type3A_538, %cond3A_539 : i32
      scf.if %cond3A_540 {
        %sub3A = arith.constant 1 : i32
        %sub3A_974 = arith.subi %add3A_466, %sub3A : i32
        %mul3A_975 = arith.constant 2 : i32
        %mul3A_976 = arith.muli %sub3A_974, %mul3A_975 : i32
        %add3A_977 = arith.addi %mul3A_2, %mul3A_976 : i32
        %dma_wait3A_978 = arith.constant 1 : i32
        %dma_wait3A_979 = arith.constant 1 : i32
        %dma_wait3A_980 = arith.constant 0 : i32
        %dma_wait3A_981 = arith.constant 0 : i32
        %dma_wait3A_982 = arith.constant 0 : i32
        %dma_wait3A_983 = tpu.memref_slice %arg5[%dma_wait3A_978, %dma_wait3A_980, %dma_wait3A_981, %dma_wait3A_982] : memref<8x4x2x1024xf32, #tpu.memory_space<vmem>> -> memref<1x4x2x1024xf32, #tpu.memory_space<vmem>>
        %dma_wait3A_984 = tpu.memref_squeeze %dma_wait3A_983 : memref<1x4x2x1024xf32, #tpu.memory_space<vmem>> -> memref<4x2x1024xf32, #tpu.memory_space<vmem>>
        %dma_wait3A_985 = arith.constant 0 : i32
        %dma_wait3A_986 = arith.constant 0 : i32
        %dma_wait3A_987 = tpu.memref_slice %arg4[%dma_wait3A_985, %add3A_977, %dma_wait3A_986] : memref<4x8192x1024xf32, #tpu.memory_space<hbm>> -> memref<4x2x1024xf32, #tpu.memory_space<hbm>>
        %dma_wait3A_988 = tpu.memref_slice %arg9[%dma_wait3A_979] : memref<8x!tpu.dma_semaphore, #tpu.memory_space<semaphore_mem>> -> memref<1x!tpu.dma_semaphore, #tpu.memory_space<semaphore_mem>>
        %dma_wait3A_989 = tpu.memref_squeeze %dma_wait3A_988 : memref<1x!tpu.dma_semaphore, #tpu.memory_space<semaphore_mem>> -> memref<!tpu.dma_semaphore, #tpu.memory_space<semaphore_mem>>
        %dma_wait3A_990 = arith.constant 0 : i32
        %dma_wait3A_991 = arith.constant 0 : i32
        %dma_wait3A_992 = tpu.memref_slice %arg4[%dma_wait3A_990, %add3A_977, %dma_wait3A_991] : memref<4x8192x1024xf32, #tpu.memory_space<hbm>> -> memref<4x2x1024xf32, #tpu.memory_space<hbm>>
        %dma_wait3A_993 = arith.constant 0 : i32
        %dma_wait3A_994 = arith.constant 0 : i32
        %dma_wait3A_995 = arith.constant 0 : i32
        %dma_wait3A_996 = tpu.memref_slice %arg5[%dma_wait3A_978, %dma_wait3A_993, %dma_wait3A_994, %dma_wait3A_995] : memref<8x4x2x1024xf32, #tpu.memory_space<vmem>> -> memref<1x4x2x1024xf32, #tpu.memory_space<vmem>>
        %dma_wait3A_997 = tpu.memref_squeeze %dma_wait3A_996 : memref<1x4x2x1024xf32, #tpu.memory_space<vmem>> -> memref<4x2x1024xf32, #tpu.memory_space<vmem>>
        tpu.wait_dma2 semaphore(%dma_wait3A_989 : memref<!tpu.dma_semaphore, #tpu.memory_space<semaphore_mem>>) src(%dma_wait3A_997 : memref<4x2x1024xf32, #tpu.memory_space<vmem>>) dst(%dma_wait3A_992 : memref<4x2x1024xf32, #tpu.memory_space<hbm>>)
      } else {
      }
      %add3A_541 = arith.constant 7 : i32
      %add3A_542 = arith.addi %add3A_466, %add3A_541 : i32
      %lt3A_543 = arith.constant 128 : i32
      %lt3A_544 = arith.cmpi slt, %add3A_542, %lt3A_543 : i32
      %convert_element_type3A_545 = arith.extui %lt3A_544 : i1 to i32
      %cond3A_546 = arith.constant 0 : i32
      %cond3A_547 = arith.cmpi ne, %convert_element_type3A_545, %cond3A_546 : i32
      scf.if %cond3A_547 {
        %add3A_974 = arith.constant 7 : i32
        %add3A_975 = arith.addi %add3A_466, %add3A_974 : i32
        %mul3A_976 = arith.constant 2 : i32
        %mul3A_977 = arith.muli %add3A_975, %mul3A_976 : i32
        %add3A_978 = arith.addi %mul3A_2, %mul3A_977 : i32
        %dma_start3A_979 = arith.constant 1 : i32
        %dma_start3A_980 = arith.constant 1 : i32
        %dma_start3A_981 = arith.constant 0 : i32
        %dma_start3A_982 = arith.constant 0 : i32
        %dma_start3A_983 = arith.constant 0 : i32
        %dma_start3A_984 = tpu.memref_slice %arg5[%dma_start3A_979, %dma_start3A_981, %dma_start3A_982, %dma_start3A_983] : memref<8x4x2x1024xf32, #tpu.memory_space<vmem>> -> memref<1x4x2x1024xf32, #tpu.memory_space<vmem>>
        %dma_start3A_985 = tpu.memref_squeeze %dma_start3A_984 : memref<1x4x2x1024xf32, #tpu.memory_space<vmem>> -> memref<4x2x1024xf32, #tpu.memory_space<vmem>>
        %dma_start3A_986 = arith.constant 0 : i32
        %dma_start3A_987 = arith.constant 0 : i32
        %dma_start3A_988 = tpu.memref_slice %arg2[%dma_start3A_986, %add3A_978, %dma_start3A_987] : memref<4x8192x1024xf32, #tpu.memory_space<hbm>> -> memref<4x2x1024xf32, #tpu.memory_space<hbm>>
        %dma_start3A_989 = tpu.memref_slice %arg7[%dma_start3A_980] : memref<8x!tpu.dma_semaphore, #tpu.memory_space<semaphore_mem>> -> memref<1x!tpu.dma_semaphore, #tpu.memory_space<semaphore_mem>>
        %dma_start3A_990 = tpu.memref_squeeze %dma_start3A_989 : memref<1x!tpu.dma_semaphore, #tpu.memory_space<semaphore_mem>> -> memref<!tpu.dma_semaphore, #tpu.memory_space<semaphore_mem>>
        %dma_start3A_991 = arith.constant 0 : i32
        %dma_start3A_992 = arith.constant 0 : i32
        %dma_start3A_993 = arith.constant 0 : i32
        %dma_start3A_994 = tpu.memref_slice %arg5[%dma_start3A_979, %dma_start3A_991, %dma_start3A_992, %dma_start3A_993] : memref<8x4x2x1024xf32, #tpu.memory_space<vmem>> -> memref<1x4x2x1024xf32, #tpu.memory_space<vmem>>
        %dma_start3A_995 = tpu.memref_squeeze %dma_start3A_994 : memref<1x4x2x1024xf32, #tpu.memory_space<vmem>> -> memref<4x2x1024xf32, #tpu.memory_space<vmem>>
        %dma_start3A_996 = arith.constant 0 : i32
        %dma_start3A_997 = arith.constant 0 : i32
        %dma_start3A_998 = tpu.memref_slice %arg2[%dma_start3A_996, %add3A_978, %dma_start3A_997] : memref<4x8192x1024xf32, #tpu.memory_space<hbm>> -> memref<4x2x1024xf32, #tpu.memory_space<hbm>>
        tpu.enqueue_dma source(%dma_start3A_998 : memref<4x2x1024xf32, #tpu.memory_space<hbm>>) target(%dma_start3A_995 : memref<4x2x1024xf32, #tpu.memory_space<vmem>>) target_semaphore(%dma_start3A_990 : memref<!tpu.dma_semaphore, #tpu.memory_space<semaphore_mem>>)
        %dma_start3A_999 = arith.constant 1 : i32
        %dma_start3A_1000 = arith.constant 1 : i32
        %dma_start3A_1001 = arith.constant 0 : i32
        %dma_start3A_1002 = arith.constant 0 : i32
        %dma_start3A_1003 = tpu.memref_slice %arg6[%dma_start3A_999, %dma_start3A_1001, %dma_start3A_1002] : memref<8x2x1024xf32, #tpu.memory_space<vmem>> -> memref<1x2x1024xf32, #tpu.memory_space<vmem>>
        %dma_start3A_1004 = tpu.memref_squeeze %dma_start3A_1003 : memref<1x2x1024xf32, #tpu.memory_space<vmem>> -> memref<2x1024xf32, #tpu.memory_space<vmem>>
        %dma_start3A_1005 = arith.constant 0 : i32
        %dma_start3A_1006 = tpu.memref_slice %arg3[%add3A_978, %dma_start3A_1005] : memref<8192x1024xf32, #tpu.memory_space<hbm>> -> memref<2x1024xf32, #tpu.memory_space<hbm>>
        %dma_start3A_1007 = tpu.memref_slice %arg8[%dma_start3A_1000] : memref<8x!tpu.dma_semaphore, #tpu.memory_space<semaphore_mem>> -> memref<1x!tpu.dma_semaphore, #tpu.memory_space<semaphore_mem>>
        %dma_start3A_1008 = tpu.memref_squeeze %dma_start3A_1007 : memref<1x!tpu.dma_semaphore, #tpu.memory_space<semaphore_mem>> -> memref<!tpu.dma_semaphore, #tpu.memory_space<semaphore_mem>>
        %dma_start3A_1009 = arith.constant 0 : i32
        %dma_start3A_1010 = arith.constant 0 : i32
        %dma_start3A_1011 = tpu.memref_slice %arg6[%dma_start3A_999, %dma_start3A_1009, %dma_start3A_1010] : memref<8x2x1024xf32, #tpu.memory_space<vmem>> -> memref<1x2x1024xf32, #tpu.memory_space<vmem>>
        %dma_start3A_1012 = tpu.memref_squeeze %dma_start3A_1011 : memref<1x2x1024xf32, #tpu.memory_space<vmem>> -> memref<2x1024xf32, #tpu.memory_space<vmem>>
        %dma_start3A_1013 = arith.constant 0 : i32
        %dma_start3A_1014 = tpu.memref_slice %arg3[%add3A_978, %dma_start3A_1013] : memref<8192x1024xf32, #tpu.memory_space<hbm>> -> memref<2x1024xf32, #tpu.memory_space<hbm>>
        tpu.enqueue_dma source(%dma_start3A_1014 : memref<2x1024xf32, #tpu.memory_space<hbm>>) target(%dma_start3A_1012 : memref<2x1024xf32, #tpu.memory_space<vmem>>) target_semaphore(%dma_start3A_1008 : memref<!tpu.dma_semaphore, #tpu.memory_space<semaphore_mem>>)
      } else {
      }
      %mul3A_548 = arith.constant 8 : i32
      %mul3A_549 = arith.muli %mul3A_548, %scan3A_295 : i32
      %add3A_550 = arith.constant 3 : i32
      %add3A_551 = arith.addi %mul3A_549, %add3A_550 : i32
      %mul3A_552 = arith.constant 2 : i32
      %mul3A_553 = arith.muli %add3A_551, %mul3A_552 : i32
      %add3A_554 = arith.addi %mul3A_2, %mul3A_553 : i32
      %dma_wait3A_555 = arith.constant 3 : i32
      %dma_wait3A_556 = arith.constant 3 : i32
      %dma_wait3A_557 = arith.constant 0 : i32
      %dma_wait3A_558 = arith.constant 0 : i32
      %dma_wait3A_559 = arith.constant 0 : i32
      %dma_wait3A_560 = tpu.memref_slice %arg5[%dma_wait3A_555, %dma_wait3A_557, %dma_wait3A_558, %dma_wait3A_559] : memref<8x4x2x1024xf32, #tpu.memory_space<vmem>> -> memref<1x4x2x1024xf32, #tpu.memory_space<vmem>>
      %dma_wait3A_561 = tpu.memref_squeeze %dma_wait3A_560 : memref<1x4x2x1024xf32, #tpu.memory_space<vmem>> -> memref<4x2x1024xf32, #tpu.memory_space<vmem>>
      %dma_wait3A_562 = arith.constant 0 : i32
      %dma_wait3A_563 = arith.constant 0 : i32
      %dma_wait3A_564 = tpu.memref_slice %arg2[%dma_wait3A_562, %add3A_554, %dma_wait3A_563] : memref<4x8192x1024xf32, #tpu.memory_space<hbm>> -> memref<4x2x1024xf32, #tpu.memory_space<hbm>>
      %dma_wait3A_565 = tpu.memref_slice %arg7[%dma_wait3A_556] : memref<8x!tpu.dma_semaphore, #tpu.memory_space<semaphore_mem>> -> memref<1x!tpu.dma_semaphore, #tpu.memory_space<semaphore_mem>>
      %dma_wait3A_566 = tpu.memref_squeeze %dma_wait3A_565 : memref<1x!tpu.dma_semaphore, #tpu.memory_space<semaphore_mem>> -> memref<!tpu.dma_semaphore, #tpu.memory_space<semaphore_mem>>
      %dma_wait3A_567 = arith.constant 0 : i32
      %dma_wait3A_568 = arith.constant 0 : i32
      %dma_wait3A_569 = arith.constant 0 : i32
      %dma_wait3A_570 = tpu.memref_slice %arg5[%dma_wait3A_555, %dma_wait3A_567, %dma_wait3A_568, %dma_wait3A_569] : memref<8x4x2x1024xf32, #tpu.memory_space<vmem>> -> memref<1x4x2x1024xf32, #tpu.memory_space<vmem>>
      %dma_wait3A_571 = tpu.memref_squeeze %dma_wait3A_570 : memref<1x4x2x1024xf32, #tpu.memory_space<vmem>> -> memref<4x2x1024xf32, #tpu.memory_space<vmem>>
      %dma_wait3A_572 = arith.constant 0 : i32
      %dma_wait3A_573 = arith.constant 0 : i32
      %dma_wait3A_574 = tpu.memref_slice %arg2[%dma_wait3A_572, %add3A_554, %dma_wait3A_573] : memref<4x8192x1024xf32, #tpu.memory_space<hbm>> -> memref<4x2x1024xf32, #tpu.memory_space<hbm>>
      tpu.wait_dma2 semaphore(%dma_wait3A_566 : memref<!tpu.dma_semaphore, #tpu.memory_space<semaphore_mem>>) src(%dma_wait3A_574 : memref<4x2x1024xf32, #tpu.memory_space<hbm>>) dst(%dma_wait3A_571 : memref<4x2x1024xf32, #tpu.memory_space<vmem>>)
      %dma_wait3A_575 = arith.constant 3 : i32
      %dma_wait3A_576 = arith.constant 3 : i32
      %dma_wait3A_577 = arith.constant 0 : i32
      %dma_wait3A_578 = arith.constant 0 : i32
      %dma_wait3A_579 = tpu.memref_slice %arg6[%dma_wait3A_575, %dma_wait3A_577, %dma_wait3A_578] : memref<8x2x1024xf32, #tpu.memory_space<vmem>> -> memref<1x2x1024xf32, #tpu.memory_space<vmem>>
      %dma_wait3A_580 = tpu.memref_squeeze %dma_wait3A_579 : memref<1x2x1024xf32, #tpu.memory_space<vmem>> -> memref<2x1024xf32, #tpu.memory_space<vmem>>
      %dma_wait3A_581 = arith.constant 0 : i32
      %dma_wait3A_582 = tpu.memref_slice %arg3[%add3A_554, %dma_wait3A_581] : memref<8192x1024xf32, #tpu.memory_space<hbm>> -> memref<2x1024xf32, #tpu.memory_space<hbm>>
      %dma_wait3A_583 = tpu.memref_slice %arg8[%dma_wait3A_576] : memref<8x!tpu.dma_semaphore, #tpu.memory_space<semaphore_mem>> -> memref<1x!tpu.dma_semaphore, #tpu.memory_space<semaphore_mem>>
      %dma_wait3A_584 = tpu.memref_squeeze %dma_wait3A_583 : memref<1x!tpu.dma_semaphore, #tpu.memory_space<semaphore_mem>> -> memref<!tpu.dma_semaphore, #tpu.memory_space<semaphore_mem>>
      %dma_wait3A_585 = arith.constant 0 : i32
      %dma_wait3A_586 = arith.constant 0 : i32
      %dma_wait3A_587 = tpu.memref_slice %arg6[%dma_wait3A_575, %dma_wait3A_585, %dma_wait3A_586] : memref<8x2x1024xf32, #tpu.memory_space<vmem>> -> memref<1x2x1024xf32, #tpu.memory_space<vmem>>
      %dma_wait3A_588 = tpu.memref_squeeze %dma_wait3A_587 : memref<1x2x1024xf32, #tpu.memory_space<vmem>> -> memref<2x1024xf32, #tpu.memory_space<vmem>>
      %dma_wait3A_589 = arith.constant 0 : i32
      %dma_wait3A_590 = tpu.memref_slice %arg3[%add3A_554, %dma_wait3A_589] : memref<8192x1024xf32, #tpu.memory_space<hbm>> -> memref<2x1024xf32, #tpu.memory_space<hbm>>
      tpu.wait_dma2 semaphore(%dma_wait3A_584 : memref<!tpu.dma_semaphore, #tpu.memory_space<semaphore_mem>>) src(%dma_wait3A_590 : memref<2x1024xf32, #tpu.memory_space<hbm>>) dst(%dma_wait3A_588 : memref<2x1024xf32, #tpu.memory_space<vmem>>)
      %scan3A_591 = arith.constant 0 : i32
      %scan3A_592 = arith.constant 0 : i32
      %scan3A_593 = arith.constant 64 : i32
      %scan3A_594 = arith.addi %scan3A_592, %scan3A_593 : i32
      %scan3A_595 = arith.constant 1 : i32
      %scan3A_596 = scf.for %scan3A_974 = %scan3A_592 to %scan3A_594 step %scan3A_595 iter_args(%scan3A_975 = %scan3A_591) -> (i32)  : i32 {
        %mul3A_976 = arith.constant 16 : i32
        %mul3A_977 = arith.muli %scan3A_974, %mul3A_976 : i32
        %get3A = arith.constant 3 : i32
        %get3A_978 = arith.constant 0 : i32
        %get3A_979 = arith.index_cast %get3A : i32 to index
        %get3A_980 = arith.index_cast %get3A_978 : i32 to index
        %get3A_981 = arith.index_cast %mul3A_977 : i32 to index
        %get3A_982 = tpu.vector_load %arg6[%get3A_979, %get3A_980, %get3A_981] {strides = array<i32>} : memref<8x2x1024xf32, #tpu.memory_space<vmem>>, vector<1x1x16xf32>,
        %get3A_983 = vector.shape_cast %get3A_982 : vector<1x1x16xf32> to vector<16xf32>
        %get3A_984 = arith.constant 3 : i32
        %get3A_985 = arith.constant 0 : i32
        %get3A_986 = arith.constant 0 : i32
        %get3A_987 = arith.index_cast %get3A_984 : i32 to index
        %get3A_988 = arith.index_cast %get3A_985 : i32 to index
        %get3A_989 = arith.index_cast %get3A_986 : i32 to index
        %get3A_990 = arith.index_cast %mul3A_977 : i32 to index
        %get3A_991 = tpu.vector_load %arg5[%get3A_987, %get3A_988, %get3A_989, %get3A_990] {strides = array<i32>} : memref<8x4x2x1024xf32, #tpu.memory_space<vmem>>, vector<1x1x1x16xf32>,
        %get3A_992 = vector.shape_cast %get3A_991 : vector<1x1x1x16xf32> to vector<16xf32>
        %add3A_993 = arith.addf %get3A_992, %get3A_983 : vector<16xf32>
        %swap3A = arith.constant 3 : i32
        %swap3A_994 = arith.constant 0 : i32
        %swap3A_995 = arith.constant 0 : i32
        %swap3A_996 = arith.index_cast %swap3A : i32 to index
        %swap3A_997 = arith.index_cast %swap3A_994 : i32 to index
        %swap3A_998 = arith.index_cast %swap3A_995 : i32 to index
        %swap3A_999 = arith.index_cast %mul3A_977 : i32 to index
        %swap3A_1000 = tpu.vector_load %arg5[%swap3A_996, %swap3A_997, %swap3A_998, %swap3A_999] {strides = array<i32>} : memref<8x4x2x1024xf32, #tpu.memory_space<vmem>>, vector<1x1x1x16xf32>,
        %swap3A_1001 = vector.shape_cast %swap3A_1000 : vector<1x1x1x16xf32> to vector<16xf32>
        %swap3A_1002 = vector.shape_cast %add3A_993 : vector<16xf32> to vector<1x1x1x16xf32>
        tpu.vector_store %arg5[%swap3A_996, %swap3A_997, %swap3A_998, %swap3A_999], %swap3A_1002 {strides = array<i32>} : memref<8x4x2x1024xf32, #tpu.memory_space<vmem>>, vector<1x1x1x16xf32>,
        %get3A_1003 = arith.constant 3 : i32
        %get3A_1004 = arith.constant 1 : i32
        %get3A_1005 = arith.constant 0 : i32
        %get3A_1006 = arith.index_cast %get3A_1003 : i32 to index
        %get3A_1007 = arith.index_cast %get3A_1004 : i32 to index
        %get3A_1008 = arith.index_cast %get3A_1005 : i32 to index
        %get3A_1009 = arith.index_cast %mul3A_977 : i32 to index
        %get3A_1010 = tpu.vector_load %arg5[%get3A_1006, %get3A_1007, %get3A_1008, %get3A_1009] {strides = array<i32>} : memref<8x4x2x1024xf32, #tpu.memory_space<vmem>>, vector<1x1x1x16xf32>,
        %get3A_1011 = vector.shape_cast %get3A_1010 : vector<1x1x1x16xf32> to vector<16xf32>
        %add3A_1012 = arith.addf %get3A_1011, %get3A_983 : vector<16xf32>
        %swap3A_1013 = arith.constant 3 : i32
        %swap3A_1014 = arith.constant 1 : i32
        %swap3A_1015 = arith.constant 0 : i32
        %swap3A_1016 = arith.index_cast %swap3A_1013 : i32 to index
        %swap3A_1017 = arith.index_cast %swap3A_1014 : i32 to index
        %swap3A_1018 = arith.index_cast %swap3A_1015 : i32 to index
        %swap3A_1019 = arith.index_cast %mul3A_977 : i32 to index
        %swap3A_1020 = tpu.vector_load %arg5[%swap3A_1016, %swap3A_1017, %swap3A_1018, %swap3A_1019] {strides = array<i32>} : memref<8x4x2x1024xf32, #tpu.memory_space<vmem>>, vector<1x1x1x16xf32>,
        %swap3A_1021 = vector.shape_cast %swap3A_1020 : vector<1x1x1x16xf32> to vector<16xf32>
        %swap3A_1022 = vector.shape_cast %add3A_1012 : vector<16xf32> to vector<1x1x1x16xf32>
        tpu.vector_store %arg5[%swap3A_1016, %swap3A_1017, %swap3A_1018, %swap3A_1019], %swap3A_1022 {strides = array<i32>} : memref<8x4x2x1024xf32, #tpu.memory_space<vmem>>, vector<1x1x1x16xf32>,
        %get3A_1023 = arith.constant 3 : i32
        %get3A_1024 = arith.constant 2 : i32
        %get3A_1025 = arith.constant 0 : i32
        %get3A_1026 = arith.index_cast %get3A_1023 : i32 to index
        %get3A_1027 = arith.index_cast %get3A_1024 : i32 to index
        %get3A_1028 = arith.index_cast %get3A_1025 : i32 to index
        %get3A_1029 = arith.index_cast %mul3A_977 : i32 to index
        %get3A_1030 = tpu.vector_load %arg5[%get3A_1026, %get3A_1027, %get3A_1028, %get3A_1029] {strides = array<i32>} : memref<8x4x2x1024xf32, #tpu.memory_space<vmem>>, vector<1x1x1x16xf32>,
        %get3A_1031 = vector.shape_cast %get3A_1030 : vector<1x1x1x16xf32> to vector<16xf32>
        %add3A_1032 = arith.addf %get3A_1031, %get3A_983 : vector<16xf32>
        %swap3A_1033 = arith.constant 3 : i32
        %swap3A_1034 = arith.constant 2 : i32
        %swap3A_1035 = arith.constant 0 : i32
        %swap3A_1036 = arith.index_cast %swap3A_1033 : i32 to index
        %swap3A_1037 = arith.index_cast %swap3A_1034 : i32 to index
        %swap3A_1038 = arith.index_cast %swap3A_1035 : i32 to index
        %swap3A_1039 = arith.index_cast %mul3A_977 : i32 to index
        %swap3A_1040 = tpu.vector_load %arg5[%swap3A_1036, %swap3A_1037, %swap3A_1038, %swap3A_1039] {strides = array<i32>} : memref<8x4x2x1024xf32, #tpu.memory_space<vmem>>, vector<1x1x1x16xf32>,
        %swap3A_1041 = vector.shape_cast %swap3A_1040 : vector<1x1x1x16xf32> to vector<16xf32>
        %swap3A_1042 = vector.shape_cast %add3A_1032 : vector<16xf32> to vector<1x1x1x16xf32>
        tpu.vector_store %arg5[%swap3A_1036, %swap3A_1037, %swap3A_1038, %swap3A_1039], %swap3A_1042 {strides = array<i32>} : memref<8x4x2x1024xf32, #tpu.memory_space<vmem>>, vector<1x1x1x16xf32>,
        %get3A_1043 = arith.constant 3 : i32
        %get3A_1044 = arith.constant 3 : i32
        %get3A_1045 = arith.constant 0 : i32
        %get3A_1046 = arith.index_cast %get3A_1043 : i32 to index
        %get3A_1047 = arith.index_cast %get3A_1044 : i32 to index
        %get3A_1048 = arith.index_cast %get3A_1045 : i32 to index
        %get3A_1049 = arith.index_cast %mul3A_977 : i32 to index
        %get3A_1050 = tpu.vector_load %arg5[%get3A_1046, %get3A_1047, %get3A_1048, %get3A_1049] {strides = array<i32>} : memref<8x4x2x1024xf32, #tpu.memory_space<vmem>>, vector<1x1x1x16xf32>,
        %get3A_1051 = vector.shape_cast %get3A_1050 : vector<1x1x1x16xf32> to vector<16xf32>
        %add3A_1052 = arith.addf %get3A_1051, %get3A_983 : vector<16xf32>
        %swap3A_1053 = arith.constant 3 : i32
        %swap3A_1054 = arith.constant 3 : i32
        %swap3A_1055 = arith.constant 0 : i32
        %swap3A_1056 = arith.index_cast %swap3A_1053 : i32 to index
        %swap3A_1057 = arith.index_cast %swap3A_1054 : i32 to index
        %swap3A_1058 = arith.index_cast %swap3A_1055 : i32 to index
        %swap3A_1059 = arith.index_cast %mul3A_977 : i32 to index
        %swap3A_1060 = tpu.vector_load %arg5[%swap3A_1056, %swap3A_1057, %swap3A_1058, %swap3A_1059] {strides = array<i32>} : memref<8x4x2x1024xf32, #tpu.memory_space<vmem>>, vector<1x1x1x16xf32>,
        %swap3A_1061 = vector.shape_cast %swap3A_1060 : vector<1x1x1x16xf32> to vector<16xf32>
        %swap3A_1062 = vector.shape_cast %add3A_1052 : vector<16xf32> to vector<1x1x1x16xf32>
        tpu.vector_store %arg5[%swap3A_1056, %swap3A_1057, %swap3A_1058, %swap3A_1059], %swap3A_1062 {strides = array<i32>} : memref<8x4x2x1024xf32, #tpu.memory_space<vmem>>, vector<1x1x1x16xf32>,
        %get3A_1063 = arith.constant 3 : i32
        %get3A_1064 = arith.constant 1 : i32
        %get3A_1065 = arith.index_cast %get3A_1063 : i32 to index
        %get3A_1066 = arith.index_cast %get3A_1064 : i32 to index
        %get3A_1067 = arith.index_cast %mul3A_977 : i32 to index
        %get3A_1068 = tpu.vector_load %arg6[%get3A_1065, %get3A_1066, %get3A_1067] {strides = array<i32>} : memref<8x2x1024xf32, #tpu.memory_space<vmem>>, vector<1x1x16xf32>,
        %get3A_1069 = vector.shape_cast %get3A_1068 : vector<1x1x16xf32> to vector<16xf32>
        %get3A_1070 = arith.constant 3 : i32
        %get3A_1071 = arith.constant 0 : i32
        %get3A_1072 = arith.constant 1 : i32
        %get3A_1073 = arith.index_cast %get3A_1070 : i32 to index
        %get3A_1074 = arith.index_cast %get3A_1071 : i32 to index
        %get3A_1075 = arith.index_cast %get3A_1072 : i32 to index
        %get3A_1076 = arith.index_cast %mul3A_977 : i32 to index
        %get3A_1077 = tpu.vector_load %arg5[%get3A_1073, %get3A_1074, %get3A_1075, %get3A_1076] {strides = array<i32>} : memref<8x4x2x1024xf32, #tpu.memory_space<vmem>>, vector<1x1x1x16xf32>,
        %get3A_1078 = vector.shape_cast %get3A_1077 : vector<1x1x1x16xf32> to vector<16xf32>
        %add3A_1079 = arith.addf %get3A_1078, %get3A_1069 : vector<16xf32>
        %swap3A_1080 = arith.constant 3 : i32
        %swap3A_1081 = arith.constant 0 : i32
        %swap3A_1082 = arith.constant 1 : i32
        %swap3A_1083 = arith.index_cast %swap3A_1080 : i32 to index
        %swap3A_1084 = arith.index_cast %swap3A_1081 : i32 to index
        %swap3A_1085 = arith.index_cast %swap3A_1082 : i32 to index
        %swap3A_1086 = arith.index_cast %mul3A_977 : i32 to index
        %swap3A_1087 = tpu.vector_load %arg5[%swap3A_1083, %swap3A_1084, %swap3A_1085, %swap3A_1086] {strides = array<i32>} : memref<8x4x2x1024xf32, #tpu.memory_space<vmem>>, vector<1x1x1x16xf32>,
        %swap3A_1088 = vector.shape_cast %swap3A_1087 : vector<1x1x1x16xf32> to vector<16xf32>
        %swap3A_1089 = vector.shape_cast %add3A_1079 : vector<16xf32> to vector<1x1x1x16xf32>
        tpu.vector_store %arg5[%swap3A_1083, %swap3A_1084, %swap3A_1085, %swap3A_1086], %swap3A_1089 {strides = array<i32>} : memref<8x4x2x1024xf32, #tpu.memory_space<vmem>>, vector<1x1x1x16xf32>,
        %get3A_1090 = arith.constant 3 : i32
        %get3A_1091 = arith.constant 1 : i32
        %get3A_1092 = arith.constant 1 : i32
        %get3A_1093 = arith.index_cast %get3A_1090 : i32 to index
        %get3A_1094 = arith.index_cast %get3A_1091 : i32 to index
        %get3A_1095 = arith.index_cast %get3A_1092 : i32 to index
        %get3A_1096 = arith.index_cast %mul3A_977 : i32 to index
        %get3A_1097 = tpu.vector_load %arg5[%get3A_1093, %get3A_1094, %get3A_1095, %get3A_1096] {strides = array<i32>} : memref<8x4x2x1024xf32, #tpu.memory_space<vmem>>, vector<1x1x1x16xf32>,
        %get3A_1098 = vector.shape_cast %get3A_1097 : vector<1x1x1x16xf32> to vector<16xf32>
        %add3A_1099 = arith.addf %get3A_1098, %get3A_1069 : vector<16xf32>
        %swap3A_1100 = arith.constant 3 : i32
        %swap3A_1101 = arith.constant 1 : i32
        %swap3A_1102 = arith.constant 1 : i32
        %swap3A_1103 = arith.index_cast %swap3A_1100 : i32 to index
        %swap3A_1104 = arith.index_cast %swap3A_1101 : i32 to index
        %swap3A_1105 = arith.index_cast %swap3A_1102 : i32 to index
        %swap3A_1106 = arith.index_cast %mul3A_977 : i32 to index
        %swap3A_1107 = tpu.vector_load %arg5[%swap3A_1103, %swap3A_1104, %swap3A_1105, %swap3A_1106] {strides = array<i32>} : memref<8x4x2x1024xf32, #tpu.memory_space<vmem>>, vector<1x1x1x16xf32>,
        %swap3A_1108 = vector.shape_cast %swap3A_1107 : vector<1x1x1x16xf32> to vector<16xf32>
        %swap3A_1109 = vector.shape_cast %add3A_1099 : vector<16xf32> to vector<1x1x1x16xf32>
        tpu.vector_store %arg5[%swap3A_1103, %swap3A_1104, %swap3A_1105, %swap3A_1106], %swap3A_1109 {strides = array<i32>} : memref<8x4x2x1024xf32, #tpu.memory_space<vmem>>, vector<1x1x1x16xf32>,
        %get3A_1110 = arith.constant 3 : i32
        %get3A_1111 = arith.constant 2 : i32
        %get3A_1112 = arith.constant 1 : i32
        %get3A_1113 = arith.index_cast %get3A_1110 : i32 to index
        %get3A_1114 = arith.index_cast %get3A_1111 : i32 to index
        %get3A_1115 = arith.index_cast %get3A_1112 : i32 to index
        %get3A_1116 = arith.index_cast %mul3A_977 : i32 to index
        %get3A_1117 = tpu.vector_load %arg5[%get3A_1113, %get3A_1114, %get3A_1115, %get3A_1116] {strides = array<i32>} : memref<8x4x2x1024xf32, #tpu.memory_space<vmem>>, vector<1x1x1x16xf32>,
        %get3A_1118 = vector.shape_cast %get3A_1117 : vector<1x1x1x16xf32> to vector<16xf32>
        %add3A_1119 = arith.addf %get3A_1118, %get3A_1069 : vector<16xf32>
        %swap3A_1120 = arith.constant 3 : i32
        %swap3A_1121 = arith.constant 2 : i32
        %swap3A_1122 = arith.constant 1 : i32
        %swap3A_1123 = arith.index_cast %swap3A_1120 : i32 to index
        %swap3A_1124 = arith.index_cast %swap3A_1121 : i32 to index
        %swap3A_1125 = arith.index_cast %swap3A_1122 : i32 to index
        %swap3A_1126 = arith.index_cast %mul3A_977 : i32 to index
        %swap3A_1127 = tpu.vector_load %arg5[%swap3A_1123, %swap3A_1124, %swap3A_1125, %swap3A_1126] {strides = array<i32>} : memref<8x4x2x1024xf32, #tpu.memory_space<vmem>>, vector<1x1x1x16xf32>,
        %swap3A_1128 = vector.shape_cast %swap3A_1127 : vector<1x1x1x16xf32> to vector<16xf32>
        %swap3A_1129 = vector.shape_cast %add3A_1119 : vector<16xf32> to vector<1x1x1x16xf32>
        tpu.vector_store %arg5[%swap3A_1123, %swap3A_1124, %swap3A_1125, %swap3A_1126], %swap3A_1129 {strides = array<i32>} : memref<8x4x2x1024xf32, #tpu.memory_space<vmem>>, vector<1x1x1x16xf32>,
        %get3A_1130 = arith.constant 3 : i32
        %get3A_1131 = arith.constant 3 : i32
        %get3A_1132 = arith.constant 1 : i32
        %get3A_1133 = arith.index_cast %get3A_1130 : i32 to index
        %get3A_1134 = arith.index_cast %get3A_1131 : i32 to index
        %get3A_1135 = arith.index_cast %get3A_1132 : i32 to index
        %get3A_1136 = arith.index_cast %mul3A_977 : i32 to index
        %get3A_1137 = tpu.vector_load %arg5[%get3A_1133, %get3A_1134, %get3A_1135, %get3A_1136] {strides = array<i32>} : memref<8x4x2x1024xf32, #tpu.memory_space<vmem>>, vector<1x1x1x16xf32>,
        %get3A_1138 = vector.shape_cast %get3A_1137 : vector<1x1x1x16xf32> to vector<16xf32>
        %add3A_1139 = arith.addf %get3A_1138, %get3A_1069 : vector<16xf32>
        %swap3A_1140 = arith.constant 3 : i32
        %swap3A_1141 = arith.constant 3 : i32
        %swap3A_1142 = arith.constant 1 : i32
        %swap3A_1143 = arith.index_cast %swap3A_1140 : i32 to index
        %swap3A_1144 = arith.index_cast %swap3A_1141 : i32 to index
        %swap3A_1145 = arith.index_cast %swap3A_1142 : i32 to index
        %swap3A_1146 = arith.index_cast %mul3A_977 : i32 to index
        %swap3A_1147 = tpu.vector_load %arg5[%swap3A_1143, %swap3A_1144, %swap3A_1145, %swap3A_1146] {strides = array<i32>} : memref<8x4x2x1024xf32, #tpu.memory_space<vmem>>, vector<1x1x1x16xf32>,
        %swap3A_1148 = vector.shape_cast %swap3A_1147 : vector<1x1x1x16xf32> to vector<16xf32>
        %swap3A_1149 = vector.shape_cast %add3A_1139 : vector<16xf32> to vector<1x1x1x16xf32>
        tpu.vector_store %arg5[%swap3A_1143, %swap3A_1144, %swap3A_1145, %swap3A_1146], %swap3A_1149 {strides = array<i32>} : memref<8x4x2x1024xf32, #tpu.memory_space<vmem>>, vector<1x1x1x16xf32>,
        %scan3A_1150 = arith.constant 0 : i32
        scf.yield %scan3A_1150 : i32
      }
      %scan3A_597 = arith.constant 64 : i32
      %mul3A_598 = arith.constant 2 : i32
      %mul3A_599 = arith.muli %add3A_551, %mul3A_598 : i32
      %add3A_600 = arith.addi %mul3A_2, %mul3A_599 : i32
      %dma_start3A_601 = arith.constant 3 : i32
      %dma_start3A_602 = arith.constant 3 : i32
      %dma_start3A_603 = arith.constant 0 : i32
      %dma_start3A_604 = arith.constant 0 : i32
      %dma_start3A_605 = arith.constant 0 : i32
      %dma_start3A_606 = tpu.memref_slice %arg5[%dma_start3A_601, %dma_start3A_603, %dma_start3A_604, %dma_start3A_605] : memref<8x4x2x1024xf32, #tpu.memory_space<vmem>> -> memref<1x4x2x1024xf32, #tpu.memory_space<vmem>>
      %dma_start3A_607 = tpu.memref_squeeze %dma_start3A_606 : memref<1x4x2x1024xf32, #tpu.memory_space<vmem>> -> memref<4x2x1024xf32, #tpu.memory_space<vmem>>
      %dma_start3A_608 = arith.constant 0 : i32
      %dma_start3A_609 = arith.constant 0 : i32
      %dma_start3A_610 = tpu.memref_slice %arg4[%dma_start3A_608, %add3A_600, %dma_start3A_609] : memref<4x8192x1024xf32, #tpu.memory_space<hbm>> -> memref<4x2x1024xf32, #tpu.memory_space<hbm>>
      %dma_start3A_611 = tpu.memref_slice %arg9[%dma_start3A_602] : memref<8x!tpu.dma_semaphore, #tpu.memory_space<semaphore_mem>> -> memref<1x!tpu.dma_semaphore, #tpu.memory_space<semaphore_mem>>
      %dma_start3A_612 = tpu.memref_squeeze %dma_start3A_611 : memref<1x!tpu.dma_semaphore, #tpu.memory_space<semaphore_mem>> -> memref<!tpu.dma_semaphore, #tpu.memory_space<semaphore_mem>>
      %dma_start3A_613 = arith.constant 0 : i32
      %dma_start3A_614 = arith.constant 0 : i32
      %dma_start3A_615 = tpu.memref_slice %arg4[%dma_start3A_613, %add3A_600, %dma_start3A_614] : memref<4x8192x1024xf32, #tpu.memory_space<hbm>> -> memref<4x2x1024xf32, #tpu.memory_space<hbm>>
      %dma_start3A_616 = arith.constant 0 : i32
      %dma_start3A_617 = arith.constant 0 : i32
      %dma_start3A_618 = arith.constant 0 : i32
      %dma_start3A_619 = tpu.memref_slice %arg5[%dma_start3A_601, %dma_start3A_616, %dma_start3A_617, %dma_start3A_618] : memref<8x4x2x1024xf32, #tpu.memory_space<vmem>> -> memref<1x4x2x1024xf32, #tpu.memory_space<vmem>>
      %dma_start3A_620 = tpu.memref_squeeze %dma_start3A_619 : memref<1x4x2x1024xf32, #tpu.memory_space<vmem>> -> memref<4x2x1024xf32, #tpu.memory_space<vmem>>
      tpu.enqueue_dma source(%dma_start3A_620 : memref<4x2x1024xf32, #tpu.memory_space<vmem>>) target(%dma_start3A_615 : memref<4x2x1024xf32, #tpu.memory_space<hbm>>) target_semaphore(%dma_start3A_612 : memref<!tpu.dma_semaphore, #tpu.memory_space<semaphore_mem>>)
      %ge3A_621 = arith.constant 1 : i32
      %ge3A_622 = arith.cmpi sge, %add3A_551, %ge3A_621 : i32
      %convert_element_type3A_623 = arith.extui %ge3A_622 : i1 to i32
      %cond3A_624 = arith.constant 0 : i32
      %cond3A_625 = arith.cmpi ne, %convert_element_type3A_623, %cond3A_624 : i32
      scf.if %cond3A_625 {
        %sub3A = arith.constant 1 : i32
        %sub3A_974 = arith.subi %add3A_551, %sub3A : i32
        %mul3A_975 = arith.constant 2 : i32
        %mul3A_976 = arith.muli %sub3A_974, %mul3A_975 : i32
        %add3A_977 = arith.addi %mul3A_2, %mul3A_976 : i32
        %dma_wait3A_978 = arith.constant 2 : i32
        %dma_wait3A_979 = arith.constant 2 : i32
        %dma_wait3A_980 = arith.constant 0 : i32
        %dma_wait3A_981 = arith.constant 0 : i32
        %dma_wait3A_982 = arith.constant 0 : i32
        %dma_wait3A_983 = tpu.memref_slice %arg5[%dma_wait3A_978, %dma_wait3A_980, %dma_wait3A_981, %dma_wait3A_982] : memref<8x4x2x1024xf32, #tpu.memory_space<vmem>> -> memref<1x4x2x1024xf32, #tpu.memory_space<vmem>>
        %dma_wait3A_984 = tpu.memref_squeeze %dma_wait3A_983 : memref<1x4x2x1024xf32, #tpu.memory_space<vmem>> -> memref<4x2x1024xf32, #tpu.memory_space<vmem>>
        %dma_wait3A_985 = arith.constant 0 : i32
        %dma_wait3A_986 = arith.constant 0 : i32
        %dma_wait3A_987 = tpu.memref_slice %arg4[%dma_wait3A_985, %add3A_977, %dma_wait3A_986] : memref<4x8192x1024xf32, #tpu.memory_space<hbm>> -> memref<4x2x1024xf32, #tpu.memory_space<hbm>>
        %dma_wait3A_988 = tpu.memref_slice %arg9[%dma_wait3A_979] : memref<8x!tpu.dma_semaphore, #tpu.memory_space<semaphore_mem>> -> memref<1x!tpu.dma_semaphore, #tpu.memory_space<semaphore_mem>>
        %dma_wait3A_989 = tpu.memref_squeeze %dma_wait3A_988 : memref<1x!tpu.dma_semaphore, #tpu.memory_space<semaphore_mem>> -> memref<!tpu.dma_semaphore, #tpu.memory_space<semaphore_mem>>
        %dma_wait3A_990 = arith.constant 0 : i32
        %dma_wait3A_991 = arith.constant 0 : i32
        %dma_wait3A_992 = tpu.memref_slice %arg4[%dma_wait3A_990, %add3A_977, %dma_wait3A_991] : memref<4x8192x1024xf32, #tpu.memory_space<hbm>> -> memref<4x2x1024xf32, #tpu.memory_space<hbm>>
        %dma_wait3A_993 = arith.constant 0 : i32
        %dma_wait3A_994 = arith.constant 0 : i32
        %dma_wait3A_995 = arith.constant 0 : i32
        %dma_wait3A_996 = tpu.memref_slice %arg5[%dma_wait3A_978, %dma_wait3A_993, %dma_wait3A_994, %dma_wait3A_995] : memref<8x4x2x1024xf32, #tpu.memory_space<vmem>> -> memref<1x4x2x1024xf32, #tpu.memory_space<vmem>>
        %dma_wait3A_997 = tpu.memref_squeeze %dma_wait3A_996 : memref<1x4x2x1024xf32, #tpu.memory_space<vmem>> -> memref<4x2x1024xf32, #tpu.memory_space<vmem>>
        tpu.wait_dma2 semaphore(%dma_wait3A_989 : memref<!tpu.dma_semaphore, #tpu.memory_space<semaphore_mem>>) src(%dma_wait3A_997 : memref<4x2x1024xf32, #tpu.memory_space<vmem>>) dst(%dma_wait3A_992 : memref<4x2x1024xf32, #tpu.memory_space<hbm>>)
      } else {
      }
      %add3A_626 = arith.constant 7 : i32
      %add3A_627 = arith.addi %add3A_551, %add3A_626 : i32
      %lt3A_628 = arith.constant 128 : i32
      %lt3A_629 = arith.cmpi slt, %add3A_627, %lt3A_628 : i32
      %convert_element_type3A_630 = arith.extui %lt3A_629 : i1 to i32
      %cond3A_631 = arith.constant 0 : i32
      %cond3A_632 = arith.cmpi ne, %convert_element_type3A_630, %cond3A_631 : i32
      scf.if %cond3A_632 {
        %add3A_974 = arith.constant 7 : i32
        %add3A_975 = arith.addi %add3A_551, %add3A_974 : i32
        %mul3A_976 = arith.constant 2 : i32
        %mul3A_977 = arith.muli %add3A_975, %mul3A_976 : i32
        %add3A_978 = arith.addi %mul3A_2, %mul3A_977 : i32
        %dma_start3A_979 = arith.constant 2 : i32
        %dma_start3A_980 = arith.constant 2 : i32
        %dma_start3A_981 = arith.constant 0 : i32
        %dma_start3A_982 = arith.constant 0 : i32
        %dma_start3A_983 = arith.constant 0 : i32
        %dma_start3A_984 = tpu.memref_slice %arg5[%dma_start3A_979, %dma_start3A_981, %dma_start3A_982, %dma_start3A_983] : memref<8x4x2x1024xf32, #tpu.memory_space<vmem>> -> memref<1x4x2x1024xf32, #tpu.memory_space<vmem>>
        %dma_start3A_985 = tpu.memref_squeeze %dma_start3A_984 : memref<1x4x2x1024xf32, #tpu.memory_space<vmem>> -> memref<4x2x1024xf32, #tpu.memory_space<vmem>>
        %dma_start3A_986 = arith.constant 0 : i32
        %dma_start3A_987 = arith.constant 0 : i32
        %dma_start3A_988 = tpu.memref_slice %arg2[%dma_start3A_986, %add3A_978, %dma_start3A_987] : memref<4x8192x1024xf32, #tpu.memory_space<hbm>> -> memref<4x2x1024xf32, #tpu.memory_space<hbm>>
        %dma_start3A_989 = tpu.memref_slice %arg7[%dma_start3A_980] : memref<8x!tpu.dma_semaphore, #tpu.memory_space<semaphore_mem>> -> memref<1x!tpu.dma_semaphore, #tpu.memory_space<semaphore_mem>>
        %dma_start3A_990 = tpu.memref_squeeze %dma_start3A_989 : memref<1x!tpu.dma_semaphore, #tpu.memory_space<semaphore_mem>> -> memref<!tpu.dma_semaphore, #tpu.memory_space<semaphore_mem>>
        %dma_start3A_991 = arith.constant 0 : i32
        %dma_start3A_992 = arith.constant 0 : i32
        %dma_start3A_993 = arith.constant 0 : i32
        %dma_start3A_994 = tpu.memref_slice %arg5[%dma_start3A_979, %dma_start3A_991, %dma_start3A_992, %dma_start3A_993] : memref<8x4x2x1024xf32, #tpu.memory_space<vmem>> -> memref<1x4x2x1024xf32, #tpu.memory_space<vmem>>
        %dma_start3A_995 = tpu.memref_squeeze %dma_start3A_994 : memref<1x4x2x1024xf32, #tpu.memory_space<vmem>> -> memref<4x2x1024xf32, #tpu.memory_space<vmem>>
        %dma_start3A_996 = arith.constant 0 : i32
        %dma_start3A_997 = arith.constant 0 : i32
        %dma_start3A_998 = tpu.memref_slice %arg2[%dma_start3A_996, %add3A_978, %dma_start3A_997] : memref<4x8192x1024xf32, #tpu.memory_space<hbm>> -> memref<4x2x1024xf32, #tpu.memory_space<hbm>>
        tpu.enqueue_dma source(%dma_start3A_998 : memref<4x2x1024xf32, #tpu.memory_space<hbm>>) target(%dma_start3A_995 : memref<4x2x1024xf32, #tpu.memory_space<vmem>>) target_semaphore(%dma_start3A_990 : memref<!tpu.dma_semaphore, #tpu.memory_space<semaphore_mem>>)
        %dma_start3A_999 = arith.constant 2 : i32
        %dma_start3A_1000 = arith.constant 2 : i32
        %dma_start3A_1001 = arith.constant 0 : i32
        %dma_start3A_1002 = arith.constant 0 : i32
        %dma_start3A_1003 = tpu.memref_slice %arg6[%dma_start3A_999, %dma_start3A_1001, %dma_start3A_1002] : memref<8x2x1024xf32, #tpu.memory_space<vmem>> -> memref<1x2x1024xf32, #tpu.memory_space<vmem>>
        %dma_start3A_1004 = tpu.memref_squeeze %dma_start3A_1003 : memref<1x2x1024xf32, #tpu.memory_space<vmem>> -> memref<2x1024xf32, #tpu.memory_space<vmem>>
        %dma_start3A_1005 = arith.constant 0 : i32
        %dma_start3A_1006 = tpu.memref_slice %arg3[%add3A_978, %dma_start3A_1005] : memref<8192x1024xf32, #tpu.memory_space<hbm>> -> memref<2x1024xf32, #tpu.memory_space<hbm>>
        %dma_start3A_1007 = tpu.memref_slice %arg8[%dma_start3A_1000] : memref<8x!tpu.dma_semaphore, #tpu.memory_space<semaphore_mem>> -> memref<1x!tpu.dma_semaphore, #tpu.memory_space<semaphore_mem>>
        %dma_start3A_1008 = tpu.memref_squeeze %dma_start3A_1007 : memref<1x!tpu.dma_semaphore, #tpu.memory_space<semaphore_mem>> -> memref<!tpu.dma_semaphore, #tpu.memory_space<semaphore_mem>>
        %dma_start3A_1009 = arith.constant 0 : i32
        %dma_start3A_1010 = arith.constant 0 : i32
        %dma_start3A_1011 = tpu.memref_slice %arg6[%dma_start3A_999, %dma_start3A_1009, %dma_start3A_1010] : memref<8x2x1024xf32, #tpu.memory_space<vmem>> -> memref<1x2x1024xf32, #tpu.memory_space<vmem>>
        %dma_start3A_1012 = tpu.memref_squeeze %dma_start3A_1011 : memref<1x2x1024xf32, #tpu.memory_space<vmem>> -> memref<2x1024xf32, #tpu.memory_space<vmem>>
        %dma_start3A_1013 = arith.constant 0 : i32
        %dma_start3A_1014 = tpu.memref_slice %arg3[%add3A_978, %dma_start3A_1013] : memref<8192x1024xf32, #tpu.memory_space<hbm>> -> memref<2x1024xf32, #tpu.memory_space<hbm>>
        tpu.enqueue_dma source(%dma_start3A_1014 : memref<2x1024xf32, #tpu.memory_space<hbm>>) target(%dma_start3A_1012 : memref<2x1024xf32, #tpu.memory_space<vmem>>) target_semaphore(%dma_start3A_1008 : memref<!tpu.dma_semaphore, #tpu.memory_space<semaphore_mem>>)
      } else {
      }
      %mul3A_633 = arith.constant 8 : i32
      %mul3A_634 = arith.muli %mul3A_633, %scan3A_295 : i32
      %add3A_635 = arith.constant 4 : i32
      %add3A_636 = arith.addi %mul3A_634, %add3A_635 : i32
      %mul3A_637 = arith.constant 2 : i32
      %mul3A_638 = arith.muli %add3A_636, %mul3A_637 : i32
      %add3A_639 = arith.addi %mul3A_2, %mul3A_638 : i32
      %dma_wait3A_640 = arith.constant 4 : i32
      %dma_wait3A_641 = arith.constant 4 : i32
      %dma_wait3A_642 = arith.constant 0 : i32
      %dma_wait3A_643 = arith.constant 0 : i32
      %dma_wait3A_644 = arith.constant 0 : i32
      %dma_wait3A_645 = tpu.memref_slice %arg5[%dma_wait3A_640, %dma_wait3A_642, %dma_wait3A_643, %dma_wait3A_644] : memref<8x4x2x1024xf32, #tpu.memory_space<vmem>> -> memref<1x4x2x1024xf32, #tpu.memory_space<vmem>>
      %dma_wait3A_646 = tpu.memref_squeeze %dma_wait3A_645 : memref<1x4x2x1024xf32, #tpu.memory_space<vmem>> -> memref<4x2x1024xf32, #tpu.memory_space<vmem>>
      %dma_wait3A_647 = arith.constant 0 : i32
      %dma_wait3A_648 = arith.constant 0 : i32
      %dma_wait3A_649 = tpu.memref_slice %arg2[%dma_wait3A_647, %add3A_639, %dma_wait3A_648] : memref<4x8192x1024xf32, #tpu.memory_space<hbm>> -> memref<4x2x1024xf32, #tpu.memory_space<hbm>>
      %dma_wait3A_650 = tpu.memref_slice %arg7[%dma_wait3A_641] : memref<8x!tpu.dma_semaphore, #tpu.memory_space<semaphore_mem>> -> memref<1x!tpu.dma_semaphore, #tpu.memory_space<semaphore_mem>>
      %dma_wait3A_651 = tpu.memref_squeeze %dma_wait3A_650 : memref<1x!tpu.dma_semaphore, #tpu.memory_space<semaphore_mem>> -> memref<!tpu.dma_semaphore, #tpu.memory_space<semaphore_mem>>
      %dma_wait3A_652 = arith.constant 0 : i32
      %dma_wait3A_653 = arith.constant 0 : i32
      %dma_wait3A_654 = arith.constant 0 : i32
      %dma_wait3A_655 = tpu.memref_slice %arg5[%dma_wait3A_640, %dma_wait3A_652, %dma_wait3A_653, %dma_wait3A_654] : memref<8x4x2x1024xf32, #tpu.memory_space<vmem>> -> memref<1x4x2x1024xf32, #tpu.memory_space<vmem>>
      %dma_wait3A_656 = tpu.memref_squeeze %dma_wait3A_655 : memref<1x4x2x1024xf32, #tpu.memory_space<vmem>> -> memref<4x2x1024xf32, #tpu.memory_space<vmem>>
      %dma_wait3A_657 = arith.constant 0 : i32
      %dma_wait3A_658 = arith.constant 0 : i32
      %dma_wait3A_659 = tpu.memref_slice %arg2[%dma_wait3A_657, %add3A_639, %dma_wait3A_658] : memref<4x8192x1024xf32, #tpu.memory_space<hbm>> -> memref<4x2x1024xf32, #tpu.memory_space<hbm>>
      tpu.wait_dma2 semaphore(%dma_wait3A_651 : memref<!tpu.dma_semaphore, #tpu.memory_space<semaphore_mem>>) src(%dma_wait3A_659 : memref<4x2x1024xf32, #tpu.memory_space<hbm>>) dst(%dma_wait3A_656 : memref<4x2x1024xf32, #tpu.memory_space<vmem>>)
      %dma_wait3A_660 = arith.constant 4 : i32
      %dma_wait3A_661 = arith.constant 4 : i32
      %dma_wait3A_662 = arith.constant 0 : i32
      %dma_wait3A_663 = arith.constant 0 : i32
      %dma_wait3A_664 = tpu.memref_slice %arg6[%dma_wait3A_660, %dma_wait3A_662, %dma_wait3A_663] : memref<8x2x1024xf32, #tpu.memory_space<vmem>> -> memref<1x2x1024xf32, #tpu.memory_space<vmem>>
      %dma_wait3A_665 = tpu.memref_squeeze %dma_wait3A_664 : memref<1x2x1024xf32, #tpu.memory_space<vmem>> -> memref<2x1024xf32, #tpu.memory_space<vmem>>
      %dma_wait3A_666 = arith.constant 0 : i32
      %dma_wait3A_667 = tpu.memref_slice %arg3[%add3A_639, %dma_wait3A_666] : memref<8192x1024xf32, #tpu.memory_space<hbm>> -> memref<2x1024xf32, #tpu.memory_space<hbm>>
      %dma_wait3A_668 = tpu.memref_slice %arg8[%dma_wait3A_661] : memref<8x!tpu.dma_semaphore, #tpu.memory_space<semaphore_mem>> -> memref<1x!tpu.dma_semaphore, #tpu.memory_space<semaphore_mem>>
      %dma_wait3A_669 = tpu.memref_squeeze %dma_wait3A_668 : memref<1x!tpu.dma_semaphore, #tpu.memory_space<semaphore_mem>> -> memref<!tpu.dma_semaphore, #tpu.memory_space<semaphore_mem>>
      %dma_wait3A_670 = arith.constant 0 : i32
      %dma_wait3A_671 = arith.constant 0 : i32
      %dma_wait3A_672 = tpu.memref_slice %arg6[%dma_wait3A_660, %dma_wait3A_670, %dma_wait3A_671] : memref<8x2x1024xf32, #tpu.memory_space<vmem>> -> memref<1x2x1024xf32, #tpu.memory_space<vmem>>
      %dma_wait3A_673 = tpu.memref_squeeze %dma_wait3A_672 : memref<1x2x1024xf32, #tpu.memory_space<vmem>> -> memref<2x1024xf32, #tpu.memory_space<vmem>>
      %dma_wait3A_674 = arith.constant 0 : i32
      %dma_wait3A_675 = tpu.memref_slice %arg3[%add3A_639, %dma_wait3A_674] : memref<8192x1024xf32, #tpu.memory_space<hbm>> -> memref<2x1024xf32, #tpu.memory_space<hbm>>
      tpu.wait_dma2 semaphore(%dma_wait3A_669 : memref<!tpu.dma_semaphore, #tpu.memory_space<semaphore_mem>>) src(%dma_wait3A_675 : memref<2x1024xf32, #tpu.memory_space<hbm>>) dst(%dma_wait3A_673 : memref<2x1024xf32, #tpu.memory_space<vmem>>)
      %scan3A_676 = arith.constant 0 : i32
      %scan3A_677 = arith.constant 0 : i32
      %scan3A_678 = arith.constant 64 : i32
      %scan3A_679 = arith.addi %scan3A_677, %scan3A_678 : i32
      %scan3A_680 = arith.constant 1 : i32
      %scan3A_681 = scf.for %scan3A_974 = %scan3A_677 to %scan3A_679 step %scan3A_680 iter_args(%scan3A_975 = %scan3A_676) -> (i32)  : i32 {
        %mul3A_976 = arith.constant 16 : i32
        %mul3A_977 = arith.muli %scan3A_974, %mul3A_976 : i32
        %get3A = arith.constant 4 : i32
        %get3A_978 = arith.constant 0 : i32
        %get3A_979 = arith.index_cast %get3A : i32 to index
        %get3A_980 = arith.index_cast %get3A_978 : i32 to index
        %get3A_981 = arith.index_cast %mul3A_977 : i32 to index
        %get3A_982 = tpu.vector_load %arg6[%get3A_979, %get3A_980, %get3A_981] {strides = array<i32>} : memref<8x2x1024xf32, #tpu.memory_space<vmem>>, vector<1x1x16xf32>,
        %get3A_983 = vector.shape_cast %get3A_982 : vector<1x1x16xf32> to vector<16xf32>
        %get3A_984 = arith.constant 4 : i32
        %get3A_985 = arith.constant 0 : i32
        %get3A_986 = arith.constant 0 : i32
        %get3A_987 = arith.index_cast %get3A_984 : i32 to index
        %get3A_988 = arith.index_cast %get3A_985 : i32 to index
        %get3A_989 = arith.index_cast %get3A_986 : i32 to index
        %get3A_990 = arith.index_cast %mul3A_977 : i32 to index
        %get3A_991 = tpu.vector_load %arg5[%get3A_987, %get3A_988, %get3A_989, %get3A_990] {strides = array<i32>} : memref<8x4x2x1024xf32, #tpu.memory_space<vmem>>, vector<1x1x1x16xf32>,
        %get3A_992 = vector.shape_cast %get3A_991 : vector<1x1x1x16xf32> to vector<16xf32>
        %add3A_993 = arith.addf %get3A_992, %get3A_983 : vector<16xf32>
        %swap3A = arith.constant 4 : i32
        %swap3A_994 = arith.constant 0 : i32
        %swap3A_995 = arith.constant 0 : i32
        %swap3A_996 = arith.index_cast %swap3A : i32 to index
        %swap3A_997 = arith.index_cast %swap3A_994 : i32 to index
        %swap3A_998 = arith.index_cast %swap3A_995 : i32 to index
        %swap3A_999 = arith.index_cast %mul3A_977 : i32 to index
        %swap3A_1000 = tpu.vector_load %arg5[%swap3A_996, %swap3A_997, %swap3A_998, %swap3A_999] {strides = array<i32>} : memref<8x4x2x1024xf32, #tpu.memory_space<vmem>>, vector<1x1x1x16xf32>,
        %swap3A_1001 = vector.shape_cast %swap3A_1000 : vector<1x1x1x16xf32> to vector<16xf32>
        %swap3A_1002 = vector.shape_cast %add3A_993 : vector<16xf32> to vector<1x1x1x16xf32>
        tpu.vector_store %arg5[%swap3A_996, %swap3A_997, %swap3A_998, %swap3A_999], %swap3A_1002 {strides = array<i32>} : memref<8x4x2x1024xf32, #tpu.memory_space<vmem>>, vector<1x1x1x16xf32>,
        %get3A_1003 = arith.constant 4 : i32
        %get3A_1004 = arith.constant 1 : i32
        %get3A_1005 = arith.constant 0 : i32
        %get3A_1006 = arith.index_cast %get3A_1003 : i32 to index
        %get3A_1007 = arith.index_cast %get3A_1004 : i32 to index
        %get3A_1008 = arith.index_cast %get3A_1005 : i32 to index
        %get3A_1009 = arith.index_cast %mul3A_977 : i32 to index
        %get3A_1010 = tpu.vector_load %arg5[%get3A_1006, %get3A_1007, %get3A_1008, %get3A_1009] {strides = array<i32>} : memref<8x4x2x1024xf32, #tpu.memory_space<vmem>>, vector<1x1x1x16xf32>,
        %get3A_1011 = vector.shape_cast %get3A_1010 : vector<1x1x1x16xf32> to vector<16xf32>
        %add3A_1012 = arith.addf %get3A_1011, %get3A_983 : vector<16xf32>
        %swap3A_1013 = arith.constant 4 : i32
        %swap3A_1014 = arith.constant 1 : i32
        %swap3A_1015 = arith.constant 0 : i32
        %swap3A_1016 = arith.index_cast %swap3A_1013 : i32 to index
        %swap3A_1017 = arith.index_cast %swap3A_1014 : i32 to index
        %swap3A_1018 = arith.index_cast %swap3A_1015 : i32 to index
        %swap3A_1019 = arith.index_cast %mul3A_977 : i32 to index
        %swap3A_1020 = tpu.vector_load %arg5[%swap3A_1016, %swap3A_1017, %swap3A_1018, %swap3A_1019] {strides = array<i32>} : memref<8x4x2x1024xf32, #tpu.memory_space<vmem>>, vector<1x1x1x16xf32>,
        %swap3A_1021 = vector.shape_cast %swap3A_1020 : vector<1x1x1x16xf32> to vector<16xf32>
        %swap3A_1022 = vector.shape_cast %add3A_1012 : vector<16xf32> to vector<1x1x1x16xf32>
        tpu.vector_store %arg5[%swap3A_1016, %swap3A_1017, %swap3A_1018, %swap3A_1019], %swap3A_1022 {strides = array<i32>} : memref<8x4x2x1024xf32, #tpu.memory_space<vmem>>, vector<1x1x1x16xf32>,
        %get3A_1023 = arith.constant 4 : i32
        %get3A_1024 = arith.constant 2 : i32
        %get3A_1025 = arith.constant 0 : i32
        %get3A_1026 = arith.index_cast %get3A_1023 : i32 to index
        %get3A_1027 = arith.index_cast %get3A_1024 : i32 to index
        %get3A_1028 = arith.index_cast %get3A_1025 : i32 to index
        %get3A_1029 = arith.index_cast %mul3A_977 : i32 to index
        %get3A_1030 = tpu.vector_load %arg5[%get3A_1026, %get3A_1027, %get3A_1028, %get3A_1029] {strides = array<i32>} : memref<8x4x2x1024xf32, #tpu.memory_space<vmem>>, vector<1x1x1x16xf32>,
        %get3A_1031 = vector.shape_cast %get3A_1030 : vector<1x1x1x16xf32> to vector<16xf32>
        %add3A_1032 = arith.addf %get3A_1031, %get3A_983 : vector<16xf32>
        %swap3A_1033 = arith.constant 4 : i32
        %swap3A_1034 = arith.constant 2 : i32
        %swap3A_1035 = arith.constant 0 : i32
        %swap3A_1036 = arith.index_cast %swap3A_1033 : i32 to index
        %swap3A_1037 = arith.index_cast %swap3A_1034 : i32 to index
        %swap3A_1038 = arith.index_cast %swap3A_1035 : i32 to index
        %swap3A_1039 = arith.index_cast %mul3A_977 : i32 to index
        %swap3A_1040 = tpu.vector_load %arg5[%swap3A_1036, %swap3A_1037, %swap3A_1038, %swap3A_1039] {strides = array<i32>} : memref<8x4x2x1024xf32, #tpu.memory_space<vmem>>, vector<1x1x1x16xf32>,
        %swap3A_1041 = vector.shape_cast %swap3A_1040 : vector<1x1x1x16xf32> to vector<16xf32>
        %swap3A_1042 = vector.shape_cast %add3A_1032 : vector<16xf32> to vector<1x1x1x16xf32>
        tpu.vector_store %arg5[%swap3A_1036, %swap3A_1037, %swap3A_1038, %swap3A_1039], %swap3A_1042 {strides = array<i32>} : memref<8x4x2x1024xf32, #tpu.memory_space<vmem>>, vector<1x1x1x16xf32>,
        %get3A_1043 = arith.constant 4 : i32
        %get3A_1044 = arith.constant 3 : i32
        %get3A_1045 = arith.constant 0 : i32
        %get3A_1046 = arith.index_cast %get3A_1043 : i32 to index
        %get3A_1047 = arith.index_cast %get3A_1044 : i32 to index
        %get3A_1048 = arith.index_cast %get3A_1045 : i32 to index
        %get3A_1049 = arith.index_cast %mul3A_977 : i32 to index
        %get3A_1050 = tpu.vector_load %arg5[%get3A_1046, %get3A_1047, %get3A_1048, %get3A_1049] {strides = array<i32>} : memref<8x4x2x1024xf32, #tpu.memory_space<vmem>>, vector<1x1x1x16xf32>,
        %get3A_1051 = vector.shape_cast %get3A_1050 : vector<1x1x1x16xf32> to vector<16xf32>
        %add3A_1052 = arith.addf %get3A_1051, %get3A_983 : vector<16xf32>
        %swap3A_1053 = arith.constant 4 : i32
        %swap3A_1054 = arith.constant 3 : i32
        %swap3A_1055 = arith.constant 0 : i32
        %swap3A_1056 = arith.index_cast %swap3A_1053 : i32 to index
        %swap3A_1057 = arith.index_cast %swap3A_1054 : i32 to index
        %swap3A_1058 = arith.index_cast %swap3A_1055 : i32 to index
        %swap3A_1059 = arith.index_cast %mul3A_977 : i32 to index
        %swap3A_1060 = tpu.vector_load %arg5[%swap3A_1056, %swap3A_1057, %swap3A_1058, %swap3A_1059] {strides = array<i32>} : memref<8x4x2x1024xf32, #tpu.memory_space<vmem>>, vector<1x1x1x16xf32>,
        %swap3A_1061 = vector.shape_cast %swap3A_1060 : vector<1x1x1x16xf32> to vector<16xf32>
        %swap3A_1062 = vector.shape_cast %add3A_1052 : vector<16xf32> to vector<1x1x1x16xf32>
        tpu.vector_store %arg5[%swap3A_1056, %swap3A_1057, %swap3A_1058, %swap3A_1059], %swap3A_1062 {strides = array<i32>} : memref<8x4x2x1024xf32, #tpu.memory_space<vmem>>, vector<1x1x1x16xf32>,
        %get3A_1063 = arith.constant 4 : i32
        %get3A_1064 = arith.constant 1 : i32
        %get3A_1065 = arith.index_cast %get3A_1063 : i32 to index
        %get3A_1066 = arith.index_cast %get3A_1064 : i32 to index
        %get3A_1067 = arith.index_cast %mul3A_977 : i32 to index
        %get3A_1068 = tpu.vector_load %arg6[%get3A_1065, %get3A_1066, %get3A_1067] {strides = array<i32>} : memref<8x2x1024xf32, #tpu.memory_space<vmem>>, vector<1x1x16xf32>,
        %get3A_1069 = vector.shape_cast %get3A_1068 : vector<1x1x16xf32> to vector<16xf32>
        %get3A_1070 = arith.constant 4 : i32
        %get3A_1071 = arith.constant 0 : i32
        %get3A_1072 = arith.constant 1 : i32
        %get3A_1073 = arith.index_cast %get3A_1070 : i32 to index
        %get3A_1074 = arith.index_cast %get3A_1071 : i32 to index
        %get3A_1075 = arith.index_cast %get3A_1072 : i32 to index
        %get3A_1076 = arith.index_cast %mul3A_977 : i32 to index
        %get3A_1077 = tpu.vector_load %arg5[%get3A_1073, %get3A_1074, %get3A_1075, %get3A_1076] {strides = array<i32>} : memref<8x4x2x1024xf32, #tpu.memory_space<vmem>>, vector<1x1x1x16xf32>,
        %get3A_1078 = vector.shape_cast %get3A_1077 : vector<1x1x1x16xf32> to vector<16xf32>
        %add3A_1079 = arith.addf %get3A_1078, %get3A_1069 : vector<16xf32>
        %swap3A_1080 = arith.constant 4 : i32
        %swap3A_1081 = arith.constant 0 : i32
        %swap3A_1082 = arith.constant 1 : i32
        %swap3A_1083 = arith.index_cast %swap3A_1080 : i32 to index
        %swap3A_1084 = arith.index_cast %swap3A_1081 : i32 to index
        %swap3A_1085 = arith.index_cast %swap3A_1082 : i32 to index
        %swap3A_1086 = arith.index_cast %mul3A_977 : i32 to index
        %swap3A_1087 = tpu.vector_load %arg5[%swap3A_1083, %swap3A_1084, %swap3A_1085, %swap3A_1086] {strides = array<i32>} : memref<8x4x2x1024xf32, #tpu.memory_space<vmem>>, vector<1x1x1x16xf32>,
        %swap3A_1088 = vector.shape_cast %swap3A_1087 : vector<1x1x1x16xf32> to vector<16xf32>
        %swap3A_1089 = vector.shape_cast %add3A_1079 : vector<16xf32> to vector<1x1x1x16xf32>
        tpu.vector_store %arg5[%swap3A_1083, %swap3A_1084, %swap3A_1085, %swap3A_1086], %swap3A_1089 {strides = array<i32>} : memref<8x4x2x1024xf32, #tpu.memory_space<vmem>>, vector<1x1x1x16xf32>,
        %get3A_1090 = arith.constant 4 : i32
        %get3A_1091 = arith.constant 1 : i32
        %get3A_1092 = arith.constant 1 : i32
        %get3A_1093 = arith.index_cast %get3A_1090 : i32 to index
        %get3A_1094 = arith.index_cast %get3A_1091 : i32 to index
        %get3A_1095 = arith.index_cast %get3A_1092 : i32 to index
        %get3A_1096 = arith.index_cast %mul3A_977 : i32 to index
        %get3A_1097 = tpu.vector_load %arg5[%get3A_1093, %get3A_1094, %get3A_1095, %get3A_1096] {strides = array<i32>} : memref<8x4x2x1024xf32, #tpu.memory_space<vmem>>, vector<1x1x1x16xf32>,
        %get3A_1098 = vector.shape_cast %get3A_1097 : vector<1x1x1x16xf32> to vector<16xf32>
        %add3A_1099 = arith.addf %get3A_1098, %get3A_1069 : vector<16xf32>
        %swap3A_1100 = arith.constant 4 : i32
        %swap3A_1101 = arith.constant 1 : i32
        %swap3A_1102 = arith.constant 1 : i32
        %swap3A_1103 = arith.index_cast %swap3A_1100 : i32 to index
        %swap3A_1104 = arith.index_cast %swap3A_1101 : i32 to index
        %swap3A_1105 = arith.index_cast %swap3A_1102 : i32 to index
        %swap3A_1106 = arith.index_cast %mul3A_977 : i32 to index
        %swap3A_1107 = tpu.vector_load %arg5[%swap3A_1103, %swap3A_1104, %swap3A_1105, %swap3A_1106] {strides = array<i32>} : memref<8x4x2x1024xf32, #tpu.memory_space<vmem>>, vector<1x1x1x16xf32>,
        %swap3A_1108 = vector.shape_cast %swap3A_1107 : vector<1x1x1x16xf32> to vector<16xf32>
        %swap3A_1109 = vector.shape_cast %add3A_1099 : vector<16xf32> to vector<1x1x1x16xf32>
        tpu.vector_store %arg5[%swap3A_1103, %swap3A_1104, %swap3A_1105, %swap3A_1106], %swap3A_1109 {strides = array<i32>} : memref<8x4x2x1024xf32, #tpu.memory_space<vmem>>, vector<1x1x1x16xf32>,
        %get3A_1110 = arith.constant 4 : i32
        %get3A_1111 = arith.constant 2 : i32
        %get3A_1112 = arith.constant 1 : i32
        %get3A_1113 = arith.index_cast %get3A_1110 : i32 to index
        %get3A_1114 = arith.index_cast %get3A_1111 : i32 to index
        %get3A_1115 = arith.index_cast %get3A_1112 : i32 to index
        %get3A_1116 = arith.index_cast %mul3A_977 : i32 to index
        %get3A_1117 = tpu.vector_load %arg5[%get3A_1113, %get3A_1114, %get3A_1115, %get3A_1116] {strides = array<i32>} : memref<8x4x2x1024xf32, #tpu.memory_space<vmem>>, vector<1x1x1x16xf32>,
        %get3A_1118 = vector.shape_cast %get3A_1117 : vector<1x1x1x16xf32> to vector<16xf32>
        %add3A_1119 = arith.addf %get3A_1118, %get3A_1069 : vector<16xf32>
        %swap3A_1120 = arith.constant 4 : i32
        %swap3A_1121 = arith.constant 2 : i32
        %swap3A_1122 = arith.constant 1 : i32
        %swap3A_1123 = arith.index_cast %swap3A_1120 : i32 to index
        %swap3A_1124 = arith.index_cast %swap3A_1121 : i32 to index
        %swap3A_1125 = arith.index_cast %swap3A_1122 : i32 to index
        %swap3A_1126 = arith.index_cast %mul3A_977 : i32 to index
        %swap3A_1127 = tpu.vector_load %arg5[%swap3A_1123, %swap3A_1124, %swap3A_1125, %swap3A_1126] {strides = array<i32>} : memref<8x4x2x1024xf32, #tpu.memory_space<vmem>>, vector<1x1x1x16xf32>,
        %swap3A_1128 = vector.shape_cast %swap3A_1127 : vector<1x1x1x16xf32> to vector<16xf32>
        %swap3A_1129 = vector.shape_cast %add3A_1119 : vector<16xf32> to vector<1x1x1x16xf32>
        tpu.vector_store %arg5[%swap3A_1123, %swap3A_1124, %swap3A_1125, %swap3A_1126], %swap3A_1129 {strides = array<i32>} : memref<8x4x2x1024xf32, #tpu.memory_space<vmem>>, vector<1x1x1x16xf32>,
        %get3A_1130 = arith.constant 4 : i32
        %get3A_1131 = arith.constant 3 : i32
        %get3A_1132 = arith.constant 1 : i32
        %get3A_1133 = arith.index_cast %get3A_1130 : i32 to index
        %get3A_1134 = arith.index_cast %get3A_1131 : i32 to index
        %get3A_1135 = arith.index_cast %get3A_1132 : i32 to index
        %get3A_1136 = arith.index_cast %mul3A_977 : i32 to index
        %get3A_1137 = tpu.vector_load %arg5[%get3A_1133, %get3A_1134, %get3A_1135, %get3A_1136] {strides = array<i32>} : memref<8x4x2x1024xf32, #tpu.memory_space<vmem>>, vector<1x1x1x16xf32>,
        %get3A_1138 = vector.shape_cast %get3A_1137 : vector<1x1x1x16xf32> to vector<16xf32>
        %add3A_1139 = arith.addf %get3A_1138, %get3A_1069 : vector<16xf32>
        %swap3A_1140 = arith.constant 4 : i32
        %swap3A_1141 = arith.constant 3 : i32
        %swap3A_1142 = arith.constant 1 : i32
        %swap3A_1143 = arith.index_cast %swap3A_1140 : i32 to index
        %swap3A_1144 = arith.index_cast %swap3A_1141 : i32 to index
        %swap3A_1145 = arith.index_cast %swap3A_1142 : i32 to index
        %swap3A_1146 = arith.index_cast %mul3A_977 : i32 to index
        %swap3A_1147 = tpu.vector_load %arg5[%swap3A_1143, %swap3A_1144, %swap3A_1145, %swap3A_1146] {strides = array<i32>} : memref<8x4x2x1024xf32, #tpu.memory_space<vmem>>, vector<1x1x1x16xf32>,
        %swap3A_1148 = vector.shape_cast %swap3A_1147 : vector<1x1x1x16xf32> to vector<16xf32>
        %swap3A_1149 = vector.shape_cast %add3A_1139 : vector<16xf32> to vector<1x1x1x16xf32>
        tpu.vector_store %arg5[%swap3A_1143, %swap3A_1144, %swap3A_1145, %swap3A_1146], %swap3A_1149 {strides = array<i32>} : memref<8x4x2x1024xf32, #tpu.memory_space<vmem>>, vector<1x1x1x16xf32>,
        %scan3A_1150 = arith.constant 0 : i32
        scf.yield %scan3A_1150 : i32
      }
      %scan3A_682 = arith.constant 64 : i32
      %mul3A_683 = arith.constant 2 : i32
      %mul3A_684 = arith.muli %add3A_636, %mul3A_683 : i32
      %add3A_685 = arith.addi %mul3A_2, %mul3A_684 : i32
      %dma_start3A_686 = arith.constant 4 : i32
      %dma_start3A_687 = arith.constant 4 : i32
      %dma_start3A_688 = arith.constant 0 : i32
      %dma_start3A_689 = arith.constant 0 : i32
      %dma_start3A_690 = arith.constant 0 : i32
      %dma_start3A_691 = tpu.memref_slice %arg5[%dma_start3A_686, %dma_start3A_688, %dma_start3A_689, %dma_start3A_690] : memref<8x4x2x1024xf32, #tpu.memory_space<vmem>> -> memref<1x4x2x1024xf32, #tpu.memory_space<vmem>>
      %dma_start3A_692 = tpu.memref_squeeze %dma_start3A_691 : memref<1x4x2x1024xf32, #tpu.memory_space<vmem>> -> memref<4x2x1024xf32, #tpu.memory_space<vmem>>
      %dma_start3A_693 = arith.constant 0 : i32
      %dma_start3A_694 = arith.constant 0 : i32
      %dma_start3A_695 = tpu.memref_slice %arg4[%dma_start3A_693, %add3A_685, %dma_start3A_694] : memref<4x8192x1024xf32, #tpu.memory_space<hbm>> -> memref<4x2x1024xf32, #tpu.memory_space<hbm>>
      %dma_start3A_696 = tpu.memref_slice %arg9[%dma_start3A_687] : memref<8x!tpu.dma_semaphore, #tpu.memory_space<semaphore_mem>> -> memref<1x!tpu.dma_semaphore, #tpu.memory_space<semaphore_mem>>
      %dma_start3A_697 = tpu.memref_squeeze %dma_start3A_696 : memref<1x!tpu.dma_semaphore, #tpu.memory_space<semaphore_mem>> -> memref<!tpu.dma_semaphore, #tpu.memory_space<semaphore_mem>>
      %dma_start3A_698 = arith.constant 0 : i32
      %dma_start3A_699 = arith.constant 0 : i32
      %dma_start3A_700 = tpu.memref_slice %arg4[%dma_start3A_698, %add3A_685, %dma_start3A_699] : memref<4x8192x1024xf32, #tpu.memory_space<hbm>> -> memref<4x2x1024xf32, #tpu.memory_space<hbm>>
      %dma_start3A_701 = arith.constant 0 : i32
      %dma_start3A_702 = arith.constant 0 : i32
      %dma_start3A_703 = arith.constant 0 : i32
      %dma_start3A_704 = tpu.memref_slice %arg5[%dma_start3A_686, %dma_start3A_701, %dma_start3A_702, %dma_start3A_703] : memref<8x4x2x1024xf32, #tpu.memory_space<vmem>> -> memref<1x4x2x1024xf32, #tpu.memory_space<vmem>>
      %dma_start3A_705 = tpu.memref_squeeze %dma_start3A_704 : memref<1x4x2x1024xf32, #tpu.memory_space<vmem>> -> memref<4x2x1024xf32, #tpu.memory_space<vmem>>
      tpu.enqueue_dma source(%dma_start3A_705 : memref<4x2x1024xf32, #tpu.memory_space<vmem>>) target(%dma_start3A_700 : memref<4x2x1024xf32, #tpu.memory_space<hbm>>) target_semaphore(%dma_start3A_697 : memref<!tpu.dma_semaphore, #tpu.memory_space<semaphore_mem>>)
      %ge3A_706 = arith.constant 1 : i32
      %ge3A_707 = arith.cmpi sge, %add3A_636, %ge3A_706 : i32
      %convert_element_type3A_708 = arith.extui %ge3A_707 : i1 to i32
      %cond3A_709 = arith.constant 0 : i32
      %cond3A_710 = arith.cmpi ne, %convert_element_type3A_708, %cond3A_709 : i32
      scf.if %cond3A_710 {
        %sub3A = arith.constant 1 : i32
        %sub3A_974 = arith.subi %add3A_636, %sub3A : i32
        %mul3A_975 = arith.constant 2 : i32
        %mul3A_976 = arith.muli %sub3A_974, %mul3A_975 : i32
        %add3A_977 = arith.addi %mul3A_2, %mul3A_976 : i32
        %dma_wait3A_978 = arith.constant 3 : i32
        %dma_wait3A_979 = arith.constant 3 : i32
        %dma_wait3A_980 = arith.constant 0 : i32
        %dma_wait3A_981 = arith.constant 0 : i32
        %dma_wait3A_982 = arith.constant 0 : i32
        %dma_wait3A_983 = tpu.memref_slice %arg5[%dma_wait3A_978, %dma_wait3A_980, %dma_wait3A_981, %dma_wait3A_982] : memref<8x4x2x1024xf32, #tpu.memory_space<vmem>> -> memref<1x4x2x1024xf32, #tpu.memory_space<vmem>>
        %dma_wait3A_984 = tpu.memref_squeeze %dma_wait3A_983 : memref<1x4x2x1024xf32, #tpu.memory_space<vmem>> -> memref<4x2x1024xf32, #tpu.memory_space<vmem>>
        %dma_wait3A_985 = arith.constant 0 : i32
        %dma_wait3A_986 = arith.constant 0 : i32
        %dma_wait3A_987 = tpu.memref_slice %arg4[%dma_wait3A_985, %add3A_977, %dma_wait3A_986] : memref<4x8192x1024xf32, #tpu.memory_space<hbm>> -> memref<4x2x1024xf32, #tpu.memory_space<hbm>>
        %dma_wait3A_988 = tpu.memref_slice %arg9[%dma_wait3A_979] : memref<8x!tpu.dma_semaphore, #tpu.memory_space<semaphore_mem>> -> memref<1x!tpu.dma_semaphore, #tpu.memory_space<semaphore_mem>>
        %dma_wait3A_989 = tpu.memref_squeeze %dma_wait3A_988 : memref<1x!tpu.dma_semaphore, #tpu.memory_space<semaphore_mem>> -> memref<!tpu.dma_semaphore, #tpu.memory_space<semaphore_mem>>
        %dma_wait3A_990 = arith.constant 0 : i32
        %dma_wait3A_991 = arith.constant 0 : i32
        %dma_wait3A_992 = tpu.memref_slice %arg4[%dma_wait3A_990, %add3A_977, %dma_wait3A_991] : memref<4x8192x1024xf32, #tpu.memory_space<hbm>> -> memref<4x2x1024xf32, #tpu.memory_space<hbm>>
        %dma_wait3A_993 = arith.constant 0 : i32
        %dma_wait3A_994 = arith.constant 0 : i32
        %dma_wait3A_995 = arith.constant 0 : i32
        %dma_wait3A_996 = tpu.memref_slice %arg5[%dma_wait3A_978, %dma_wait3A_993, %dma_wait3A_994, %dma_wait3A_995] : memref<8x4x2x1024xf32, #tpu.memory_space<vmem>> -> memref<1x4x2x1024xf32, #tpu.memory_space<vmem>>
        %dma_wait3A_997 = tpu.memref_squeeze %dma_wait3A_996 : memref<1x4x2x1024xf32, #tpu.memory_space<vmem>> -> memref<4x2x1024xf32, #tpu.memory_space<vmem>>
        tpu.wait_dma2 semaphore(%dma_wait3A_989 : memref<!tpu.dma_semaphore, #tpu.memory_space<semaphore_mem>>) src(%dma_wait3A_997 : memref<4x2x1024xf32, #tpu.memory_space<vmem>>) dst(%dma_wait3A_992 : memref<4x2x1024xf32, #tpu.memory_space<hbm>>)
      } else {
      }
      %add3A_711 = arith.constant 7 : i32
      %add3A_712 = arith.addi %add3A_636, %add3A_711 : i32
      %lt3A_713 = arith.constant 128 : i32
      %lt3A_714 = arith.cmpi slt, %add3A_712, %lt3A_713 : i32
      %convert_element_type3A_715 = arith.extui %lt3A_714 : i1 to i32
      %cond3A_716 = arith.constant 0 : i32
      %cond3A_717 = arith.cmpi ne, %convert_element_type3A_715, %cond3A_716 : i32
      scf.if %cond3A_717 {
        %add3A_974 = arith.constant 7 : i32
        %add3A_975 = arith.addi %add3A_636, %add3A_974 : i32
        %mul3A_976 = arith.constant 2 : i32
        %mul3A_977 = arith.muli %add3A_975, %mul3A_976 : i32
        %add3A_978 = arith.addi %mul3A_2, %mul3A_977 : i32
        %dma_start3A_979 = arith.constant 3 : i32
        %dma_start3A_980 = arith.constant 3 : i32
        %dma_start3A_981 = arith.constant 0 : i32
        %dma_start3A_982 = arith.constant 0 : i32
        %dma_start3A_983 = arith.constant 0 : i32
        %dma_start3A_984 = tpu.memref_slice %arg5[%dma_start3A_979, %dma_start3A_981, %dma_start3A_982, %dma_start3A_983] : memref<8x4x2x1024xf32, #tpu.memory_space<vmem>> -> memref<1x4x2x1024xf32, #tpu.memory_space<vmem>>
        %dma_start3A_985 = tpu.memref_squeeze %dma_start3A_984 : memref<1x4x2x1024xf32, #tpu.memory_space<vmem>> -> memref<4x2x1024xf32, #tpu.memory_space<vmem>>
        %dma_start3A_986 = arith.constant 0 : i32
        %dma_start3A_987 = arith.constant 0 : i32
        %dma_start3A_988 = tpu.memref_slice %arg2[%dma_start3A_986, %add3A_978, %dma_start3A_987] : memref<4x8192x1024xf32, #tpu.memory_space<hbm>> -> memref<4x2x1024xf32, #tpu.memory_space<hbm>>
        %dma_start3A_989 = tpu.memref_slice %arg7[%dma_start3A_980] : memref<8x!tpu.dma_semaphore, #tpu.memory_space<semaphore_mem>> -> memref<1x!tpu.dma_semaphore, #tpu.memory_space<semaphore_mem>>
        %dma_start3A_990 = tpu.memref_squeeze %dma_start3A_989 : memref<1x!tpu.dma_semaphore, #tpu.memory_space<semaphore_mem>> -> memref<!tpu.dma_semaphore, #tpu.memory_space<semaphore_mem>>
        %dma_start3A_991 = arith.constant 0 : i32
        %dma_start3A_992 = arith.constant 0 : i32
        %dma_start3A_993 = arith.constant 0 : i32
        %dma_start3A_994 = tpu.memref_slice %arg5[%dma_start3A_979, %dma_start3A_991, %dma_start3A_992, %dma_start3A_993] : memref<8x4x2x1024xf32, #tpu.memory_space<vmem>> -> memref<1x4x2x1024xf32, #tpu.memory_space<vmem>>
        %dma_start3A_995 = tpu.memref_squeeze %dma_start3A_994 : memref<1x4x2x1024xf32, #tpu.memory_space<vmem>> -> memref<4x2x1024xf32, #tpu.memory_space<vmem>>
        %dma_start3A_996 = arith.constant 0 : i32
        %dma_start3A_997 = arith.constant 0 : i32
        %dma_start3A_998 = tpu.memref_slice %arg2[%dma_start3A_996, %add3A_978, %dma_start3A_997] : memref<4x8192x1024xf32, #tpu.memory_space<hbm>> -> memref<4x2x1024xf32, #tpu.memory_space<hbm>>
        tpu.enqueue_dma source(%dma_start3A_998 : memref<4x2x1024xf32, #tpu.memory_space<hbm>>) target(%dma_start3A_995 : memref<4x2x1024xf32, #tpu.memory_space<vmem>>) target_semaphore(%dma_start3A_990 : memref<!tpu.dma_semaphore, #tpu.memory_space<semaphore_mem>>)
        %dma_start3A_999 = arith.constant 3 : i32
        %dma_start3A_1000 = arith.constant 3 : i32
        %dma_start3A_1001 = arith.constant 0 : i32
        %dma_start3A_1002 = arith.constant 0 : i32
        %dma_start3A_1003 = tpu.memref_slice %arg6[%dma_start3A_999, %dma_start3A_1001, %dma_start3A_1002] : memref<8x2x1024xf32, #tpu.memory_space<vmem>> -> memref<1x2x1024xf32, #tpu.memory_space<vmem>>
        %dma_start3A_1004 = tpu.memref_squeeze %dma_start3A_1003 : memref<1x2x1024xf32, #tpu.memory_space<vmem>> -> memref<2x1024xf32, #tpu.memory_space<vmem>>
        %dma_start3A_1005 = arith.constant 0 : i32
        %dma_start3A_1006 = tpu.memref_slice %arg3[%add3A_978, %dma_start3A_1005] : memref<8192x1024xf32, #tpu.memory_space<hbm>> -> memref<2x1024xf32, #tpu.memory_space<hbm>>
        %dma_start3A_1007 = tpu.memref_slice %arg8[%dma_start3A_1000] : memref<8x!tpu.dma_semaphore, #tpu.memory_space<semaphore_mem>> -> memref<1x!tpu.dma_semaphore, #tpu.memory_space<semaphore_mem>>
        %dma_start3A_1008 = tpu.memref_squeeze %dma_start3A_1007 : memref<1x!tpu.dma_semaphore, #tpu.memory_space<semaphore_mem>> -> memref<!tpu.dma_semaphore, #tpu.memory_space<semaphore_mem>>
        %dma_start3A_1009 = arith.constant 0 : i32
        %dma_start3A_1010 = arith.constant 0 : i32
        %dma_start3A_1011 = tpu.memref_slice %arg6[%dma_start3A_999, %dma_start3A_1009, %dma_start3A_1010] : memref<8x2x1024xf32, #tpu.memory_space<vmem>> -> memref<1x2x1024xf32, #tpu.memory_space<vmem>>
        %dma_start3A_1012 = tpu.memref_squeeze %dma_start3A_1011 : memref<1x2x1024xf32, #tpu.memory_space<vmem>> -> memref<2x1024xf32, #tpu.memory_space<vmem>>
        %dma_start3A_1013 = arith.constant 0 : i32
        %dma_start3A_1014 = tpu.memref_slice %arg3[%add3A_978, %dma_start3A_1013] : memref<8192x1024xf32, #tpu.memory_space<hbm>> -> memref<2x1024xf32, #tpu.memory_space<hbm>>
        tpu.enqueue_dma source(%dma_start3A_1014 : memref<2x1024xf32, #tpu.memory_space<hbm>>) target(%dma_start3A_1012 : memref<2x1024xf32, #tpu.memory_space<vmem>>) target_semaphore(%dma_start3A_1008 : memref<!tpu.dma_semaphore, #tpu.memory_space<semaphore_mem>>)
      } else {
      }
      %mul3A_718 = arith.constant 8 : i32
      %mul3A_719 = arith.muli %mul3A_718, %scan3A_295 : i32
      %add3A_720 = arith.constant 5 : i32
      %add3A_721 = arith.addi %mul3A_719, %add3A_720 : i32
      %mul3A_722 = arith.constant 2 : i32
      %mul3A_723 = arith.muli %add3A_721, %mul3A_722 : i32
      %add3A_724 = arith.addi %mul3A_2, %mul3A_723 : i32
      %dma_wait3A_725 = arith.constant 5 : i32
      %dma_wait3A_726 = arith.constant 5 : i32
      %dma_wait3A_727 = arith.constant 0 : i32
      %dma_wait3A_728 = arith.constant 0 : i32
      %dma_wait3A_729 = arith.constant 0 : i32
      %dma_wait3A_730 = tpu.memref_slice %arg5[%dma_wait3A_725, %dma_wait3A_727, %dma_wait3A_728, %dma_wait3A_729] : memref<8x4x2x1024xf32, #tpu.memory_space<vmem>> -> memref<1x4x2x1024xf32, #tpu.memory_space<vmem>>
      %dma_wait3A_731 = tpu.memref_squeeze %dma_wait3A_730 : memref<1x4x2x1024xf32, #tpu.memory_space<vmem>> -> memref<4x2x1024xf32, #tpu.memory_space<vmem>>
      %dma_wait3A_732 = arith.constant 0 : i32
      %dma_wait3A_733 = arith.constant 0 : i32
      %dma_wait3A_734 = tpu.memref_slice %arg2[%dma_wait3A_732, %add3A_724, %dma_wait3A_733] : memref<4x8192x1024xf32, #tpu.memory_space<hbm>> -> memref<4x2x1024xf32, #tpu.memory_space<hbm>>
      %dma_wait3A_735 = tpu.memref_slice %arg7[%dma_wait3A_726] : memref<8x!tpu.dma_semaphore, #tpu.memory_space<semaphore_mem>> -> memref<1x!tpu.dma_semaphore, #tpu.memory_space<semaphore_mem>>
      %dma_wait3A_736 = tpu.memref_squeeze %dma_wait3A_735 : memref<1x!tpu.dma_semaphore, #tpu.memory_space<semaphore_mem>> -> memref<!tpu.dma_semaphore, #tpu.memory_space<semaphore_mem>>
      %dma_wait3A_737 = arith.constant 0 : i32
      %dma_wait3A_738 = arith.constant 0 : i32
      %dma_wait3A_739 = arith.constant 0 : i32
      %dma_wait3A_740 = tpu.memref_slice %arg5[%dma_wait3A_725, %dma_wait3A_737, %dma_wait3A_738, %dma_wait3A_739] : memref<8x4x2x1024xf32, #tpu.memory_space<vmem>> -> memref<1x4x2x1024xf32, #tpu.memory_space<vmem>>
      %dma_wait3A_741 = tpu.memref_squeeze %dma_wait3A_740 : memref<1x4x2x1024xf32, #tpu.memory_space<vmem>> -> memref<4x2x1024xf32, #tpu.memory_space<vmem>>
      %dma_wait3A_742 = arith.constant 0 : i32
      %dma_wait3A_743 = arith.constant 0 : i32
      %dma_wait3A_744 = tpu.memref_slice %arg2[%dma_wait3A_742, %add3A_724, %dma_wait3A_743] : memref<4x8192x1024xf32, #tpu.memory_space<hbm>> -> memref<4x2x1024xf32, #tpu.memory_space<hbm>>
      tpu.wait_dma2 semaphore(%dma_wait3A_736 : memref<!tpu.dma_semaphore, #tpu.memory_space<semaphore_mem>>) src(%dma_wait3A_744 : memref<4x2x1024xf32, #tpu.memory_space<hbm>>) dst(%dma_wait3A_741 : memref<4x2x1024xf32, #tpu.memory_space<vmem>>)
      %dma_wait3A_745 = arith.constant 5 : i32
      %dma_wait3A_746 = arith.constant 5 : i32
      %dma_wait3A_747 = arith.constant 0 : i32
      %dma_wait3A_748 = arith.constant 0 : i32
      %dma_wait3A_749 = tpu.memref_slice %arg6[%dma_wait3A_745, %dma_wait3A_747, %dma_wait3A_748] : memref<8x2x1024xf32, #tpu.memory_space<vmem>> -> memref<1x2x1024xf32, #tpu.memory_space<vmem>>
      %dma_wait3A_750 = tpu.memref_squeeze %dma_wait3A_749 : memref<1x2x1024xf32, #tpu.memory_space<vmem>> -> memref<2x1024xf32, #tpu.memory_space<vmem>>
      %dma_wait3A_751 = arith.constant 0 : i32
      %dma_wait3A_752 = tpu.memref_slice %arg3[%add3A_724, %dma_wait3A_751] : memref<8192x1024xf32, #tpu.memory_space<hbm>> -> memref<2x1024xf32, #tpu.memory_space<hbm>>
      %dma_wait3A_753 = tpu.memref_slice %arg8[%dma_wait3A_746] : memref<8x!tpu.dma_semaphore, #tpu.memory_space<semaphore_mem>> -> memref<1x!tpu.dma_semaphore, #tpu.memory_space<semaphore_mem>>
      %dma_wait3A_754 = tpu.memref_squeeze %dma_wait3A_753 : memref<1x!tpu.dma_semaphore, #tpu.memory_space<semaphore_mem>> -> memref<!tpu.dma_semaphore, #tpu.memory_space<semaphore_mem>>
      %dma_wait3A_755 = arith.constant 0 : i32
      %dma_wait3A_756 = arith.constant 0 : i32
      %dma_wait3A_757 = tpu.memref_slice %arg6[%dma_wait3A_745, %dma_wait3A_755, %dma_wait3A_756] : memref<8x2x1024xf32, #tpu.memory_space<vmem>> -> memref<1x2x1024xf32, #tpu.memory_space<vmem>>
      %dma_wait3A_758 = tpu.memref_squeeze %dma_wait3A_757 : memref<1x2x1024xf32, #tpu.memory_space<vmem>> -> memref<2x1024xf32, #tpu.memory_space<vmem>>
      %dma_wait3A_759 = arith.constant 0 : i32
      %dma_wait3A_760 = tpu.memref_slice %arg3[%add3A_724, %dma_wait3A_759] : memref<8192x1024xf32, #tpu.memory_space<hbm>> -> memref<2x1024xf32, #tpu.memory_space<hbm>>
      tpu.wait_dma2 semaphore(%dma_wait3A_754 : memref<!tpu.dma_semaphore, #tpu.memory_space<semaphore_mem>>) src(%dma_wait3A_760 : memref<2x1024xf32, #tpu.memory_space<hbm>>) dst(%dma_wait3A_758 : memref<2x1024xf32, #tpu.memory_space<vmem>>)
      %scan3A_761 = arith.constant 0 : i32
      %scan3A_762 = arith.constant 0 : i32
      %scan3A_763 = arith.constant 64 : i32
      %scan3A_764 = arith.addi %scan3A_762, %scan3A_763 : i32
      %scan3A_765 = arith.constant 1 : i32
      %scan3A_766 = scf.for %scan3A_974 = %scan3A_762 to %scan3A_764 step %scan3A_765 iter_args(%scan3A_975 = %scan3A_761) -> (i32)  : i32 {
        %mul3A_976 = arith.constant 16 : i32
        %mul3A_977 = arith.muli %scan3A_974, %mul3A_976 : i32
        %get3A = arith.constant 5 : i32
        %get3A_978 = arith.constant 0 : i32
        %get3A_979 = arith.index_cast %get3A : i32 to index
        %get3A_980 = arith.index_cast %get3A_978 : i32 to index
        %get3A_981 = arith.index_cast %mul3A_977 : i32 to index
        %get3A_982 = tpu.vector_load %arg6[%get3A_979, %get3A_980, %get3A_981] {strides = array<i32>} : memref<8x2x1024xf32, #tpu.memory_space<vmem>>, vector<1x1x16xf32>,
        %get3A_983 = vector.shape_cast %get3A_982 : vector<1x1x16xf32> to vector<16xf32>
        %get3A_984 = arith.constant 5 : i32
        %get3A_985 = arith.constant 0 : i32
        %get3A_986 = arith.constant 0 : i32
        %get3A_987 = arith.index_cast %get3A_984 : i32 to index
        %get3A_988 = arith.index_cast %get3A_985 : i32 to index
        %get3A_989 = arith.index_cast %get3A_986 : i32 to index
        %get3A_990 = arith.index_cast %mul3A_977 : i32 to index
        %get3A_991 = tpu.vector_load %arg5[%get3A_987, %get3A_988, %get3A_989, %get3A_990] {strides = array<i32>} : memref<8x4x2x1024xf32, #tpu.memory_space<vmem>>, vector<1x1x1x16xf32>,
        %get3A_992 = vector.shape_cast %get3A_991 : vector<1x1x1x16xf32> to vector<16xf32>
        %add3A_993 = arith.addf %get3A_992, %get3A_983 : vector<16xf32>
        %swap3A = arith.constant 5 : i32
        %swap3A_994 = arith.constant 0 : i32
        %swap3A_995 = arith.constant 0 : i32
        %swap3A_996 = arith.index_cast %swap3A : i32 to index
        %swap3A_997 = arith.index_cast %swap3A_994 : i32 to index
        %swap3A_998 = arith.index_cast %swap3A_995 : i32 to index
        %swap3A_999 = arith.index_cast %mul3A_977 : i32 to index
        %swap3A_1000 = tpu.vector_load %arg5[%swap3A_996, %swap3A_997, %swap3A_998, %swap3A_999] {strides = array<i32>} : memref<8x4x2x1024xf32, #tpu.memory_space<vmem>>, vector<1x1x1x16xf32>,
        %swap3A_1001 = vector.shape_cast %swap3A_1000 : vector<1x1x1x16xf32> to vector<16xf32>
        %swap3A_1002 = vector.shape_cast %add3A_993 : vector<16xf32> to vector<1x1x1x16xf32>
        tpu.vector_store %arg5[%swap3A_996, %swap3A_997, %swap3A_998, %swap3A_999], %swap3A_1002 {strides = array<i32>} : memref<8x4x2x1024xf32, #tpu.memory_space<vmem>>, vector<1x1x1x16xf32>,
        %get3A_1003 = arith.constant 5 : i32
        %get3A_1004 = arith.constant 1 : i32
        %get3A_1005 = arith.constant 0 : i32
        %get3A_1006 = arith.index_cast %get3A_1003 : i32 to index
        %get3A_1007 = arith.index_cast %get3A_1004 : i32 to index
        %get3A_1008 = arith.index_cast %get3A_1005 : i32 to index
        %get3A_1009 = arith.index_cast %mul3A_977 : i32 to index
        %get3A_1010 = tpu.vector_load %arg5[%get3A_1006, %get3A_1007, %get3A_1008, %get3A_1009] {strides = array<i32>} : memref<8x4x2x1024xf32, #tpu.memory_space<vmem>>, vector<1x1x1x16xf32>,
        %get3A_1011 = vector.shape_cast %get3A_1010 : vector<1x1x1x16xf32> to vector<16xf32>
        %add3A_1012 = arith.addf %get3A_1011, %get3A_983 : vector<16xf32>
        %swap3A_1013 = arith.constant 5 : i32
        %swap3A_1014 = arith.constant 1 : i32
        %swap3A_1015 = arith.constant 0 : i32
        %swap3A_1016 = arith.index_cast %swap3A_1013 : i32 to index
        %swap3A_1017 = arith.index_cast %swap3A_1014 : i32 to index
        %swap3A_1018 = arith.index_cast %swap3A_1015 : i32 to index
        %swap3A_1019 = arith.index_cast %mul3A_977 : i32 to index
        %swap3A_1020 = tpu.vector_load %arg5[%swap3A_1016, %swap3A_1017, %swap3A_1018, %swap3A_1019] {strides = array<i32>} : memref<8x4x2x1024xf32, #tpu.memory_space<vmem>>, vector<1x1x1x16xf32>,
        %swap3A_1021 = vector.shape_cast %swap3A_1020 : vector<1x1x1x16xf32> to vector<16xf32>
        %swap3A_1022 = vector.shape_cast %add3A_1012 : vector<16xf32> to vector<1x1x1x16xf32>
        tpu.vector_store %arg5[%swap3A_1016, %swap3A_1017, %swap3A_1018, %swap3A_1019], %swap3A_1022 {strides = array<i32>} : memref<8x4x2x1024xf32, #tpu.memory_space<vmem>>, vector<1x1x1x16xf32>,
        %get3A_1023 = arith.constant 5 : i32
        %get3A_1024 = arith.constant 2 : i32
        %get3A_1025 = arith.constant 0 : i32
        %get3A_1026 = arith.index_cast %get3A_1023 : i32 to index
        %get3A_1027 = arith.index_cast %get3A_1024 : i32 to index
        %get3A_1028 = arith.index_cast %get3A_1025 : i32 to index
        %get3A_1029 = arith.index_cast %mul3A_977 : i32 to index
        %get3A_1030 = tpu.vector_load %arg5[%get3A_1026, %get3A_1027, %get3A_1028, %get3A_1029] {strides = array<i32>} : memref<8x4x2x1024xf32, #tpu.memory_space<vmem>>, vector<1x1x1x16xf32>,
        %get3A_1031 = vector.shape_cast %get3A_1030 : vector<1x1x1x16xf32> to vector<16xf32>
        %add3A_1032 = arith.addf %get3A_1031, %get3A_983 : vector<16xf32>
        %swap3A_1033 = arith.constant 5 : i32
        %swap3A_1034 = arith.constant 2 : i32
        %swap3A_1035 = arith.constant 0 : i32
        %swap3A_1036 = arith.index_cast %swap3A_1033 : i32 to index
        %swap3A_1037 = arith.index_cast %swap3A_1034 : i32 to index
        %swap3A_1038 = arith.index_cast %swap3A_1035 : i32 to index
        %swap3A_1039 = arith.index_cast %mul3A_977 : i32 to index
        %swap3A_1040 = tpu.vector_load %arg5[%swap3A_1036, %swap3A_1037, %swap3A_1038, %swap3A_1039] {strides = array<i32>} : memref<8x4x2x1024xf32, #tpu.memory_space<vmem>>, vector<1x1x1x16xf32>,
        %swap3A_1041 = vector.shape_cast %swap3A_1040 : vector<1x1x1x16xf32> to vector<16xf32>
        %swap3A_1042 = vector.shape_cast %add3A_1032 : vector<16xf32> to vector<1x1x1x16xf32>
        tpu.vector_store %arg5[%swap3A_1036, %swap3A_1037, %swap3A_1038, %swap3A_1039], %swap3A_1042 {strides = array<i32>} : memref<8x4x2x1024xf32, #tpu.memory_space<vmem>>, vector<1x1x1x16xf32>,
        %get3A_1043 = arith.constant 5 : i32
        %get3A_1044 = arith.constant 3 : i32
        %get3A_1045 = arith.constant 0 : i32
        %get3A_1046 = arith.index_cast %get3A_1043 : i32 to index
        %get3A_1047 = arith.index_cast %get3A_1044 : i32 to index
        %get3A_1048 = arith.index_cast %get3A_1045 : i32 to index
        %get3A_1049 = arith.index_cast %mul3A_977 : i32 to index
        %get3A_1050 = tpu.vector_load %arg5[%get3A_1046, %get3A_1047, %get3A_1048, %get3A_1049] {strides = array<i32>} : memref<8x4x2x1024xf32, #tpu.memory_space<vmem>>, vector<1x1x1x16xf32>,
        %get3A_1051 = vector.shape_cast %get3A_1050 : vector<1x1x1x16xf32> to vector<16xf32>
        %add3A_1052 = arith.addf %get3A_1051, %get3A_983 : vector<16xf32>
        %swap3A_1053 = arith.constant 5 : i32
        %swap3A_1054 = arith.constant 3 : i32
        %swap3A_1055 = arith.constant 0 : i32
        %swap3A_1056 = arith.index_cast %swap3A_1053 : i32 to index
        %swap3A_1057 = arith.index_cast %swap3A_1054 : i32 to index
        %swap3A_1058 = arith.index_cast %swap3A_1055 : i32 to index
        %swap3A_1059 = arith.index_cast %mul3A_977 : i32 to index
        %swap3A_1060 = tpu.vector_load %arg5[%swap3A_1056, %swap3A_1057, %swap3A_1058, %swap3A_1059] {strides = array<i32>} : memref<8x4x2x1024xf32, #tpu.memory_space<vmem>>, vector<1x1x1x16xf32>,
        %swap3A_1061 = vector.shape_cast %swap3A_1060 : vector<1x1x1x16xf32> to vector<16xf32>
        %swap3A_1062 = vector.shape_cast %add3A_1052 : vector<16xf32> to vector<1x1x1x16xf32>
        tpu.vector_store %arg5[%swap3A_1056, %swap3A_1057, %swap3A_1058, %swap3A_1059], %swap3A_1062 {strides = array<i32>} : memref<8x4x2x1024xf32, #tpu.memory_space<vmem>>, vector<1x1x1x16xf32>,
        %get3A_1063 = arith.constant 5 : i32
        %get3A_1064 = arith.constant 1 : i32
        %get3A_1065 = arith.index_cast %get3A_1063 : i32 to index
        %get3A_1066 = arith.index_cast %get3A_1064 : i32 to index
        %get3A_1067 = arith.index_cast %mul3A_977 : i32 to index
        %get3A_1068 = tpu.vector_load %arg6[%get3A_1065, %get3A_1066, %get3A_1067] {strides = array<i32>} : memref<8x2x1024xf32, #tpu.memory_space<vmem>>, vector<1x1x16xf32>,
        %get3A_1069 = vector.shape_cast %get3A_1068 : vector<1x1x16xf32> to vector<16xf32>
        %get3A_1070 = arith.constant 5 : i32
        %get3A_1071 = arith.constant 0 : i32
        %get3A_1072 = arith.constant 1 : i32
        %get3A_1073 = arith.index_cast %get3A_1070 : i32 to index
        %get3A_1074 = arith.index_cast %get3A_1071 : i32 to index
        %get3A_1075 = arith.index_cast %get3A_1072 : i32 to index
        %get3A_1076 = arith.index_cast %mul3A_977 : i32 to index
        %get3A_1077 = tpu.vector_load %arg5[%get3A_1073, %get3A_1074, %get3A_1075, %get3A_1076] {strides = array<i32>} : memref<8x4x2x1024xf32, #tpu.memory_space<vmem>>, vector<1x1x1x16xf32>,
        %get3A_1078 = vector.shape_cast %get3A_1077 : vector<1x1x1x16xf32> to vector<16xf32>
        %add3A_1079 = arith.addf %get3A_1078, %get3A_1069 : vector<16xf32>
        %swap3A_1080 = arith.constant 5 : i32
        %swap3A_1081 = arith.constant 0 : i32
        %swap3A_1082 = arith.constant 1 : i32
        %swap3A_1083 = arith.index_cast %swap3A_1080 : i32 to index
        %swap3A_1084 = arith.index_cast %swap3A_1081 : i32 to index
        %swap3A_1085 = arith.index_cast %swap3A_1082 : i32 to index
        %swap3A_1086 = arith.index_cast %mul3A_977 : i32 to index
        %swap3A_1087 = tpu.vector_load %arg5[%swap3A_1083, %swap3A_1084, %swap3A_1085, %swap3A_1086] {strides = array<i32>} : memref<8x4x2x1024xf32, #tpu.memory_space<vmem>>, vector<1x1x1x16xf32>,
        %swap3A_1088 = vector.shape_cast %swap3A_1087 : vector<1x1x1x16xf32> to vector<16xf32>
        %swap3A_1089 = vector.shape_cast %add3A_1079 : vector<16xf32> to vector<1x1x1x16xf32>
        tpu.vector_store %arg5[%swap3A_1083, %swap3A_1084, %swap3A_1085, %swap3A_1086], %swap3A_1089 {strides = array<i32>} : memref<8x4x2x1024xf32, #tpu.memory_space<vmem>>, vector<1x1x1x16xf32>,
        %get3A_1090 = arith.constant 5 : i32
        %get3A_1091 = arith.constant 1 : i32
        %get3A_1092 = arith.constant 1 : i32
        %get3A_1093 = arith.index_cast %get3A_1090 : i32 to index
        %get3A_1094 = arith.index_cast %get3A_1091 : i32 to index
        %get3A_1095 = arith.index_cast %get3A_1092 : i32 to index
        %get3A_1096 = arith.index_cast %mul3A_977 : i32 to index
        %get3A_1097 = tpu.vector_load %arg5[%get3A_1093, %get3A_1094, %get3A_1095, %get3A_1096] {strides = array<i32>} : memref<8x4x2x1024xf32, #tpu.memory_space<vmem>>, vector<1x1x1x16xf32>,
        %get3A_1098 = vector.shape_cast %get3A_1097 : vector<1x1x1x16xf32> to vector<16xf32>
        %add3A_1099 = arith.addf %get3A_1098, %get3A_1069 : vector<16xf32>
        %swap3A_1100 = arith.constant 5 : i32
        %swap3A_1101 = arith.constant 1 : i32
        %swap3A_1102 = arith.constant 1 : i32
        %swap3A_1103 = arith.index_cast %swap3A_1100 : i32 to index
        %swap3A_1104 = arith.index_cast %swap3A_1101 : i32 to index
        %swap3A_1105 = arith.index_cast %swap3A_1102 : i32 to index
        %swap3A_1106 = arith.index_cast %mul3A_977 : i32 to index
        %swap3A_1107 = tpu.vector_load %arg5[%swap3A_1103, %swap3A_1104, %swap3A_1105, %swap3A_1106] {strides = array<i32>} : memref<8x4x2x1024xf32, #tpu.memory_space<vmem>>, vector<1x1x1x16xf32>,
        %swap3A_1108 = vector.shape_cast %swap3A_1107 : vector<1x1x1x16xf32> to vector<16xf32>
        %swap3A_1109 = vector.shape_cast %add3A_1099 : vector<16xf32> to vector<1x1x1x16xf32>
        tpu.vector_store %arg5[%swap3A_1103, %swap3A_1104, %swap3A_1105, %swap3A_1106], %swap3A_1109 {strides = array<i32>} : memref<8x4x2x1024xf32, #tpu.memory_space<vmem>>, vector<1x1x1x16xf32>,
        %get3A_1110 = arith.constant 5 : i32
        %get3A_1111 = arith.constant 2 : i32
        %get3A_1112 = arith.constant 1 : i32
        %get3A_1113 = arith.index_cast %get3A_1110 : i32 to index
        %get3A_1114 = arith.index_cast %get3A_1111 : i32 to index
        %get3A_1115 = arith.index_cast %get3A_1112 : i32 to index
        %get3A_1116 = arith.index_cast %mul3A_977 : i32 to index
        %get3A_1117 = tpu.vector_load %arg5[%get3A_1113, %get3A_1114, %get3A_1115, %get3A_1116] {strides = array<i32>} : memref<8x4x2x1024xf32, #tpu.memory_space<vmem>>, vector<1x1x1x16xf32>,
        %get3A_1118 = vector.shape_cast %get3A_1117 : vector<1x1x1x16xf32> to vector<16xf32>
        %add3A_1119 = arith.addf %get3A_1118, %get3A_1069 : vector<16xf32>
        %swap3A_1120 = arith.constant 5 : i32
        %swap3A_1121 = arith.constant 2 : i32
        %swap3A_1122 = arith.constant 1 : i32
        %swap3A_1123 = arith.index_cast %swap3A_1120 : i32 to index
        %swap3A_1124 = arith.index_cast %swap3A_1121 : i32 to index
        %swap3A_1125 = arith.index_cast %swap3A_1122 : i32 to index
        %swap3A_1126 = arith.index_cast %mul3A_977 : i32 to index
        %swap3A_1127 = tpu.vector_load %arg5[%swap3A_1123, %swap3A_1124, %swap3A_1125, %swap3A_1126] {strides = array<i32>} : memref<8x4x2x1024xf32, #tpu.memory_space<vmem>>, vector<1x1x1x16xf32>,
        %swap3A_1128 = vector.shape_cast %swap3A_1127 : vector<1x1x1x16xf32> to vector<16xf32>
        %swap3A_1129 = vector.shape_cast %add3A_1119 : vector<16xf32> to vector<1x1x1x16xf32>
        tpu.vector_store %arg5[%swap3A_1123, %swap3A_1124, %swap3A_1125, %swap3A_1126], %swap3A_1129 {strides = array<i32>} : memref<8x4x2x1024xf32, #tpu.memory_space<vmem>>, vector<1x1x1x16xf32>,
        %get3A_1130 = arith.constant 5 : i32
        %get3A_1131 = arith.constant 3 : i32
        %get3A_1132 = arith.constant 1 : i32
        %get3A_1133 = arith.index_cast %get3A_1130 : i32 to index
        %get3A_1134 = arith.index_cast %get3A_1131 : i32 to index
        %get3A_1135 = arith.index_cast %get3A_1132 : i32 to index
        %get3A_1136 = arith.index_cast %mul3A_977 : i32 to index
        %get3A_1137 = tpu.vector_load %arg5[%get3A_1133, %get3A_1134, %get3A_1135, %get3A_1136] {strides = array<i32>} : memref<8x4x2x1024xf32, #tpu.memory_space<vmem>>, vector<1x1x1x16xf32>,
        %get3A_1138 = vector.shape_cast %get3A_1137 : vector<1x1x1x16xf32> to vector<16xf32>
        %add3A_1139 = arith.addf %get3A_1138, %get3A_1069 : vector<16xf32>
        %swap3A_1140 = arith.constant 5 : i32
        %swap3A_1141 = arith.constant 3 : i32
        %swap3A_1142 = arith.constant 1 : i32
        %swap3A_1143 = arith.index_cast %swap3A_1140 : i32 to index
        %swap3A_1144 = arith.index_cast %swap3A_1141 : i32 to index
        %swap3A_1145 = arith.index_cast %swap3A_1142 : i32 to index
        %swap3A_1146 = arith.index_cast %mul3A_977 : i32 to index
        %swap3A_1147 = tpu.vector_load %arg5[%swap3A_1143, %swap3A_1144, %swap3A_1145, %swap3A_1146] {strides = array<i32>} : memref<8x4x2x1024xf32, #tpu.memory_space<vmem>>, vector<1x1x1x16xf32>,
        %swap3A_1148 = vector.shape_cast %swap3A_1147 : vector<1x1x1x16xf32> to vector<16xf32>
        %swap3A_1149 = vector.shape_cast %add3A_1139 : vector<16xf32> to vector<1x1x1x16xf32>
        tpu.vector_store %arg5[%swap3A_1143, %swap3A_1144, %swap3A_1145, %swap3A_1146], %swap3A_1149 {strides = array<i32>} : memref<8x4x2x1024xf32, #tpu.memory_space<vmem>>, vector<1x1x1x16xf32>,
        %scan3A_1150 = arith.constant 0 : i32
        scf.yield %scan3A_1150 : i32
      }
      %scan3A_767 = arith.constant 64 : i32
      %mul3A_768 = arith.constant 2 : i32
      %mul3A_769 = arith.muli %add3A_721, %mul3A_768 : i32
      %add3A_770 = arith.addi %mul3A_2, %mul3A_769 : i32
      %dma_start3A_771 = arith.constant 5 : i32
      %dma_start3A_772 = arith.constant 5 : i32
      %dma_start3A_773 = arith.constant 0 : i32
      %dma_start3A_774 = arith.constant 0 : i32
      %dma_start3A_775 = arith.constant 0 : i32
      %dma_start3A_776 = tpu.memref_slice %arg5[%dma_start3A_771, %dma_start3A_773, %dma_start3A_774, %dma_start3A_775] : memref<8x4x2x1024xf32, #tpu.memory_space<vmem>> -> memref<1x4x2x1024xf32, #tpu.memory_space<vmem>>
      %dma_start3A_777 = tpu.memref_squeeze %dma_start3A_776 : memref<1x4x2x1024xf32, #tpu.memory_space<vmem>> -> memref<4x2x1024xf32, #tpu.memory_space<vmem>>
      %dma_start3A_778 = arith.constant 0 : i32
      %dma_start3A_779 = arith.constant 0 : i32
      %dma_start3A_780 = tpu.memref_slice %arg4[%dma_start3A_778, %add3A_770, %dma_start3A_779] : memref<4x8192x1024xf32, #tpu.memory_space<hbm>> -> memref<4x2x1024xf32, #tpu.memory_space<hbm>>
      %dma_start3A_781 = tpu.memref_slice %arg9[%dma_start3A_772] : memref<8x!tpu.dma_semaphore, #tpu.memory_space<semaphore_mem>> -> memref<1x!tpu.dma_semaphore, #tpu.memory_space<semaphore_mem>>
      %dma_start3A_782 = tpu.memref_squeeze %dma_start3A_781 : memref<1x!tpu.dma_semaphore, #tpu.memory_space<semaphore_mem>> -> memref<!tpu.dma_semaphore, #tpu.memory_space<semaphore_mem>>
      %dma_start3A_783 = arith.constant 0 : i32
      %dma_start3A_784 = arith.constant 0 : i32
      %dma_start3A_785 = tpu.memref_slice %arg4[%dma_start3A_783, %add3A_770, %dma_start3A_784] : memref<4x8192x1024xf32, #tpu.memory_space<hbm>> -> memref<4x2x1024xf32, #tpu.memory_space<hbm>>
      %dma_start3A_786 = arith.constant 0 : i32
      %dma_start3A_787 = arith.constant 0 : i32
      %dma_start3A_788 = arith.constant 0 : i32
      %dma_start3A_789 = tpu.memref_slice %arg5[%dma_start3A_771, %dma_start3A_786, %dma_start3A_787, %dma_start3A_788] : memref<8x4x2x1024xf32, #tpu.memory_space<vmem>> -> memref<1x4x2x1024xf32, #tpu.memory_space<vmem>>
      %dma_start3A_790 = tpu.memref_squeeze %dma_start3A_789 : memref<1x4x2x1024xf32, #tpu.memory_space<vmem>> -> memref<4x2x1024xf32, #tpu.memory_space<vmem>>
      tpu.enqueue_dma source(%dma_start3A_790 : memref<4x2x1024xf32, #tpu.memory_space<vmem>>) target(%dma_start3A_785 : memref<4x2x1024xf32, #tpu.memory_space<hbm>>) target_semaphore(%dma_start3A_782 : memref<!tpu.dma_semaphore, #tpu.memory_space<semaphore_mem>>)
      %ge3A_791 = arith.constant 1 : i32
      %ge3A_792 = arith.cmpi sge, %add3A_721, %ge3A_791 : i32
      %convert_element_type3A_793 = arith.extui %ge3A_792 : i1 to i32
      %cond3A_794 = arith.constant 0 : i32
      %cond3A_795 = arith.cmpi ne, %convert_element_type3A_793, %cond3A_794 : i32
      scf.if %cond3A_795 {
        %sub3A = arith.constant 1 : i32
        %sub3A_974 = arith.subi %add3A_721, %sub3A : i32
        %mul3A_975 = arith.constant 2 : i32
        %mul3A_976 = arith.muli %sub3A_974, %mul3A_975 : i32
        %add3A_977 = arith.addi %mul3A_2, %mul3A_976 : i32
        %dma_wait3A_978 = arith.constant 4 : i32
        %dma_wait3A_979 = arith.constant 4 : i32
        %dma_wait3A_980 = arith.constant 0 : i32
        %dma_wait3A_981 = arith.constant 0 : i32
        %dma_wait3A_982 = arith.constant 0 : i32
        %dma_wait3A_983 = tpu.memref_slice %arg5[%dma_wait3A_978, %dma_wait3A_980, %dma_wait3A_981, %dma_wait3A_982] : memref<8x4x2x1024xf32, #tpu.memory_space<vmem>> -> memref<1x4x2x1024xf32, #tpu.memory_space<vmem>>
        %dma_wait3A_984 = tpu.memref_squeeze %dma_wait3A_983 : memref<1x4x2x1024xf32, #tpu.memory_space<vmem>> -> memref<4x2x1024xf32, #tpu.memory_space<vmem>>
        %dma_wait3A_985 = arith.constant 0 : i32
        %dma_wait3A_986 = arith.constant 0 : i32
        %dma_wait3A_987 = tpu.memref_slice %arg4[%dma_wait3A_985, %add3A_977, %dma_wait3A_986] : memref<4x8192x1024xf32, #tpu.memory_space<hbm>> -> memref<4x2x1024xf32, #tpu.memory_space<hbm>>
        %dma_wait3A_988 = tpu.memref_slice %arg9[%dma_wait3A_979] : memref<8x!tpu.dma_semaphore, #tpu.memory_space<semaphore_mem>> -> memref<1x!tpu.dma_semaphore, #tpu.memory_space<semaphore_mem>>
        %dma_wait3A_989 = tpu.memref_squeeze %dma_wait3A_988 : memref<1x!tpu.dma_semaphore, #tpu.memory_space<semaphore_mem>> -> memref<!tpu.dma_semaphore, #tpu.memory_space<semaphore_mem>>
        %dma_wait3A_990 = arith.constant 0 : i32
        %dma_wait3A_991 = arith.constant 0 : i32
        %dma_wait3A_992 = tpu.memref_slice %arg4[%dma_wait3A_990, %add3A_977, %dma_wait3A_991] : memref<4x8192x1024xf32, #tpu.memory_space<hbm>> -> memref<4x2x1024xf32, #tpu.memory_space<hbm>>
        %dma_wait3A_993 = arith.constant 0 : i32
        %dma_wait3A_994 = arith.constant 0 : i32
        %dma_wait3A_995 = arith.constant 0 : i32
        %dma_wait3A_996 = tpu.memref_slice %arg5[%dma_wait3A_978, %dma_wait3A_993, %dma_wait3A_994, %dma_wait3A_995] : memref<8x4x2x1024xf32, #tpu.memory_space<vmem>> -> memref<1x4x2x1024xf32, #tpu.memory_space<vmem>>
        %dma_wait3A_997 = tpu.memref_squeeze %dma_wait3A_996 : memref<1x4x2x1024xf32, #tpu.memory_space<vmem>> -> memref<4x2x1024xf32, #tpu.memory_space<vmem>>
        tpu.wait_dma2 semaphore(%dma_wait3A_989 : memref<!tpu.dma_semaphore, #tpu.memory_space<semaphore_mem>>) src(%dma_wait3A_997 : memref<4x2x1024xf32, #tpu.memory_space<vmem>>) dst(%dma_wait3A_992 : memref<4x2x1024xf32, #tpu.memory_space<hbm>>)
      } else {
      }
      %add3A_796 = arith.constant 7 : i32
      %add3A_797 = arith.addi %add3A_721, %add3A_796 : i32
      %lt3A_798 = arith.constant 128 : i32
      %lt3A_799 = arith.cmpi slt, %add3A_797, %lt3A_798 : i32
      %convert_element_type3A_800 = arith.extui %lt3A_799 : i1 to i32
      %cond3A_801 = arith.constant 0 : i32
      %cond3A_802 = arith.cmpi ne, %convert_element_type3A_800, %cond3A_801 : i32
      scf.if %cond3A_802 {
        %add3A_974 = arith.constant 7 : i32
        %add3A_975 = arith.addi %add3A_721, %add3A_974 : i32
        %mul3A_976 = arith.constant 2 : i32
        %mul3A_977 = arith.muli %add3A_975, %mul3A_976 : i32
        %add3A_978 = arith.addi %mul3A_2, %mul3A_977 : i32
        %dma_start3A_979 = arith.constant 4 : i32
        %dma_start3A_980 = arith.constant 4 : i32
        %dma_start3A_981 = arith.constant 0 : i32
        %dma_start3A_982 = arith.constant 0 : i32
        %dma_start3A_983 = arith.constant 0 : i32
        %dma_start3A_984 = tpu.memref_slice %arg5[%dma_start3A_979, %dma_start3A_981, %dma_start3A_982, %dma_start3A_983] : memref<8x4x2x1024xf32, #tpu.memory_space<vmem>> -> memref<1x4x2x1024xf32, #tpu.memory_space<vmem>>
        %dma_start3A_985 = tpu.memref_squeeze %dma_start3A_984 : memref<1x4x2x1024xf32, #tpu.memory_space<vmem>> -> memref<4x2x1024xf32, #tpu.memory_space<vmem>>
        %dma_start3A_986 = arith.constant 0 : i32
        %dma_start3A_987 = arith.constant 0 : i32
        %dma_start3A_988 = tpu.memref_slice %arg2[%dma_start3A_986, %add3A_978, %dma_start3A_987] : memref<4x8192x1024xf32, #tpu.memory_space<hbm>> -> memref<4x2x1024xf32, #tpu.memory_space<hbm>>
        %dma_start3A_989 = tpu.memref_slice %arg7[%dma_start3A_980] : memref<8x!tpu.dma_semaphore, #tpu.memory_space<semaphore_mem>> -> memref<1x!tpu.dma_semaphore, #tpu.memory_space<semaphore_mem>>
        %dma_start3A_990 = tpu.memref_squeeze %dma_start3A_989 : memref<1x!tpu.dma_semaphore, #tpu.memory_space<semaphore_mem>> -> memref<!tpu.dma_semaphore, #tpu.memory_space<semaphore_mem>>
        %dma_start3A_991 = arith.constant 0 : i32
        %dma_start3A_992 = arith.constant 0 : i32
        %dma_start3A_993 = arith.constant 0 : i32
        %dma_start3A_994 = tpu.memref_slice %arg5[%dma_start3A_979, %dma_start3A_991, %dma_start3A_992, %dma_start3A_993] : memref<8x4x2x1024xf32, #tpu.memory_space<vmem>> -> memref<1x4x2x1024xf32, #tpu.memory_space<vmem>>
        %dma_start3A_995 = tpu.memref_squeeze %dma_start3A_994 : memref<1x4x2x1024xf32, #tpu.memory_space<vmem>> -> memref<4x2x1024xf32, #tpu.memory_space<vmem>>
        %dma_start3A_996 = arith.constant 0 : i32
        %dma_start3A_997 = arith.constant 0 : i32
        %dma_start3A_998 = tpu.memref_slice %arg2[%dma_start3A_996, %add3A_978, %dma_start3A_997] : memref<4x8192x1024xf32, #tpu.memory_space<hbm>> -> memref<4x2x1024xf32, #tpu.memory_space<hbm>>
        tpu.enqueue_dma source(%dma_start3A_998 : memref<4x2x1024xf32, #tpu.memory_space<hbm>>) target(%dma_start3A_995 : memref<4x2x1024xf32, #tpu.memory_space<vmem>>) target_semaphore(%dma_start3A_990 : memref<!tpu.dma_semaphore, #tpu.memory_space<semaphore_mem>>)
        %dma_start3A_999 = arith.constant 4 : i32
        %dma_start3A_1000 = arith.constant 4 : i32
        %dma_start3A_1001 = arith.constant 0 : i32
        %dma_start3A_1002 = arith.constant 0 : i32
        %dma_start3A_1003 = tpu.memref_slice %arg6[%dma_start3A_999, %dma_start3A_1001, %dma_start3A_1002] : memref<8x2x1024xf32, #tpu.memory_space<vmem>> -> memref<1x2x1024xf32, #tpu.memory_space<vmem>>
        %dma_start3A_1004 = tpu.memref_squeeze %dma_start3A_1003 : memref<1x2x1024xf32, #tpu.memory_space<vmem>> -> memref<2x1024xf32, #tpu.memory_space<vmem>>
        %dma_start3A_1005 = arith.constant 0 : i32
        %dma_start3A_1006 = tpu.memref_slice %arg3[%add3A_978, %dma_start3A_1005] : memref<8192x1024xf32, #tpu.memory_space<hbm>> -> memref<2x1024xf32, #tpu.memory_space<hbm>>
        %dma_start3A_1007 = tpu.memref_slice %arg8[%dma_start3A_1000] : memref<8x!tpu.dma_semaphore, #tpu.memory_space<semaphore_mem>> -> memref<1x!tpu.dma_semaphore, #tpu.memory_space<semaphore_mem>>
        %dma_start3A_1008 = tpu.memref_squeeze %dma_start3A_1007 : memref<1x!tpu.dma_semaphore, #tpu.memory_space<semaphore_mem>> -> memref<!tpu.dma_semaphore, #tpu.memory_space<semaphore_mem>>
        %dma_start3A_1009 = arith.constant 0 : i32
        %dma_start3A_1010 = arith.constant 0 : i32
        %dma_start3A_1011 = tpu.memref_slice %arg6[%dma_start3A_999, %dma_start3A_1009, %dma_start3A_1010] : memref<8x2x1024xf32, #tpu.memory_space<vmem>> -> memref<1x2x1024xf32, #tpu.memory_space<vmem>>
        %dma_start3A_1012 = tpu.memref_squeeze %dma_start3A_1011 : memref<1x2x1024xf32, #tpu.memory_space<vmem>> -> memref<2x1024xf32, #tpu.memory_space<vmem>>
        %dma_start3A_1013 = arith.constant 0 : i32
        %dma_start3A_1014 = tpu.memref_slice %arg3[%add3A_978, %dma_start3A_1013] : memref<8192x1024xf32, #tpu.memory_space<hbm>> -> memref<2x1024xf32, #tpu.memory_space<hbm>>
        tpu.enqueue_dma source(%dma_start3A_1014 : memref<2x1024xf32, #tpu.memory_space<hbm>>) target(%dma_start3A_1012 : memref<2x1024xf32, #tpu.memory_space<vmem>>) target_semaphore(%dma_start3A_1008 : memref<!tpu.dma_semaphore, #tpu.memory_space<semaphore_mem>>)
      } else {
      }
      %mul3A_803 = arith.constant 8 : i32
      %mul3A_804 = arith.muli %mul3A_803, %scan3A_295 : i32
      %add3A_805 = arith.constant 6 : i32
      %add3A_806 = arith.addi %mul3A_804, %add3A_805 : i32
      %mul3A_807 = arith.constant 2 : i32
      %mul3A_808 = arith.muli %add3A_806, %mul3A_807 : i32
      %add3A_809 = arith.addi %mul3A_2, %mul3A_808 : i32
      %dma_wait3A_810 = arith.constant 6 : i32
      %dma_wait3A_811 = arith.constant 6 : i32
      %dma_wait3A_812 = arith.constant 0 : i32
      %dma_wait3A_813 = arith.constant 0 : i32
      %dma_wait3A_814 = arith.constant 0 : i32
      %dma_wait3A_815 = tpu.memref_slice %arg5[%dma_wait3A_810, %dma_wait3A_812, %dma_wait3A_813, %dma_wait3A_814] : memref<8x4x2x1024xf32, #tpu.memory_space<vmem>> -> memref<1x4x2x1024xf32, #tpu.memory_space<vmem>>
      %dma_wait3A_816 = tpu.memref_squeeze %dma_wait3A_815 : memref<1x4x2x1024xf32, #tpu.memory_space<vmem>> -> memref<4x2x1024xf32, #tpu.memory_space<vmem>>
      %dma_wait3A_817 = arith.constant 0 : i32
      %dma_wait3A_818 = arith.constant 0 : i32
      %dma_wait3A_819 = tpu.memref_slice %arg2[%dma_wait3A_817, %add3A_809, %dma_wait3A_818] : memref<4x8192x1024xf32, #tpu.memory_space<hbm>> -> memref<4x2x1024xf32, #tpu.memory_space<hbm>>
      %dma_wait3A_820 = tpu.memref_slice %arg7[%dma_wait3A_811] : memref<8x!tpu.dma_semaphore, #tpu.memory_space<semaphore_mem>> -> memref<1x!tpu.dma_semaphore, #tpu.memory_space<semaphore_mem>>
      %dma_wait3A_821 = tpu.memref_squeeze %dma_wait3A_820 : memref<1x!tpu.dma_semaphore, #tpu.memory_space<semaphore_mem>> -> memref<!tpu.dma_semaphore, #tpu.memory_space<semaphore_mem>>
      %dma_wait3A_822 = arith.constant 0 : i32
      %dma_wait3A_823 = arith.constant 0 : i32
      %dma_wait3A_824 = arith.constant 0 : i32
      %dma_wait3A_825 = tpu.memref_slice %arg5[%dma_wait3A_810, %dma_wait3A_822, %dma_wait3A_823, %dma_wait3A_824] : memref<8x4x2x1024xf32, #tpu.memory_space<vmem>> -> memref<1x4x2x1024xf32, #tpu.memory_space<vmem>>
      %dma_wait3A_826 = tpu.memref_squeeze %dma_wait3A_825 : memref<1x4x2x1024xf32, #tpu.memory_space<vmem>> -> memref<4x2x1024xf32, #tpu.memory_space<vmem>>
      %dma_wait3A_827 = arith.constant 0 : i32
      %dma_wait3A_828 = arith.constant 0 : i32
      %dma_wait3A_829 = tpu.memref_slice %arg2[%dma_wait3A_827, %add3A_809, %dma_wait3A_828] : memref<4x8192x1024xf32, #tpu.memory_space<hbm>> -> memref<4x2x1024xf32, #tpu.memory_space<hbm>>
      tpu.wait_dma2 semaphore(%dma_wait3A_821 : memref<!tpu.dma_semaphore, #tpu.memory_space<semaphore_mem>>) src(%dma_wait3A_829 : memref<4x2x1024xf32, #tpu.memory_space<hbm>>) dst(%dma_wait3A_826 : memref<4x2x1024xf32, #tpu.memory_space<vmem>>)
      %dma_wait3A_830 = arith.constant 6 : i32
      %dma_wait3A_831 = arith.constant 6 : i32
      %dma_wait3A_832 = arith.constant 0 : i32
      %dma_wait3A_833 = arith.constant 0 : i32
      %dma_wait3A_834 = tpu.memref_slice %arg6[%dma_wait3A_830, %dma_wait3A_832, %dma_wait3A_833] : memref<8x2x1024xf32, #tpu.memory_space<vmem>> -> memref<1x2x1024xf32, #tpu.memory_space<vmem>>
      %dma_wait3A_835 = tpu.memref_squeeze %dma_wait3A_834 : memref<1x2x1024xf32, #tpu.memory_space<vmem>> -> memref<2x1024xf32, #tpu.memory_space<vmem>>
      %dma_wait3A_836 = arith.constant 0 : i32
      %dma_wait3A_837 = tpu.memref_slice %arg3[%add3A_809, %dma_wait3A_836] : memref<8192x1024xf32, #tpu.memory_space<hbm>> -> memref<2x1024xf32, #tpu.memory_space<hbm>>
      %dma_wait3A_838 = tpu.memref_slice %arg8[%dma_wait3A_831] : memref<8x!tpu.dma_semaphore, #tpu.memory_space<semaphore_mem>> -> memref<1x!tpu.dma_semaphore, #tpu.memory_space<semaphore_mem>>
      %dma_wait3A_839 = tpu.memref_squeeze %dma_wait3A_838 : memref<1x!tpu.dma_semaphore, #tpu.memory_space<semaphore_mem>> -> memref<!tpu.dma_semaphore, #tpu.memory_space<semaphore_mem>>
      %dma_wait3A_840 = arith.constant 0 : i32
      %dma_wait3A_841 = arith.constant 0 : i32
      %dma_wait3A_842 = tpu.memref_slice %arg6[%dma_wait3A_830, %dma_wait3A_840, %dma_wait3A_841] : memref<8x2x1024xf32, #tpu.memory_space<vmem>> -> memref<1x2x1024xf32, #tpu.memory_space<vmem>>
      %dma_wait3A_843 = tpu.memref_squeeze %dma_wait3A_842 : memref<1x2x1024xf32, #tpu.memory_space<vmem>> -> memref<2x1024xf32, #tpu.memory_space<vmem>>
      %dma_wait3A_844 = arith.constant 0 : i32
      %dma_wait3A_845 = tpu.memref_slice %arg3[%add3A_809, %dma_wait3A_844] : memref<8192x1024xf32, #tpu.memory_space<hbm>> -> memref<2x1024xf32, #tpu.memory_space<hbm>>
      tpu.wait_dma2 semaphore(%dma_wait3A_839 : memref<!tpu.dma_semaphore, #tpu.memory_space<semaphore_mem>>) src(%dma_wait3A_845 : memref<2x1024xf32, #tpu.memory_space<hbm>>) dst(%dma_wait3A_843 : memref<2x1024xf32, #tpu.memory_space<vmem>>)
      %scan3A_846 = arith.constant 0 : i32
      %scan3A_847 = arith.constant 0 : i32
      %scan3A_848 = arith.constant 64 : i32
      %scan3A_849 = arith.addi %scan3A_847, %scan3A_848 : i32
      %scan3A_850 = arith.constant 1 : i32
      %scan3A_851 = scf.for %scan3A_974 = %scan3A_847 to %scan3A_849 step %scan3A_850 iter_args(%scan3A_975 = %scan3A_846) -> (i32)  : i32 {
        %mul3A_976 = arith.constant 16 : i32
        %mul3A_977 = arith.muli %scan3A_974, %mul3A_976 : i32
        %get3A = arith.constant 6 : i32
        %get3A_978 = arith.constant 0 : i32
        %get3A_979 = arith.index_cast %get3A : i32 to index
        %get3A_980 = arith.index_cast %get3A_978 : i32 to index
        %get3A_981 = arith.index_cast %mul3A_977 : i32 to index
        %get3A_982 = tpu.vector_load %arg6[%get3A_979, %get3A_980, %get3A_981] {strides = array<i32>} : memref<8x2x1024xf32, #tpu.memory_space<vmem>>, vector<1x1x16xf32>,
        %get3A_983 = vector.shape_cast %get3A_982 : vector<1x1x16xf32> to vector<16xf32>
        %get3A_984 = arith.constant 6 : i32
        %get3A_985 = arith.constant 0 : i32
        %get3A_986 = arith.constant 0 : i32
        %get3A_987 = arith.index_cast %get3A_984 : i32 to index
        %get3A_988 = arith.index_cast %get3A_985 : i32 to index
        %get3A_989 = arith.index_cast %get3A_986 : i32 to index
        %get3A_990 = arith.index_cast %mul3A_977 : i32 to index
        %get3A_991 = tpu.vector_load %arg5[%get3A_987, %get3A_988, %get3A_989, %get3A_990] {strides = array<i32>} : memref<8x4x2x1024xf32, #tpu.memory_space<vmem>>, vector<1x1x1x16xf32>,
        %get3A_992 = vector.shape_cast %get3A_991 : vector<1x1x1x16xf32> to vector<16xf32>
        %add3A_993 = arith.addf %get3A_992, %get3A_983 : vector<16xf32>
        %swap3A = arith.constant 6 : i32
        %swap3A_994 = arith.constant 0 : i32
        %swap3A_995 = arith.constant 0 : i32
        %swap3A_996 = arith.index_cast %swap3A : i32 to index
        %swap3A_997 = arith.index_cast %swap3A_994 : i32 to index
        %swap3A_998 = arith.index_cast %swap3A_995 : i32 to index
        %swap3A_999 = arith.index_cast %mul3A_977 : i32 to index
        %swap3A_1000 = tpu.vector_load %arg5[%swap3A_996, %swap3A_997, %swap3A_998, %swap3A_999] {strides = array<i32>} : memref<8x4x2x1024xf32, #tpu.memory_space<vmem>>, vector<1x1x1x16xf32>,
        %swap3A_1001 = vector.shape_cast %swap3A_1000 : vector<1x1x1x16xf32> to vector<16xf32>
        %swap3A_1002 = vector.shape_cast %add3A_993 : vector<16xf32> to vector<1x1x1x16xf32>
        tpu.vector_store %arg5[%swap3A_996, %swap3A_997, %swap3A_998, %swap3A_999], %swap3A_1002 {strides = array<i32>} : memref<8x4x2x1024xf32, #tpu.memory_space<vmem>>, vector<1x1x1x16xf32>,
        %get3A_1003 = arith.constant 6 : i32
        %get3A_1004 = arith.constant 1 : i32
        %get3A_1005 = arith.constant 0 : i32
        %get3A_1006 = arith.index_cast %get3A_1003 : i32 to index
        %get3A_1007 = arith.index_cast %get3A_1004 : i32 to index
        %get3A_1008 = arith.index_cast %get3A_1005 : i32 to index
        %get3A_1009 = arith.index_cast %mul3A_977 : i32 to index
        %get3A_1010 = tpu.vector_load %arg5[%get3A_1006, %get3A_1007, %get3A_1008, %get3A_1009] {strides = array<i32>} : memref<8x4x2x1024xf32, #tpu.memory_space<vmem>>, vector<1x1x1x16xf32>,
        %get3A_1011 = vector.shape_cast %get3A_1010 : vector<1x1x1x16xf32> to vector<16xf32>
        %add3A_1012 = arith.addf %get3A_1011, %get3A_983 : vector<16xf32>
        %swap3A_1013 = arith.constant 6 : i32
        %swap3A_1014 = arith.constant 1 : i32
        %swap3A_1015 = arith.constant 0 : i32
        %swap3A_1016 = arith.index_cast %swap3A_1013 : i32 to index
        %swap3A_1017 = arith.index_cast %swap3A_1014 : i32 to index
        %swap3A_1018 = arith.index_cast %swap3A_1015 : i32 to index
        %swap3A_1019 = arith.index_cast %mul3A_977 : i32 to index
        %swap3A_1020 = tpu.vector_load %arg5[%swap3A_1016, %swap3A_1017, %swap3A_1018, %swap3A_1019] {strides = array<i32>} : memref<8x4x2x1024xf32, #tpu.memory_space<vmem>>, vector<1x1x1x16xf32>,
        %swap3A_1021 = vector.shape_cast %swap3A_1020 : vector<1x1x1x16xf32> to vector<16xf32>
        %swap3A_1022 = vector.shape_cast %add3A_1012 : vector<16xf32> to vector<1x1x1x16xf32>
        tpu.vector_store %arg5[%swap3A_1016, %swap3A_1017, %swap3A_1018, %swap3A_1019], %swap3A_1022 {strides = array<i32>} : memref<8x4x2x1024xf32, #tpu.memory_space<vmem>>, vector<1x1x1x16xf32>,
        %get3A_1023 = arith.constant 6 : i32
        %get3A_1024 = arith.constant 2 : i32
        %get3A_1025 = arith.constant 0 : i32
        %get3A_1026 = arith.index_cast %get3A_1023 : i32 to index
        %get3A_1027 = arith.index_cast %get3A_1024 : i32 to index
        %get3A_1028 = arith.index_cast %get3A_1025 : i32 to index
        %get3A_1029 = arith.index_cast %mul3A_977 : i32 to index
        %get3A_1030 = tpu.vector_load %arg5[%get3A_1026, %get3A_1027, %get3A_1028, %get3A_1029] {strides = array<i32>} : memref<8x4x2x1024xf32, #tpu.memory_space<vmem>>, vector<1x1x1x16xf32>,
        %get3A_1031 = vector.shape_cast %get3A_1030 : vector<1x1x1x16xf32> to vector<16xf32>
        %add3A_1032 = arith.addf %get3A_1031, %get3A_983 : vector<16xf32>
        %swap3A_1033 = arith.constant 6 : i32
        %swap3A_1034 = arith.constant 2 : i32
        %swap3A_1035 = arith.constant 0 : i32
        %swap3A_1036 = arith.index_cast %swap3A_1033 : i32 to index
        %swap3A_1037 = arith.index_cast %swap3A_1034 : i32 to index
        %swap3A_1038 = arith.index_cast %swap3A_1035 : i32 to index
        %swap3A_1039 = arith.index_cast %mul3A_977 : i32 to index
        %swap3A_1040 = tpu.vector_load %arg5[%swap3A_1036, %swap3A_1037, %swap3A_1038, %swap3A_1039] {strides = array<i32>} : memref<8x4x2x1024xf32, #tpu.memory_space<vmem>>, vector<1x1x1x16xf32>,
        %swap3A_1041 = vector.shape_cast %swap3A_1040 : vector<1x1x1x16xf32> to vector<16xf32>
        %swap3A_1042 = vector.shape_cast %add3A_1032 : vector<16xf32> to vector<1x1x1x16xf32>
        tpu.vector_store %arg5[%swap3A_1036, %swap3A_1037, %swap3A_1038, %swap3A_1039], %swap3A_1042 {strides = array<i32>} : memref<8x4x2x1024xf32, #tpu.memory_space<vmem>>, vector<1x1x1x16xf32>,
        %get3A_1043 = arith.constant 6 : i32
        %get3A_1044 = arith.constant 3 : i32
        %get3A_1045 = arith.constant 0 : i32
        %get3A_1046 = arith.index_cast %get3A_1043 : i32 to index
        %get3A_1047 = arith.index_cast %get3A_1044 : i32 to index
        %get3A_1048 = arith.index_cast %get3A_1045 : i32 to index
        %get3A_1049 = arith.index_cast %mul3A_977 : i32 to index
        %get3A_1050 = tpu.vector_load %arg5[%get3A_1046, %get3A_1047, %get3A_1048, %get3A_1049] {strides = array<i32>} : memref<8x4x2x1024xf32, #tpu.memory_space<vmem>>, vector<1x1x1x16xf32>,
        %get3A_1051 = vector.shape_cast %get3A_1050 : vector<1x1x1x16xf32> to vector<16xf32>
        %add3A_1052 = arith.addf %get3A_1051, %get3A_983 : vector<16xf32>
        %swap3A_1053 = arith.constant 6 : i32
        %swap3A_1054 = arith.constant 3 : i32
        %swap3A_1055 = arith.constant 0 : i32
        %swap3A_1056 = arith.index_cast %swap3A_1053 : i32 to index
        %swap3A_1057 = arith.index_cast %swap3A_1054 : i32 to index
        %swap3A_1058 = arith.index_cast %swap3A_1055 : i32 to index
        %swap3A_1059 = arith.index_cast %mul3A_977 : i32 to index
        %swap3A_1060 = tpu.vector_load %arg5[%swap3A_1056, %swap3A_1057, %swap3A_1058, %swap3A_1059] {strides = array<i32>} : memref<8x4x2x1024xf32, #tpu.memory_space<vmem>>, vector<1x1x1x16xf32>,
        %swap3A_1061 = vector.shape_cast %swap3A_1060 : vector<1x1x1x16xf32> to vector<16xf32>
        %swap3A_1062 = vector.shape_cast %add3A_1052 : vector<16xf32> to vector<1x1x1x16xf32>
        tpu.vector_store %arg5[%swap3A_1056, %swap3A_1057, %swap3A_1058, %swap3A_1059], %swap3A_1062 {strides = array<i32>} : memref<8x4x2x1024xf32, #tpu.memory_space<vmem>>, vector<1x1x1x16xf32>,
        %get3A_1063 = arith.constant 6 : i32
        %get3A_1064 = arith.constant 1 : i32
        %get3A_1065 = arith.index_cast %get3A_1063 : i32 to index
        %get3A_1066 = arith.index_cast %get3A_1064 : i32 to index
        %get3A_1067 = arith.index_cast %mul3A_977 : i32 to index
        %get3A_1068 = tpu.vector_load %arg6[%get3A_1065, %get3A_1066, %get3A_1067] {strides = array<i32>} : memref<8x2x1024xf32, #tpu.memory_space<vmem>>, vector<1x1x16xf32>,
        %get3A_1069 = vector.shape_cast %get3A_1068 : vector<1x1x16xf32> to vector<16xf32>
        %get3A_1070 = arith.constant 6 : i32
        %get3A_1071 = arith.constant 0 : i32
        %get3A_1072 = arith.constant 1 : i32
        %get3A_1073 = arith.index_cast %get3A_1070 : i32 to index
        %get3A_1074 = arith.index_cast %get3A_1071 : i32 to index
        %get3A_1075 = arith.index_cast %get3A_1072 : i32 to index
        %get3A_1076 = arith.index_cast %mul3A_977 : i32 to index
        %get3A_1077 = tpu.vector_load %arg5[%get3A_1073, %get3A_1074, %get3A_1075, %get3A_1076] {strides = array<i32>} : memref<8x4x2x1024xf32, #tpu.memory_space<vmem>>, vector<1x1x1x16xf32>,
        %get3A_1078 = vector.shape_cast %get3A_1077 : vector<1x1x1x16xf32> to vector<16xf32>
        %add3A_1079 = arith.addf %get3A_1078, %get3A_1069 : vector<16xf32>
        %swap3A_1080 = arith.constant 6 : i32
        %swap3A_1081 = arith.constant 0 : i32
        %swap3A_1082 = arith.constant 1 : i32
        %swap3A_1083 = arith.index_cast %swap3A_1080 : i32 to index
        %swap3A_1084 = arith.index_cast %swap3A_1081 : i32 to index
        %swap3A_1085 = arith.index_cast %swap3A_1082 : i32 to index
        %swap3A_1086 = arith.index_cast %mul3A_977 : i32 to index
        %swap3A_1087 = tpu.vector_load %arg5[%swap3A_1083, %swap3A_1084, %swap3A_1085, %swap3A_1086] {strides = array<i32>} : memref<8x4x2x1024xf32, #tpu.memory_space<vmem>>, vector<1x1x1x16xf32>,
        %swap3A_1088 = vector.shape_cast %swap3A_1087 : vector<1x1x1x16xf32> to vector<16xf32>
        %swap3A_1089 = vector.shape_cast %add3A_1079 : vector<16xf32> to vector<1x1x1x16xf32>
        tpu.vector_store %arg5[%swap3A_1083, %swap3A_1084, %swap3A_1085, %swap3A_1086], %swap3A_1089 {strides = array<i32>} : memref<8x4x2x1024xf32, #tpu.memory_space<vmem>>, vector<1x1x1x16xf32>,
        %get3A_1090 = arith.constant 6 : i32
        %get3A_1091 = arith.constant 1 : i32
        %get3A_1092 = arith.constant 1 : i32
        %get3A_1093 = arith.index_cast %get3A_1090 : i32 to index
        %get3A_1094 = arith.index_cast %get3A_1091 : i32 to index
        %get3A_1095 = arith.index_cast %get3A_1092 : i32 to index
        %get3A_1096 = arith.index_cast %mul3A_977 : i32 to index
        %get3A_1097 = tpu.vector_load %arg5[%get3A_1093, %get3A_1094, %get3A_1095, %get3A_1096] {strides = array<i32>} : memref<8x4x2x1024xf32, #tpu.memory_space<vmem>>, vector<1x1x1x16xf32>,
        %get3A_1098 = vector.shape_cast %get3A_1097 : vector<1x1x1x16xf32> to vector<16xf32>
        %add3A_1099 = arith.addf %get3A_1098, %get3A_1069 : vector<16xf32>
        %swap3A_1100 = arith.constant 6 : i32
        %swap3A_1101 = arith.constant 1 : i32
        %swap3A_1102 = arith.constant 1 : i32
        %swap3A_1103 = arith.index_cast %swap3A_1100 : i32 to index
        %swap3A_1104 = arith.index_cast %swap3A_1101 : i32 to index
        %swap3A_1105 = arith.index_cast %swap3A_1102 : i32 to index
        %swap3A_1106 = arith.index_cast %mul3A_977 : i32 to index
        %swap3A_1107 = tpu.vector_load %arg5[%swap3A_1103, %swap3A_1104, %swap3A_1105, %swap3A_1106] {strides = array<i32>} : memref<8x4x2x1024xf32, #tpu.memory_space<vmem>>, vector<1x1x1x16xf32>,
        %swap3A_1108 = vector.shape_cast %swap3A_1107 : vector<1x1x1x16xf32> to vector<16xf32>
        %swap3A_1109 = vector.shape_cast %add3A_1099 : vector<16xf32> to vector<1x1x1x16xf32>
        tpu.vector_store %arg5[%swap3A_1103, %swap3A_1104, %swap3A_1105, %swap3A_1106], %swap3A_1109 {strides = array<i32>} : memref<8x4x2x1024xf32, #tpu.memory_space<vmem>>, vector<1x1x1x16xf32>,
        %get3A_1110 = arith.constant 6 : i32
        %get3A_1111 = arith.constant 2 : i32
        %get3A_1112 = arith.constant 1 : i32
        %get3A_1113 = arith.index_cast %get3A_1110 : i32 to index
        %get3A_1114 = arith.index_cast %get3A_1111 : i32 to index
        %get3A_1115 = arith.index_cast %get3A_1112 : i32 to index
        %get3A_1116 = arith.index_cast %mul3A_977 : i32 to index
        %get3A_1117 = tpu.vector_load %arg5[%get3A_1113, %get3A_1114, %get3A_1115, %get3A_1116] {strides = array<i32>} : memref<8x4x2x1024xf32, #tpu.memory_space<vmem>>, vector<1x1x1x16xf32>,
        %get3A_1118 = vector.shape_cast %get3A_1117 : vector<1x1x1x16xf32> to vector<16xf32>
        %add3A_1119 = arith.addf %get3A_1118, %get3A_1069 : vector<16xf32>
        %swap3A_1120 = arith.constant 6 : i32
        %swap3A_1121 = arith.constant 2 : i32
        %swap3A_1122 = arith.constant 1 : i32
        %swap3A_1123 = arith.index_cast %swap3A_1120 : i32 to index
        %swap3A_1124 = arith.index_cast %swap3A_1121 : i32 to index
        %swap3A_1125 = arith.index_cast %swap3A_1122 : i32 to index
        %swap3A_1126 = arith.index_cast %mul3A_977 : i32 to index
        %swap3A_1127 = tpu.vector_load %arg5[%swap3A_1123, %swap3A_1124, %swap3A_1125, %swap3A_1126] {strides = array<i32>} : memref<8x4x2x1024xf32, #tpu.memory_space<vmem>>, vector<1x1x1x16xf32>,
        %swap3A_1128 = vector.shape_cast %swap3A_1127 : vector<1x1x1x16xf32> to vector<16xf32>
        %swap3A_1129 = vector.shape_cast %add3A_1119 : vector<16xf32> to vector<1x1x1x16xf32>
        tpu.vector_store %arg5[%swap3A_1123, %swap3A_1124, %swap3A_1125, %swap3A_1126], %swap3A_1129 {strides = array<i32>} : memref<8x4x2x1024xf32, #tpu.memory_space<vmem>>, vector<1x1x1x16xf32>,
        %get3A_1130 = arith.constant 6 : i32
        %get3A_1131 = arith.constant 3 : i32
        %get3A_1132 = arith.constant 1 : i32
        %get3A_1133 = arith.index_cast %get3A_1130 : i32 to index
        %get3A_1134 = arith.index_cast %get3A_1131 : i32 to index
        %get3A_1135 = arith.index_cast %get3A_1132 : i32 to index
        %get3A_1136 = arith.index_cast %mul3A_977 : i32 to index
        %get3A_1137 = tpu.vector_load %arg5[%get3A_1133, %get3A_1134, %get3A_1135, %get3A_1136] {strides = array<i32>} : memref<8x4x2x1024xf32, #tpu.memory_space<vmem>>, vector<1x1x1x16xf32>,
        %get3A_1138 = vector.shape_cast %get3A_1137 : vector<1x1x1x16xf32> to vector<16xf32>
        %add3A_1139 = arith.addf %get3A_1138, %get3A_1069 : vector<16xf32>
        %swap3A_1140 = arith.constant 6 : i32
        %swap3A_1141 = arith.constant 3 : i32
        %swap3A_1142 = arith.constant 1 : i32
        %swap3A_1143 = arith.index_cast %swap3A_1140 : i32 to index
        %swap3A_1144 = arith.index_cast %swap3A_1141 : i32 to index
        %swap3A_1145 = arith.index_cast %swap3A_1142 : i32 to index
        %swap3A_1146 = arith.index_cast %mul3A_977 : i32 to index
        %swap3A_1147 = tpu.vector_load %arg5[%swap3A_1143, %swap3A_1144, %swap3A_1145, %swap3A_1146] {strides = array<i32>} : memref<8x4x2x1024xf32, #tpu.memory_space<vmem>>, vector<1x1x1x16xf32>,
        %swap3A_1148 = vector.shape_cast %swap3A_1147 : vector<1x1x1x16xf32> to vector<16xf32>
        %swap3A_1149 = vector.shape_cast %add3A_1139 : vector<16xf32> to vector<1x1x1x16xf32>
        tpu.vector_store %arg5[%swap3A_1143, %swap3A_1144, %swap3A_1145, %swap3A_1146], %swap3A_1149 {strides = array<i32>} : memref<8x4x2x1024xf32, #tpu.memory_space<vmem>>, vector<1x1x1x16xf32>,
        %scan3A_1150 = arith.constant 0 : i32
        scf.yield %scan3A_1150 : i32
      }
      %scan3A_852 = arith.constant 64 : i32
      %mul3A_853 = arith.constant 2 : i32
      %mul3A_854 = arith.muli %add3A_806, %mul3A_853 : i32
      %add3A_855 = arith.addi %mul3A_2, %mul3A_854 : i32
      %dma_start3A_856 = arith.constant 6 : i32
      %dma_start3A_857 = arith.constant 6 : i32
      %dma_start3A_858 = arith.constant 0 : i32
      %dma_start3A_859 = arith.constant 0 : i32
      %dma_start3A_860 = arith.constant 0 : i32
      %dma_start3A_861 = tpu.memref_slice %arg5[%dma_start3A_856, %dma_start3A_858, %dma_start3A_859, %dma_start3A_860] : memref<8x4x2x1024xf32, #tpu.memory_space<vmem>> -> memref<1x4x2x1024xf32, #tpu.memory_space<vmem>>
      %dma_start3A_862 = tpu.memref_squeeze %dma_start3A_861 : memref<1x4x2x1024xf32, #tpu.memory_space<vmem>> -> memref<4x2x1024xf32, #tpu.memory_space<vmem>>
      %dma_start3A_863 = arith.constant 0 : i32
      %dma_start3A_864 = arith.constant 0 : i32
      %dma_start3A_865 = tpu.memref_slice %arg4[%dma_start3A_863, %add3A_855, %dma_start3A_864] : memref<4x8192x1024xf32, #tpu.memory_space<hbm>> -> memref<4x2x1024xf32, #tpu.memory_space<hbm>>
      %dma_start3A_866 = tpu.memref_slice %arg9[%dma_start3A_857] : memref<8x!tpu.dma_semaphore, #tpu.memory_space<semaphore_mem>> -> memref<1x!tpu.dma_semaphore, #tpu.memory_space<semaphore_mem>>
      %dma_start3A_867 = tpu.memref_squeeze %dma_start3A_866 : memref<1x!tpu.dma_semaphore, #tpu.memory_space<semaphore_mem>> -> memref<!tpu.dma_semaphore, #tpu.memory_space<semaphore_mem>>
      %dma_start3A_868 = arith.constant 0 : i32
      %dma_start3A_869 = arith.constant 0 : i32
      %dma_start3A_870 = tpu.memref_slice %arg4[%dma_start3A_868, %add3A_855, %dma_start3A_869] : memref<4x8192x1024xf32, #tpu.memory_space<hbm>> -> memref<4x2x1024xf32, #tpu.memory_space<hbm>>
      %dma_start3A_871 = arith.constant 0 : i32
      %dma_start3A_872 = arith.constant 0 : i32
      %dma_start3A_873 = arith.constant 0 : i32
      %dma_start3A_874 = tpu.memref_slice %arg5[%dma_start3A_856, %dma_start3A_871, %dma_start3A_872, %dma_start3A_873] : memref<8x4x2x1024xf32, #tpu.memory_space<vmem>> -> memref<1x4x2x1024xf32, #tpu.memory_space<vmem>>
      %dma_start3A_875 = tpu.memref_squeeze %dma_start3A_874 : memref<1x4x2x1024xf32, #tpu.memory_space<vmem>> -> memref<4x2x1024xf32, #tpu.memory_space<vmem>>
      tpu.enqueue_dma source(%dma_start3A_875 : memref<4x2x1024xf32, #tpu.memory_space<vmem>>) target(%dma_start3A_870 : memref<4x2x1024xf32, #tpu.memory_space<hbm>>) target_semaphore(%dma_start3A_867 : memref<!tpu.dma_semaphore, #tpu.memory_space<semaphore_mem>>)
      %ge3A_876 = arith.constant 1 : i32
      %ge3A_877 = arith.cmpi sge, %add3A_806, %ge3A_876 : i32
      %convert_element_type3A_878 = arith.extui %ge3A_877 : i1 to i32
      %cond3A_879 = arith.constant 0 : i32
      %cond3A_880 = arith.cmpi ne, %convert_element_type3A_878, %cond3A_879 : i32
      scf.if %cond3A_880 {
        %sub3A = arith.constant 1 : i32
        %sub3A_974 = arith.subi %add3A_806, %sub3A : i32
        %mul3A_975 = arith.constant 2 : i32
        %mul3A_976 = arith.muli %sub3A_974, %mul3A_975 : i32
        %add3A_977 = arith.addi %mul3A_2, %mul3A_976 : i32
        %dma_wait3A_978 = arith.constant 5 : i32
        %dma_wait3A_979 = arith.constant 5 : i32
        %dma_wait3A_980 = arith.constant 0 : i32
        %dma_wait3A_981 = arith.constant 0 : i32
        %dma_wait3A_982 = arith.constant 0 : i32
        %dma_wait3A_983 = tpu.memref_slice %arg5[%dma_wait3A_978, %dma_wait3A_980, %dma_wait3A_981, %dma_wait3A_982] : memref<8x4x2x1024xf32, #tpu.memory_space<vmem>> -> memref<1x4x2x1024xf32, #tpu.memory_space<vmem>>
        %dma_wait3A_984 = tpu.memref_squeeze %dma_wait3A_983 : memref<1x4x2x1024xf32, #tpu.memory_space<vmem>> -> memref<4x2x1024xf32, #tpu.memory_space<vmem>>
        %dma_wait3A_985 = arith.constant 0 : i32
        %dma_wait3A_986 = arith.constant 0 : i32
        %dma_wait3A_987 = tpu.memref_slice %arg4[%dma_wait3A_985, %add3A_977, %dma_wait3A_986] : memref<4x8192x1024xf32, #tpu.memory_space<hbm>> -> memref<4x2x1024xf32, #tpu.memory_space<hbm>>
        %dma_wait3A_988 = tpu.memref_slice %arg9[%dma_wait3A_979] : memref<8x!tpu.dma_semaphore, #tpu.memory_space<semaphore_mem>> -> memref<1x!tpu.dma_semaphore, #tpu.memory_space<semaphore_mem>>
        %dma_wait3A_989 = tpu.memref_squeeze %dma_wait3A_988 : memref<1x!tpu.dma_semaphore, #tpu.memory_space<semaphore_mem>> -> memref<!tpu.dma_semaphore, #tpu.memory_space<semaphore_mem>>
        %dma_wait3A_990 = arith.constant 0 : i32
        %dma_wait3A_991 = arith.constant 0 : i32
        %dma_wait3A_992 = tpu.memref_slice %arg4[%dma_wait3A_990, %add3A_977, %dma_wait3A_991] : memref<4x8192x1024xf32, #tpu.memory_space<hbm>> -> memref<4x2x1024xf32, #tpu.memory_space<hbm>>
        %dma_wait3A_993 = arith.constant 0 : i32
        %dma_wait3A_994 = arith.constant 0 : i32
        %dma_wait3A_995 = arith.constant 0 : i32
        %dma_wait3A_996 = tpu.memref_slice %arg5[%dma_wait3A_978, %dma_wait3A_993, %dma_wait3A_994, %dma_wait3A_995] : memref<8x4x2x1024xf32, #tpu.memory_space<vmem>> -> memref<1x4x2x1024xf32, #tpu.memory_space<vmem>>
        %dma_wait3A_997 = tpu.memref_squeeze %dma_wait3A_996 : memref<1x4x2x1024xf32, #tpu.memory_space<vmem>> -> memref<4x2x1024xf32, #tpu.memory_space<vmem>>
        tpu.wait_dma2 semaphore(%dma_wait3A_989 : memref<!tpu.dma_semaphore, #tpu.memory_space<semaphore_mem>>) src(%dma_wait3A_997 : memref<4x2x1024xf32, #tpu.memory_space<vmem>>) dst(%dma_wait3A_992 : memref<4x2x1024xf32, #tpu.memory_space<hbm>>)
      } else {
      }
      %add3A_881 = arith.constant 7 : i32
      %add3A_882 = arith.addi %add3A_806, %add3A_881 : i32
      %lt3A_883 = arith.constant 128 : i32
      %lt3A_884 = arith.cmpi slt, %add3A_882, %lt3A_883 : i32
      %convert_element_type3A_885 = arith.extui %lt3A_884 : i1 to i32
      %cond3A_886 = arith.constant 0 : i32
      %cond3A_887 = arith.cmpi ne, %convert_element_type3A_885, %cond3A_886 : i32
      scf.if %cond3A_887 {
        %add3A_974 = arith.constant 7 : i32
        %add3A_975 = arith.addi %add3A_806, %add3A_974 : i32
        %mul3A_976 = arith.constant 2 : i32
        %mul3A_977 = arith.muli %add3A_975, %mul3A_976 : i32
        %add3A_978 = arith.addi %mul3A_2, %mul3A_977 : i32
        %dma_start3A_979 = arith.constant 5 : i32
        %dma_start3A_980 = arith.constant 5 : i32
        %dma_start3A_981 = arith.constant 0 : i32
        %dma_start3A_982 = arith.constant 0 : i32
        %dma_start3A_983 = arith.constant 0 : i32
        %dma_start3A_984 = tpu.memref_slice %arg5[%dma_start3A_979, %dma_start3A_981, %dma_start3A_982, %dma_start3A_983] : memref<8x4x2x1024xf32, #tpu.memory_space<vmem>> -> memref<1x4x2x1024xf32, #tpu.memory_space<vmem>>
        %dma_start3A_985 = tpu.memref_squeeze %dma_start3A_984 : memref<1x4x2x1024xf32, #tpu.memory_space<vmem>> -> memref<4x2x1024xf32, #tpu.memory_space<vmem>>
        %dma_start3A_986 = arith.constant 0 : i32
        %dma_start3A_987 = arith.constant 0 : i32
        %dma_start3A_988 = tpu.memref_slice %arg2[%dma_start3A_986, %add3A_978, %dma_start3A_987] : memref<4x8192x1024xf32, #tpu.memory_space<hbm>> -> memref<4x2x1024xf32, #tpu.memory_space<hbm>>
        %dma_start3A_989 = tpu.memref_slice %arg7[%dma_start3A_980] : memref<8x!tpu.dma_semaphore, #tpu.memory_space<semaphore_mem>> -> memref<1x!tpu.dma_semaphore, #tpu.memory_space<semaphore_mem>>
        %dma_start3A_990 = tpu.memref_squeeze %dma_start3A_989 : memref<1x!tpu.dma_semaphore, #tpu.memory_space<semaphore_mem>> -> memref<!tpu.dma_semaphore, #tpu.memory_space<semaphore_mem>>
        %dma_start3A_991 = arith.constant 0 : i32
        %dma_start3A_992 = arith.constant 0 : i32
        %dma_start3A_993 = arith.constant 0 : i32
        %dma_start3A_994 = tpu.memref_slice %arg5[%dma_start3A_979, %dma_start3A_991, %dma_start3A_992, %dma_start3A_993] : memref<8x4x2x1024xf32, #tpu.memory_space<vmem>> -> memref<1x4x2x1024xf32, #tpu.memory_space<vmem>>
        %dma_start3A_995 = tpu.memref_squeeze %dma_start3A_994 : memref<1x4x2x1024xf32, #tpu.memory_space<vmem>> -> memref<4x2x1024xf32, #tpu.memory_space<vmem>>
        %dma_start3A_996 = arith.constant 0 : i32
        %dma_start3A_997 = arith.constant 0 : i32
        %dma_start3A_998 = tpu.memref_slice %arg2[%dma_start3A_996, %add3A_978, %dma_start3A_997] : memref<4x8192x1024xf32, #tpu.memory_space<hbm>> -> memref<4x2x1024xf32, #tpu.memory_space<hbm>>
        tpu.enqueue_dma source(%dma_start3A_998 : memref<4x2x1024xf32, #tpu.memory_space<hbm>>) target(%dma_start3A_995 : memref<4x2x1024xf32, #tpu.memory_space<vmem>>) target_semaphore(%dma_start3A_990 : memref<!tpu.dma_semaphore, #tpu.memory_space<semaphore_mem>>)
        %dma_start3A_999 = arith.constant 5 : i32
        %dma_start3A_1000 = arith.constant 5 : i32
        %dma_start3A_1001 = arith.constant 0 : i32
        %dma_start3A_1002 = arith.constant 0 : i32
        %dma_start3A_1003 = tpu.memref_slice %arg6[%dma_start3A_999, %dma_start3A_1001, %dma_start3A_1002] : memref<8x2x1024xf32, #tpu.memory_space<vmem>> -> memref<1x2x1024xf32, #tpu.memory_space<vmem>>
        %dma_start3A_1004 = tpu.memref_squeeze %dma_start3A_1003 : memref<1x2x1024xf32, #tpu.memory_space<vmem>> -> memref<2x1024xf32, #tpu.memory_space<vmem>>
        %dma_start3A_1005 = arith.constant 0 : i32
        %dma_start3A_1006 = tpu.memref_slice %arg3[%add3A_978, %dma_start3A_1005] : memref<8192x1024xf32, #tpu.memory_space<hbm>> -> memref<2x1024xf32, #tpu.memory_space<hbm>>
        %dma_start3A_1007 = tpu.memref_slice %arg8[%dma_start3A_1000] : memref<8x!tpu.dma_semaphore, #tpu.memory_space<semaphore_mem>> -> memref<1x!tpu.dma_semaphore, #tpu.memory_space<semaphore_mem>>
        %dma_start3A_1008 = tpu.memref_squeeze %dma_start3A_1007 : memref<1x!tpu.dma_semaphore, #tpu.memory_space<semaphore_mem>> -> memref<!tpu.dma_semaphore, #tpu.memory_space<semaphore_mem>>
        %dma_start3A_1009 = arith.constant 0 : i32
        %dma_start3A_1010 = arith.constant 0 : i32
        %dma_start3A_1011 = tpu.memref_slice %arg6[%dma_start3A_999, %dma_start3A_1009, %dma_start3A_1010] : memref<8x2x1024xf32, #tpu.memory_space<vmem>> -> memref<1x2x1024xf32, #tpu.memory_space<vmem>>
        %dma_start3A_1012 = tpu.memref_squeeze %dma_start3A_1011 : memref<1x2x1024xf32, #tpu.memory_space<vmem>> -> memref<2x1024xf32, #tpu.memory_space<vmem>>
        %dma_start3A_1013 = arith.constant 0 : i32
        %dma_start3A_1014 = tpu.memref_slice %arg3[%add3A_978, %dma_start3A_1013] : memref<8192x1024xf32, #tpu.memory_space<hbm>> -> memref<2x1024xf32, #tpu.memory_space<hbm>>
        tpu.enqueue_dma source(%dma_start3A_1014 : memref<2x1024xf32, #tpu.memory_space<hbm>>) target(%dma_start3A_1012 : memref<2x1024xf32, #tpu.memory_space<vmem>>) target_semaphore(%dma_start3A_1008 : memref<!tpu.dma_semaphore, #tpu.memory_space<semaphore_mem>>)
      } else {
      }
      %mul3A_888 = arith.constant 8 : i32
      %mul3A_889 = arith.muli %mul3A_888, %scan3A_295 : i32
      %add3A_890 = arith.constant 7 : i32
      %add3A_891 = arith.addi %mul3A_889, %add3A_890 : i32
      %mul3A_892 = arith.constant 2 : i32
      %mul3A_893 = arith.muli %add3A_891, %mul3A_892 : i32
      %add3A_894 = arith.addi %mul3A_2, %mul3A_893 : i32
      %dma_wait3A_895 = arith.constant 7 : i32
      %dma_wait3A_896 = arith.constant 7 : i32
      %dma_wait3A_897 = arith.constant 0 : i32
      %dma_wait3A_898 = arith.constant 0 : i32
      %dma_wait3A_899 = arith.constant 0 : i32
      %dma_wait3A_900 = tpu.memref_slice %arg5[%dma_wait3A_895, %dma_wait3A_897, %dma_wait3A_898, %dma_wait3A_899] : memref<8x4x2x1024xf32, #tpu.memory_space<vmem>> -> memref<1x4x2x1024xf32, #tpu.memory_space<vmem>>
      %dma_wait3A_901 = tpu.memref_squeeze %dma_wait3A_900 : memref<1x4x2x1024xf32, #tpu.memory_space<vmem>> -> memref<4x2x1024xf32, #tpu.memory_space<vmem>>
      %dma_wait3A_902 = arith.constant 0 : i32
      %dma_wait3A_903 = arith.constant 0 : i32
      %dma_wait3A_904 = tpu.memref_slice %arg2[%dma_wait3A_902, %add3A_894, %dma_wait3A_903] : memref<4x8192x1024xf32, #tpu.memory_space<hbm>> -> memref<4x2x1024xf32, #tpu.memory_space<hbm>>
      %dma_wait3A_905 = tpu.memref_slice %arg7[%dma_wait3A_896] : memref<8x!tpu.dma_semaphore, #tpu.memory_space<semaphore_mem>> -> memref<1x!tpu.dma_semaphore, #tpu.memory_space<semaphore_mem>>
      %dma_wait3A_906 = tpu.memref_squeeze %dma_wait3A_905 : memref<1x!tpu.dma_semaphore, #tpu.memory_space<semaphore_mem>> -> memref<!tpu.dma_semaphore, #tpu.memory_space<semaphore_mem>>
      %dma_wait3A_907 = arith.constant 0 : i32
      %dma_wait3A_908 = arith.constant 0 : i32
      %dma_wait3A_909 = arith.constant 0 : i32
      %dma_wait3A_910 = tpu.memref_slice %arg5[%dma_wait3A_895, %dma_wait3A_907, %dma_wait3A_908, %dma_wait3A_909] : memref<8x4x2x1024xf32, #tpu.memory_space<vmem>> -> memref<1x4x2x1024xf32, #tpu.memory_space<vmem>>
      %dma_wait3A_911 = tpu.memref_squeeze %dma_wait3A_910 : memref<1x4x2x1024xf32, #tpu.memory_space<vmem>> -> memref<4x2x1024xf32, #tpu.memory_space<vmem>>
      %dma_wait3A_912 = arith.constant 0 : i32
      %dma_wait3A_913 = arith.constant 0 : i32
      %dma_wait3A_914 = tpu.memref_slice %arg2[%dma_wait3A_912, %add3A_894, %dma_wait3A_913] : memref<4x8192x1024xf32, #tpu.memory_space<hbm>> -> memref<4x2x1024xf32, #tpu.memory_space<hbm>>
      tpu.wait_dma2 semaphore(%dma_wait3A_906 : memref<!tpu.dma_semaphore, #tpu.memory_space<semaphore_mem>>) src(%dma_wait3A_914 : memref<4x2x1024xf32, #tpu.memory_space<hbm>>) dst(%dma_wait3A_911 : memref<4x2x1024xf32, #tpu.memory_space<vmem>>)
      %dma_wait3A_915 = arith.constant 7 : i32
      %dma_wait3A_916 = arith.constant 7 : i32
      %dma_wait3A_917 = arith.constant 0 : i32
      %dma_wait3A_918 = arith.constant 0 : i32
      %dma_wait3A_919 = tpu.memref_slice %arg6[%dma_wait3A_915, %dma_wait3A_917, %dma_wait3A_918] : memref<8x2x1024xf32, #tpu.memory_space<vmem>> -> memref<1x2x1024xf32, #tpu.memory_space<vmem>>
      %dma_wait3A_920 = tpu.memref_squeeze %dma_wait3A_919 : memref<1x2x1024xf32, #tpu.memory_space<vmem>> -> memref<2x1024xf32, #tpu.memory_space<vmem>>
      %dma_wait3A_921 = arith.constant 0 : i32
      %dma_wait3A_922 = tpu.memref_slice %arg3[%add3A_894, %dma_wait3A_921] : memref<8192x1024xf32, #tpu.memory_space<hbm>> -> memref<2x1024xf32, #tpu.memory_space<hbm>>
      %dma_wait3A_923 = tpu.memref_slice %arg8[%dma_wait3A_916] : memref<8x!tpu.dma_semaphore, #tpu.memory_space<semaphore_mem>> -> memref<1x!tpu.dma_semaphore, #tpu.memory_space<semaphore_mem>>
      %dma_wait3A_924 = tpu.memref_squeeze %dma_wait3A_923 : memref<1x!tpu.dma_semaphore, #tpu.memory_space<semaphore_mem>> -> memref<!tpu.dma_semaphore, #tpu.memory_space<semaphore_mem>>
      %dma_wait3A_925 = arith.constant 0 : i32
      %dma_wait3A_926 = arith.constant 0 : i32
      %dma_wait3A_927 = tpu.memref_slice %arg6[%dma_wait3A_915, %dma_wait3A_925, %dma_wait3A_926] : memref<8x2x1024xf32, #tpu.memory_space<vmem>> -> memref<1x2x1024xf32, #tpu.memory_space<vmem>>
      %dma_wait3A_928 = tpu.memref_squeeze %dma_wait3A_927 : memref<1x2x1024xf32, #tpu.memory_space<vmem>> -> memref<2x1024xf32, #tpu.memory_space<vmem>>
      %dma_wait3A_929 = arith.constant 0 : i32
      %dma_wait3A_930 = tpu.memref_slice %arg3[%add3A_894, %dma_wait3A_929] : memref<8192x1024xf32, #tpu.memory_space<hbm>> -> memref<2x1024xf32, #tpu.memory_space<hbm>>
      tpu.wait_dma2 semaphore(%dma_wait3A_924 : memref<!tpu.dma_semaphore, #tpu.memory_space<semaphore_mem>>) src(%dma_wait3A_930 : memref<2x1024xf32, #tpu.memory_space<hbm>>) dst(%dma_wait3A_928 : memref<2x1024xf32, #tpu.memory_space<vmem>>)
      %scan3A_931 = arith.constant 0 : i32
      %scan3A_932 = arith.constant 0 : i32
      %scan3A_933 = arith.constant 64 : i32
      %scan3A_934 = arith.addi %scan3A_932, %scan3A_933 : i32
      %scan3A_935 = arith.constant 1 : i32
      %scan3A_936 = scf.for %scan3A_974 = %scan3A_932 to %scan3A_934 step %scan3A_935 iter_args(%scan3A_975 = %scan3A_931) -> (i32)  : i32 {
        %mul3A_976 = arith.constant 16 : i32
        %mul3A_977 = arith.muli %scan3A_974, %mul3A_976 : i32
        %get3A = arith.constant 7 : i32
        %get3A_978 = arith.constant 0 : i32
        %get3A_979 = arith.index_cast %get3A : i32 to index
        %get3A_980 = arith.index_cast %get3A_978 : i32 to index
        %get3A_981 = arith.index_cast %mul3A_977 : i32 to index
        %get3A_982 = tpu.vector_load %arg6[%get3A_979, %get3A_980, %get3A_981] {strides = array<i32>} : memref<8x2x1024xf32, #tpu.memory_space<vmem>>, vector<1x1x16xf32>,
        %get3A_983 = vector.shape_cast %get3A_982 : vector<1x1x16xf32> to vector<16xf32>
        %get3A_984 = arith.constant 7 : i32
        %get3A_985 = arith.constant 0 : i32
        %get3A_986 = arith.constant 0 : i32
        %get3A_987 = arith.index_cast %get3A_984 : i32 to index
        %get3A_988 = arith.index_cast %get3A_985 : i32 to index
        %get3A_989 = arith.index_cast %get3A_986 : i32 to index
        %get3A_990 = arith.index_cast %mul3A_977 : i32 to index
        %get3A_991 = tpu.vector_load %arg5[%get3A_987, %get3A_988, %get3A_989, %get3A_990] {strides = array<i32>} : memref<8x4x2x1024xf32, #tpu.memory_space<vmem>>, vector<1x1x1x16xf32>,
        %get3A_992 = vector.shape_cast %get3A_991 : vector<1x1x1x16xf32> to vector<16xf32>
        %add3A_993 = arith.addf %get3A_992, %get3A_983 : vector<16xf32>
        %swap3A = arith.constant 7 : i32
        %swap3A_994 = arith.constant 0 : i32
        %swap3A_995 = arith.constant 0 : i32
        %swap3A_996 = arith.index_cast %swap3A : i32 to index
        %swap3A_997 = arith.index_cast %swap3A_994 : i32 to index
        %swap3A_998 = arith.index_cast %swap3A_995 : i32 to index
        %swap3A_999 = arith.index_cast %mul3A_977 : i32 to index
        %swap3A_1000 = tpu.vector_load %arg5[%swap3A_996, %swap3A_997, %swap3A_998, %swap3A_999] {strides = array<i32>} : memref<8x4x2x1024xf32, #tpu.memory_space<vmem>>, vector<1x1x1x16xf32>,
        %swap3A_1001 = vector.shape_cast %swap3A_1000 : vector<1x1x1x16xf32> to vector<16xf32>
        %swap3A_1002 = vector.shape_cast %add3A_993 : vector<16xf32> to vector<1x1x1x16xf32>
        tpu.vector_store %arg5[%swap3A_996, %swap3A_997, %swap3A_998, %swap3A_999], %swap3A_1002 {strides = array<i32>} : memref<8x4x2x1024xf32, #tpu.memory_space<vmem>>, vector<1x1x1x16xf32>,
        %get3A_1003 = arith.constant 7 : i32
        %get3A_1004 = arith.constant 1 : i32
        %get3A_1005 = arith.constant 0 : i32
        %get3A_1006 = arith.index_cast %get3A_1003 : i32 to index
        %get3A_1007 = arith.index_cast %get3A_1004 : i32 to index
        %get3A_1008 = arith.index_cast %get3A_1005 : i32 to index
        %get3A_1009 = arith.index_cast %mul3A_977 : i32 to index
        %get3A_1010 = tpu.vector_load %arg5[%get3A_1006, %get3A_1007, %get3A_1008, %get3A_1009] {strides = array<i32>} : memref<8x4x2x1024xf32, #tpu.memory_space<vmem>>, vector<1x1x1x16xf32>,
        %get3A_1011 = vector.shape_cast %get3A_1010 : vector<1x1x1x16xf32> to vector<16xf32>
        %add3A_1012 = arith.addf %get3A_1011, %get3A_983 : vector<16xf32>
        %swap3A_1013 = arith.constant 7 : i32
        %swap3A_1014 = arith.constant 1 : i32
        %swap3A_1015 = arith.constant 0 : i32
        %swap3A_1016 = arith.index_cast %swap3A_1013 : i32 to index
        %swap3A_1017 = arith.index_cast %swap3A_1014 : i32 to index
        %swap3A_1018 = arith.index_cast %swap3A_1015 : i32 to index
        %swap3A_1019 = arith.index_cast %mul3A_977 : i32 to index
        %swap3A_1020 = tpu.vector_load %arg5[%swap3A_1016, %swap3A_1017, %swap3A_1018, %swap3A_1019] {strides = array<i32>} : memref<8x4x2x1024xf32, #tpu.memory_space<vmem>>, vector<1x1x1x16xf32>,
        %swap3A_1021 = vector.shape_cast %swap3A_1020 : vector<1x1x1x16xf32> to vector<16xf32>
        %swap3A_1022 = vector.shape_cast %add3A_1012 : vector<16xf32> to vector<1x1x1x16xf32>
        tpu.vector_store %arg5[%swap3A_1016, %swap3A_1017, %swap3A_1018, %swap3A_1019], %swap3A_1022 {strides = array<i32>} : memref<8x4x2x1024xf32, #tpu.memory_space<vmem>>, vector<1x1x1x16xf32>,
        %get3A_1023 = arith.constant 7 : i32
        %get3A_1024 = arith.constant 2 : i32
        %get3A_1025 = arith.constant 0 : i32
        %get3A_1026 = arith.index_cast %get3A_1023 : i32 to index
        %get3A_1027 = arith.index_cast %get3A_1024 : i32 to index
        %get3A_1028 = arith.index_cast %get3A_1025 : i32 to index
        %get3A_1029 = arith.index_cast %mul3A_977 : i32 to index
        %get3A_1030 = tpu.vector_load %arg5[%get3A_1026, %get3A_1027, %get3A_1028, %get3A_1029] {strides = array<i32>} : memref<8x4x2x1024xf32, #tpu.memory_space<vmem>>, vector<1x1x1x16xf32>,
        %get3A_1031 = vector.shape_cast %get3A_1030 : vector<1x1x1x16xf32> to vector<16xf32>
        %add3A_1032 = arith.addf %get3A_1031, %get3A_983 : vector<16xf32>
        %swap3A_1033 = arith.constant 7 : i32
        %swap3A_1034 = arith.constant 2 : i32
        %swap3A_1035 = arith.constant 0 : i32
        %swap3A_1036 = arith.index_cast %swap3A_1033 : i32 to index
        %swap3A_1037 = arith.index_cast %swap3A_1034 : i32 to index
        %swap3A_1038 = arith.index_cast %swap3A_1035 : i32 to index
        %swap3A_1039 = arith.index_cast %mul3A_977 : i32 to index
        %swap3A_1040 = tpu.vector_load %arg5[%swap3A_1036, %swap3A_1037, %swap3A_1038, %swap3A_1039] {strides = array<i32>} : memref<8x4x2x1024xf32, #tpu.memory_space<vmem>>, vector<1x1x1x16xf32>,
        %swap3A_1041 = vector.shape_cast %swap3A_1040 : vector<1x1x1x16xf32> to vector<16xf32>
        %swap3A_1042 = vector.shape_cast %add3A_1032 : vector<16xf32> to vector<1x1x1x16xf32>
        tpu.vector_store %arg5[%swap3A_1036, %swap3A_1037, %swap3A_1038, %swap3A_1039], %swap3A_1042 {strides = array<i32>} : memref<8x4x2x1024xf32, #tpu.memory_space<vmem>>, vector<1x1x1x16xf32>,
        %get3A_1043 = arith.constant 7 : i32
        %get3A_1044 = arith.constant 3 : i32
        %get3A_1045 = arith.constant 0 : i32
        %get3A_1046 = arith.index_cast %get3A_1043 : i32 to index
        %get3A_1047 = arith.index_cast %get3A_1044 : i32 to index
        %get3A_1048 = arith.index_cast %get3A_1045 : i32 to index
        %get3A_1049 = arith.index_cast %mul3A_977 : i32 to index
        %get3A_1050 = tpu.vector_load %arg5[%get3A_1046, %get3A_1047, %get3A_1048, %get3A_1049] {strides = array<i32>} : memref<8x4x2x1024xf32, #tpu.memory_space<vmem>>, vector<1x1x1x16xf32>,
        %get3A_1051 = vector.shape_cast %get3A_1050 : vector<1x1x1x16xf32> to vector<16xf32>
        %add3A_1052 = arith.addf %get3A_1051, %get3A_983 : vector<16xf32>
        %swap3A_1053 = arith.constant 7 : i32
        %swap3A_1054 = arith.constant 3 : i32
        %swap3A_1055 = arith.constant 0 : i32
        %swap3A_1056 = arith.index_cast %swap3A_1053 : i32 to index
        %swap3A_1057 = arith.index_cast %swap3A_1054 : i32 to index
        %swap3A_1058 = arith.index_cast %swap3A_1055 : i32 to index
        %swap3A_1059 = arith.index_cast %mul3A_977 : i32 to index
        %swap3A_1060 = tpu.vector_load %arg5[%swap3A_1056, %swap3A_1057, %swap3A_1058, %swap3A_1059] {strides = array<i32>} : memref<8x4x2x1024xf32, #tpu.memory_space<vmem>>, vector<1x1x1x16xf32>,
        %swap3A_1061 = vector.shape_cast %swap3A_1060 : vector<1x1x1x16xf32> to vector<16xf32>
        %swap3A_1062 = vector.shape_cast %add3A_1052 : vector<16xf32> to vector<1x1x1x16xf32>
        tpu.vector_store %arg5[%swap3A_1056, %swap3A_1057, %swap3A_1058, %swap3A_1059], %swap3A_1062 {strides = array<i32>} : memref<8x4x2x1024xf32, #tpu.memory_space<vmem>>, vector<1x1x1x16xf32>,
        %get3A_1063 = arith.constant 7 : i32
        %get3A_1064 = arith.constant 1 : i32
        %get3A_1065 = arith.index_cast %get3A_1063 : i32 to index
        %get3A_1066 = arith.index_cast %get3A_1064 : i32 to index
        %get3A_1067 = arith.index_cast %mul3A_977 : i32 to index
        %get3A_1068 = tpu.vector_load %arg6[%get3A_1065, %get3A_1066, %get3A_1067] {strides = array<i32>} : memref<8x2x1024xf32, #tpu.memory_space<vmem>>, vector<1x1x16xf32>,
        %get3A_1069 = vector.shape_cast %get3A_1068 : vector<1x1x16xf32> to vector<16xf32>
        %get3A_1070 = arith.constant 7 : i32
        %get3A_1071 = arith.constant 0 : i32
        %get3A_1072 = arith.constant 1 : i32
        %get3A_1073 = arith.index_cast %get3A_1070 : i32 to index
        %get3A_1074 = arith.index_cast %get3A_1071 : i32 to index
        %get3A_1075 = arith.index_cast %get3A_1072 : i32 to index
        %get3A_1076 = arith.index_cast %mul3A_977 : i32 to index
        %get3A_1077 = tpu.vector_load %arg5[%get3A_1073, %get3A_1074, %get3A_1075, %get3A_1076] {strides = array<i32>} : memref<8x4x2x1024xf32, #tpu.memory_space<vmem>>, vector<1x1x1x16xf32>,
        %get3A_1078 = vector.shape_cast %get3A_1077 : vector<1x1x1x16xf32> to vector<16xf32>
        %add3A_1079 = arith.addf %get3A_1078, %get3A_1069 : vector<16xf32>
        %swap3A_1080 = arith.constant 7 : i32
        %swap3A_1081 = arith.constant 0 : i32
        %swap3A_1082 = arith.constant 1 : i32
        %swap3A_1083 = arith.index_cast %swap3A_1080 : i32 to index
        %swap3A_1084 = arith.index_cast %swap3A_1081 : i32 to index
        %swap3A_1085 = arith.index_cast %swap3A_1082 : i32 to index
        %swap3A_1086 = arith.index_cast %mul3A_977 : i32 to index
        %swap3A_1087 = tpu.vector_load %arg5[%swap3A_1083, %swap3A_1084, %swap3A_1085, %swap3A_1086] {strides = array<i32>} : memref<8x4x2x1024xf32, #tpu.memory_space<vmem>>, vector<1x1x1x16xf32>,
        %swap3A_1088 = vector.shape_cast %swap3A_1087 : vector<1x1x1x16xf32> to vector<16xf32>
        %swap3A_1089 = vector.shape_cast %add3A_1079 : vector<16xf32> to vector<1x1x1x16xf32>
        tpu.vector_store %arg5[%swap3A_1083, %swap3A_1084, %swap3A_1085, %swap3A_1086], %swap3A_1089 {strides = array<i32>} : memref<8x4x2x1024xf32, #tpu.memory_space<vmem>>, vector<1x1x1x16xf32>,
        %get3A_1090 = arith.constant 7 : i32
        %get3A_1091 = arith.constant 1 : i32
        %get3A_1092 = arith.constant 1 : i32
        %get3A_1093 = arith.index_cast %get3A_1090 : i32 to index
        %get3A_1094 = arith.index_cast %get3A_1091 : i32 to index
        %get3A_1095 = arith.index_cast %get3A_1092 : i32 to index
        %get3A_1096 = arith.index_cast %mul3A_977 : i32 to index
        %get3A_1097 = tpu.vector_load %arg5[%get3A_1093, %get3A_1094, %get3A_1095, %get3A_1096] {strides = array<i32>} : memref<8x4x2x1024xf32, #tpu.memory_space<vmem>>, vector<1x1x1x16xf32>,
        %get3A_1098 = vector.shape_cast %get3A_1097 : vector<1x1x1x16xf32> to vector<16xf32>
        %add3A_1099 = arith.addf %get3A_1098, %get3A_1069 : vector<16xf32>
        %swap3A_1100 = arith.constant 7 : i32
        %swap3A_1101 = arith.constant 1 : i32
        %swap3A_1102 = arith.constant 1 : i32
        %swap3A_1103 = arith.index_cast %swap3A_1100 : i32 to index
        %swap3A_1104 = arith.index_cast %swap3A_1101 : i32 to index
        %swap3A_1105 = arith.index_cast %swap3A_1102 : i32 to index
        %swap3A_1106 = arith.index_cast %mul3A_977 : i32 to index
        %swap3A_1107 = tpu.vector_load %arg5[%swap3A_1103, %swap3A_1104, %swap3A_1105, %swap3A_1106] {strides = array<i32>} : memref<8x4x2x1024xf32, #tpu.memory_space<vmem>>, vector<1x1x1x16xf32>,
        %swap3A_1108 = vector.shape_cast %swap3A_1107 : vector<1x1x1x16xf32> to vector<16xf32>
        %swap3A_1109 = vector.shape_cast %add3A_1099 : vector<16xf32> to vector<1x1x1x16xf32>
        tpu.vector_store %arg5[%swap3A_1103, %swap3A_1104, %swap3A_1105, %swap3A_1106], %swap3A_1109 {strides = array<i32>} : memref<8x4x2x1024xf32, #tpu.memory_space<vmem>>, vector<1x1x1x16xf32>,
        %get3A_1110 = arith.constant 7 : i32
        %get3A_1111 = arith.constant 2 : i32
        %get3A_1112 = arith.constant 1 : i32
        %get3A_1113 = arith.index_cast %get3A_1110 : i32 to index
        %get3A_1114 = arith.index_cast %get3A_1111 : i32 to index
        %get3A_1115 = arith.index_cast %get3A_1112 : i32 to index
        %get3A_1116 = arith.index_cast %mul3A_977 : i32 to index
        %get3A_1117 = tpu.vector_load %arg5[%get3A_1113, %get3A_1114, %get3A_1115, %get3A_1116] {strides = array<i32>} : memref<8x4x2x1024xf32, #tpu.memory_space<vmem>>, vector<1x1x1x16xf32>,
        %get3A_1118 = vector.shape_cast %get3A_1117 : vector<1x1x1x16xf32> to vector<16xf32>
        %add3A_1119 = arith.addf %get3A_1118, %get3A_1069 : vector<16xf32>
        %swap3A_1120 = arith.constant 7 : i32
        %swap3A_1121 = arith.constant 2 : i32
        %swap3A_1122 = arith.constant 1 : i32
        %swap3A_1123 = arith.index_cast %swap3A_1120 : i32 to index
        %swap3A_1124 = arith.index_cast %swap3A_1121 : i32 to index
        %swap3A_1125 = arith.index_cast %swap3A_1122 : i32 to index
        %swap3A_1126 = arith.index_cast %mul3A_977 : i32 to index
        %swap3A_1127 = tpu.vector_load %arg5[%swap3A_1123, %swap3A_1124, %swap3A_1125, %swap3A_1126] {strides = array<i32>} : memref<8x4x2x1024xf32, #tpu.memory_space<vmem>>, vector<1x1x1x16xf32>,
        %swap3A_1128 = vector.shape_cast %swap3A_1127 : vector<1x1x1x16xf32> to vector<16xf32>
        %swap3A_1129 = vector.shape_cast %add3A_1119 : vector<16xf32> to vector<1x1x1x16xf32>
        tpu.vector_store %arg5[%swap3A_1123, %swap3A_1124, %swap3A_1125, %swap3A_1126], %swap3A_1129 {strides = array<i32>} : memref<8x4x2x1024xf32, #tpu.memory_space<vmem>>, vector<1x1x1x16xf32>,
        %get3A_1130 = arith.constant 7 : i32
        %get3A_1131 = arith.constant 3 : i32
        %get3A_1132 = arith.constant 1 : i32
        %get3A_1133 = arith.index_cast %get3A_1130 : i32 to index
        %get3A_1134 = arith.index_cast %get3A_1131 : i32 to index
        %get3A_1135 = arith.index_cast %get3A_1132 : i32 to index
        %get3A_1136 = arith.index_cast %mul3A_977 : i32 to index
        %get3A_1137 = tpu.vector_load %arg5[%get3A_1133, %get3A_1134, %get3A_1135, %get3A_1136] {strides = array<i32>} : memref<8x4x2x1024xf32, #tpu.memory_space<vmem>>, vector<1x1x1x16xf32>,
        %get3A_1138 = vector.shape_cast %get3A_1137 : vector<1x1x1x16xf32> to vector<16xf32>
        %add3A_1139 = arith.addf %get3A_1138, %get3A_1069 : vector<16xf32>
        %swap3A_1140 = arith.constant 7 : i32
        %swap3A_1141 = arith.constant 3 : i32
        %swap3A_1142 = arith.constant 1 : i32
        %swap3A_1143 = arith.index_cast %swap3A_1140 : i32 to index
        %swap3A_1144 = arith.index_cast %swap3A_1141 : i32 to index
        %swap3A_1145 = arith.index_cast %swap3A_1142 : i32 to index
        %swap3A_1146 = arith.index_cast %mul3A_977 : i32 to index
        %swap3A_1147 = tpu.vector_load %arg5[%swap3A_1143, %swap3A_1144, %swap3A_1145, %swap3A_1146] {strides = array<i32>} : memref<8x4x2x1024xf32, #tpu.memory_space<vmem>>, vector<1x1x1x16xf32>,
        %swap3A_1148 = vector.shape_cast %swap3A_1147 : vector<1x1x1x16xf32> to vector<16xf32>
        %swap3A_1149 = vector.shape_cast %add3A_1139 : vector<16xf32> to vector<1x1x1x16xf32>
        tpu.vector_store %arg5[%swap3A_1143, %swap3A_1144, %swap3A_1145, %swap3A_1146], %swap3A_1149 {strides = array<i32>} : memref<8x4x2x1024xf32, #tpu.memory_space<vmem>>, vector<1x1x1x16xf32>,
        %scan3A_1150 = arith.constant 0 : i32
        scf.yield %scan3A_1150 : i32
      }
      %scan3A_937 = arith.constant 64 : i32
      %mul3A_938 = arith.constant 2 : i32
      %mul3A_939 = arith.muli %add3A_891, %mul3A_938 : i32
      %add3A_940 = arith.addi %mul3A_2, %mul3A_939 : i32
      %dma_start3A_941 = arith.constant 7 : i32
      %dma_start3A_942 = arith.constant 7 : i32
      %dma_start3A_943 = arith.constant 0 : i32
      %dma_start3A_944 = arith.constant 0 : i32
      %dma_start3A_945 = arith.constant 0 : i32
      %dma_start3A_946 = tpu.memref_slice %arg5[%dma_start3A_941, %dma_start3A_943, %dma_start3A_944, %dma_start3A_945] : memref<8x4x2x1024xf32, #tpu.memory_space<vmem>> -> memref<1x4x2x1024xf32, #tpu.memory_space<vmem>>
      %dma_start3A_947 = tpu.memref_squeeze %dma_start3A_946 : memref<1x4x2x1024xf32, #tpu.memory_space<vmem>> -> memref<4x2x1024xf32, #tpu.memory_space<vmem>>
      %dma_start3A_948 = arith.constant 0 : i32
      %dma_start3A_949 = arith.constant 0 : i32
      %dma_start3A_950 = tpu.memref_slice %arg4[%dma_start3A_948, %add3A_940, %dma_start3A_949] : memref<4x8192x1024xf32, #tpu.memory_space<hbm>> -> memref<4x2x1024xf32, #tpu.memory_space<hbm>>
      %dma_start3A_951 = tpu.memref_slice %arg9[%dma_start3A_942] : memref<8x!tpu.dma_semaphore, #tpu.memory_space<semaphore_mem>> -> memref<1x!tpu.dma_semaphore, #tpu.memory_space<semaphore_mem>>
      %dma_start3A_952 = tpu.memref_squeeze %dma_start3A_951 : memref<1x!tpu.dma_semaphore, #tpu.memory_space<semaphore_mem>> -> memref<!tpu.dma_semaphore, #tpu.memory_space<semaphore_mem>>
      %dma_start3A_953 = arith.constant 0 : i32
      %dma_start3A_954 = arith.constant 0 : i32
      %dma_start3A_955 = tpu.memref_slice %arg4[%dma_start3A_953, %add3A_940, %dma_start3A_954] : memref<4x8192x1024xf32, #tpu.memory_space<hbm>> -> memref<4x2x1024xf32, #tpu.memory_space<hbm>>
      %dma_start3A_956 = arith.constant 0 : i32
      %dma_start3A_957 = arith.constant 0 : i32
      %dma_start3A_958 = arith.constant 0 : i32
      %dma_start3A_959 = tpu.memref_slice %arg5[%dma_start3A_941, %dma_start3A_956, %dma_start3A_957, %dma_start3A_958] : memref<8x4x2x1024xf32, #tpu.memory_space<vmem>> -> memref<1x4x2x1024xf32, #tpu.memory_space<vmem>>
      %dma_start3A_960 = tpu.memref_squeeze %dma_start3A_959 : memref<1x4x2x1024xf32, #tpu.memory_space<vmem>> -> memref<4x2x1024xf32, #tpu.memory_space<vmem>>
      tpu.enqueue_dma source(%dma_start3A_960 : memref<4x2x1024xf32, #tpu.memory_space<vmem>>) target(%dma_start3A_955 : memref<4x2x1024xf32, #tpu.memory_space<hbm>>) target_semaphore(%dma_start3A_952 : memref<!tpu.dma_semaphore, #tpu.memory_space<semaphore_mem>>)
      %ge3A_961 = arith.constant 1 : i32
      %ge3A_962 = arith.cmpi sge, %add3A_891, %ge3A_961 : i32
      %convert_element_type3A_963 = arith.extui %ge3A_962 : i1 to i32
      %cond3A_964 = arith.constant 0 : i32
      %cond3A_965 = arith.cmpi ne, %convert_element_type3A_963, %cond3A_964 : i32
      scf.if %cond3A_965 {
        %sub3A = arith.constant 1 : i32
        %sub3A_974 = arith.subi %add3A_891, %sub3A : i32
        %mul3A_975 = arith.constant 2 : i32
        %mul3A_976 = arith.muli %sub3A_974, %mul3A_975 : i32
        %add3A_977 = arith.addi %mul3A_2, %mul3A_976 : i32
        %dma_wait3A_978 = arith.constant 6 : i32
        %dma_wait3A_979 = arith.constant 6 : i32
        %dma_wait3A_980 = arith.constant 0 : i32
        %dma_wait3A_981 = arith.constant 0 : i32
        %dma_wait3A_982 = arith.constant 0 : i32
        %dma_wait3A_983 = tpu.memref_slice %arg5[%dma_wait3A_978, %dma_wait3A_980, %dma_wait3A_981, %dma_wait3A_982] : memref<8x4x2x1024xf32, #tpu.memory_space<vmem>> -> memref<1x4x2x1024xf32, #tpu.memory_space<vmem>>
        %dma_wait3A_984 = tpu.memref_squeeze %dma_wait3A_983 : memref<1x4x2x1024xf32, #tpu.memory_space<vmem>> -> memref<4x2x1024xf32, #tpu.memory_space<vmem>>
        %dma_wait3A_985 = arith.constant 0 : i32
        %dma_wait3A_986 = arith.constant 0 : i32
        %dma_wait3A_987 = tpu.memref_slice %arg4[%dma_wait3A_985, %add3A_977, %dma_wait3A_986] : memref<4x8192x1024xf32, #tpu.memory_space<hbm>> -> memref<4x2x1024xf32, #tpu.memory_space<hbm>>
        %dma_wait3A_988 = tpu.memref_slice %arg9[%dma_wait3A_979] : memref<8x!tpu.dma_semaphore, #tpu.memory_space<semaphore_mem>> -> memref<1x!tpu.dma_semaphore, #tpu.memory_space<semaphore_mem>>
        %dma_wait3A_989 = tpu.memref_squeeze %dma_wait3A_988 : memref<1x!tpu.dma_semaphore, #tpu.memory_space<semaphore_mem>> -> memref<!tpu.dma_semaphore, #tpu.memory_space<semaphore_mem>>
        %dma_wait3A_990 = arith.constant 0 : i32
        %dma_wait3A_991 = arith.constant 0 : i32
        %dma_wait3A_992 = tpu.memref_slice %arg4[%dma_wait3A_990, %add3A_977, %dma_wait3A_991] : memref<4x8192x1024xf32, #tpu.memory_space<hbm>> -> memref<4x2x1024xf32, #tpu.memory_space<hbm>>
        %dma_wait3A_993 = arith.constant 0 : i32
        %dma_wait3A_994 = arith.constant 0 : i32
        %dma_wait3A_995 = arith.constant 0 : i32
        %dma_wait3A_996 = tpu.memref_slice %arg5[%dma_wait3A_978, %dma_wait3A_993, %dma_wait3A_994, %dma_wait3A_995] : memref<8x4x2x1024xf32, #tpu.memory_space<vmem>> -> memref<1x4x2x1024xf32, #tpu.memory_space<vmem>>
        %dma_wait3A_997 = tpu.memref_squeeze %dma_wait3A_996 : memref<1x4x2x1024xf32, #tpu.memory_space<vmem>> -> memref<4x2x1024xf32, #tpu.memory_space<vmem>>
        tpu.wait_dma2 semaphore(%dma_wait3A_989 : memref<!tpu.dma_semaphore, #tpu.memory_space<semaphore_mem>>) src(%dma_wait3A_997 : memref<4x2x1024xf32, #tpu.memory_space<vmem>>) dst(%dma_wait3A_992 : memref<4x2x1024xf32, #tpu.memory_space<hbm>>)
      } else {
      }
      %add3A_966 = arith.constant 7 : i32
      %add3A_967 = arith.addi %add3A_891, %add3A_966 : i32
      %lt3A_968 = arith.constant 128 : i32
      %lt3A_969 = arith.cmpi slt, %add3A_967, %lt3A_968 : i32
      %convert_element_type3A_970 = arith.extui %lt3A_969 : i1 to i32
      %cond3A_971 = arith.constant 0 : i32
      %cond3A_972 = arith.cmpi ne, %convert_element_type3A_970, %cond3A_971 : i32
      scf.if %cond3A_972 {
        %add3A_974 = arith.constant 7 : i32
        %add3A_975 = arith.addi %add3A_891, %add3A_974 : i32
        %mul3A_976 = arith.constant 2 : i32
        %mul3A_977 = arith.muli %add3A_975, %mul3A_976 : i32
        %add3A_978 = arith.addi %mul3A_2, %mul3A_977 : i32
        %dma_start3A_979 = arith.constant 6 : i32
        %dma_start3A_980 = arith.constant 6 : i32
        %dma_start3A_981 = arith.constant 0 : i32
        %dma_start3A_982 = arith.constant 0 : i32
        %dma_start3A_983 = arith.constant 0 : i32
        %dma_start3A_984 = tpu.memref_slice %arg5[%dma_start3A_979, %dma_start3A_981, %dma_start3A_982, %dma_start3A_983] : memref<8x4x2x1024xf32, #tpu.memory_space<vmem>> -> memref<1x4x2x1024xf32, #tpu.memory_space<vmem>>
        %dma_start3A_985 = tpu.memref_squeeze %dma_start3A_984 : memref<1x4x2x1024xf32, #tpu.memory_space<vmem>> -> memref<4x2x1024xf32, #tpu.memory_space<vmem>>
        %dma_start3A_986 = arith.constant 0 : i32
        %dma_start3A_987 = arith.constant 0 : i32
        %dma_start3A_988 = tpu.memref_slice %arg2[%dma_start3A_986, %add3A_978, %dma_start3A_987] : memref<4x8192x1024xf32, #tpu.memory_space<hbm>> -> memref<4x2x1024xf32, #tpu.memory_space<hbm>>
        %dma_start3A_989 = tpu.memref_slice %arg7[%dma_start3A_980] : memref<8x!tpu.dma_semaphore, #tpu.memory_space<semaphore_mem>> -> memref<1x!tpu.dma_semaphore, #tpu.memory_space<semaphore_mem>>
        %dma_start3A_990 = tpu.memref_squeeze %dma_start3A_989 : memref<1x!tpu.dma_semaphore, #tpu.memory_space<semaphore_mem>> -> memref<!tpu.dma_semaphore, #tpu.memory_space<semaphore_mem>>
        %dma_start3A_991 = arith.constant 0 : i32
        %dma_start3A_992 = arith.constant 0 : i32
        %dma_start3A_993 = arith.constant 0 : i32
        %dma_start3A_994 = tpu.memref_slice %arg5[%dma_start3A_979, %dma_start3A_991, %dma_start3A_992, %dma_start3A_993] : memref<8x4x2x1024xf32, #tpu.memory_space<vmem>> -> memref<1x4x2x1024xf32, #tpu.memory_space<vmem>>
        %dma_start3A_995 = tpu.memref_squeeze %dma_start3A_994 : memref<1x4x2x1024xf32, #tpu.memory_space<vmem>> -> memref<4x2x1024xf32, #tpu.memory_space<vmem>>
        %dma_start3A_996 = arith.constant 0 : i32
        %dma_start3A_997 = arith.constant 0 : i32
        %dma_start3A_998 = tpu.memref_slice %arg2[%dma_start3A_996, %add3A_978, %dma_start3A_997] : memref<4x8192x1024xf32, #tpu.memory_space<hbm>> -> memref<4x2x1024xf32, #tpu.memory_space<hbm>>
        tpu.enqueue_dma source(%dma_start3A_998 : memref<4x2x1024xf32, #tpu.memory_space<hbm>>) target(%dma_start3A_995 : memref<4x2x1024xf32, #tpu.memory_space<vmem>>) target_semaphore(%dma_start3A_990 : memref<!tpu.dma_semaphore, #tpu.memory_space<semaphore_mem>>)
        %dma_start3A_999 = arith.constant 6 : i32
        %dma_start3A_1000 = arith.constant 6 : i32
        %dma_start3A_1001 = arith.constant 0 : i32
        %dma_start3A_1002 = arith.constant 0 : i32
        %dma_start3A_1003 = tpu.memref_slice %arg6[%dma_start3A_999, %dma_start3A_1001, %dma_start3A_1002] : memref<8x2x1024xf32, #tpu.memory_space<vmem>> -> memref<1x2x1024xf32, #tpu.memory_space<vmem>>
        %dma_start3A_1004 = tpu.memref_squeeze %dma_start3A_1003 : memref<1x2x1024xf32, #tpu.memory_space<vmem>> -> memref<2x1024xf32, #tpu.memory_space<vmem>>
        %dma_start3A_1005 = arith.constant 0 : i32
        %dma_start3A_1006 = tpu.memref_slice %arg3[%add3A_978, %dma_start3A_1005] : memref<8192x1024xf32, #tpu.memory_space<hbm>> -> memref<2x1024xf32, #tpu.memory_space<hbm>>
        %dma_start3A_1007 = tpu.memref_slice %arg8[%dma_start3A_1000] : memref<8x!tpu.dma_semaphore, #tpu.memory_space<semaphore_mem>> -> memref<1x!tpu.dma_semaphore, #tpu.memory_space<semaphore_mem>>
        %dma_start3A_1008 = tpu.memref_squeeze %dma_start3A_1007 : memref<1x!tpu.dma_semaphore, #tpu.memory_space<semaphore_mem>> -> memref<!tpu.dma_semaphore, #tpu.memory_space<semaphore_mem>>
        %dma_start3A_1009 = arith.constant 0 : i32
        %dma_start3A_1010 = arith.constant 0 : i32
        %dma_start3A_1011 = tpu.memref_slice %arg6[%dma_start3A_999, %dma_start3A_1009, %dma_start3A_1010] : memref<8x2x1024xf32, #tpu.memory_space<vmem>> -> memref<1x2x1024xf32, #tpu.memory_space<vmem>>
        %dma_start3A_1012 = tpu.memref_squeeze %dma_start3A_1011 : memref<1x2x1024xf32, #tpu.memory_space<vmem>> -> memref<2x1024xf32, #tpu.memory_space<vmem>>
        %dma_start3A_1013 = arith.constant 0 : i32
        %dma_start3A_1014 = tpu.memref_slice %arg3[%add3A_978, %dma_start3A_1013] : memref<8192x1024xf32, #tpu.memory_space<hbm>> -> memref<2x1024xf32, #tpu.memory_space<hbm>>
        tpu.enqueue_dma source(%dma_start3A_1014 : memref<2x1024xf32, #tpu.memory_space<hbm>>) target(%dma_start3A_1012 : memref<2x1024xf32, #tpu.memory_space<vmem>>) target_semaphore(%dma_start3A_1008 : memref<!tpu.dma_semaphore, #tpu.memory_space<semaphore_mem>>)
      } else {
      }
      %scan3A_973 = arith.constant 0 : i32
      scf.yield %scan3A_973 : i32
    }
    %scan3A_273 = arith.constant 16 : i32
    %add3A_274 = arith.constant 254 : i32
    %add3A_275 = arith.addi %mul3A_2, %add3A_274 : i32
    %dma_wait3A = arith.constant 7 : i32
    %dma_wait3A_276 = arith.constant 7 : i32
    %dma_wait3A_277 = arith.constant 0 : i32
    %dma_wait3A_278 = arith.constant 0 : i32
    %dma_wait3A_279 = arith.constant 0 : i32
    %dma_wait3A_280 = tpu.memref_slice %arg5[%dma_wait3A, %dma_wait3A_277, %dma_wait3A_278, %dma_wait3A_279] : memref<8x4x2x1024xf32, #tpu.memory_space<vmem>> -> memref<1x4x2x1024xf32, #tpu.memory_space<vmem>>
    %dma_wait3A_281 = tpu.memref_squeeze %dma_wait3A_280 : memref<1x4x2x1024xf32, #tpu.memory_space<vmem>> -> memref<4x2x1024xf32, #tpu.memory_space<vmem>>
    %dma_wait3A_282 = arith.constant 0 : i32
    %dma_wait3A_283 = arith.constant 0 : i32
    %dma_wait3A_284 = tpu.memref_slice %arg4[%dma_wait3A_282, %add3A_275, %dma_wait3A_283] : memref<4x8192x1024xf32, #tpu.memory_space<hbm>> -> memref<4x2x1024xf32, #tpu.memory_space<hbm>>
    %dma_wait3A_285 = tpu.memref_slice %arg9[%dma_wait3A_276] : memref<8x!tpu.dma_semaphore, #tpu.memory_space<semaphore_mem>> -> memref<1x!tpu.dma_semaphore, #tpu.memory_space<semaphore_mem>>
    %dma_wait3A_286 = tpu.memref_squeeze %dma_wait3A_285 : memref<1x!tpu.dma_semaphore, #tpu.memory_space<semaphore_mem>> -> memref<!tpu.dma_semaphore, #tpu.memory_space<semaphore_mem>>
    %dma_wait3A_287 = arith.constant 0 : i32
    %dma_wait3A_288 = arith.constant 0 : i32
    %dma_wait3A_289 = tpu.memref_slice %arg4[%dma_wait3A_287, %add3A_275, %dma_wait3A_288] : memref<4x8192x1024xf32, #tpu.memory_space<hbm>> -> memref<4x2x1024xf32, #tpu.memory_space<hbm>>
    %dma_wait3A_290 = arith.constant 0 : i32
    %dma_wait3A_291 = arith.constant 0 : i32
    %dma_wait3A_292 = arith.constant 0 : i32
    %dma_wait3A_293 = tpu.memref_slice %arg5[%dma_wait3A, %dma_wait3A_290, %dma_wait3A_291, %dma_wait3A_292] : memref<8x4x2x1024xf32, #tpu.memory_space<vmem>> -> memref<1x4x2x1024xf32, #tpu.memory_space<vmem>>
    %dma_wait3A_294 = tpu.memref_squeeze %dma_wait3A_293 : memref<1x4x2x1024xf32, #tpu.memory_space<vmem>> -> memref<4x2x1024xf32, #tpu.memory_space<vmem>>
    tpu.wait_dma2 semaphore(%dma_wait3A_286 : memref<!tpu.dma_semaphore, #tpu.memory_space<semaphore_mem>>) src(%dma_wait3A_294 : memref<4x2x1024xf32, #tpu.memory_space<vmem>>) dst(%dma_wait3A_289 : memref<4x2x1024xf32, #tpu.memory_space<hbm>>)
    return
  }
}

</mosaic_0001>

<sc_bundles>
// kernel: kernel.3.cloned.1.call-start
scs
__scs_entry_jumppad:
0x0: {  	(pc) =	sbr.rel $0x88, $3  }
0x1: {  	(tag) =	ssettag $0x0;
	lr =	simm.s32 $0x1  }
0x2: {  	[smem:$0x3F9F] =	sst lr;
	_ =	strace $0xD0000000  }
0x3: {  	_ = 	snop  }
0x4: {  	_ = 	snop  }
0x5: {  	_ = 	snop  }
0x6: {  	_ = 	snop  }
0x7: {  	_ = 	snop  }
__scs_overlays_trampoline_lowered:
0x8: {  	[smem:$0x3FAE] =	sst s0  }
0x9: {  	[smem:$0x3FAF] =	sst s1  }
0xa: {  	[smem:$0x3FB0] =	sst s2  }
0xb: {  	[smem:$0x3FB1] =	sst s3  }
0xc: {  	[smem:$0x3FB2] =	sst s4  }
0xd: {  	[smem:$0x3FB3] =	sst s5  }
0xe: {  	[smem:$0x3FB4] =	sst s6  }
0xf: {  	[smem:$0x3FB5] =	sst s7  }
0x10: {  	[smem:$0x3FB6] =	sst s8  }
0x11: {  	[smem:$0x3FB7] =	sst s9;
	s0 =	simm.s32 @!p0 $0x0  }
0x12: {  	s1 =	sld [smem:$0x3F9D];
	s0 =	simm.s32 @p0 $0x1  }
0x13: {  	[smem:$0x3FB8] =	sst s0;
	s0 =	simm.s32 @!p1 $0x0  }
0x14: {  	s2 =	sld [smem:$0x3F9C];
	s0 =	simm.s32 @p1 $0x1  }
0x15: {  	[smem:$0x3FB9] =	sst s0;
	s0 =	simm.s32 @!p2 $0x0  }
0x16: {  	s3 =	sld [smem:$0x3FDB];
	s0 =	simm.s32 @p2 $0x1  }
0x17: {  	s4 =	simm.s32 $0x1BF5;
	[smem:$0x3FBB] =	sst s0  }
0x18: {  	s0 =	sld [smem:$0x3F9E];
	_ =	swait.ge [sflag:s4], $0x0  }
0x19: {  	s7 =	sld [smem:$0x3F9F]  }
0x1a: {  	s8 =	sadd.s32 $0xFFFFE003, lr  }
0x1b: {  	s9 =	sadd.s32 $0xFFFFFEF7, lr;
	s5 =	simm.s32 $0xFFFFFFFF;
	p2 =	slt.u32 s8, $0xFFFFF086  }
0x1c: {  	p1 =	slt.u32 s9, $0xF7A;
	s5 =	simm.s32 @!p2 $0x0  }
0x1d: {  	s5 =	simm.s32 @p1 $0x1;
	p0 =	seq.s32 s7, s2  }
0x1e: {  	s7 =	smul.u32 @!p0 $0xF7A, s2;
	p2 =	seq.s32 @!p0 s5, $0x0  }
0x1f: {  	s9 =	smul.u32 $0xF7A, s1;
	s8 =	simm.s32 @!p0 $0x1BF5;
	p2 =	por !p2, p0  }
0x20: {  	[sflag:s8] =	ssyncset.s32 @!p0 $0xFFFFF086;
	s6 =	sadd.s32 @!p0 s3, s7;
	s7 =	simm.s32 @!p0 $0x108  }
0x21: {  	s3 =	sadd.s32 s3, s9;
	s6 =	sadd.s32 @!p0 $0x88, s6;
	s7 =	simm.s32 @p2 $0x1082  }
0x22: {  	[simem:s7], [sflag:s8] =	dma.local @!p0 [hbm:s6], $0xF7A  }
0x23: {  	s9 =	sor.u32 $0xD0000000, s2;
	s6 =	simm.s32 $0x108;
	_ =	swait.ge @!p0 [sflag:s8], $0x0  }
0x24: {  	s3 =	sadd.s32 $0x88, s3;
	s6 =	simm.s32 @!p1 $0x1082;
	[sflag:s4] =	ssyncset.s32 $0xFFFFF086  }
0x25: {  	[simem:s6], [sflag:s4] =	dma.local [hbm:s3], $0xF7A  }
0x26: {  	[smem:$0x3F9F] =	sst s1;
	(tag) =	ssettag s2;
	_ =	strace s9  }
0x27: {  	s1 =	sld [smem:$0x3FAF]  }
0x28: {  	s2 =	sld [smem:$0x3FB0]  }
0x29: {  	s4 =	sld [smem:$0x3FB2]  }
0x2a: {  	p0 =	seq.s32 s5, $0x0;
	s5 =	sld [smem:$0x3FB3]  }
0x2b: {  	s6 =	sld [smem:$0x3FB4]  }
0x2c: {  	s7 =	sld [smem:$0x3FB5]  }
0x2d: {  	s3 =	simm.s32 $0x108;
	s8 =	sld [smem:$0x3FB6]  }
0x2e: {  	s3 =	simm.s32 @!p0 $0x1082;
	s9 =	sld [smem:$0x3FB7]  }
0x2f: {  	lr =	sadd.s32 s0, s3;
	s0 =	sld [smem:$0x3FAE]  }
0x30: {  	s3 =	sld [smem:$0x3FB1]  }
0x31: {  	[smem:$0x3FBA] =	sst s10  }
0x32: {  	s10 =	sld [smem:$0x3FB8];
	_ =	sdelay $0x3  }
0x33: {  	p0 =	seq.s32 s10, $0x1;
	s10 =	sld [smem:$0x3FBA];
	_ =	sdelay $0x3  }
0x34: {  	[smem:$0x3FBA] =	sst s10  }
0x35: {  	s10 =	sld [smem:$0x3FB9];
	_ =	sdelay $0x3  }
0x36: {  	p1 =	seq.s32 s10, $0x1;
	s10 =	sld [smem:$0x3FBA];
	_ =	sdelay $0x3  }
0x37: {  	[smem:$0x3FBA] =	sst s10  }
0x38: {  	s10 =	sld [smem:$0x3FBB]  }
0x39: {  	_ = 	snop;
	(pc) =	sbr.ind lr, $3  }
0x3a: {  	_ = 	snop  }
0x3b: {  	_ = 	snop  }
0x3c: {  	p2 =	seq.s32 s10, $0x1;
	s10 =	sld [smem:$0x3FBA]  }
0x3d: {  	_ =	shalt  }
0x3e: {  	_ =	shalt  }
0x3f: {  	_ =	shalt  }
0x40: {  	_ =	shalt  }
0x41: {  	_ =	shalt  }
0x42: {  	_ =	shalt  }
0x43: {  	_ =	shalt  }
0x44: {  	_ =	shalt  }
0x45: {  	_ =	shalt  }
0x46: {  	_ =	shalt  }
0x47: {  	_ =	shalt  }
0x48: {  	_ =	shalt  }
0x49: {  	_ =	shalt  }
0x4a: {  	_ =	shalt  }
0x4b: {  	_ =	shalt  }
0x4c: {  	_ =	shalt  }
0x4d: {  	_ =	shalt  }
0x4e: {  	_ =	shalt  }
0x4f: {  	_ =	shalt  }
0x50: {  	_ =	shalt  }
0x51: {  	_ =	shalt  }
0x52: {  	_ =	shalt  }
0x53: {  	_ =	shalt  }
0x54: {  	_ =	shalt  }
0x55: {  	_ =	shalt  }
0x56: {  	_ =	shalt  }
0x57: {  	_ =	shalt  }
0x58: {  	_ =	shalt  }
0x59: {  	_ =	shalt  }
0x5a: {  	_ =	shalt  }
0x5b: {  	_ =	shalt  }
0x5c: {  	_ =	shalt  }
0x5d: {  	_ =	shalt  }
0x5e: {  	_ =	shalt  }
0x5f: {  	_ =	shalt  }
0x60: {  	_ =	shalt  }
0x61: {  	_ =	shalt  }
0x62: {  	_ =	shalt  }
0x63: {  	_ =	shalt  }
0x64: {  	_ =	shalt  }
0x65: {  	_ =	shalt  }
0x66: {  	_ =	shalt  }
0x67: {  	_ =	shalt  }
0x68: {  	_ =	shalt  }
0x69: {  	_ =	shalt  }
0x6a: {  	_ =	shalt  }
0x6b: {  	_ =	shalt  }
0x6c: {  	_ =	shalt  }
0x6d: {  	_ =	shalt  }
0x6e: {  	_ =	shalt  }
0x6f: {  	_ =	shalt  }
0x70: {  	_ =	shalt  }
0x71: {  	_ =	shalt  }
0x72: {  	_ =	shalt  }
0x73: {  	_ =	shalt  }
0x74: {  	_ =	shalt  }
0x75: {  	_ =	shalt  }
0x76: {  	_ =	shalt  }
0x77: {  	_ =	shalt  }
0x78: {  	_ =	shalt  }
0x79: {  	_ =	shalt  }
0x7a: {  	_ =	shalt  }
0x7b: {  	_ =	shalt  }
0x7c: {  	_ =	shalt  }
0x7d: {  	_ =	shalt  }
0x7e: {  	_ =	shalt  }
0x7f: {  	_ =	shalt  }
0x80: {  	_ =	shalt  }
0x81: {  	_ =	shalt  }
0x82: {  	_ =	shalt  }
0x83: {  	_ =	shalt  }
0x84: {  	_ =	shalt  }
0x85: {  	_ =	shalt  }
0x86: {  	_ =	shalt  }
0x87: {  	_ =	shalt  }
.Lfunc_end0:
.L_simem_size_0:
called_computation_lowered:
.L_overlay_start_0:
0x88: {  	s2 =	sld [smem:$0x3FD9]  }
0x89: {  	s3 =	sld [smem:$0x3FFE];
	_ =	sdelay $0x1  }
0x8a: {  	s1 =	srdreg.scid  }
0x8b: {  	s0 =	sand.u32 $0x1, s1  }
0x8c: {  	s18 =	sshll.u32 s0, $0xA;
	s2 =	sadd.s32 s3, s2  }
0x8d: {  	s2 =	sadd.s32 s2, s18  }
0x8e: {  	[smem:$0x3FC6] =	sst s2  }
0x8f: {  	_ = 	snop  }
0x90: {  	s2 =	sld [smem:$0x3FC9]  }
0x91: {  	s19 =	sld [smem:$0x3FC8]  }
0x92: {  	s4 =	sld [smem:$0x3FD0];
	(tm) =	ssettm $0x1  }
0x93: {  	s5 =	sld [smem:$0x3FFB];
	_ =	sdelay $0x3  }
0x94: {  	_ =	strace s5  }
0x95: {  	s5 =	sld [smem:$0x3FFC];
	_ =	sdelay $0x3  }
0x96: {  	_ =	strace s5  }
0x97: {  	s5 =	sld [smem:$0x3FFD];
	_ =	sdelay $0x3  }
0x98: {  	_ =	strace s5  }
0x99: {  	_ =	strace $0x8FFFFFFF  }
0x9a: {  	s20 =	sld [smem:$0x3FDB];
	_ =	sdelay $0x1  }
0x9b: {  	s6 =	simm.s32 $_scs_section_size  }
0x9c: {  	s7 =	simm.s32 $_size__tile_overlayer_lowered;
	s8 =	simm.s32 $_tile_overlayer_lowered  }
0x9d: {  	s23 =	simm.s32 $0x1BFF;
	s22 =	sshll.u32 s8, $0x1;
	s5 =	sadd.s32 s6, s20  }
0x9e: {  	s9 =	simm.s32 $0x0;
	s21 =	sshll.u32 s7, $0x1;
	s7 =	sadd.s32 s22, s5  }
0x9f: {  	[timem:s9], [sflag:s23] =	dma.local [hbm:s7], s21  }
0xa0: {  	_ =	swait.ge [sflag:s23], s21  }
0xa1: {  	s6 =	ssub.s32 $0x0, s21;
	[sflag:s23] =	ssyncset.done $0x0  }
0xa2: {  	[sflag:s23] =	ssyncadd.s32 s6;
	_ =	sdelay $0x1  }
0xa3: {  	s24 =	simm.s32 $0x1B8B  }
0xa4: {  	_ =	swait.ge [sflag:s24], $0x1  }
0xa5: {  	[sflag:s24] =	ssyncset.done $0x0  }
0xa6: {  	s25 =	simm.s32 $0x1B8E;
	[sflag:s24] =	ssyncadd.s32 $0xFFFFFFFF  }
0xa7: {  	s26 =	simm.s32 $execute0_lowered;
	[smem:$0x3FD2] =	sst s25  }
0xa8: {  	s6 =	sshll.u32 s26, $0x1;
	_ =	strace $0x80000046;
	[dreg:$0x1] =	wrdreg $0xFFFFFFFF  }
0xa9: {  	s28 =	simm.s32 $_size_execute0_lowered;
	s5 =	sadd.s32 s5, s6;
	[dreg:$0x0] =	wrdreg $0x0  }
0xaa: {  	s6 =	sshll.u32 s28, $0x1;
	[dreg:$0x2] =	wrdreg s5  }
0xab: {  	[dreg:$0x3] =	wrdreg s6  }
0xac: {  	[dreg:$0x4] =	wrdreg $0xC0  }
0xad: {  	_ =	task [dreg:s9], $0x5FFFF  }
0xae: {  	[dreg:$0x1] =	wrdreg $0xFFFFFFFF  }
0xaf: {  	[dreg:$0x0] =	wrdreg $0x60  }
0xb0: {  	[dreg:$0x2] =	wrdreg s2  }
0xb1: {  	[dreg:$0x3] =	wrdreg s19  }
0xb2: {  	[dreg:$0x4] =	wrdreg s4  }
0xb3: {  	[dreg:$0x5] =	wrdreg $0x9  }
0xb4: {  	_ =	task.clear_ibuf [dreg:s9], $0x6FFFF;
	_ =	strace $0x90000046  }
0xb5: {  	s29 =	simm.s32 $0x9;
	_ =	strace $0x80000048  }
0xb6: {  	_ =	swait.ge [sflag:s29], $0x1  }
0xb7: {  	[sflag:s29] =	ssyncadd.s32 $0xFFFFFFFF  }
0xb8: {  	_ =	strace $0x90000048  }
0xb9: {  	_ =	sfence  }
0xba: {  	s30 =	sld [smem:$0x0];
	_ =	sdelay $0x2  }
0xbb: {  	s31 =	sshll.u32 s1, $0xD;
	s1 =	sshrl.u32 s1, $0x2  }
0xbc: {  	s3 =	sand.u32 $0x4000, s31;
	s1 =	sadd.s32 s1, s30  }
0xbd: {  	s0 =	sor.u32 s3, s0;
	s1 =	sshll.u32 s1, $0x11  }
0xbe: {  	s0 =	sor.u32 s1, s0  }
0xbf: {  	s0 =	sadd.s32 $0x8F2B, s0  }
0xc0: {  	[sflag:s0] =	ssyncadd.remote.s32 $0x1  }
0xc1: {  	_ =	sfence.sel $0xFFFF  }
0xc2: {  	[dreg:$0x0] =	wrdreg $0xFFFFFFFF;
	(pc) =	sbr.abs _section_cstart, $3  }
0xc3: {  	[dreg:$0x1] =	wrdreg $0xFFFFFFFF  }
0xc4: {  	_ =	task.clear_ibuf [dreg:s9], $0x2FFFF;
	_ =	strace $0x9FFFFFFF  }
0xc5: {  	(tm) =	ssettm $0x7FFFFFFF  }
tec
execute0_lowered:
.L_overlay_start_1:
0x0: {  	(tag) =	ssettag $0x1  }
0x1: {  	s1 =	rddreg [dreg:$0x0]  }
0x2: {  	s2 =	rddreg [dreg:$0x1]  }
0x3: {  	s12 =	rddreg [dreg:$0x2];
	s3 =	simm.s32 $0x0;
	s0 =	srdreg.scid  }
0x4: {  	s4 =	stileid.u32;
	[smem:$0x7FF] =	sst s3;
	s0 =	sand.u32 $0x1, s0  }
0x5: {  	s4 =	sshll.u32 s4, $0x10;
	s25 =	sadd.s32 $0x20, s12;
	s13 =	sadd.s32 $0x40, s12  }
0x6: {  	s15 =	sadd.s32 $0x60, s12;
	_ =	strace $0x80000047;
	[dreg:$0x14] =	wrdreg s25  }
0x7: {  	s16 =	ssub.s32 $0x2, s0;
	s0 =	sshll.u32 s0, $0xF;
	[dreg:$0x16] =	wrdreg s13  }
0x8: {  	[dreg:$0x19] =	wrdreg s15;
	s6 =	sor.u32 s0, s4  }
0x9: {  	s4 =	sadd.s32 s2, s6;
	[dreg:$0x4] =	wrdreg s6  }
0xa: {  	s24 =	sor.u32 $0x460, s6;
	[dreg:$0x6] =	wrdreg s4  }
0xb: {  	s26 =	sor.u32 $0x800, s6;
	[dreg:$0x13] =	wrdreg s24  }
0xc: {  	s5 =	sshrl.u32 s16, $0x1;
	s14 =	sor.u32 $0x820, s6;
	[dreg:$0x15] =	wrdreg s26  }
0xd: {  	s17 =	ssub.s32 s16, s5;
	s16 =	sor.u32 $0x840, s6;
	[dreg:$0x18] =	wrdreg s14  }
0xe: {  	s5 =	sadd.s32 s1, s6;
	s18 =	sor.u32 $0x20, s6;
	[dreg:$0x1a] =	wrdreg s16  }
0xf: {  	s19 =	sor.u32 $0x40, s6;
	s3 =	sadd.s32 s2, s18;
	[dreg:$0x5] =	wrdreg s5  }
0x10: {  	s4 =	sadd.s32 s2, s19;
	[dreg:$0x8] =	wrdreg s3  }
0x11: {  	s0 =	smax.u32 s17, $0x1;
	[dreg:$0xa] =	wrdreg s4  }
0x12: {  	s17 =	sadd.s32 $0x400, s12;
	[dreg:$0x17] =	wrdreg s0  }
0x13: {  	s7 =	sadd.s32 s1, s18;
	s18 =	sor.u32 $0x860, s6;
	[dreg:$0x1b] =	wrdreg s17  }
0x14: {  	s8 =	sadd.s32 s1, s19;
	s19 =	sadd.s32 $0x420, s12;
	[dreg:$0x1c] =	wrdreg s18  }
0x15: {  	s24 =	sadd.s32 $0x100000, s5;
	[dreg:$0x1d] =	wrdreg s19  }
0x16: {  	s25 =	sadd.s32 $0x200000, s5;
	[smem:$0x7E9] =	sst s24  }
0x17: {  	s26 =	sadd.s32 $0x300000, s5;
	[smem:$0x7EA] =	sst s25  }
0x18: {  	[smem:$0x7EB] =	sst s26  }
0x19: {  	s20 =	sor.u32 $0x60, s6;
	[dreg:$0x7] =	wrdreg s7  }
0x1a: {  	s21 =	sor.u32 $0x400, s6;
	s9 =	sadd.s32 s1, s20;
	[dreg:$0x9] =	wrdreg s8  }
0x1b: {  	s22 =	sor.u32 $0x420, s6;
	s10 =	sadd.s32 s1, s21;
	[dreg:$0xb] =	wrdreg s9  }
0x1c: {  	s11 =	sadd.s32 s1, s22;
	[dreg:$0xd] =	wrdreg s10  }
0x1d: {  	s3 =	sadd.s32 s2, s20;
	[dreg:$0xf] =	wrdreg s11  }
0x1e: {  	s4 =	sadd.s32 s2, s21;
	[dreg:$0xc] =	wrdreg s3  }
0x1f: {  	s20 =	sor.u32 $0xC00, s6;
	[dreg:$0xe] =	wrdreg s4  }
0x20: {  	s21 =	sadd.s32 $0x440, s12;
	[dreg:$0x1e] =	wrdreg s20  }
0x21: {  	s5 =	sadd.s32 $0x200000, s7;
	[dreg:$0x1f] =	wrdreg s21  }
0x22: {  	s13 =	sadd.s32 $0x200000, s8;
	[smem:$0x7ED] =	sst s5  }
0x23: {  	s14 =	sadd.s32 $0x300000, s8;
	[smem:$0x7F0] =	sst s13  }
0x24: {  	s15 =	sadd.s32 $0x100000, s9;
	[smem:$0x7F1] =	sst s14  }
0x25: {  	s16 =	sadd.s32 $0x200000, s9;
	[smem:$0x7F2] =	sst s15  }
0x26: {  	s17 =	sadd.s32 $0x300000, s9;
	[smem:$0x7F3] =	sst s16  }
0x27: {  	s28 =	simm.s32 $0x5;
	s18 =	sadd.s32 $0x100000, s10;
	[smem:$0x7F4] =	sst s17  }
0x28: {  	s29 =	simm.s32 $0xD;
	s19 =	sadd.s32 $0x200000, s10;
	[smem:$0x7F5] =	sst s18  }
0x29: {  	s23 =	sor.u32 $0x440, s6;
	s3 =	sadd.s32 s2, s22;
	[smem:$0x7F6] =	sst s19  }
0x2a: {  	s30 =	simm.s32 $0x14;
	s4 =	sadd.s32 s2, s23;
	[dreg:$0x10] =	wrdreg s3  }
0x2b: {  	s31 =	simm.s32 $0x6;
	s22 =	sor.u32 $0xC20, s6;
	[dreg:$0x12] =	wrdreg s4  }
0x2c: {  	s0 =	simm.s32 $0xE;
	s20 =	sadd.s32 $0x300000, s10;
	[smem:$0x7E7] =	sst s22  }
0x2d: {  	s9 =	simm.s32 $0x17;
	s21 =	sadd.s32 $0x100000, s11;
	[smem:$0x7F7] =	sst s20  }
0x2e: {  	s3 =	sadd.s32 s1, s23;
	s23 =	sor.u32 $0xC40, s6;
	[smem:$0x7F8] =	sst s21  }
0x2f: {  	s16 =	simm.s32 $0x100;
	s4 =	sadd.s32 $0x100000, s7;
	[smem:$0x7E8] =	sst s23  }
0x30: {  	s18 =	simm.s32 $0x400;
	s6 =	sadd.s32 $0x300000, s7;
	[smem:$0x7EC] =	sst s4  }
0x31: {  	s10 =	simm.s32 $0xF;
	s7 =	sadd.s32 $0x100000, s8;
	[smem:$0x7EE] =	sst s6  }
0x32: {  	s14 =	simm.s32 $0x8;
	s22 =	sadd.s32 $0x200000, s11;
	[smem:$0x7EF] =	sst s7  }
0x33: {  	s20 =	simm.s32 $0xC000;
	s8 =	simm.s32 $0x7;
	[smem:$0x7F9] =	sst s22  }
0x34: {  	s23 =	sadd.s32 $0x300000, s11;
	s24 =	sadd.s32 $0x100000, s3;
	[dreg:$0x11] =	wrdreg s3  }
.Ltmp0:
0x35: {  	s25 =	sadd.s32 $0x200000, s3;
	[smem:$0x7FA] =	sst s23;
	(pc) =	sbr.rel .LBB2_1-.Ltmp0, $4  }
0x36: {  	s26 =	sadd.s32 $0x300000, s3;
	s22 =	simm.s32 $0x12;
	[smem:$0x7FB] =	sst s24  }
0x37: {  	s4 =	simm.s32 $0x15;
	s7 =	simm.s32 $0x10;
	[smem:$0x7FC] =	sst s25  }
0x38: {  	s6 =	simm.s32 $0x0;
	[smem:$0x7FD] =	sst s26;
	s23 =	simm.s32 $0x4  }
0x39: {  	s24 =	simm.s32 $0xC;
	s26 =	simm.s32 $0x13;
	s25 =	simm.s32 $0x16  }
.LBB2_20:
0x3a: {  	s5 =	simm.s32 $0x18  }
0x3b: {  	_ =	swait.ge [sflag:s5], $0x2000  }
0x3c: {  	s6 =	sld [smem:$0x7E6];
	_ =	sdelay $0x2  }
0x3d: {  	s3 =	rddreg [dreg:$0x17];
	s6 =	sadd.s32 $0x1, s6  }
0x3e: {  	p0 =	sne.s32 s6, s3  }
.Ltmp1:
0x3f: {  	_ = 	snop;
	(pc) =	sbr.rel @!p0 .LBB2_21-.Ltmp1, $3  }
0x40: {  	_ =	sdelay $0x1  }
0x41: {  	[sflag:s5] =	ssyncset.done $0x0  }
0x42: {  	[sflag:s5] =	ssyncadd.s32 $0xFFFFE000  }
.LBB2_1:
0x43: {  	[smem:$0x7E6] =	sst s6  }
0x44: {  	s5 =	rddreg [dreg:$0x5]  }
0x45: {  	s3 =	simm.s32 $0x0;
	s19 =	sld [smem:$0x7E9]  }
0x46: {  	[tilespmem:s3], [sflag:$0x1] =	stream.strided.gather [hbm4b:s5+s16], $0x800, s18, s16, $0x38;
	[tilespmem:$0x14000] =	vst v63  }
0x47: {  	s21 =	simm.s32 $0x800;
	s5 =	sld [smem:$0x7EA]  }
0x48: {  	[tilespmem:s21], [sflag:$0x1] =	stream.strided.gather [hbm4b:s19+s16], $0x800, s18, s16, $0x38;
	[tilespmem:$0x14000] =	vst v63  }
0x49: {  	s6 =	simm.s32 $0x1000;
	s11 =	sld [smem:$0x7EB]  }
0x4a: {  	[tilespmem:s6], [sflag:$0x1] =	stream.strided.gather [hbm4b:s5+s16], $0x800, s18, s16, $0x38;
	[tilespmem:$0x14000] =	vst v63  }
0x4b: {  	s13 =	simm.s32 $0x1800;
	s15 =	rddreg [dreg:$0x6]  }
0x4c: {  	[tilespmem:s13], [sflag:$0x1] =	stream.strided.gather [hbm4b:s11+s16], $0x800, s18, s16, $0x38;
	[tilespmem:$0x14000] =	vst v63  }
0x4d: {  	s17 =	simm.s32 $0x10000;
	s19 =	rddreg [dreg:$0x7]  }
0x4e: {  	[tilespmem:s17], [sflag:$0x9] =	stream.strided.gather [hbm4b:s15+s16], $0x800, s18, s16, $0x38;
	[tilespmem:$0x14000] =	vst v63  }
0x4f: {  	s21 =	simm.s32 $0x2000;
	s5 =	sld [smem:$0x7EC]  }
0x50: {  	[tilespmem:s21], [sflag:$0x2] =	stream.strided.gather [hbm4b:s19+s16], $0x800, s18, s16, $0x38;
	[tilespmem:$0x14000] =	vst v63  }
0x51: {  	s6 =	simm.s32 $0x2800;
	s11 =	sld [smem:$0x7ED]  }
0x52: {  	[tilespmem:s6], [sflag:$0x2] =	stream.strided.gather [hbm4b:s5+s16], $0x800, s18, s16, $0x38;
	[tilespmem:$0x14000] =	vst v63  }
0x53: {  	s13 =	simm.s32 $0x3000;
	s15 =	sld [smem:$0x7EE]  }
0x54: {  	[tilespmem:s13], [sflag:$0x2] =	stream.strided.gather [hbm4b:s11+s16], $0x800, s18, s16, $0x38;
	[tilespmem:$0x14000] =	vst v63  }
0x55: {  	s17 =	simm.s32 $0x3800;
	s19 =	rddreg [dreg:$0x8]  }
0x56: {  	[tilespmem:s17], [sflag:$0x2] =	stream.strided.gather [hbm4b:s15+s16], $0x800, s18, s16, $0x38;
	[tilespmem:$0x14000] =	vst v63  }
0x57: {  	s21 =	simm.s32 $0x10800;
	s5 =	rddreg [dreg:$0x9]  }
0x58: {  	[tilespmem:s21], [sflag:$0xA] =	stream.strided.gather [hbm4b:s19+s16], $0x800, s18, s16, $0x38;
	[tilespmem:$0x14000] =	vst v63  }
0x59: {  	s6 =	simm.s32 $0x4000;
	s11 =	sld [smem:$0x7EF]  }
0x5a: {  	[tilespmem:s6], [sflag:$0x3] =	stream.strided.gather [hbm4b:s5+s16], $0x800, s18, s16, $0x38;
	[tilespmem:$0x14000] =	vst v63  }
0x5b: {  	s13 =	simm.s32 $0x4800;
	s15 =	sld [smem:$0x7F0]  }
0x5c: {  	[tilespmem:s13], [sflag:$0x3] =	stream.strided.gather [hbm4b:s11+s16], $0x800, s18, s16, $0x38;
	[tilespmem:$0x14000] =	vst v63  }
0x5d: {  	s17 =	simm.s32 $0x5000;
	s19 =	sld [smem:$0x7F1]  }
0x5e: {  	[tilespmem:s17], [sflag:$0x3] =	stream.strided.gather [hbm4b:s15+s16], $0x800, s18, s16, $0x38;
	[tilespmem:$0x14000] =	vst v63  }
0x5f: {  	s21 =	simm.s32 $0x5800;
	s5 =	rddreg [dreg:$0xa]  }
0x60: {  	[tilespmem:s21], [sflag:$0x3] =	stream.strided.gather [hbm4b:s19+s16], $0x800, s18, s16, $0x38;
	[tilespmem:$0x14000] =	vst v63  }
0x61: {  	s6 =	simm.s32 $0x11000;
	s11 =	rddreg [dreg:$0xb]  }
0x62: {  	[tilespmem:s6], [sflag:$0xB] =	stream.strided.gather [hbm4b:s5+s16], $0x800, s18, s16, $0x38;
	[tilespmem:$0x14000] =	vst v63  }
0x63: {  	s13 =	simm.s32 $0x6000;
	s15 =	sld [smem:$0x7F2]  }
0x64: {  	[tilespmem:s13], [sflag:$0x4] =	stream.strided.gather [hbm4b:s11+s16], $0x800, s18, s16, $0x38;
	[tilespmem:$0x14000] =	vst v63  }
0x65: {  	s17 =	simm.s32 $0x6800;
	s19 =	sld [smem:$0x7F3]  }
0x66: {  	[tilespmem:s17], [sflag:$0x4] =	stream.strided.gather [hbm4b:s15+s16], $0x800, s18, s16, $0x38;
	[tilespmem:$0x14000] =	vst v63  }
0x67: {  	s21 =	simm.s32 $0x7000;
	s5 =	sld [smem:$0x7F4]  }
0x68: {  	[tilespmem:s21], [sflag:$0x4] =	stream.strided.gather [hbm4b:s19+s16], $0x800, s18, s16, $0x38;
	[tilespmem:$0x14000] =	vst v63  }
0x69: {  	s6 =	simm.s32 $0x7800;
	s11 =	rddreg [dreg:$0xc]  }
0x6a: {  	[tilespmem:s6], [sflag:$0x4] =	stream.strided.gather [hbm4b:s5+s16], $0x800, s18, s16, $0x38;
	[tilespmem:$0x14000] =	vst v63  }
0x6b: {  	s13 =	simm.s32 $0x11800;
	s15 =	rddreg [dreg:$0xd]  }
0x6c: {  	[tilespmem:s13], [sflag:$0xC] =	stream.strided.gather [hbm4b:s11+s16], $0x800, s18, s16, $0x38;
	[tilespmem:$0x14000] =	vst v63  }
0x6d: {  	s17 =	simm.s32 $0x8000;
	s19 =	sld [smem:$0x7F5]  }
0x6e: {  	[tilespmem:s17], [sflag:$0x5] =	stream.strided.gather [hbm4b:s15+s16], $0x800, s18, s16, $0x38;
	[tilespmem:$0x14000] =	vst v63  }
0x6f: {  	s21 =	simm.s32 $0x8800;
	s5 =	sld [smem:$0x7F6]  }
0x70: {  	[tilespmem:s21], [sflag:$0x5] =	stream.strided.gather [hbm4b:s19+s16], $0x800, s18, s16, $0x38;
	[tilespmem:$0x14000] =	vst v63  }
0x71: {  	s6 =	simm.s32 $0x9000;
	s11 =	sld [smem:$0x7F7]  }
0x72: {  	[tilespmem:s6], [sflag:$0x5] =	stream.strided.gather [hbm4b:s5+s16], $0x800, s18, s16, $0x38;
	[tilespmem:$0x14000] =	vst v63  }
0x73: {  	s13 =	simm.s32 $0x9800;
	s15 =	rddreg [dreg:$0xe]  }
0x74: {  	[tilespmem:s13], [sflag:$0x5] =	stream.strided.gather [hbm4b:s11+s16], $0x800, s18, s16, $0x38;
	[tilespmem:$0x14000] =	vst v63  }
0x75: {  	s17 =	simm.s32 $0x12000;
	s19 =	rddreg [dreg:$0xf]  }
0x76: {  	[tilespmem:s17], [sflag:$0xD] =	stream.strided.gather [hbm4b:s15+s16], $0x800, s18, s16, $0x38;
	[tilespmem:$0x14000] =	vst v63  }
0x77: {  	s21 =	simm.s32 $0xA000;
	s5 =	sld [smem:$0x7F8]  }
0x78: {  	[tilespmem:s21], [sflag:$0x6] =	stream.strided.gather [hbm4b:s19+s16], $0x800, s18, s16, $0x38;
	[tilespmem:$0x14000] =	vst v63  }
0x79: {  	s6 =	simm.s32 $0xA800;
	s11 =	sld [smem:$0x7F9]  }
0x7a: {  	[tilespmem:s6], [sflag:$0x6] =	stream.strided.gather [hbm4b:s5+s16], $0x800, s18, s16, $0x38;
	[tilespmem:$0x14000] =	vst v63  }
0x7b: {  	s13 =	simm.s32 $0xB000;
	s15 =	sld [smem:$0x7FA]  }
0x7c: {  	[tilespmem:s13], [sflag:$0x6] =	stream.strided.gather [hbm4b:s11+s16], $0x800, s18, s16, $0x38;
	[tilespmem:$0x14000] =	vst v63  }
0x7d: {  	s17 =	simm.s32 $0xB800;
	s19 =	rddreg [dreg:$0x10]  }
0x7e: {  	[tilespmem:s17], [sflag:$0x6] =	stream.strided.gather [hbm4b:s15+s16], $0x800, s18, s16, $0x38;
	[tilespmem:$0x14000] =	vst v63  }
0x7f: {  	s21 =	simm.s32 $0x12800;
	s5 =	rddreg [dreg:$0x11]  }
0x80: {  	[tilespmem:s21], [sflag:$0xE] =	stream.strided.gather [hbm4b:s19+s16], $0x800, s18, s16, $0x38;
	[tilespmem:$0x14000] =	vst v63  }
0x81: {  	s6 =	sld [smem:$0x7FB]  }
0x82: {  	[tilespmem:s20], [sflag:$0x7] =	stream.strided.gather [hbm4b:s5+s16], $0x800, s18, s16, $0x38;
	[tilespmem:$0x14000] =	vst v63  }
0x83: {  	s11 =	simm.s32 $0xC800;
	s13 =	sld [smem:$0x7FC]  }
0x84: {  	[tilespmem:s11], [sflag:$0x7] =	stream.strided.gather [hbm4b:s6+s16], $0x800, s18, s16, $0x38;
	[tilespmem:$0x14000] =	vst v63  }
0x85: {  	s15 =	simm.s32 $0xD000;
	s17 =	sld [smem:$0x7FD]  }
0x86: {  	[tilespmem:s15], [sflag:$0x7] =	stream.strided.gather [hbm4b:s13+s16], $0x800, s18, s16, $0x38;
	[tilespmem:$0x14000] =	vst v63  }
0x87: {  	s19 =	simm.s32 $0xD800  }
0x88: {  	[tilespmem:s19], [sflag:$0x7] =	stream.strided.gather [hbm4b:s17+s16], $0x800, s18, s16, $0x38;
	[tilespmem:$0x14000] =	vst v63  }
0x89: {  	s21 =	simm.s32 $0x13000;
	s20 =	rddreg [dreg:$0x12];
	s15 =	simm.s32 $0x0  }
0x8a: {  	[tilespmem:s21], [sflag:$0xF] =	stream.strided.gather [hbm4b:s20+s16], $0x800, s18, s16, $0x38;
	[tilespmem:$0x14000] =	vst v63  }
.LBB2_2:
0x8b: {  	s3 =	simm.s32 $0x1  }
0x8c: {  	_ =	swait.ge [sflag:s3], $0x2000  }
0x8d: {  	[sflag:s3] =	ssyncset.done $0x0  }
0x8e: {  	s21 =	simm.s32 $0x9;
	[sflag:s3] =	ssyncadd.s32 $0xFFFFE000  }
0x8f: {  	s5 =	simm.s32 $0x0;
	_ =	swait.ge [sflag:s21], $0x800  }
0x90: {  	s11 =	sand.u32 $0x70, s5;
	s5 =	sand.u32 $0x700, s5;
	[sflag:s21] =	ssyncset.done $0x0  }
0x91: {  	s19 =	sor.u32 s11, s5;
	[sflag:s21] =	ssyncadd.s32 $0xFFFFF800  }
0x92: {  	v1 =	vld [tilespmem:s19+$0x10000]  }
0x93: {  	v0 =	vld [tilespmem:s19+$0x10080]  }
0x94: {  	v3 =	vld [tilespmem:s19+$0x0]  }
0x95: {  	v6 =	vld [tilespmem:s19+$0x800]  }
0x96: {  	v5 =	vld [tilespmem:s19+$0x1000]  }
0x97: {  	v4 =	vld [tilespmem:s19+$0x1800]  }
0x98: {  	v2 =	vld [tilespmem:s19+$0x80]  }
0x99: {  	s5 =	simm.s32 $0x20;
	s11 =	simm.s32 $0x10;
	v7 =	vadd.f32 v3, v1;
	v3 =	vld [tilespmem:s19+$0x880]  }
.LBB2_3:
0x9a: {  	s13 =	sand.u32 $0x70, s11;
	s17 =	sand.u32 $0x700, s5;
	p0 =	sne.s32 s11, $0x3F0;
	v6 =	vadd.f32 v6, v1;
	v8 =	vld [tilespmem:s19+$0x1080]  }
0x9b: {  	s13 =	sor.u32 s13, s17;
	[tilespmem:s19+$0x0] =	vst v7;
	v5 =	vadd.f32 v5, v1;
	v7 =	vld [tilespmem:s19+$0x1880]  }
0x9c: {  	[tilespmem:s19+$0x800] =	vst v6;
	v4 =	vadd.f32 v4, v1;
	v1 =	vld [tilespmem:s13+$0x10000]  }
0x9d: {  	v9 =	vld [tilespmem:s13+$0x10080];
	[tilespmem:s19+$0x1000] =	vst v5;
	v2 =	vadd.f32 v2, v0  }
0x9e: {  	v10 =	vld [tilespmem:s13+$0x0];
	[tilespmem:s19+$0x1800] =	vst v4;
	v3 =	vadd.f32 v3, v0  }
.Ltmp2:
0x9f: {  	v6 =	vld [tilespmem:s13+$0x800];
	[tilespmem:s19+$0x80] =	vst v2;
	v2 =	vadd.f32 v8, v0;
	(pc) =	sbr.rel @p0 .LBB2_3-.Ltmp2, $4  }
0xa0: {  	v5 =	vld [tilespmem:s13+$0x1000];
	[tilespmem:s19+$0x880] =	vst v3;
	v3 =	vadd.f32 v7, v0  }
0xa1: {  	v4 =	vld [tilespmem:s13+$0x1800];
	[tilespmem:s19+$0x1080] =	vst v2  }
0xa2: {  	v2 =	vld [tilespmem:s13+$0x80];
	[tilespmem:s19+$0x1880] =	vst v3;
	v0 =	vmov v9;
	s19 =	smov.u32 s13  }
0xa3: {  	s5 =	sadd.s32 $0x20, s5;
	s11 =	sadd.s32 $0x10, s11;
	v7 =	vadd.f32 v10, v1;
	v3 =	vld [tilespmem:s19+$0x880]  }
0xa4: {  	v8 =	vld [tilespmem:s19+$0x1080];
	v6 =	vadd.f32 v6, v1  }
0xa5: {  	[tilespmem:s19+$0x0] =	vst v7;
	v5 =	vadd.f32 v5, v1;
	v7 =	vld [tilespmem:s19+$0x1880]  }
0xa6: {  	[tilespmem:s19+$0x800] =	vst v6;
	v1 =	vadd.f32 v4, v1  }
0xa7: {  	[tilespmem:s19+$0x1000] =	vst v5;
	v2 =	vadd.f32 v2, v0  }
0xa8: {  	[tilespmem:s19+$0x1800] =	vst v1;
	v1 =	vadd.f32 v3, v0  }
0xa9: {  	[tilespmem:s19+$0x80] =	vst v2;
	v2 =	vadd.f32 v8, v0  }
0xaa: {  	s17 =	sshll.u32 s15, $0xB;
	s3 =	rddreg [dreg:$0x4];
	[tilespmem:s19+$0x880] =	vst v1;
	v0 =	vadd.f32 v7, v0  }
0xab: {  	s5 =	sor.u32 s3, s17;
	[tilespmem:s19+$0x1080] =	vst v2  }
0xac: {  	s11 =	sadd.s32 s12, s5;
	[tilespmem:s19+$0x1880] =	vst v0;
	s19 =	simm.s32 $0x0  }
0xad: {  	[hbm4b:s11+s16] =	stream.strided.scatter [tilespmem:s19], [sflag:$0x11], $0x800, s18, s16, $0x38;
	[tilespmem:$0x14000] =	vst v63  }
0xae: {  	s20 =	simm.s32 $0x800;
	s13 =	sadd.s32 $0x100000, s11  }
0xaf: {  	[hbm4b:s13+s16] =	stream.strided.scatter [tilespmem:s20], [sflag:$0x11], $0x800, s18, s16, $0x38;
	[tilespmem:$0x14000] =	vst v63  }
0xb0: {  	s21 =	smov.u32 s12;
	s12 =	simm.s32 $0x1000;
	s6 =	sadd.s32 $0x200000, s11  }
0xb1: {  	[hbm4b:s6+s16] =	stream.strided.scatter [tilespmem:s12], [sflag:$0x11], $0x800, s18, s16, $0x38;
	[tilespmem:$0x14000] =	vst v63  }
0xb2: {  	p0 =	seq.s32 s15, $0x0;
	s11 =	sadd.s32 $0x300000, s11;
	s19 =	simm.s32 $0x1800  }
0xb3: {  	[hbm4b:s11+s16] =	stream.strided.scatter [tilespmem:s19], [sflag:$0x11], $0x800, s18, s16, $0x38;
	[tilespmem:$0x14000] =	vst v63  }
0xb4: {  	s11 =	simm.s32 @!p0 $0x18  }
0xb5: {  	_ =	swait.ge @!p0 [sflag:s11], $0x2000  }
0xb6: {  	s20 =	rddreg [dreg:$0x13]  }
0xb7: {  	[sflag:s11] =	ssyncset.done @!p0 $0x0;
	s19 =	sadd.s32 s20, s17  }
0xb8: {  	s6 =	simm.s32 $0xE000;
	[sflag:s11] =	ssyncadd.s32 @!p0 $0xFFFFE000;
	s11 =	sadd.s32 s1, s19  }
0xb9: {  	[tilespmem:s6], [sflag:$0x8] =	stream.strided.gather [hbm4b:s11+s16], $0x800, s18, s16, $0x38;
	[tilespmem:$0x14000] =	vst v63  }
0xba: {  	s20 =	simm.s32 $0xE800;
	s12 =	sadd.s32 $0x100000, s11  }
0xbb: {  	[tilespmem:s20], [sflag:$0x8] =	stream.strided.gather [hbm4b:s12+s16], $0x800, s18, s16, $0x38;
	[tilespmem:$0x14000] =	vst v63  }
0xbc: {  	s6 =	sadd.s32 $0x200000, s11;
	s12 =	simm.s32 $0xF000  }
0xbd: {  	[tilespmem:s12], [sflag:$0x8] =	stream.strided.gather [hbm4b:s6+s16], $0x800, s18, s16, $0x38;
	[tilespmem:$0x14000] =	vst v63  }
0xbe: {  	s11 =	sadd.s32 $0x300000, s11;
	s20 =	simm.s32 $0xF800  }
0xbf: {  	[tilespmem:s20], [sflag:$0x8] =	stream.strided.gather [hbm4b:s11+s16], $0x800, s18, s16, $0x38;
	[tilespmem:$0x14000] =	vst v63  }
0xc0: {  	s3 =	sadd.s32 s2, s19;
	s6 =	simm.s32 $0x13800;
	s11 =	simm.s32 $0x2  }
0xc1: {  	[tilespmem:s6], [sflag:$0x10] =	stream.strided.gather [hbm4b:s3+s16], $0x800, s18, s16, $0x38;
	[tilespmem:$0x14000] =	vst v63  }
0xc2: {  	_ =	swait.ge [sflag:s11], $0x2000  }
0xc3: {  	[sflag:s11] =	ssyncset.done $0x0  }
0xc4: {  	s12 =	simm.s32 $0xA;
	[sflag:s11] =	ssyncadd.s32 $0xFFFFE000  }
0xc5: {  	s13 =	simm.s32 $0x0;
	_ =	swait.ge [sflag:s12], $0x800  }
0xc6: {  	s20 =	sand.u32 $0x70, s13;
	s11 =	sand.u32 $0x700, s13;
	[sflag:s12] =	ssyncset.done $0x0  }
0xc7: {  	s11 =	sor.u32 s20, s11;
	[sflag:s12] =	ssyncadd.s32 $0xFFFFF800  }
0xc8: {  	v1 =	vld [tilespmem:s11+$0x10800]  }
0xc9: {  	v0 =	vld [tilespmem:s11+$0x10880]  }
0xca: {  	v3 =	vld [tilespmem:s11+$0x2000]  }
0xcb: {  	v6 =	vld [tilespmem:s11+$0x2800]  }
0xcc: {  	v5 =	vld [tilespmem:s11+$0x3000]  }
0xcd: {  	v4 =	vld [tilespmem:s11+$0x3800]  }
0xce: {  	v2 =	vld [tilespmem:s11+$0x2080]  }
0xcf: {  	s13 =	simm.s32 $0x20;
	s20 =	simm.s32 $0x10;
	v7 =	vadd.f32 v3, v1;
	v3 =	vld [tilespmem:s11+$0x2880]  }
.LBB2_5:
0xd0: {  	s3 =	sand.u32 $0x70, s20;
	s12 =	sand.u32 $0x700, s13;
	p0 =	sne.s32 s20, $0x3F0;
	v6 =	vadd.f32 v6, v1;
	v8 =	vld [tilespmem:s11+$0x3080]  }
0xd1: {  	s3 =	sor.u32 s3, s12;
	[tilespmem:s11+$0x2000] =	vst v7;
	v5 =	vadd.f32 v5, v1;
	v7 =	vld [tilespmem:s11+$0x3880]  }
0xd2: {  	[tilespmem:s11+$0x2800] =	vst v6;
	v4 =	vadd.f32 v4, v1;
	v1 =	vld [tilespmem:s3+$0x10800]  }
0xd3: {  	v9 =	vld [tilespmem:s3+$0x10880];
	[tilespmem:s11+$0x3000] =	vst v5;
	v2 =	vadd.f32 v2, v0  }
0xd4: {  	v10 =	vld [tilespmem:s3+$0x2000];
	[tilespmem:s11+$0x3800] =	vst v4;
	v3 =	vadd.f32 v3, v0  }
.Ltmp3:
0xd5: {  	v6 =	vld [tilespmem:s3+$0x2800];
	[tilespmem:s11+$0x2080] =	vst v2;
	v2 =	vadd.f32 v8, v0;
	(pc) =	sbr.rel @p0 .LBB2_5-.Ltmp3, $4  }
0xd6: {  	v5 =	vld [tilespmem:s3+$0x3000];
	[tilespmem:s11+$0x2880] =	vst v3;
	v3 =	vadd.f32 v7, v0  }
0xd7: {  	v4 =	vld [tilespmem:s3+$0x3800];
	[tilespmem:s11+$0x3080] =	vst v2  }
0xd8: {  	v2 =	vld [tilespmem:s3+$0x2080];
	[tilespmem:s11+$0x3880] =	vst v3;
	v0 =	vmov v9;
	s11 =	smov.u32 s3  }
0xd9: {  	s13 =	sadd.s32 $0x20, s13;
	s20 =	sadd.s32 $0x10, s20;
	v7 =	vadd.f32 v10, v1;
	v3 =	vld [tilespmem:s11+$0x2880]  }
0xda: {  	v8 =	vld [tilespmem:s11+$0x3080];
	v6 =	vadd.f32 v6, v1  }
0xdb: {  	[tilespmem:s11+$0x2000] =	vst v7;
	v5 =	vadd.f32 v5, v1;
	v7 =	vld [tilespmem:s11+$0x3880]  }
0xdc: {  	[tilespmem:s11+$0x2800] =	vst v6;
	v1 =	vadd.f32 v4, v1  }
0xdd: {  	[tilespmem:s11+$0x3000] =	vst v5;
	v2 =	vadd.f32 v2, v0  }
0xde: {  	[tilespmem:s11+$0x3800] =	vst v1;
	v1 =	vadd.f32 v3, v0  }
0xdf: {  	[tilespmem:s11+$0x2080] =	vst v2;
	v2 =	vadd.f32 v8, v0  }
0xe0: {  	[tilespmem:s11+$0x2880] =	vst v1;
	v0 =	vadd.f32 v7, v0  }
0xe1: {  	s3 =	rddreg [dreg:$0x14];
	[tilespmem:s11+$0x3080] =	vst v2  }
0xe2: {  	s6 =	simm.s32 $0x2000;
	s3 =	sadd.s32 s5, s3;
	[tilespmem:s11+$0x3880] =	vst v0  }
0xe3: {  	[hbm4b:s3+s16] =	stream.strided.scatter [tilespmem:s6], [sflag:$0x12], $0x800, s18, s16, $0x38;
	[tilespmem:$0x14000] =	vst v63  }
0xe4: {  	s20 =	simm.s32 $0x2800;
	s13 =	sadd.s32 $0x100000, s3  }
0xe5: {  	[hbm4b:s13+s16] =	stream.strided.scatter [tilespmem:s20], [sflag:$0x12], $0x800, s18, s16, $0x38;
	[tilespmem:$0x14000] =	vst v63  }
0xe6: {  	s12 =	simm.s32 $0x3000;
	s6 =	sadd.s32 $0x200000, s3  }
0xe7: {  	[hbm4b:s6+s16] =	stream.strided.scatter [tilespmem:s12], [sflag:$0x12], $0x800, s18, s16, $0x38;
	[tilespmem:$0x14000] =	vst v63  }
0xe8: {  	s3 =	sadd.s32 $0x300000, s3;
	s13 =	simm.s32 $0x3800;
	s20 =	simm.s32 $0x11  }
0xe9: {  	[hbm4b:s3+s16] =	stream.strided.scatter [tilespmem:s13], [sflag:$0x12], $0x800, s18, s16, $0x38;
	[tilespmem:$0x14000] =	vst v63  }
0xea: {  	p0 =	seq.s32 s15, $0xF;
	_ =	swait.ge [sflag:s20], $0x2000  }
0xeb: {  	s12 =	simm.s32 @!p0 $0x100;
	s3 =	rddreg [dreg:$0x15]  }
0xec: {  	s13 =	simm.s32 @!p0 $0x400;
	[sflag:s20] =	ssyncset.done $0x0;
	s3 =	sadd.s32 @!p0 s17, s3  }
0xed: {  	[sflag:s20] =	ssyncadd.s32 $0xFFFFE000;
	s20 =	simm.s32 @!p0 $0x0;
	s11 =	sadd.s32 @!p0 s1, s3  }
0xee: {  	[tilespmem:s20], [sflag:$0x1] =	stream.strided.gather @!p0 [hbm4b:s11+s12], $0x800, s13, s12, $0x38;
	[tilespmem:$0x14000] =	vst v63  }
0xef: {  	s6 =	simm.s32 @!p0 $0x800;
	s20 =	sadd.s32 @!p0 $0x100000, s11  }
0xf0: {  	[tilespmem:s6], [sflag:$0x1] =	stream.strided.gather @!p0 [hbm4b:s20+s12], $0x800, s13, s12, $0x38;
	[tilespmem:$0x14000] =	vst v63  }
0xf1: {  	s6 =	sadd.s32 @!p0 $0x200000, s11;
	s20 =	simm.s32 @!p0 $0x1000  }
0xf2: {  	[tilespmem:s20], [sflag:$0x1] =	stream.strided.gather @!p0 [hbm4b:s6+s12], $0x800, s13, s12, $0x38;
	[tilespmem:$0x14000] =	vst v63  }
0xf3: {  	s6 =	sadd.s32 @!p0 $0x300000, s11;
	s11 =	simm.s32 @!p0 $0x1800  }
0xf4: {  	[tilespmem:s11], [sflag:$0x1] =	stream.strided.gather @!p0 [hbm4b:s6+s12], $0x800, s13, s12, $0x38;
	[tilespmem:$0x14000] =	vst v63  }
0xf5: {  	s3 =	sadd.s32 @!p0 s2, s3;
	s6 =	simm.s32 @!p0 $0x10000;
	s11 =	simm.s32 $0x3  }
0xf6: {  	[tilespmem:s6], [sflag:$0x9] =	stream.strided.gather @!p0 [hbm4b:s3+s12], $0x800, s13, s12, $0x38;
	[tilespmem:$0x14000] =	vst v63  }
0xf7: {  	_ =	swait.ge [sflag:s11], $0x2000  }
0xf8: {  	[sflag:s11] =	ssyncset.done $0x0  }
0xf9: {  	s12 =	simm.s32 $0xB;
	[sflag:s11] =	ssyncadd.s32 $0xFFFFE000  }
0xfa: {  	s13 =	simm.s32 $0x0;
	_ =	swait.ge [sflag:s12], $0x800  }
0xfb: {  	s20 =	sand.u32 $0x70, s13;
	s3 =	sand.u32 $0x700, s13;
	[sflag:s12] =	ssyncset.done $0x0  }
0xfc: {  	s11 =	sor.u32 s20, s3;
	[sflag:s12] =	ssyncadd.s32 $0xFFFFF800  }
0xfd: {  	v1 =	vld [tilespmem:s11+$0x11000]  }
0xfe: {  	v0 =	vld [tilespmem:s11+$0x11080]  }
0xff: {  	v3 =	vld [tilespmem:s11+$0x4000]  }
0x100: {  	v6 =	vld [tilespmem:s11+$0x4800]  }
0x101: {  	v5 =	vld [tilespmem:s11+$0x5000]  }
0x102: {  	v4 =	vld [tilespmem:s11+$0x5800]  }
0x103: {  	v2 =	vld [tilespmem:s11+$0x4080]  }
0x104: {  	s13 =	simm.s32 $0x20;
	s20 =	simm.s32 $0x10;
	v7 =	vadd.f32 v3, v1;
	v3 =	vld [tilespmem:s11+$0x4880]  }
.LBB2_7:
0x105: {  	s3 =	sand.u32 $0x70, s20;
	s6 =	sand.u32 $0x700, s13;
	p1 =	sne.s32 s20, $0x3F0;
	v6 =	vadd.f32 v6, v1;
	v8 =	vld [tilespmem:s11+$0x5080]  }
0x106: {  	s3 =	sor.u32 s3, s6;
	[tilespmem:s11+$0x4000] =	vst v7;
	v5 =	vadd.f32 v5, v1;
	v7 =	vld [tilespmem:s11+$0x5880]  }
0x107: {  	[tilespmem:s11+$0x4800] =	vst v6;
	v4 =	vadd.f32 v4, v1;
	v1 =	vld [tilespmem:s3+$0x11000]  }
0x108: {  	v9 =	vld [tilespmem:s3+$0x11080];
	[tilespmem:s11+$0x5000] =	vst v5;
	v2 =	vadd.f32 v2, v0  }
0x109: {  	v10 =	vld [tilespmem:s3+$0x4000];
	[tilespmem:s11+$0x5800] =	vst v4;
	v3 =	vadd.f32 v3, v0  }
.Ltmp4:
0x10a: {  	v6 =	vld [tilespmem:s3+$0x4800];
	[tilespmem:s11+$0x4080] =	vst v2;
	v2 =	vadd.f32 v8, v0;
	(pc) =	sbr.rel @p1 .LBB2_7-.Ltmp4, $4  }
0x10b: {  	v5 =	vld [tilespmem:s3+$0x5000];
	[tilespmem:s11+$0x4880] =	vst v3;
	v3 =	vadd.f32 v7, v0  }
0x10c: {  	v4 =	vld [tilespmem:s3+$0x5800];
	[tilespmem:s11+$0x5080] =	vst v2  }
0x10d: {  	v2 =	vld [tilespmem:s3+$0x4080];
	[tilespmem:s11+$0x5880] =	vst v3;
	v0 =	vmov v9;
	s11 =	smov.u32 s3  }
0x10e: {  	s13 =	sadd.s32 $0x20, s13;
	s20 =	sadd.s32 $0x10, s20;
	v7 =	vadd.f32 v10, v1;
	v3 =	vld [tilespmem:s11+$0x4880]  }
0x10f: {  	v8 =	vld [tilespmem:s11+$0x5080];
	v6 =	vadd.f32 v6, v1  }
0x110: {  	[tilespmem:s11+$0x4000] =	vst v7;
	v5 =	vadd.f32 v5, v1;
	v7 =	vld [tilespmem:s11+$0x5880]  }
0x111: {  	[tilespmem:s11+$0x4800] =	vst v6;
	v1 =	vadd.f32 v4, v1  }
0x112: {  	[tilespmem:s11+$0x5000] =	vst v5;
	v2 =	vadd.f32 v2, v0  }
0x113: {  	[tilespmem:s11+$0x5800] =	vst v1;
	v1 =	vadd.f32 v3, v0  }
0x114: {  	[tilespmem:s11+$0x4080] =	vst v2;
	v2 =	vadd.f32 v8, v0  }
0x115: {  	[tilespmem:s11+$0x4880] =	vst v1;
	v0 =	vadd.f32 v7, v0  }
0x116: {  	s3 =	rddreg [dreg:$0x16];
	[tilespmem:s11+$0x5080] =	vst v2  }
0x117: {  	s6 =	simm.s32 $0x4000;
	s3 =	sadd.s32 s5, s3;
	[tilespmem:s11+$0x5880] =	vst v0  }
0x118: {  	[hbm4b:s3+s16] =	stream.strided.scatter [tilespmem:s6], [sflag:$0x13], $0x800, s18, s16, $0x38;
	[tilespmem:$0x14000] =	vst v63  }
0x119: {  	s12 =	simm.s32 $0x4800;
	s11 =	sadd.s32 $0x100000, s3  }
0x11a: {  	[hbm4b:s11+s16] =	stream.strided.scatter [tilespmem:s12], [sflag:$0x13], $0x800, s18, s16, $0x38;
	[tilespmem:$0x14000] =	vst v63  }
0x11b: {  	s20 =	simm.s32 $0x5000;
	s13 =	sadd.s32 $0x200000, s3  }
0x11c: {  	[hbm4b:s13+s16] =	stream.strided.scatter [tilespmem:s20], [sflag:$0x13], $0x800, s18, s16, $0x38;
	[tilespmem:$0x14000] =	vst v63  }
0x11d: {  	s3 =	sadd.s32 $0x300000, s3;
	s12 =	simm.s32 $0x5800  }
0x11e: {  	[hbm4b:s3+s16] =	stream.strided.scatter [tilespmem:s12], [sflag:$0x13], $0x800, s18, s16, $0x38;
	[tilespmem:$0x14000] =	vst v63  }
0x11f: {  	_ =	swait.ge [sflag:s22], $0x2000  }
0x120: {  	s11 =	simm.s32 @!p0 $0x100;
	s3 =	rddreg [dreg:$0x18]  }
0x121: {  	s13 =	simm.s32 @!p0 $0x2000;
	[sflag:s22] =	ssyncset.done $0x0;
	s3 =	sadd.s32 @!p0 s17, s3  }
0x122: {  	s12 =	simm.s32 @!p0 $0x400;
	[sflag:s22] =	ssyncadd.s32 $0xFFFFE000;
	s6 =	sadd.s32 @!p0 s1, s3  }
0x123: {  	[tilespmem:s13], [sflag:$0x2] =	stream.strided.gather @!p0 [hbm4b:s6+s11], $0x800, s12, s11, $0x38;
	[tilespmem:$0x14000] =	vst v63  }
0x124: {  	s20 =	simm.s32 @!p0 $0x2800;
	s13 =	sadd.s32 @!p0 $0x100000, s6  }
0x125: {  	[tilespmem:s20], [sflag:$0x2] =	stream.strided.gather @!p0 [hbm4b:s13+s11], $0x800, s12, s11, $0x38;
	[tilespmem:$0x14000] =	vst v63  }
0x126: {  	s13 =	sadd.s32 @!p0 $0x200000, s6;
	s20 =	simm.s32 @!p0 $0x3000  }
0x127: {  	[tilespmem:s20], [sflag:$0x2] =	stream.strided.gather @!p0 [hbm4b:s13+s11], $0x800, s12, s11, $0x38;
	[tilespmem:$0x14000] =	vst v63  }
0x128: {  	s6 =	sadd.s32 @!p0 $0x300000, s6;
	s13 =	simm.s32 @!p0 $0x3800  }
0x129: {  	[tilespmem:s13], [sflag:$0x2] =	stream.strided.gather @!p0 [hbm4b:s6+s11], $0x800, s12, s11, $0x38;
	[tilespmem:$0x14000] =	vst v63  }
0x12a: {  	s3 =	sadd.s32 @!p0 s2, s3;
	s6 =	simm.s32 @!p0 $0x10800  }
0x12b: {  	[tilespmem:s6], [sflag:$0xA] =	stream.strided.gather @!p0 [hbm4b:s3+s11], $0x800, s12, s11, $0x38;
	[tilespmem:$0x14000] =	vst v63  }
0x12c: {  	_ =	swait.ge [sflag:s23], $0x2000  }
0x12d: {  	[sflag:s23] =	ssyncset.done $0x0  }
0x12e: {  	[sflag:s23] =	ssyncadd.s32 $0xFFFFE000  }
0x12f: {  	s13 =	simm.s32 $0x0;
	_ =	swait.ge [sflag:s24], $0x800  }
0x130: {  	s20 =	sand.u32 $0x70, s13;
	s3 =	sand.u32 $0x700, s13;
	[sflag:s24] =	ssyncset.done $0x0  }
0x131: {  	s11 =	sor.u32 s20, s3;
	[sflag:s24] =	ssyncadd.s32 $0xFFFFF800  }
0x132: {  	v1 =	vld [tilespmem:s11+$0x11800]  }
0x133: {  	v0 =	vld [tilespmem:s11+$0x11880]  }
0x134: {  	v3 =	vld [tilespmem:s11+$0x6000]  }
0x135: {  	v6 =	vld [tilespmem:s11+$0x6800]  }
0x136: {  	v5 =	vld [tilespmem:s11+$0x7000]  }
0x137: {  	v4 =	vld [tilespmem:s11+$0x7800]  }
0x138: {  	v2 =	vld [tilespmem:s11+$0x6080]  }
0x139: {  	s13 =	simm.s32 $0x20;
	s20 =	simm.s32 $0x10;
	v7 =	vadd.f32 v3, v1;
	v3 =	vld [tilespmem:s11+$0x6880]  }
.LBB2_9:
0x13a: {  	s3 =	sand.u32 $0x70, s20;
	s6 =	sand.u32 $0x700, s13;
	p1 =	sne.s32 s20, $0x3F0;
	v6 =	vadd.f32 v6, v1;
	v8 =	vld [tilespmem:s11+$0x7080]  }
0x13b: {  	s3 =	sor.u32 s3, s6;
	[tilespmem:s11+$0x6000] =	vst v7;
	v5 =	vadd.f32 v5, v1;
	v7 =	vld [tilespmem:s11+$0x7880]  }
0x13c: {  	[tilespmem:s11+$0x6800] =	vst v6;
	v4 =	vadd.f32 v4, v1;
	v1 =	vld [tilespmem:s3+$0x11800]  }
0x13d: {  	v9 =	vld [tilespmem:s3+$0x11880];
	[tilespmem:s11+$0x7000] =	vst v5;
	v2 =	vadd.f32 v2, v0  }
0x13e: {  	v10 =	vld [tilespmem:s3+$0x6000];
	[tilespmem:s11+$0x7800] =	vst v4;
	v3 =	vadd.f32 v3, v0  }
.Ltmp5:
0x13f: {  	v6 =	vld [tilespmem:s3+$0x6800];
	[tilespmem:s11+$0x6080] =	vst v2;
	v2 =	vadd.f32 v8, v0;
	(pc) =	sbr.rel @p1 .LBB2_9-.Ltmp5, $4  }
0x140: {  	v5 =	vld [tilespmem:s3+$0x7000];
	[tilespmem:s11+$0x6880] =	vst v3;
	v3 =	vadd.f32 v7, v0  }
0x141: {  	v4 =	vld [tilespmem:s3+$0x7800];
	[tilespmem:s11+$0x7080] =	vst v2  }
0x142: {  	v2 =	vld [tilespmem:s3+$0x6080];
	[tilespmem:s11+$0x7880] =	vst v3;
	v0 =	vmov v9;
	s11 =	smov.u32 s3  }
0x143: {  	s13 =	sadd.s32 $0x20, s13;
	s20 =	sadd.s32 $0x10, s20;
	v7 =	vadd.f32 v10, v1;
	v3 =	vld [tilespmem:s11+$0x6880]  }
0x144: {  	v8 =	vld [tilespmem:s11+$0x7080];
	v6 =	vadd.f32 v6, v1  }
0x145: {  	[tilespmem:s11+$0x6000] =	vst v7;
	v5 =	vadd.f32 v5, v1;
	v7 =	vld [tilespmem:s11+$0x7880]  }
0x146: {  	[tilespmem:s11+$0x6800] =	vst v6;
	v1 =	vadd.f32 v4, v1  }
0x147: {  	[tilespmem:s11+$0x7000] =	vst v5;
	v2 =	vadd.f32 v2, v0  }
0x148: {  	[tilespmem:s11+$0x7800] =	vst v1;
	v1 =	vadd.f32 v3, v0  }
0x149: {  	[tilespmem:s11+$0x6080] =	vst v2;
	v2 =	vadd.f32 v8, v0  }
0x14a: {  	[tilespmem:s11+$0x6880] =	vst v1;
	v0 =	vadd.f32 v7, v0  }
0x14b: {  	s3 =	rddreg [dreg:$0x19];
	[tilespmem:s11+$0x7080] =	vst v2  }
0x14c: {  	s6 =	simm.s32 $0x6000;
	s3 =	sadd.s32 s5, s3;
	[tilespmem:s11+$0x7880] =	vst v0  }
0x14d: {  	[hbm4b:s3+s16] =	stream.strided.scatter [tilespmem:s6], [sflag:$0x14], $0x800, s18, s16, $0x38;
	[tilespmem:$0x14000] =	vst v63  }
0x14e: {  	s12 =	simm.s32 $0x6800;
	s11 =	sadd.s32 $0x100000, s3  }
0x14f: {  	[hbm4b:s11+s16] =	stream.strided.scatter [tilespmem:s12], [sflag:$0x14], $0x800, s18, s16, $0x38;
	[tilespmem:$0x14000] =	vst v63  }
0x150: {  	s20 =	simm.s32 $0x7000;
	s13 =	sadd.s32 $0x200000, s3  }
0x151: {  	[hbm4b:s13+s16] =	stream.strided.scatter [tilespmem:s20], [sflag:$0x14], $0x800, s18, s16, $0x38;
	[tilespmem:$0x14000] =	vst v63  }
0x152: {  	s3 =	sadd.s32 $0x300000, s3;
	s12 =	simm.s32 $0x7800  }
0x153: {  	[hbm4b:s3+s16] =	stream.strided.scatter [tilespmem:s12], [sflag:$0x14], $0x800, s18, s16, $0x38;
	[tilespmem:$0x14000] =	vst v63  }
0x154: {  	_ =	swait.ge [sflag:s26], $0x2000  }
0x155: {  	s11 =	simm.s32 @!p0 $0x100;
	s3 =	rddreg [dreg:$0x1a]  }
0x156: {  	s13 =	simm.s32 @!p0 $0x4000;
	[sflag:s26] =	ssyncset.done $0x0;
	s3 =	sadd.s32 @!p0 s17, s3  }
0x157: {  	s12 =	simm.s32 @!p0 $0x400;
	[sflag:s26] =	ssyncadd.s32 $0xFFFFE000;
	s6 =	sadd.s32 @!p0 s1, s3  }
0x158: {  	[tilespmem:s13], [sflag:$0x3] =	stream.strided.gather @!p0 [hbm4b:s6+s11], $0x800, s12, s11, $0x38;
	[tilespmem:$0x14000] =	vst v63  }
0x159: {  	s20 =	simm.s32 @!p0 $0x4800;
	s13 =	sadd.s32 @!p0 $0x100000, s6  }
0x15a: {  	[tilespmem:s20], [sflag:$0x3] =	stream.strided.gather @!p0 [hbm4b:s13+s11], $0x800, s12, s11, $0x38;
	[tilespmem:$0x14000] =	vst v63  }
0x15b: {  	s13 =	sadd.s32 @!p0 $0x200000, s6;
	s20 =	simm.s32 @!p0 $0x5000  }
0x15c: {  	[tilespmem:s20], [sflag:$0x3] =	stream.strided.gather @!p0 [hbm4b:s13+s11], $0x800, s12, s11, $0x38;
	[tilespmem:$0x14000] =	vst v63  }
0x15d: {  	s6 =	sadd.s32 @!p0 $0x300000, s6;
	s13 =	simm.s32 @!p0 $0x5800  }
0x15e: {  	[tilespmem:s13], [sflag:$0x3] =	stream.strided.gather @!p0 [hbm4b:s6+s11], $0x800, s12, s11, $0x38;
	[tilespmem:$0x14000] =	vst v63  }
0x15f: {  	s3 =	sadd.s32 @!p0 s2, s3;
	s6 =	simm.s32 @!p0 $0x11000  }
0x160: {  	[tilespmem:s6], [sflag:$0xB] =	stream.strided.gather @!p0 [hbm4b:s3+s11], $0x800, s12, s11, $0x38;
	[tilespmem:$0x14000] =	vst v63  }
0x161: {  	_ =	swait.ge [sflag:s28], $0x2000  }
0x162: {  	[sflag:s28] =	ssyncset.done $0x0  }
0x163: {  	[sflag:s28] =	ssyncadd.s32 $0xFFFFE000  }
0x164: {  	s13 =	simm.s32 $0x0;
	_ =	swait.ge [sflag:s29], $0x800  }
0x165: {  	s20 =	sand.u32 $0x70, s13;
	s3 =	sand.u32 $0x700, s13;
	[sflag:s29] =	ssyncset.done $0x0  }
0x166: {  	s11 =	sor.u32 s20, s3;
	[sflag:s29] =	ssyncadd.s32 $0xFFFFF800  }
0x167: {  	v1 =	vld [tilespmem:s11+$0x12000]  }
0x168: {  	v0 =	vld [tilespmem:s11+$0x12080]  }
0x169: {  	v3 =	vld [tilespmem:s11+$0x8000]  }
0x16a: {  	v6 =	vld [tilespmem:s11+$0x8800]  }
0x16b: {  	v5 =	vld [tilespmem:s11+$0x9000]  }
0x16c: {  	v4 =	vld [tilespmem:s11+$0x9800]  }
0x16d: {  	v2 =	vld [tilespmem:s11+$0x8080]  }
0x16e: {  	s13 =	simm.s32 $0x20;
	s20 =	simm.s32 $0x10;
	v7 =	vadd.f32 v3, v1;
	v3 =	vld [tilespmem:s11+$0x8880]  }
.LBB2_11:
0x16f: {  	s3 =	sand.u32 $0x70, s20;
	s6 =	sand.u32 $0x700, s13;
	p1 =	sne.s32 s20, $0x3F0;
	v6 =	vadd.f32 v6, v1;
	v8 =	vld [tilespmem:s11+$0x9080]  }
0x170: {  	s3 =	sor.u32 s3, s6;
	[tilespmem:s11+$0x8000] =	vst v7;
	v5 =	vadd.f32 v5, v1;
	v7 =	vld [tilespmem:s11+$0x9880]  }
0x171: {  	[tilespmem:s11+$0x8800] =	vst v6;
	v4 =	vadd.f32 v4, v1;
	v1 =	vld [tilespmem:s3+$0x12000]  }
0x172: {  	v9 =	vld [tilespmem:s3+$0x12080];
	[tilespmem:s11+$0x9000] =	vst v5;
	v2 =	vadd.f32 v2, v0  }
0x173: {  	v10 =	vld [tilespmem:s3+$0x8000];
	[tilespmem:s11+$0x9800] =	vst v4;
	v3 =	vadd.f32 v3, v0  }
.Ltmp6:
0x174: {  	v6 =	vld [tilespmem:s3+$0x8800];
	[tilespmem:s11+$0x8080] =	vst v2;
	v2 =	vadd.f32 v8, v0;
	(pc) =	sbr.rel @p1 .LBB2_11-.Ltmp6, $4  }
0x175: {  	v5 =	vld [tilespmem:s3+$0x9000];
	[tilespmem:s11+$0x8880] =	vst v3;
	v3 =	vadd.f32 v7, v0  }
0x176: {  	v4 =	vld [tilespmem:s3+$0x9800];
	[tilespmem:s11+$0x9080] =	vst v2  }
0x177: {  	v2 =	vld [tilespmem:s3+$0x8080];
	[tilespmem:s11+$0x9880] =	vst v3;
	v0 =	vmov v9;
	s11 =	smov.u32 s3  }
0x178: {  	s13 =	sadd.s32 $0x20, s13;
	s20 =	sadd.s32 $0x10, s20;
	v7 =	vadd.f32 v10, v1;
	v3 =	vld [tilespmem:s11+$0x8880]  }
0x179: {  	v8 =	vld [tilespmem:s11+$0x9080];
	v6 =	vadd.f32 v6, v1  }
0x17a: {  	[tilespmem:s11+$0x8000] =	vst v7;
	v5 =	vadd.f32 v5, v1;
	v7 =	vld [tilespmem:s11+$0x9880]  }
0x17b: {  	[tilespmem:s11+$0x8800] =	vst v6;
	v1 =	vadd.f32 v4, v1  }
0x17c: {  	[tilespmem:s11+$0x9000] =	vst v5;
	v2 =	vadd.f32 v2, v0  }
0x17d: {  	[tilespmem:s11+$0x9800] =	vst v1;
	v1 =	vadd.f32 v3, v0  }
0x17e: {  	[tilespmem:s11+$0x8080] =	vst v2;
	v2 =	vadd.f32 v8, v0  }
0x17f: {  	[tilespmem:s11+$0x8880] =	vst v1;
	v0 =	vadd.f32 v7, v0  }
0x180: {  	s3 =	rddreg [dreg:$0x1b];
	[tilespmem:s11+$0x9080] =	vst v2  }
0x181: {  	s6 =	simm.s32 $0x8000;
	s3 =	sadd.s32 s5, s3;
	[tilespmem:s11+$0x9880] =	vst v0  }
0x182: {  	[hbm4b:s3+s16] =	stream.strided.scatter [tilespmem:s6], [sflag:$0x15], $0x800, s18, s16, $0x38;
	[tilespmem:$0x14000] =	vst v63  }
0x183: {  	s12 =	simm.s32 $0x8800;
	s11 =	sadd.s32 $0x100000, s3  }
0x184: {  	[hbm4b:s11+s16] =	stream.strided.scatter [tilespmem:s12], [sflag:$0x15], $0x800, s18, s16, $0x38;
	[tilespmem:$0x14000] =	vst v63  }
0x185: {  	s20 =	simm.s32 $0x9000;
	s13 =	sadd.s32 $0x200000, s3  }
0x186: {  	[hbm4b:s13+s16] =	stream.strided.scatter [tilespmem:s20], [sflag:$0x15], $0x800, s18, s16, $0x38;
	[tilespmem:$0x14000] =	vst v63  }
0x187: {  	s3 =	sadd.s32 $0x300000, s3;
	s12 =	simm.s32 $0x9800  }
0x188: {  	[hbm4b:s3+s16] =	stream.strided.scatter [tilespmem:s12], [sflag:$0x15], $0x800, s18, s16, $0x38;
	[tilespmem:$0x14000] =	vst v63  }
0x189: {  	_ =	swait.ge [sflag:s30], $0x2000  }
0x18a: {  	s11 =	simm.s32 @!p0 $0x100;
	s3 =	rddreg [dreg:$0x1c]  }
0x18b: {  	s13 =	simm.s32 @!p0 $0x6000;
	[sflag:s30] =	ssyncset.done $0x0;
	s3 =	sadd.s32 @!p0 s17, s3  }
0x18c: {  	s12 =	simm.s32 @!p0 $0x400;
	[sflag:s30] =	ssyncadd.s32 $0xFFFFE000;
	s6 =	sadd.s32 @!p0 s1, s3  }
0x18d: {  	[tilespmem:s13], [sflag:$0x4] =	stream.strided.gather @!p0 [hbm4b:s6+s11], $0x800, s12, s11, $0x38;
	[tilespmem:$0x14000] =	vst v63  }
0x18e: {  	s20 =	simm.s32 @!p0 $0x6800;
	s13 =	sadd.s32 @!p0 $0x100000, s6  }
0x18f: {  	[tilespmem:s20], [sflag:$0x4] =	stream.strided.gather @!p0 [hbm4b:s13+s11], $0x800, s12, s11, $0x38;
	[tilespmem:$0x14000] =	vst v63  }
0x190: {  	s13 =	sadd.s32 @!p0 $0x200000, s6;
	s20 =	simm.s32 @!p0 $0x7000  }
0x191: {  	[tilespmem:s20], [sflag:$0x4] =	stream.strided.gather @!p0 [hbm4b:s13+s11], $0x800, s12, s11, $0x38;
	[tilespmem:$0x14000] =	vst v63  }
0x192: {  	s6 =	sadd.s32 @!p0 $0x300000, s6;
	s13 =	simm.s32 @!p0 $0x7800  }
0x193: {  	[tilespmem:s13], [sflag:$0x4] =	stream.strided.gather @!p0 [hbm4b:s6+s11], $0x800, s12, s11, $0x38;
	[tilespmem:$0x14000] =	vst v63  }
0x194: {  	s3 =	sadd.s32 @!p0 s2, s3;
	s6 =	simm.s32 @!p0 $0x11800  }
0x195: {  	[tilespmem:s6], [sflag:$0xC] =	stream.strided.gather @!p0 [hbm4b:s3+s11], $0x800, s12, s11, $0x38;
	[tilespmem:$0x14000] =	vst v63  }
0x196: {  	_ =	swait.ge [sflag:s31], $0x2000  }
0x197: {  	[sflag:s31] =	ssyncset.done $0x0  }
0x198: {  	[sflag:s31] =	ssyncadd.s32 $0xFFFFE000  }
0x199: {  	s13 =	simm.s32 $0x0;
	_ =	swait.ge [sflag:s0], $0x800  }
0x19a: {  	s20 =	sand.u32 $0x70, s13;
	s3 =	sand.u32 $0x700, s13;
	[sflag:s0] =	ssyncset.done $0x0  }
0x19b: {  	s11 =	sor.u32 s20, s3;
	[sflag:s0] =	ssyncadd.s32 $0xFFFFF800  }
0x19c: {  	v1 =	vld [tilespmem:s11+$0x12800]  }
0x19d: {  	v0 =	vld [tilespmem:s11+$0x12880]  }
0x19e: {  	v3 =	vld [tilespmem:s11+$0xA000]  }
0x19f: {  	v6 =	vld [tilespmem:s11+$0xA800]  }
0x1a0: {  	v5 =	vld [tilespmem:s11+$0xB000]  }
0x1a1: {  	v4 =	vld [tilespmem:s11+$0xB800]  }
0x1a2: {  	v2 =	vld [tilespmem:s11+$0xA080]  }
0x1a3: {  	s13 =	simm.s32 $0x20;
	s20 =	simm.s32 $0x10;
	v7 =	vadd.f32 v3, v1;
	v3 =	vld [tilespmem:s11+$0xA880]  }
.LBB2_13:
0x1a4: {  	s3 =	sand.u32 $0x70, s20;
	s6 =	sand.u32 $0x700, s13;
	p1 =	sne.s32 s20, $0x3F0;
	v6 =	vadd.f32 v6, v1;
	v8 =	vld [tilespmem:s11+$0xB080]  }
0x1a5: {  	s3 =	sor.u32 s3, s6;
	[tilespmem:s11+$0xA000] =	vst v7;
	v5 =	vadd.f32 v5, v1;
	v7 =	vld [tilespmem:s11+$0xB880]  }
0x1a6: {  	[tilespmem:s11+$0xA800] =	vst v6;
	v4 =	vadd.f32 v4, v1;
	v1 =	vld [tilespmem:s3+$0x12800]  }
0x1a7: {  	v9 =	vld [tilespmem:s3+$0x12880];
	[tilespmem:s11+$0xB000] =	vst v5;
	v2 =	vadd.f32 v2, v0  }
0x1a8: {  	v10 =	vld [tilespmem:s3+$0xA000];
	[tilespmem:s11+$0xB800] =	vst v4;
	v3 =	vadd.f32 v3, v0  }
.Ltmp7:
0x1a9: {  	v6 =	vld [tilespmem:s3+$0xA800];
	[tilespmem:s11+$0xA080] =	vst v2;
	v2 =	vadd.f32 v8, v0;
	(pc) =	sbr.rel @p1 .LBB2_13-.Ltmp7, $4  }
0x1aa: {  	v5 =	vld [tilespmem:s3+$0xB000];
	[tilespmem:s11+$0xA880] =	vst v3;
	v3 =	vadd.f32 v7, v0  }
0x1ab: {  	v4 =	vld [tilespmem:s3+$0xB800];
	[tilespmem:s11+$0xB080] =	vst v2  }
0x1ac: {  	v2 =	vld [tilespmem:s3+$0xA080];
	[tilespmem:s11+$0xB880] =	vst v3;
	v0 =	vmov v9;
	s11 =	smov.u32 s3  }
0x1ad: {  	s13 =	sadd.s32 $0x20, s13;
	s20 =	sadd.s32 $0x10, s20;
	v7 =	vadd.f32 v10, v1;
	v3 =	vld [tilespmem:s11+$0xA880]  }
0x1ae: {  	v8 =	vld [tilespmem:s11+$0xB080];
	v6 =	vadd.f32 v6, v1  }
0x1af: {  	[tilespmem:s11+$0xA000] =	vst v7;
	v5 =	vadd.f32 v5, v1;
	v7 =	vld [tilespmem:s11+$0xB880]  }
0x1b0: {  	[tilespmem:s11+$0xA800] =	vst v6;
	v1 =	vadd.f32 v4, v1  }
0x1b1: {  	[tilespmem:s11+$0xB000] =	vst v5;
	v2 =	vadd.f32 v2, v0  }
0x1b2: {  	[tilespmem:s11+$0xB800] =	vst v1;
	v1 =	vadd.f32 v3, v0  }
0x1b3: {  	[tilespmem:s11+$0xA080] =	vst v2;
	v2 =	vadd.f32 v8, v0  }
0x1b4: {  	[tilespmem:s11+$0xA880] =	vst v1;
	v0 =	vadd.f32 v7, v0  }
0x1b5: {  	s3 =	rddreg [dreg:$0x1d];
	[tilespmem:s11+$0xB080] =	vst v2  }
0x1b6: {  	s6 =	simm.s32 $0xA000;
	s3 =	sadd.s32 s5, s3;
	[tilespmem:s11+$0xB880] =	vst v0  }
0x1b7: {  	[hbm4b:s3+s16] =	stream.strided.scatter [tilespmem:s6], [sflag:$0x16], $0x800, s18, s16, $0x38;
	[tilespmem:$0x14000] =	vst v63  }
0x1b8: {  	s12 =	simm.s32 $0xA800;
	s11 =	sadd.s32 $0x100000, s3  }
0x1b9: {  	[hbm4b:s11+s16] =	stream.strided.scatter [tilespmem:s12], [sflag:$0x16], $0x800, s18, s16, $0x38;
	[tilespmem:$0x14000] =	vst v63  }
0x1ba: {  	s20 =	simm.s32 $0xB000;
	s13 =	sadd.s32 $0x200000, s3  }
0x1bb: {  	[hbm4b:s13+s16] =	stream.strided.scatter [tilespmem:s20], [sflag:$0x16], $0x800, s18, s16, $0x38;
	[tilespmem:$0x14000] =	vst v63  }
0x1bc: {  	s3 =	sadd.s32 $0x300000, s3;
	s12 =	simm.s32 $0xB800  }
0x1bd: {  	[hbm4b:s3+s16] =	stream.strided.scatter [tilespmem:s12], [sflag:$0x16], $0x800, s18, s16, $0x38;
	[tilespmem:$0x14000] =	vst v63  }
0x1be: {  	_ =	swait.ge [sflag:s4], $0x2000  }
0x1bf: {  	s11 =	simm.s32 @!p0 $0x100;
	s3 =	rddreg [dreg:$0x1e]  }
0x1c0: {  	s13 =	simm.s32 @!p0 $0x8000;
	[sflag:s4] =	ssyncset.done $0x0;
	s3 =	sadd.s32 @!p0 s17, s3  }
0x1c1: {  	s12 =	simm.s32 @!p0 $0x400;
	[sflag:s4] =	ssyncadd.s32 $0xFFFFE000;
	s6 =	sadd.s32 @!p0 s1, s3  }
0x1c2: {  	[tilespmem:s13], [sflag:$0x5] =	stream.strided.gather @!p0 [hbm4b:s6+s11], $0x800, s12, s11, $0x38;
	[tilespmem:$0x14000] =	vst v63  }
0x1c3: {  	s20 =	simm.s32 @!p0 $0x8800;
	s13 =	sadd.s32 @!p0 $0x100000, s6  }
0x1c4: {  	[tilespmem:s20], [sflag:$0x5] =	stream.strided.gather @!p0 [hbm4b:s13+s11], $0x800, s12, s11, $0x38;
	[tilespmem:$0x14000] =	vst v63  }
0x1c5: {  	s13 =	sadd.s32 @!p0 $0x200000, s6;
	s20 =	simm.s32 @!p0 $0x9000  }
0x1c6: {  	[tilespmem:s20], [sflag:$0x5] =	stream.strided.gather @!p0 [hbm4b:s13+s11], $0x800, s12, s11, $0x38;
	[tilespmem:$0x14000] =	vst v63  }
0x1c7: {  	s6 =	sadd.s32 @!p0 $0x300000, s6;
	s13 =	simm.s32 @!p0 $0x9800  }
0x1c8: {  	[tilespmem:s13], [sflag:$0x5] =	stream.strided.gather @!p0 [hbm4b:s6+s11], $0x800, s12, s11, $0x38;
	[tilespmem:$0x14000] =	vst v63  }
0x1c9: {  	s3 =	sadd.s32 @!p0 s2, s3;
	s6 =	simm.s32 @!p0 $0x12000  }
0x1ca: {  	[tilespmem:s6], [sflag:$0xD] =	stream.strided.gather @!p0 [hbm4b:s3+s11], $0x800, s12, s11, $0x38;
	[tilespmem:$0x14000] =	vst v63  }
0x1cb: {  	_ =	swait.ge [sflag:s8], $0x2000  }
0x1cc: {  	[sflag:s8] =	ssyncset.done $0x0  }
0x1cd: {  	[sflag:s8] =	ssyncadd.s32 $0xFFFFE000  }
0x1ce: {  	s13 =	simm.s32 $0x0;
	_ =	swait.ge [sflag:s10], $0x800  }
0x1cf: {  	s20 =	sand.u32 $0x70, s13;
	s3 =	sand.u32 $0x700, s13;
	[sflag:s10] =	ssyncset.done $0x0  }
0x1d0: {  	s11 =	sor.u32 s20, s3;
	[sflag:s10] =	ssyncadd.s32 $0xFFFFF800  }
0x1d1: {  	v1 =	vld [tilespmem:s11+$0x13000]  }
0x1d2: {  	v0 =	vld [tilespmem:s11+$0x13080]  }
0x1d3: {  	v3 =	vld [tilespmem:s11+$0xC000]  }
0x1d4: {  	v6 =	vld [tilespmem:s11+$0xC800]  }
0x1d5: {  	v5 =	vld [tilespmem:s11+$0xD000]  }
0x1d6: {  	v4 =	vld [tilespmem:s11+$0xD800]  }
0x1d7: {  	v2 =	vld [tilespmem:s11+$0xC080]  }
0x1d8: {  	s13 =	simm.s32 $0x20;
	s20 =	simm.s32 $0x10;
	v7 =	vadd.f32 v3, v1;
	v3 =	vld [tilespmem:s11+$0xC880]  }
.LBB2_15:
0x1d9: {  	s3 =	sand.u32 $0x70, s20;
	s6 =	sand.u32 $0x700, s13;
	p1 =	sne.s32 s20, $0x3F0;
	v6 =	vadd.f32 v6, v1;
	v8 =	vld [tilespmem:s11+$0xD080]  }
0x1da: {  	s3 =	sor.u32 s3, s6;
	[tilespmem:s11+$0xC000] =	vst v7;
	v5 =	vadd.f32 v5, v1;
	v7 =	vld [tilespmem:s11+$0xD880]  }
0x1db: {  	[tilespmem:s11+$0xC800] =	vst v6;
	v4 =	vadd.f32 v4, v1;
	v1 =	vld [tilespmem:s3+$0x13000]  }
0x1dc: {  	v9 =	vld [tilespmem:s3+$0x13080];
	[tilespmem:s11+$0xD000] =	vst v5;
	v2 =	vadd.f32 v2, v0  }
0x1dd: {  	v10 =	vld [tilespmem:s3+$0xC000];
	[tilespmem:s11+$0xD800] =	vst v4;
	v3 =	vadd.f32 v3, v0  }
.Ltmp8:
0x1de: {  	v6 =	vld [tilespmem:s3+$0xC800];
	[tilespmem:s11+$0xC080] =	vst v2;
	v2 =	vadd.f32 v8, v0;
	(pc) =	sbr.rel @p1 .LBB2_15-.Ltmp8, $4  }
0x1df: {  	v5 =	vld [tilespmem:s3+$0xD000];
	[tilespmem:s11+$0xC880] =	vst v3;
	v3 =	vadd.f32 v7, v0  }
0x1e0: {  	v4 =	vld [tilespmem:s3+$0xD800];
	[tilespmem:s11+$0xD080] =	vst v2  }
0x1e1: {  	v2 =	vld [tilespmem:s3+$0xC080];
	[tilespmem:s11+$0xD880] =	vst v3;
	v0 =	vmov v9;
	s11 =	smov.u32 s3  }
0x1e2: {  	s13 =	sadd.s32 $0x20, s13;
	s20 =	sadd.s32 $0x10, s20;
	v7 =	vadd.f32 v10, v1;
	v3 =	vld [tilespmem:s11+$0xC880]  }
0x1e3: {  	v8 =	vld [tilespmem:s11+$0xD080];
	v6 =	vadd.f32 v6, v1  }
0x1e4: {  	[tilespmem:s11+$0xC000] =	vst v7;
	v5 =	vadd.f32 v5, v1;
	v7 =	vld [tilespmem:s11+$0xD880]  }
0x1e5: {  	[tilespmem:s11+$0xC800] =	vst v6;
	v1 =	vadd.f32 v4, v1  }
0x1e6: {  	[tilespmem:s11+$0xD000] =	vst v5;
	v2 =	vadd.f32 v2, v0  }
0x1e7: {  	[tilespmem:s11+$0xD800] =	vst v1;
	v1 =	vadd.f32 v3, v0  }
0x1e8: {  	[tilespmem:s11+$0xC080] =	vst v2;
	v2 =	vadd.f32 v8, v0  }
0x1e9: {  	[tilespmem:s11+$0xC880] =	vst v1;
	v0 =	vadd.f32 v7, v0  }
0x1ea: {  	s3 =	rddreg [dreg:$0x1f];
	[tilespmem:s11+$0xD080] =	vst v2  }
0x1eb: {  	s20 =	simm.s32 $0xC000;
	s3 =	sadd.s32 s5, s3;
	[tilespmem:s11+$0xD880] =	vst v0  }
0x1ec: {  	[hbm4b:s3+s16] =	stream.strided.scatter [tilespmem:s20], [sflag:$0x17], $0x800, s18, s16, $0x38;
	[tilespmem:$0x14000] =	vst v63  }
0x1ed: {  	s6 =	simm.s32 $0xC800;
	s5 =	sadd.s32 $0x100000, s3  }
0x1ee: {  	[hbm4b:s5+s16] =	stream.strided.scatter [tilespmem:s6], [sflag:$0x17], $0x800, s18, s16, $0x38;
	[tilespmem:$0x14000] =	vst v63  }
0x1ef: {  	s13 =	simm.s32 $0xD000;
	s12 =	sadd.s32 $0x200000, s3  }
0x1f0: {  	[hbm4b:s12+s16] =	stream.strided.scatter [tilespmem:s13], [sflag:$0x17], $0x800, s18, s16, $0x38;
	[tilespmem:$0x14000] =	vst v63  }
0x1f1: {  	s11 =	simm.s32 $0xD800;
	s3 =	sadd.s32 $0x300000, s3  }
0x1f2: {  	[hbm4b:s3+s16] =	stream.strided.scatter [tilespmem:s11], [sflag:$0x17], $0x800, s18, s16, $0x38;
	[tilespmem:$0x14000] =	vst v63  }
0x1f3: {  	_ =	swait.ge [sflag:s25], $0x2000  }
0x1f4: {  	s3 =	sld [smem:$0x7E7];
	_ =	sdelay $0x1  }
0x1f5: {  	s6 =	simm.s32 @!p0 $0x100  }
0x1f6: {  	s12 =	simm.s32 @!p0 $0xA000;
	[sflag:s25] =	ssyncset.done $0x0;
	s3 =	sadd.s32 @!p0 s17, s3  }
0x1f7: {  	s11 =	simm.s32 @!p0 $0x400;
	[sflag:s25] =	ssyncadd.s32 $0xFFFFE000;
	s5 =	sadd.s32 @!p0 s1, s3  }
0x1f8: {  	[tilespmem:s12], [sflag:$0x6] =	stream.strided.gather @!p0 [hbm4b:s5+s6], $0x800, s11, s6, $0x38;
	[tilespmem:$0x14000] =	vst v63  }
0x1f9: {  	s13 =	simm.s32 @!p0 $0xA800;
	s12 =	sadd.s32 @!p0 $0x100000, s5  }
0x1fa: {  	[tilespmem:s13], [sflag:$0x6] =	stream.strided.gather @!p0 [hbm4b:s12+s6], $0x800, s11, s6, $0x38;
	[tilespmem:$0x14000] =	vst v63  }
0x1fb: {  	s12 =	sadd.s32 @!p0 $0x200000, s5;
	s13 =	simm.s32 @!p0 $0xB000  }
0x1fc: {  	[tilespmem:s13], [sflag:$0x6] =	stream.strided.gather @!p0 [hbm4b:s12+s6], $0x800, s11, s6, $0x38;
	[tilespmem:$0x14000] =	vst v63  }
0x1fd: {  	s5 =	sadd.s32 @!p0 $0x300000, s5;
	s12 =	simm.s32 @!p0 $0xB800  }
0x1fe: {  	[tilespmem:s12], [sflag:$0x6] =	stream.strided.gather @!p0 [hbm4b:s5+s6], $0x800, s11, s6, $0x38;
	[tilespmem:$0x14000] =	vst v63  }
0x1ff: {  	s3 =	sadd.s32 @!p0 s2, s3;
	s5 =	simm.s32 @!p0 $0x12800  }
0x200: {  	[tilespmem:s5], [sflag:$0xE] =	stream.strided.gather @!p0 [hbm4b:s3+s6], $0x800, s11, s6, $0x38;
	[tilespmem:$0x14000] =	vst v63  }
0x201: {  	_ =	swait.ge [sflag:s14], $0x2000  }
0x202: {  	[sflag:s14] =	ssyncset.done $0x0  }
0x203: {  	[sflag:s14] =	ssyncadd.s32 $0xFFFFE000  }
0x204: {  	s12 =	simm.s32 $0x0;
	_ =	swait.ge [sflag:s7], $0x800  }
0x205: {  	s13 =	sand.u32 $0x70, s12;
	s3 =	sand.u32 $0x700, s12;
	[sflag:s7] =	ssyncset.done $0x0  }
0x206: {  	s5 =	sor.u32 s13, s3;
	[sflag:s7] =	ssyncadd.s32 $0xFFFFF800  }
0x207: {  	v1 =	vld [tilespmem:s5+$0x13800]  }
0x208: {  	v0 =	vld [tilespmem:s5+$0x13880]  }
0x209: {  	v3 =	vld [tilespmem:s5+$0xE000]  }
0x20a: {  	v6 =	vld [tilespmem:s5+$0xE800]  }
0x20b: {  	v5 =	vld [tilespmem:s5+$0xF000]  }
0x20c: {  	v4 =	vld [tilespmem:s5+$0xF800]  }
0x20d: {  	v2 =	vld [tilespmem:s5+$0xE080]  }
0x20e: {  	s11 =	simm.s32 $0x20;
	s13 =	simm.s32 $0x10;
	v7 =	vadd.f32 v3, v1;
	v3 =	vld [tilespmem:s5+$0xE880]  }
.LBB2_17:
0x20f: {  	s3 =	sand.u32 $0x70, s13;
	s6 =	sand.u32 $0x700, s11;
	p1 =	sne.s32 s13, $0x3F0;
	v6 =	vadd.f32 v6, v1;
	v8 =	vld [tilespmem:s5+$0xF080]  }
0x210: {  	s3 =	sor.u32 s3, s6;
	[tilespmem:s5+$0xE000] =	vst v7;
	v5 =	vadd.f32 v5, v1;
	v7 =	vld [tilespmem:s5+$0xF880]  }
0x211: {  	[tilespmem:s5+$0xE800] =	vst v6;
	v4 =	vadd.f32 v4, v1;
	v1 =	vld [tilespmem:s3+$0x13800]  }
0x212: {  	v9 =	vld [tilespmem:s3+$0x13880];
	[tilespmem:s5+$0xF000] =	vst v5;
	v2 =	vadd.f32 v2, v0  }
0x213: {  	v10 =	vld [tilespmem:s3+$0xE000];
	[tilespmem:s5+$0xF800] =	vst v4;
	v3 =	vadd.f32 v3, v0  }
.Ltmp9:
0x214: {  	v6 =	vld [tilespmem:s3+$0xE800];
	[tilespmem:s5+$0xE080] =	vst v2;
	v2 =	vadd.f32 v8, v0;
	(pc) =	sbr.rel @p1 .LBB2_17-.Ltmp9, $4  }
0x215: {  	v5 =	vld [tilespmem:s3+$0xF000];
	[tilespmem:s5+$0xE880] =	vst v3;
	v3 =	vadd.f32 v7, v0  }
0x216: {  	v4 =	vld [tilespmem:s3+$0xF800];
	[tilespmem:s5+$0xF080] =	vst v2  }
0x217: {  	v2 =	vld [tilespmem:s3+$0xE080];
	[tilespmem:s5+$0xF880] =	vst v3;
	v0 =	vmov v9;
	s5 =	smov.u32 s3  }
0x218: {  	s11 =	sadd.s32 $0x20, s11;
	s13 =	sadd.s32 $0x10, s13;
	v7 =	vadd.f32 v10, v1;
	v3 =	vld [tilespmem:s5+$0xE880]  }
0x219: {  	v8 =	vld [tilespmem:s5+$0xF080];
	v6 =	vadd.f32 v6, v1  }
0x21a: {  	v59 =	vld [tilespmem:s5+$0xF880];
	[tilespmem:s5+$0xE000] =	vst v7;
	v5 =	vadd.f32 v5, v1  }
0x21b: {  	[tilespmem:s5+$0xE800] =	vst v6;
	v60 =	vadd.f32 v4, v1  }
0x21c: {  	[tilespmem:s5+$0xF000] =	vst v5;
	v2 =	vadd.f32 v2, v0  }
0x21d: {  	[tilespmem:s5+$0xF800] =	vst v60;
	v61 =	vadd.f32 v3, v0  }
0x21e: {  	[tilespmem:s5+$0xE080] =	vst v2;
	v62 =	vadd.f32 v8, v0  }
0x21f: {  	v63 =	vadd.f32 v59, v0;
	[tilespmem:s5+$0xE880] =	vst v61  }
0x220: {  	[tilespmem:s5+$0xF080] =	vst v62  }
0x221: {  	s3 =	sadd.s32 s21, s19;
	s6 =	simm.s32 $0xE000;
	[tilespmem:s5+$0xF880] =	vst v63  }
0x222: {  	[hbm4b:s3+s16] =	stream.strided.scatter [tilespmem:s6], [sflag:$0x18], $0x800, s18, s16, $0x38;
	[tilespmem:$0x14000] =	vst v63  }
0x223: {  	s11 =	sadd.s32 $0x100000, s3;
	s6 =	simm.s32 $0xE800  }
0x224: {  	[hbm4b:s11+s16] =	stream.strided.scatter [tilespmem:s6], [sflag:$0x18], $0x800, s18, s16, $0x38;
	[tilespmem:$0x14000] =	vst v63  }
0x225: {  	s12 =	smov.u32 s21;
	s19 =	simm.s32 $0xF000;
	s13 =	sadd.s32 $0x200000, s3  }
0x226: {  	[hbm4b:s13+s16] =	stream.strided.scatter [tilespmem:s19], [sflag:$0x18], $0x800, s18, s16, $0x38;
	[tilespmem:$0x14000] =	vst v63  }
.Ltmp10:
0x227: {  	s21 =	simm.s32 $0xF800;
	s3 =	sadd.s32 $0x300000, s3;
	(pc) =	sbr.rel @p0 .LBB2_20-.Ltmp10, $4  }
0x228: {  	[hbm4b:s3+s16] =	stream.strided.scatter [tilespmem:s21], [sflag:$0x18], $0x800, s18, s16, $0x38;
	[tilespmem:$0x14000] =	vst v63  }
0x229: {  	_ =	swait.ge [sflag:s9], $0x2000  }
0x22a: {  	[sflag:s9] =	ssyncset.done $0x0  }
0x22b: {  	[sflag:s9] =	ssyncadd.s32 $0xFFFFE000  }
0x22c: {  	s3 =	sld [smem:$0x7E8];
	_ =	sdelay $0x2  }
0x22d: {  	s3 =	sadd.s32 s17, s3  }
0x22e: {  	s5 =	sadd.s32 s1, s3  }
0x22f: {  	[tilespmem:s20], [sflag:$0x7] =	stream.strided.gather [hbm4b:s5+s16], $0x800, s18, s16, $0x38;
	[tilespmem:$0x14000] =	vst v63  }
0x230: {  	s11 =	simm.s32 $0xC800;
	s6 =	sadd.s32 $0x100000, s5  }
0x231: {  	[tilespmem:s11], [sflag:$0x7] =	stream.strided.gather [hbm4b:s6+s16], $0x800, s18, s16, $0x38;
	[tilespmem:$0x14000] =	vst v63  }
0x232: {  	s19 =	simm.s32 $0xD000;
	s17 =	sadd.s32 $0x200000, s5  }
0x233: {  	[tilespmem:s19], [sflag:$0x7] =	stream.strided.gather [hbm4b:s17+s16], $0x800, s18, s16, $0x38;
	[tilespmem:$0x14000] =	vst v63  }
.Ltmp11:
0x234: {  	_ = 	snop;
	(pc) =	sbr.rel .LBB2_2-.Ltmp11, $4  }
0x235: {  	s5 =	sadd.s32 $0x300000, s5;
	s20 =	simm.s32 $0xD800  }
0x236: {  	[tilespmem:s20], [sflag:$0x7] =	stream.strided.gather [hbm4b:s5+s16], $0x800, s18, s16, $0x38;
	[tilespmem:$0x14000] =	vst v63  }
0x237: {  	s21 =	simm.s32 $0x13000;
	s15 =	sadd.s32 $0x1, s15;
	s3 =	sadd.s32 s2, s3  }
0x238: {  	[tilespmem:s21], [sflag:$0xF] =	stream.strided.gather [hbm4b:s3+s16], $0x800, s18, s16, $0x38;
	[tilespmem:$0x14000] =	vst v63  }
.LBB2_21:
0x239: {  	_ =	sfence.sel $0x180000  }
0x23a: {  	[bflag:$0x0] =	sbarrier.arrive $0xFFFF  }
0x23b: {  	_ =	strace $0x90000047  }
0x23c: {  	s0 =	stileid.u32;
	[bflag:$0x2] =	sbarrier.arrive $0xFFFF  }
0x23d: {  	p0 =	sne.s32 s0, $0x0;
	s0 =	rddreg [dreg:$0x3]  }
0x23e: {  	s0 =	sadd.s32 @!p0 $0x100000, s0  }
0x23f: {  	[sflag:s0] =	ssyncadd.tile.s32 @!p0 $0x1;
	_ =	shalt  }
.Lfunc_end2:
_tile_overlayer_lowered:
.L_overlay_start_2:
0x240: {  	(tag) =	ssettag $0x2  }
0x241: {  	s0 =	rddreg [dreg:$0x0];
	s2 =	stileid.u32  }
0x242: {  	s1 =	rddreg [dreg:$0x1];
	p0 =	sne.s32 s2, $0x0  }
0x243: {  	s3 =	rddreg [dreg:$0x2];
	[bflag:$0x3] =	sbarrier.arrive $0xFFFF;
	s2 =	simm.s32 @!p0 $0x1C19  }
0x244: {  	[timem:s3], [sflag:s2] =	dma.local @!p0 [hbm:s0], s1  }
0x245: {  	s0 =	simm.s32 @!p0 $0x19  }
0x246: {  	_ =	swait.ge @!p0 [sflag:s0], s1  }
0x247: {  	s1 =	ssub.s32 @!p0 $0x0, s1;
	[sflag:s0] =	ssyncset.done @!p0 $0x0  }
0x248: {  	[sflag:s0] =	ssyncadd.s32 @!p0 s1  }
0x249: {  	[bflag:$0x3] =	sbarrier.arrive $0xFFFF  }
0x24a: {  	_ =	shalt  }

</sc_bundles>
